<compile_context>
chip_gen: v7x
topology: tpu7x:2x2x1
jax: 0.10.2.dev20260603
libtpu: 0.0.44.dev20260713+nightly
codegen_flags: <defaults>
</compile_context>

<pallas_src>
import functools

import jax
import jax.numpy as jnp
from jax import lax
from jax.experimental import pallas as pl
from jax.experimental.pallas import tpu as pltpu
from jax.experimental.pallas import tpu_sc as plsc

B = 16384
D = 64
K = 20
NC = 2
NS = 16
NW = NC * NS
BPW = B // NW
C = 32
NCHUNK = BPW // C
G = C // 16
NGRP = C * K // 16


def _sc_scores_kernel(tidx_hbm, cidx_hbm, nidx_hbm, ttab_hbm, ctab_hbm,
                      out_hbm, tidx_v, cidx_v, nidx_v, trows, crows, nrows,
                      scores, sem_t, sem_c, sem_n):
    wid = lax.axis_index("s") * NC + lax.axis_index("c")
    base = wid * BPW
    iota = lax.iota(jnp.int32, 16)

    def chunk_body(ci, carry):
        off = base + ci * C
        pltpu.sync_copy(tidx_hbm.at[pl.ds(off, C)], tidx_v)
        pltpu.sync_copy(cidx_hbm.at[pl.ds(off, C)], cidx_v)
        pltpu.sync_copy(nidx_hbm.at[pl.ds(off * K, C * K)], nidx_v)

        for g in range(G):
            tvec = tidx_v[pl.ds(g * 16, 16)]
            cvec = cidx_v[pl.ds(g * 16, 16)]
            for j in range(16):
                pltpu.async_copy(ttab_hbm.at[tvec[j]], trows.at[g * 16 + j],
                                 sem_t)
                pltpu.async_copy(ctab_hbm.at[cvec[j]], crows.at[g * 16 + j],
                                 sem_c)

        def neg_issue(g, carry2):
            nvec = nidx_v[pl.ds(g * 16, 16)]
            for j in range(16):
                pltpu.async_copy(ctab_hbm.at[nvec[j]], nrows.at[g * 16 + j],
                                 sem_n)
            return carry2

        lax.fori_loop(0, NGRP, neg_issue, 0)

        pltpu.make_async_copy(ttab_hbm.at[pl.ds(0, C)], trows, sem_t).wait()
        pltpu.make_async_copy(ctab_hbm.at[pl.ds(0, C)], crows, sem_c).wait()
        pltpu.make_async_copy(ctab_hbm.at[pl.ds(0, C * K)], nrows, sem_n).wait()

        zero = jnp.zeros((16,), jnp.float32)
        for g in range(G):
            def bbody(b, svecs, g=g):
                bmask = iota == (b - g * 16)
                t = [trows[b, pl.ds(16 * k, 16)] for k in range(4)]
                c = [crows[b, pl.ds(16 * k, 16)] for k in range(4)]
                acc = t[0] * c[0] + t[1] * c[1] + t[2] * c[2] + t[3] * c[3]
                new = [jnp.where(bmask, jnp.sum(acc), svecs[0])]
                for k in range(K):
                    r = b * K + k
                    acc = t[0] * nrows[r, pl.ds(0, 16)]
                    acc += t[1] * nrows[r, pl.ds(16, 16)]
                    acc += t[2] * nrows[r, pl.ds(32, 16)]
                    acc += t[3] * nrows[r, pl.ds(48, 16)]
                    new.append(jnp.where(bmask, jnp.sum(acc), svecs[k + 1]))
                return tuple(new)

            svecs = lax.fori_loop(g * 16, g * 16 + 16, bbody, (zero,) * (K + 1))
            rows = g * 16 + iota
            for k in range(K + 1):
                plsc.store_scatter(scores, [rows, jnp.full((16,), k, jnp.int32)],
                                   svecs[k])

        pltpu.sync_copy(scores, out_hbm.at[pl.ds(off, C)])
        return carry

    lax.fori_loop(0, NCHUNK, chunk_body, 0)


_sc_scores = functools.partial(
    pl.kernel,
    mesh=plsc.VectorSubcoreMesh(core_axis_name="c", subcore_axis_name="s"),
    compiler_params=pltpu.CompilerParams(needs_layout_passes=False),
    out_type=jax.ShapeDtypeStruct((B, K + 1), jnp.float32),
    scratch_types=[
        pltpu.VMEM((C,), jnp.int32),
        pltpu.VMEM((C,), jnp.int32),
        pltpu.VMEM((C * K,), jnp.int32),
        pltpu.VMEM((C, D), jnp.float32),
        pltpu.VMEM((C, D), jnp.float32),
        pltpu.VMEM((C * K, D), jnp.float32),
        pltpu.VMEM((C, K + 1), jnp.float32),
        pltpu.SemaphoreType.DMA,
        pltpu.SemaphoreType.DMA,
        pltpu.SemaphoreType.DMA,
    ],
)(_sc_scores_kernel)


def _loss_kernel(scores_ref, out_ref):
    s = scores_ref[...]
    pos = s[:, 0]
    neg = s[:, 1:]
    per_b = -jax.nn.log_sigmoid(pos) - jnp.sum(jax.nn.log_sigmoid(-neg), axis=1)
    out_ref[0, 0] = jnp.sum(per_b) * (1.0 / B)


def kernel(target_idx, context_idx, negative_indices, target_table, context_table):
    scores = _sc_scores(target_idx.astype(jnp.int32),
                        context_idx.astype(jnp.int32),
                        negative_indices.astype(jnp.int32).reshape(-1),
                        target_table, context_table)
    loss = pl.pallas_call(
        _loss_kernel,
        out_shape=jax.ShapeDtypeStruct((1, 1), jnp.float32),
        in_specs=[pl.BlockSpec(memory_space=pltpu.VMEM)],
        out_specs=pl.BlockSpec(memory_space=pltpu.SMEM),
    )(scores)
    return loss[0, 0]

# --- scband reference (transcript-rebuilt; emitter-appended) ---
"""Pipeline reference for scband-skip-gram-model-24936580121216 (READ-ONLY COPY).

The authoritative reference and input builder live on the scoring server;
editing this copy changes nothing except your own understanding.
"""

import jax, jax.numpy as jnp
import numpy as np

VOCAB = 1000000
EMBED = 64
BATCH = 16384
NEG = 20

def setup_inputs(seed: int = 0) -> dict:
    key = jax.random.key(seed)
    k1, k2, k3, k4, k5 = jax.random.split(key, 5)
    target_idx = jax.random.randint(k1, (BATCH,), 0, VOCAB, dtype=jnp.int64 if jax.config.jax_enable_x64 else jnp.int32)
    context_idx = jax.random.randint(k2, (BATCH,), 0, VOCAB, dtype=jnp.int64 if jax.config.jax_enable_x64 else jnp.int32)
    negative_indices = jax.random.randint(k3, (BATCH, NEG), 0, VOCAB, dtype=jnp.int64 if jax.config.jax_enable_x64 else jnp.int32)
    target_table = jax.random.normal(k4, (VOCAB, EMBED), dtype=jnp.float32) * 0.01
    context_table = jax.random.normal(k5, (VOCAB, EMBED), dtype=jnp.float32) * 0.01
    return {
        "target_idx": target_idx,
        "context_idx": context_idx,
        "negative_indices": negative_indices,
        "target_table": target_table,
        "context_table": context_table,
    }

def reference(target_idx, context_idx, negative_indices, target_table, context_table):
    # target embedding lookup
    v_target = jnp.take(target_table, target_idx, axis=0)          # [B, D]
    v_context = jnp.take(context_table, context_idx, axis=0)       # [B, D]
    pos_score = jnp.sum(v_target * v_context, axis=1)               # [B]
    pos_loss = -jax.nn.log_sigmoid(pos_score)                       # [B]
    v_negatives = jnp.take(context_table, negative_indices, axis=0) # [B, K, D]
    # bmm(v_negatives [B,K,D], v_target [B,D,1]) -> [B,K]
    neg_score = jnp.einsum('bkd,bd->bk', v_negatives, v_target)     # [B, K]
    neg_loss = -jnp.sum(jax.nn.log_sigmoid(-neg_score), axis=1)     # [B]
    return jnp.mean(pos_loss + neg_loss)

if __name__ == "__main__":
    import jax
    _d = setup_inputs()
    print(jax.jit(kernel)(*tuple(_d.values())))

</pallas_src>

<mosaic_0001>
#map = affine_map<(d0, d1) -> (0)>
#map1 = affine_map<(d0, d1) -> (0, 0)>
module attributes {stable_mosaic.version = 14 : i64} {
  func.func @_sc_scores_kernel(%arg0: i32, %arg1: i32, %arg2: memref<16384xi32, #tpu.memory_space<hbm>>, %arg3: memref<16384xi32, #tpu.memory_space<hbm>>, %arg4: memref<327680xi32, #tpu.memory_space<hbm>>, %arg5: memref<1000000x64xf32, #tpu.memory_space<hbm>>, %arg6: memref<1000000x64xf32, #tpu.memory_space<hbm>>, %arg7: memref<16384x21xf32, #tpu.memory_space<hbm>>, %arg8: memref<32xi32, #tpu.memory_space<vmem>>, %arg9: memref<32xi32, #tpu.memory_space<vmem>>, %arg10: memref<640xi32, #tpu.memory_space<vmem>>, %arg11: memref<32x64xf32, #tpu.memory_space<vmem>>, %arg12: memref<32x64xf32, #tpu.memory_space<vmem>>, %arg13: memref<640x64xf32, #tpu.memory_space<vmem>>, %arg14: memref<32x21xf32, #tpu.memory_space<vmem>>, %arg15: memref<!tpu.dma_semaphore, #tpu.memory_space<semaphore_mem>>, %arg16: memref<!tpu.dma_semaphore, #tpu.memory_space<semaphore_mem>>, %arg17: memref<!tpu.dma_semaphore, #tpu.memory_space<semaphore_mem>>) attributes {dimension_semantics = [#tpu.dimension_semantics<core_parallel>, #tpu.dimension_semantics<subcore_parallel>], iteration_bounds = array<i64: 2, 16>, scalar_prefetch = 0 : i64, scratch_operands = 10 : i64, tpu.core_type = #tpu.core_type<sc_vector_subcore>, window_params = [{transform_indices = #map}, {transform_indices = #map}, {transform_indices = #map}, {transform_indices = #map1}, {transform_indices = #map1}, {transform_indices = #map1}]} {
    %mul3A = arith.constant 2 : i32
    %mul3A_0 = arith.muli %arg1, %mul3A : i32
    %add3A = arith.addi %mul3A_0, %arg0 : i32
    %mul3A_1 = arith.constant 512 : i32
    %mul3A_2 = arith.muli %add3A, %mul3A_1 : i32
    %iota3A = tpu.iota {dimensions = array<i32: 0>} : vector<16xi32>
    %scan3A = arith.constant 0 : i32
    %scan3A_3 = arith.constant 0 : i32
    %scan3A_4 = arith.constant 16 : i32
    %scan3A_5 = arith.addi %scan3A_3, %scan3A_4 : i32
    %scan3A_6 = arith.constant 1 : i32
    scf.for %scan3A_8 = %scan3A_3 to %scan3A_5 step %scan3A_6  : i32 {
      %mul3A_9 = arith.constant 32 : i32
      %mul3A_10 = arith.muli %scan3A_8, %mul3A_9 : i32
      %add3A_11 = arith.addi %mul3A_2, %mul3A_10 : i32
      "tpu.region"() ({
        %run_scoped3A = tpu.sem_alloc : memref<!tpu.dma_semaphore, #tpu.memory_space<semaphore_mem>>
        %dma_start3A_1104 = tpu.memref_slice %arg2[%add3A_11] : memref<16384xi32, #tpu.memory_space<hbm>> -> memref<32xi32, #tpu.memory_space<hbm>>
        %dma_start3A_1105 = tpu.memref_slice %arg2[%add3A_11] : memref<16384xi32, #tpu.memory_space<hbm>> -> memref<32xi32, #tpu.memory_space<hbm>>
        tpu.enqueue_dma source(%dma_start3A_1105 : memref<32xi32, #tpu.memory_space<hbm>>) target(%arg8 : memref<32xi32, #tpu.memory_space<vmem>>) target_semaphore(%run_scoped3A : memref<!tpu.dma_semaphore, #tpu.memory_space<semaphore_mem>>)
        %dma_wait3A_1106 = tpu.memref_slice %arg2[%add3A_11] : memref<16384xi32, #tpu.memory_space<hbm>> -> memref<32xi32, #tpu.memory_space<hbm>>
        %dma_wait3A_1107 = tpu.memref_slice %arg2[%add3A_11] : memref<16384xi32, #tpu.memory_space<hbm>> -> memref<32xi32, #tpu.memory_space<hbm>>
        tpu.wait_dma2 semaphore(%run_scoped3A : memref<!tpu.dma_semaphore, #tpu.memory_space<semaphore_mem>>) src(%dma_wait3A_1107 : memref<32xi32, #tpu.memory_space<hbm>>) dst(%arg8 : memref<32xi32, #tpu.memory_space<vmem>>)
        tpu.yield
      }) : () -> ()
      "tpu.region"() ({
        %run_scoped3A = tpu.sem_alloc : memref<!tpu.dma_semaphore, #tpu.memory_space<semaphore_mem>>
        %dma_start3A_1104 = tpu.memref_slice %arg3[%add3A_11] : memref<16384xi32, #tpu.memory_space<hbm>> -> memref<32xi32, #tpu.memory_space<hbm>>
        %dma_start3A_1105 = tpu.memref_slice %arg3[%add3A_11] : memref<16384xi32, #tpu.memory_space<hbm>> -> memref<32xi32, #tpu.memory_space<hbm>>
        tpu.enqueue_dma source(%dma_start3A_1105 : memref<32xi32, #tpu.memory_space<hbm>>) target(%arg9 : memref<32xi32, #tpu.memory_space<vmem>>) target_semaphore(%run_scoped3A : memref<!tpu.dma_semaphore, #tpu.memory_space<semaphore_mem>>)
        %dma_wait3A_1106 = tpu.memref_slice %arg3[%add3A_11] : memref<16384xi32, #tpu.memory_space<hbm>> -> memref<32xi32, #tpu.memory_space<hbm>>
        %dma_wait3A_1107 = tpu.memref_slice %arg3[%add3A_11] : memref<16384xi32, #tpu.memory_space<hbm>> -> memref<32xi32, #tpu.memory_space<hbm>>
        tpu.wait_dma2 semaphore(%run_scoped3A : memref<!tpu.dma_semaphore, #tpu.memory_space<semaphore_mem>>) src(%dma_wait3A_1107 : memref<32xi32, #tpu.memory_space<hbm>>) dst(%arg9 : memref<32xi32, #tpu.memory_space<vmem>>)
        tpu.yield
      }) : () -> ()
      %mul3A_12 = arith.constant 20 : i32
      %mul3A_13 = arith.muli %add3A_11, %mul3A_12 : i32
      "tpu.region"() ({
        %run_scoped3A = tpu.sem_alloc : memref<!tpu.dma_semaphore, #tpu.memory_space<semaphore_mem>>
        %dma_start3A_1104 = tpu.memref_slice %arg4[%mul3A_13] : memref<327680xi32, #tpu.memory_space<hbm>> -> memref<640xi32, #tpu.memory_space<hbm>>
        %dma_start3A_1105 = tpu.memref_slice %arg4[%mul3A_13] : memref<327680xi32, #tpu.memory_space<hbm>> -> memref<640xi32, #tpu.memory_space<hbm>>
        tpu.enqueue_dma source(%dma_start3A_1105 : memref<640xi32, #tpu.memory_space<hbm>>) target(%arg10 : memref<640xi32, #tpu.memory_space<vmem>>) target_semaphore(%run_scoped3A : memref<!tpu.dma_semaphore, #tpu.memory_space<semaphore_mem>>)
        %dma_wait3A_1106 = tpu.memref_slice %arg4[%mul3A_13] : memref<327680xi32, #tpu.memory_space<hbm>> -> memref<640xi32, #tpu.memory_space<hbm>>
        %dma_wait3A_1107 = tpu.memref_slice %arg4[%mul3A_13] : memref<327680xi32, #tpu.memory_space<hbm>> -> memref<640xi32, #tpu.memory_space<hbm>>
        tpu.wait_dma2 semaphore(%run_scoped3A : memref<!tpu.dma_semaphore, #tpu.memory_space<semaphore_mem>>) src(%dma_wait3A_1107 : memref<640xi32, #tpu.memory_space<hbm>>) dst(%arg10 : memref<640xi32, #tpu.memory_space<vmem>>)
        tpu.yield
      }) : () -> ()
      %get3A = arith.constant 0 : index
      %get3A_14 = tpu.vector_load %arg8[%get3A] {strides = array<i32>} : memref<32xi32, #tpu.memory_space<vmem>>, vector<16xi32>,
      %get3A_15 = arith.constant 0 : index
      %get3A_16 = tpu.vector_load %arg9[%get3A_15] {strides = array<i32>} : memref<32xi32, #tpu.memory_space<vmem>>, vector<16xi32>,
      %slice3A = vector.extract_strided_slice %get3A_14 {offsets = [0], sizes = [1], strides = [1]} : vector<16xi32> to vector<1xi32>
      %squeeze3A = vector.extract %slice3A[0] : i32 from vector<1xi32>
      %dma_start3A = arith.constant 0 : i32
      %dma_start3A_17 = arith.constant 0 : i32
      %dma_start3A_18 = tpu.memref_slice %arg11[%dma_start3A, %dma_start3A_17] : memref<32x64xf32, #tpu.memory_space<vmem>> -> memref<1x64xf32, #tpu.memory_space<vmem>>
      %dma_start3A_19 = tpu.memref_squeeze %dma_start3A_18 : memref<1x64xf32, #tpu.memory_space<vmem>> -> memref<64xf32, #tpu.memory_space<vmem>>
      %dma_start3A_20 = arith.constant 0 : i32
      %dma_start3A_21 = tpu.memref_slice %arg5[%squeeze3A, %dma_start3A_20] : memref<1000000x64xf32, #tpu.memory_space<hbm>> -> memref<1x64xf32, #tpu.memory_space<hbm>>
      %dma_start3A_22 = tpu.memref_squeeze %dma_start3A_21 : memref<1x64xf32, #tpu.memory_space<hbm>> -> memref<64xf32, #tpu.memory_space<hbm>>
      %dma_start3A_23 = arith.constant 0 : i32
      %dma_start3A_24 = tpu.memref_slice %arg11[%dma_start3A, %dma_start3A_23] : memref<32x64xf32, #tpu.memory_space<vmem>> -> memref<1x64xf32, #tpu.memory_space<vmem>>
      %dma_start3A_25 = tpu.memref_squeeze %dma_start3A_24 : memref<1x64xf32, #tpu.memory_space<vmem>> -> memref<64xf32, #tpu.memory_space<vmem>>
      %dma_start3A_26 = arith.constant 0 : i32
      %dma_start3A_27 = tpu.memref_slice %arg5[%squeeze3A, %dma_start3A_26] : memref<1000000x64xf32, #tpu.memory_space<hbm>> -> memref<1x64xf32, #tpu.memory_space<hbm>>
      %dma_start3A_28 = tpu.memref_squeeze %dma_start3A_27 : memref<1x64xf32, #tpu.memory_space<hbm>> -> memref<64xf32, #tpu.memory_space<hbm>>
      tpu.enqueue_dma source(%dma_start3A_28 : memref<64xf32, #tpu.memory_space<hbm>>) target(%dma_start3A_25 : memref<64xf32, #tpu.memory_space<vmem>>) target_semaphore(%arg15 : memref<!tpu.dma_semaphore, #tpu.memory_space<semaphore_mem>>)
      %slice3A_29 = vector.extract_strided_slice %get3A_16 {offsets = [0], sizes = [1], strides = [1]} : vector<16xi32> to vector<1xi32>
      %squeeze3A_30 = vector.extract %slice3A_29[0] : i32 from vector<1xi32>
      %dma_start3A_31 = arith.constant 0 : i32
      %dma_start3A_32 = arith.constant 0 : i32
      %dma_start3A_33 = tpu.memref_slice %arg12[%dma_start3A_31, %dma_start3A_32] : memref<32x64xf32, #tpu.memory_space<vmem>> -> memref<1x64xf32, #tpu.memory_space<vmem>>
      %dma_start3A_34 = tpu.memref_squeeze %dma_start3A_33 : memref<1x64xf32, #tpu.memory_space<vmem>> -> memref<64xf32, #tpu.memory_space<vmem>>
      %dma_start3A_35 = arith.constant 0 : i32
      %dma_start3A_36 = tpu.memref_slice %arg6[%squeeze3A_30, %dma_start3A_35] : memref<1000000x64xf32, #tpu.memory_space<hbm>> -> memref<1x64xf32, #tpu.memory_space<hbm>>
      %dma_start3A_37 = tpu.memref_squeeze %dma_start3A_36 : memref<1x64xf32, #tpu.memory_space<hbm>> -> memref<64xf32, #tpu.memory_space<hbm>>
      %dma_start3A_38 = arith.constant 0 : i32
      %dma_start3A_39 = tpu.memref_slice %arg12[%dma_start3A_31, %dma_start3A_38] : memref<32x64xf32, #tpu.memory_space<vmem>> -> memref<1x64xf32, #tpu.memory_space<vmem>>
      %dma_start3A_40 = tpu.memref_squeeze %dma_start3A_39 : memref<1x64xf32, #tpu.memory_space<vmem>> -> memref<64xf32, #tpu.memory_space<vmem>>
      %dma_start3A_41 = arith.constant 0 : i32
      %dma_start3A_42 = tpu.memref_slice %arg6[%squeeze3A_30, %dma_start3A_41] : memref<1000000x64xf32, #tpu.memory_space<hbm>> -> memref<1x64xf32, #tpu.memory_space<hbm>>
      %dma_start3A_43 = tpu.memref_squeeze %dma_start3A_42 : memref<1x64xf32, #tpu.memory_space<hbm>> -> memref<64xf32, #tpu.memory_space<hbm>>
      tpu.enqueue_dma source(%dma_start3A_43 : memref<64xf32, #tpu.memory_space<hbm>>) target(%dma_start3A_40 : memref<64xf32, #tpu.memory_space<vmem>>) target_semaphore(%arg16 : memref<!tpu.dma_semaphore, #tpu.memory_space<semaphore_mem>>)
      %slice3A_44 = vector.extract_strided_slice %get3A_14 {offsets = [1], sizes = [1], strides = [1]} : vector<16xi32> to vector<1xi32>
      %squeeze3A_45 = vector.extract %slice3A_44[0] : i32 from vector<1xi32>
      %dma_start3A_46 = arith.constant 1 : i32
      %dma_start3A_47 = arith.constant 0 : i32
      %dma_start3A_48 = tpu.memref_slice %arg11[%dma_start3A_46, %dma_start3A_47] : memref<32x64xf32, #tpu.memory_space<vmem>> -> memref<1x64xf32, #tpu.memory_space<vmem>>
      %dma_start3A_49 = tpu.memref_squeeze %dma_start3A_48 : memref<1x64xf32, #tpu.memory_space<vmem>> -> memref<64xf32, #tpu.memory_space<vmem>>
      %dma_start3A_50 = arith.constant 0 : i32
      %dma_start3A_51 = tpu.memref_slice %arg5[%squeeze3A_45, %dma_start3A_50] : memref<1000000x64xf32, #tpu.memory_space<hbm>> -> memref<1x64xf32, #tpu.memory_space<hbm>>
      %dma_start3A_52 = tpu.memref_squeeze %dma_start3A_51 : memref<1x64xf32, #tpu.memory_space<hbm>> -> memref<64xf32, #tpu.memory_space<hbm>>
      %dma_start3A_53 = arith.constant 0 : i32
      %dma_start3A_54 = tpu.memref_slice %arg11[%dma_start3A_46, %dma_start3A_53] : memref<32x64xf32, #tpu.memory_space<vmem>> -> memref<1x64xf32, #tpu.memory_space<vmem>>
      %dma_start3A_55 = tpu.memref_squeeze %dma_start3A_54 : memref<1x64xf32, #tpu.memory_space<vmem>> -> memref<64xf32, #tpu.memory_space<vmem>>
      %dma_start3A_56 = arith.constant 0 : i32
      %dma_start3A_57 = tpu.memref_slice %arg5[%squeeze3A_45, %dma_start3A_56] : memref<1000000x64xf32, #tpu.memory_space<hbm>> -> memref<1x64xf32, #tpu.memory_space<hbm>>
      %dma_start3A_58 = tpu.memref_squeeze %dma_start3A_57 : memref<1x64xf32, #tpu.memory_space<hbm>> -> memref<64xf32, #tpu.memory_space<hbm>>
      tpu.enqueue_dma source(%dma_start3A_58 : memref<64xf32, #tpu.memory_space<hbm>>) target(%dma_start3A_55 : memref<64xf32, #tpu.memory_space<vmem>>) target_semaphore(%arg15 : memref<!tpu.dma_semaphore, #tpu.memory_space<semaphore_mem>>)
      %slice3A_59 = vector.extract_strided_slice %get3A_16 {offsets = [1], sizes = [1], strides = [1]} : vector<16xi32> to vector<1xi32>
      %squeeze3A_60 = vector.extract %slice3A_59[0] : i32 from vector<1xi32>
      %dma_start3A_61 = arith.constant 1 : i32
      %dma_start3A_62 = arith.constant 0 : i32
      %dma_start3A_63 = tpu.memref_slice %arg12[%dma_start3A_61, %dma_start3A_62] : memref<32x64xf32, #tpu.memory_space<vmem>> -> memref<1x64xf32, #tpu.memory_space<vmem>>
      %dma_start3A_64 = tpu.memref_squeeze %dma_start3A_63 : memref<1x64xf32, #tpu.memory_space<vmem>> -> memref<64xf32, #tpu.memory_space<vmem>>
      %dma_start3A_65 = arith.constant 0 : i32
      %dma_start3A_66 = tpu.memref_slice %arg6[%squeeze3A_60, %dma_start3A_65] : memref<1000000x64xf32, #tpu.memory_space<hbm>> -> memref<1x64xf32, #tpu.memory_space<hbm>>
      %dma_start3A_67 = tpu.memref_squeeze %dma_start3A_66 : memref<1x64xf32, #tpu.memory_space<hbm>> -> memref<64xf32, #tpu.memory_space<hbm>>
      %dma_start3A_68 = arith.constant 0 : i32
      %dma_start3A_69 = tpu.memref_slice %arg12[%dma_start3A_61, %dma_start3A_68] : memref<32x64xf32, #tpu.memory_space<vmem>> -> memref<1x64xf32, #tpu.memory_space<vmem>>
      %dma_start3A_70 = tpu.memref_squeeze %dma_start3A_69 : memref<1x64xf32, #tpu.memory_space<vmem>> -> memref<64xf32, #tpu.memory_space<vmem>>
      %dma_start3A_71 = arith.constant 0 : i32
      %dma_start3A_72 = tpu.memref_slice %arg6[%squeeze3A_60, %dma_start3A_71] : memref<1000000x64xf32, #tpu.memory_space<hbm>> -> memref<1x64xf32, #tpu.memory_space<hbm>>
      %dma_start3A_73 = tpu.memref_squeeze %dma_start3A_72 : memref<1x64xf32, #tpu.memory_space<hbm>> -> memref<64xf32, #tpu.memory_space<hbm>>
      tpu.enqueue_dma source(%dma_start3A_73 : memref<64xf32, #tpu.memory_space<hbm>>) target(%dma_start3A_70 : memref<64xf32, #tpu.memory_space<vmem>>) target_semaphore(%arg16 : memref<!tpu.dma_semaphore, #tpu.memory_space<semaphore_mem>>)
      %slice3A_74 = vector.extract_strided_slice %get3A_14 {offsets = [2], sizes = [1], strides = [1]} : vector<16xi32> to vector<1xi32>
      %squeeze3A_75 = vector.extract %slice3A_74[0] : i32 from vector<1xi32>
      %dma_start3A_76 = arith.constant 2 : i32
      %dma_start3A_77 = arith.constant 0 : i32
      %dma_start3A_78 = tpu.memref_slice %arg11[%dma_start3A_76, %dma_start3A_77] : memref<32x64xf32, #tpu.memory_space<vmem>> -> memref<1x64xf32, #tpu.memory_space<vmem>>
      %dma_start3A_79 = tpu.memref_squeeze %dma_start3A_78 : memref<1x64xf32, #tpu.memory_space<vmem>> -> memref<64xf32, #tpu.memory_space<vmem>>
      %dma_start3A_80 = arith.constant 0 : i32
      %dma_start3A_81 = tpu.memref_slice %arg5[%squeeze3A_75, %dma_start3A_80] : memref<1000000x64xf32, #tpu.memory_space<hbm>> -> memref<1x64xf32, #tpu.memory_space<hbm>>
      %dma_start3A_82 = tpu.memref_squeeze %dma_start3A_81 : memref<1x64xf32, #tpu.memory_space<hbm>> -> memref<64xf32, #tpu.memory_space<hbm>>
      %dma_start3A_83 = arith.constant 0 : i32
      %dma_start3A_84 = tpu.memref_slice %arg11[%dma_start3A_76, %dma_start3A_83] : memref<32x64xf32, #tpu.memory_space<vmem>> -> memref<1x64xf32, #tpu.memory_space<vmem>>
      %dma_start3A_85 = tpu.memref_squeeze %dma_start3A_84 : memref<1x64xf32, #tpu.memory_space<vmem>> -> memref<64xf32, #tpu.memory_space<vmem>>
      %dma_start3A_86 = arith.constant 0 : i32
      %dma_start3A_87 = tpu.memref_slice %arg5[%squeeze3A_75, %dma_start3A_86] : memref<1000000x64xf32, #tpu.memory_space<hbm>> -> memref<1x64xf32, #tpu.memory_space<hbm>>
      %dma_start3A_88 = tpu.memref_squeeze %dma_start3A_87 : memref<1x64xf32, #tpu.memory_space<hbm>> -> memref<64xf32, #tpu.memory_space<hbm>>
      tpu.enqueue_dma source(%dma_start3A_88 : memref<64xf32, #tpu.memory_space<hbm>>) target(%dma_start3A_85 : memref<64xf32, #tpu.memory_space<vmem>>) target_semaphore(%arg15 : memref<!tpu.dma_semaphore, #tpu.memory_space<semaphore_mem>>)
      %slice3A_89 = vector.extract_strided_slice %get3A_16 {offsets = [2], sizes = [1], strides = [1]} : vector<16xi32> to vector<1xi32>
      %squeeze3A_90 = vector.extract %slice3A_89[0] : i32 from vector<1xi32>
      %dma_start3A_91 = arith.constant 2 : i32
      %dma_start3A_92 = arith.constant 0 : i32
      %dma_start3A_93 = tpu.memref_slice %arg12[%dma_start3A_91, %dma_start3A_92] : memref<32x64xf32, #tpu.memory_space<vmem>> -> memref<1x64xf32, #tpu.memory_space<vmem>>
      %dma_start3A_94 = tpu.memref_squeeze %dma_start3A_93 : memref<1x64xf32, #tpu.memory_space<vmem>> -> memref<64xf32, #tpu.memory_space<vmem>>
      %dma_start3A_95 = arith.constant 0 : i32
      %dma_start3A_96 = tpu.memref_slice %arg6[%squeeze3A_90, %dma_start3A_95] : memref<1000000x64xf32, #tpu.memory_space<hbm>> -> memref<1x64xf32, #tpu.memory_space<hbm>>
      %dma_start3A_97 = tpu.memref_squeeze %dma_start3A_96 : memref<1x64xf32, #tpu.memory_space<hbm>> -> memref<64xf32, #tpu.memory_space<hbm>>
      %dma_start3A_98 = arith.constant 0 : i32
      %dma_start3A_99 = tpu.memref_slice %arg12[%dma_start3A_91, %dma_start3A_98] : memref<32x64xf32, #tpu.memory_space<vmem>> -> memref<1x64xf32, #tpu.memory_space<vmem>>
      %dma_start3A_100 = tpu.memref_squeeze %dma_start3A_99 : memref<1x64xf32, #tpu.memory_space<vmem>> -> memref<64xf32, #tpu.memory_space<vmem>>
      %dma_start3A_101 = arith.constant 0 : i32
      %dma_start3A_102 = tpu.memref_slice %arg6[%squeeze3A_90, %dma_start3A_101] : memref<1000000x64xf32, #tpu.memory_space<hbm>> -> memref<1x64xf32, #tpu.memory_space<hbm>>
      %dma_start3A_103 = tpu.memref_squeeze %dma_start3A_102 : memref<1x64xf32, #tpu.memory_space<hbm>> -> memref<64xf32, #tpu.memory_space<hbm>>
      tpu.enqueue_dma source(%dma_start3A_103 : memref<64xf32, #tpu.memory_space<hbm>>) target(%dma_start3A_100 : memref<64xf32, #tpu.memory_space<vmem>>) target_semaphore(%arg16 : memref<!tpu.dma_semaphore, #tpu.memory_space<semaphore_mem>>)
      %slice3A_104 = vector.extract_strided_slice %get3A_14 {offsets = [3], sizes = [1], strides = [1]} : vector<16xi32> to vector<1xi32>
      %squeeze3A_105 = vector.extract %slice3A_104[0] : i32 from vector<1xi32>
      %dma_start3A_106 = arith.constant 3 : i32
      %dma_start3A_107 = arith.constant 0 : i32
      %dma_start3A_108 = tpu.memref_slice %arg11[%dma_start3A_106, %dma_start3A_107] : memref<32x64xf32, #tpu.memory_space<vmem>> -> memref<1x64xf32, #tpu.memory_space<vmem>>
      %dma_start3A_109 = tpu.memref_squeeze %dma_start3A_108 : memref<1x64xf32, #tpu.memory_space<vmem>> -> memref<64xf32, #tpu.memory_space<vmem>>
      %dma_start3A_110 = arith.constant 0 : i32
      %dma_start3A_111 = tpu.memref_slice %arg5[%squeeze3A_105, %dma_start3A_110] : memref<1000000x64xf32, #tpu.memory_space<hbm>> -> memref<1x64xf32, #tpu.memory_space<hbm>>
      %dma_start3A_112 = tpu.memref_squeeze %dma_start3A_111 : memref<1x64xf32, #tpu.memory_space<hbm>> -> memref<64xf32, #tpu.memory_space<hbm>>
      %dma_start3A_113 = arith.constant 0 : i32
      %dma_start3A_114 = tpu.memref_slice %arg11[%dma_start3A_106, %dma_start3A_113] : memref<32x64xf32, #tpu.memory_space<vmem>> -> memref<1x64xf32, #tpu.memory_space<vmem>>
      %dma_start3A_115 = tpu.memref_squeeze %dma_start3A_114 : memref<1x64xf32, #tpu.memory_space<vmem>> -> memref<64xf32, #tpu.memory_space<vmem>>
      %dma_start3A_116 = arith.constant 0 : i32
      %dma_start3A_117 = tpu.memref_slice %arg5[%squeeze3A_105, %dma_start3A_116] : memref<1000000x64xf32, #tpu.memory_space<hbm>> -> memref<1x64xf32, #tpu.memory_space<hbm>>
      %dma_start3A_118 = tpu.memref_squeeze %dma_start3A_117 : memref<1x64xf32, #tpu.memory_space<hbm>> -> memref<64xf32, #tpu.memory_space<hbm>>
      tpu.enqueue_dma source(%dma_start3A_118 : memref<64xf32, #tpu.memory_space<hbm>>) target(%dma_start3A_115 : memref<64xf32, #tpu.memory_space<vmem>>) target_semaphore(%arg15 : memref<!tpu.dma_semaphore, #tpu.memory_space<semaphore_mem>>)
      %slice3A_119 = vector.extract_strided_slice %get3A_16 {offsets = [3], sizes = [1], strides = [1]} : vector<16xi32> to vector<1xi32>
      %squeeze3A_120 = vector.extract %slice3A_119[0] : i32 from vector<1xi32>
      %dma_start3A_121 = arith.constant 3 : i32
      %dma_start3A_122 = arith.constant 0 : i32
      %dma_start3A_123 = tpu.memref_slice %arg12[%dma_start3A_121, %dma_start3A_122] : memref<32x64xf32, #tpu.memory_space<vmem>> -> memref<1x64xf32, #tpu.memory_space<vmem>>
      %dma_start3A_124 = tpu.memref_squeeze %dma_start3A_123 : memref<1x64xf32, #tpu.memory_space<vmem>> -> memref<64xf32, #tpu.memory_space<vmem>>
      %dma_start3A_125 = arith.constant 0 : i32
      %dma_start3A_126 = tpu.memref_slice %arg6[%squeeze3A_120, %dma_start3A_125] : memref<1000000x64xf32, #tpu.memory_space<hbm>> -> memref<1x64xf32, #tpu.memory_space<hbm>>
      %dma_start3A_127 = tpu.memref_squeeze %dma_start3A_126 : memref<1x64xf32, #tpu.memory_space<hbm>> -> memref<64xf32, #tpu.memory_space<hbm>>
      %dma_start3A_128 = arith.constant 0 : i32
      %dma_start3A_129 = tpu.memref_slice %arg12[%dma_start3A_121, %dma_start3A_128] : memref<32x64xf32, #tpu.memory_space<vmem>> -> memref<1x64xf32, #tpu.memory_space<vmem>>
      %dma_start3A_130 = tpu.memref_squeeze %dma_start3A_129 : memref<1x64xf32, #tpu.memory_space<vmem>> -> memref<64xf32, #tpu.memory_space<vmem>>
      %dma_start3A_131 = arith.constant 0 : i32
      %dma_start3A_132 = tpu.memref_slice %arg6[%squeeze3A_120, %dma_start3A_131] : memref<1000000x64xf32, #tpu.memory_space<hbm>> -> memref<1x64xf32, #tpu.memory_space<hbm>>
      %dma_start3A_133 = tpu.memref_squeeze %dma_start3A_132 : memref<1x64xf32, #tpu.memory_space<hbm>> -> memref<64xf32, #tpu.memory_space<hbm>>
      tpu.enqueue_dma source(%dma_start3A_133 : memref<64xf32, #tpu.memory_space<hbm>>) target(%dma_start3A_130 : memref<64xf32, #tpu.memory_space<vmem>>) target_semaphore(%arg16 : memref<!tpu.dma_semaphore, #tpu.memory_space<semaphore_mem>>)
      %slice3A_134 = vector.extract_strided_slice %get3A_14 {offsets = [4], sizes = [1], strides = [1]} : vector<16xi32> to vector<1xi32>
      %squeeze3A_135 = vector.extract %slice3A_134[0] : i32 from vector<1xi32>
      %dma_start3A_136 = arith.constant 4 : i32
      %dma_start3A_137 = arith.constant 0 : i32
      %dma_start3A_138 = tpu.memref_slice %arg11[%dma_start3A_136, %dma_start3A_137] : memref<32x64xf32, #tpu.memory_space<vmem>> -> memref<1x64xf32, #tpu.memory_space<vmem>>
      %dma_start3A_139 = tpu.memref_squeeze %dma_start3A_138 : memref<1x64xf32, #tpu.memory_space<vmem>> -> memref<64xf32, #tpu.memory_space<vmem>>
      %dma_start3A_140 = arith.constant 0 : i32
      %dma_start3A_141 = tpu.memref_slice %arg5[%squeeze3A_135, %dma_start3A_140] : memref<1000000x64xf32, #tpu.memory_space<hbm>> -> memref<1x64xf32, #tpu.memory_space<hbm>>
      %dma_start3A_142 = tpu.memref_squeeze %dma_start3A_141 : memref<1x64xf32, #tpu.memory_space<hbm>> -> memref<64xf32, #tpu.memory_space<hbm>>
      %dma_start3A_143 = arith.constant 0 : i32
      %dma_start3A_144 = tpu.memref_slice %arg11[%dma_start3A_136, %dma_start3A_143] : memref<32x64xf32, #tpu.memory_space<vmem>> -> memref<1x64xf32, #tpu.memory_space<vmem>>
      %dma_start3A_145 = tpu.memref_squeeze %dma_start3A_144 : memref<1x64xf32, #tpu.memory_space<vmem>> -> memref<64xf32, #tpu.memory_space<vmem>>
      %dma_start3A_146 = arith.constant 0 : i32
      %dma_start3A_147 = tpu.memref_slice %arg5[%squeeze3A_135, %dma_start3A_146] : memref<1000000x64xf32, #tpu.memory_space<hbm>> -> memref<1x64xf32, #tpu.memory_space<hbm>>
      %dma_start3A_148 = tpu.memref_squeeze %dma_start3A_147 : memref<1x64xf32, #tpu.memory_space<hbm>> -> memref<64xf32, #tpu.memory_space<hbm>>
      tpu.enqueue_dma source(%dma_start3A_148 : memref<64xf32, #tpu.memory_space<hbm>>) target(%dma_start3A_145 : memref<64xf32, #tpu.memory_space<vmem>>) target_semaphore(%arg15 : memref<!tpu.dma_semaphore, #tpu.memory_space<semaphore_mem>>)
      %slice3A_149 = vector.extract_strided_slice %get3A_16 {offsets = [4], sizes = [1], strides = [1]} : vector<16xi32> to vector<1xi32>
      %squeeze3A_150 = vector.extract %slice3A_149[0] : i32 from vector<1xi32>
      %dma_start3A_151 = arith.constant 4 : i32
      %dma_start3A_152 = arith.constant 0 : i32
      %dma_start3A_153 = tpu.memref_slice %arg12[%dma_start3A_151, %dma_start3A_152] : memref<32x64xf32, #tpu.memory_space<vmem>> -> memref<1x64xf32, #tpu.memory_space<vmem>>
      %dma_start3A_154 = tpu.memref_squeeze %dma_start3A_153 : memref<1x64xf32, #tpu.memory_space<vmem>> -> memref<64xf32, #tpu.memory_space<vmem>>
      %dma_start3A_155 = arith.constant 0 : i32
      %dma_start3A_156 = tpu.memref_slice %arg6[%squeeze3A_150, %dma_start3A_155] : memref<1000000x64xf32, #tpu.memory_space<hbm>> -> memref<1x64xf32, #tpu.memory_space<hbm>>
      %dma_start3A_157 = tpu.memref_squeeze %dma_start3A_156 : memref<1x64xf32, #tpu.memory_space<hbm>> -> memref<64xf32, #tpu.memory_space<hbm>>
      %dma_start3A_158 = arith.constant 0 : i32
      %dma_start3A_159 = tpu.memref_slice %arg12[%dma_start3A_151, %dma_start3A_158] : memref<32x64xf32, #tpu.memory_space<vmem>> -> memref<1x64xf32, #tpu.memory_space<vmem>>
      %dma_start3A_160 = tpu.memref_squeeze %dma_start3A_159 : memref<1x64xf32, #tpu.memory_space<vmem>> -> memref<64xf32, #tpu.memory_space<vmem>>
      %dma_start3A_161 = arith.constant 0 : i32
      %dma_start3A_162 = tpu.memref_slice %arg6[%squeeze3A_150, %dma_start3A_161] : memref<1000000x64xf32, #tpu.memory_space<hbm>> -> memref<1x64xf32, #tpu.memory_space<hbm>>
      %dma_start3A_163 = tpu.memref_squeeze %dma_start3A_162 : memref<1x64xf32, #tpu.memory_space<hbm>> -> memref<64xf32, #tpu.memory_space<hbm>>
      tpu.enqueue_dma source(%dma_start3A_163 : memref<64xf32, #tpu.memory_space<hbm>>) target(%dma_start3A_160 : memref<64xf32, #tpu.memory_space<vmem>>) target_semaphore(%arg16 : memref<!tpu.dma_semaphore, #tpu.memory_space<semaphore_mem>>)
      %slice3A_164 = vector.extract_strided_slice %get3A_14 {offsets = [5], sizes = [1], strides = [1]} : vector<16xi32> to vector<1xi32>
      %squeeze3A_165 = vector.extract %slice3A_164[0] : i32 from vector<1xi32>
      %dma_start3A_166 = arith.constant 5 : i32
      %dma_start3A_167 = arith.constant 0 : i32
      %dma_start3A_168 = tpu.memref_slice %arg11[%dma_start3A_166, %dma_start3A_167] : memref<32x64xf32, #tpu.memory_space<vmem>> -> memref<1x64xf32, #tpu.memory_space<vmem>>
      %dma_start3A_169 = tpu.memref_squeeze %dma_start3A_168 : memref<1x64xf32, #tpu.memory_space<vmem>> -> memref<64xf32, #tpu.memory_space<vmem>>
      %dma_start3A_170 = arith.constant 0 : i32
      %dma_start3A_171 = tpu.memref_slice %arg5[%squeeze3A_165, %dma_start3A_170] : memref<1000000x64xf32, #tpu.memory_space<hbm>> -> memref<1x64xf32, #tpu.memory_space<hbm>>
      %dma_start3A_172 = tpu.memref_squeeze %dma_start3A_171 : memref<1x64xf32, #tpu.memory_space<hbm>> -> memref<64xf32, #tpu.memory_space<hbm>>
      %dma_start3A_173 = arith.constant 0 : i32
      %dma_start3A_174 = tpu.memref_slice %arg11[%dma_start3A_166, %dma_start3A_173] : memref<32x64xf32, #tpu.memory_space<vmem>> -> memref<1x64xf32, #tpu.memory_space<vmem>>
      %dma_start3A_175 = tpu.memref_squeeze %dma_start3A_174 : memref<1x64xf32, #tpu.memory_space<vmem>> -> memref<64xf32, #tpu.memory_space<vmem>>
      %dma_start3A_176 = arith.constant 0 : i32
      %dma_start3A_177 = tpu.memref_slice %arg5[%squeeze3A_165, %dma_start3A_176] : memref<1000000x64xf32, #tpu.memory_space<hbm>> -> memref<1x64xf32, #tpu.memory_space<hbm>>
      %dma_start3A_178 = tpu.memref_squeeze %dma_start3A_177 : memref<1x64xf32, #tpu.memory_space<hbm>> -> memref<64xf32, #tpu.memory_space<hbm>>
      tpu.enqueue_dma source(%dma_start3A_178 : memref<64xf32, #tpu.memory_space<hbm>>) target(%dma_start3A_175 : memref<64xf32, #tpu.memory_space<vmem>>) target_semaphore(%arg15 : memref<!tpu.dma_semaphore, #tpu.memory_space<semaphore_mem>>)
      %slice3A_179 = vector.extract_strided_slice %get3A_16 {offsets = [5], sizes = [1], strides = [1]} : vector<16xi32> to vector<1xi32>
      %squeeze3A_180 = vector.extract %slice3A_179[0] : i32 from vector<1xi32>
      %dma_start3A_181 = arith.constant 5 : i32
      %dma_start3A_182 = arith.constant 0 : i32
      %dma_start3A_183 = tpu.memref_slice %arg12[%dma_start3A_181, %dma_start3A_182] : memref<32x64xf32, #tpu.memory_space<vmem>> -> memref<1x64xf32, #tpu.memory_space<vmem>>
      %dma_start3A_184 = tpu.memref_squeeze %dma_start3A_183 : memref<1x64xf32, #tpu.memory_space<vmem>> -> memref<64xf32, #tpu.memory_space<vmem>>
      %dma_start3A_185 = arith.constant 0 : i32
      %dma_start3A_186 = tpu.memref_slice %arg6[%squeeze3A_180, %dma_start3A_185] : memref<1000000x64xf32, #tpu.memory_space<hbm>> -> memref<1x64xf32, #tpu.memory_space<hbm>>
      %dma_start3A_187 = tpu.memref_squeeze %dma_start3A_186 : memref<1x64xf32, #tpu.memory_space<hbm>> -> memref<64xf32, #tpu.memory_space<hbm>>
      %dma_start3A_188 = arith.constant 0 : i32
      %dma_start3A_189 = tpu.memref_slice %arg12[%dma_start3A_181, %dma_start3A_188] : memref<32x64xf32, #tpu.memory_space<vmem>> -> memref<1x64xf32, #tpu.memory_space<vmem>>
      %dma_start3A_190 = tpu.memref_squeeze %dma_start3A_189 : memref<1x64xf32, #tpu.memory_space<vmem>> -> memref<64xf32, #tpu.memory_space<vmem>>
      %dma_start3A_191 = arith.constant 0 : i32
      %dma_start3A_192 = tpu.memref_slice %arg6[%squeeze3A_180, %dma_start3A_191] : memref<1000000x64xf32, #tpu.memory_space<hbm>> -> memref<1x64xf32, #tpu.memory_space<hbm>>
      %dma_start3A_193 = tpu.memref_squeeze %dma_start3A_192 : memref<1x64xf32, #tpu.memory_space<hbm>> -> memref<64xf32, #tpu.memory_space<hbm>>
      tpu.enqueue_dma source(%dma_start3A_193 : memref<64xf32, #tpu.memory_space<hbm>>) target(%dma_start3A_190 : memref<64xf32, #tpu.memory_space<vmem>>) target_semaphore(%arg16 : memref<!tpu.dma_semaphore, #tpu.memory_space<semaphore_mem>>)
      %slice3A_194 = vector.extract_strided_slice %get3A_14 {offsets = [6], sizes = [1], strides = [1]} : vector<16xi32> to vector<1xi32>
      %squeeze3A_195 = vector.extract %slice3A_194[0] : i32 from vector<1xi32>
      %dma_start3A_196 = arith.constant 6 : i32
      %dma_start3A_197 = arith.constant 0 : i32
      %dma_start3A_198 = tpu.memref_slice %arg11[%dma_start3A_196, %dma_start3A_197] : memref<32x64xf32, #tpu.memory_space<vmem>> -> memref<1x64xf32, #tpu.memory_space<vmem>>
      %dma_start3A_199 = tpu.memref_squeeze %dma_start3A_198 : memref<1x64xf32, #tpu.memory_space<vmem>> -> memref<64xf32, #tpu.memory_space<vmem>>
      %dma_start3A_200 = arith.constant 0 : i32
      %dma_start3A_201 = tpu.memref_slice %arg5[%squeeze3A_195, %dma_start3A_200] : memref<1000000x64xf32, #tpu.memory_space<hbm>> -> memref<1x64xf32, #tpu.memory_space<hbm>>
      %dma_start3A_202 = tpu.memref_squeeze %dma_start3A_201 : memref<1x64xf32, #tpu.memory_space<hbm>> -> memref<64xf32, #tpu.memory_space<hbm>>
      %dma_start3A_203 = arith.constant 0 : i32
      %dma_start3A_204 = tpu.memref_slice %arg11[%dma_start3A_196, %dma_start3A_203] : memref<32x64xf32, #tpu.memory_space<vmem>> -> memref<1x64xf32, #tpu.memory_space<vmem>>
      %dma_start3A_205 = tpu.memref_squeeze %dma_start3A_204 : memref<1x64xf32, #tpu.memory_space<vmem>> -> memref<64xf32, #tpu.memory_space<vmem>>
      %dma_start3A_206 = arith.constant 0 : i32
      %dma_start3A_207 = tpu.memref_slice %arg5[%squeeze3A_195, %dma_start3A_206] : memref<1000000x64xf32, #tpu.memory_space<hbm>> -> memref<1x64xf32, #tpu.memory_space<hbm>>
      %dma_start3A_208 = tpu.memref_squeeze %dma_start3A_207 : memref<1x64xf32, #tpu.memory_space<hbm>> -> memref<64xf32, #tpu.memory_space<hbm>>
      tpu.enqueue_dma source(%dma_start3A_208 : memref<64xf32, #tpu.memory_space<hbm>>) target(%dma_start3A_205 : memref<64xf32, #tpu.memory_space<vmem>>) target_semaphore(%arg15 : memref<!tpu.dma_semaphore, #tpu.memory_space<semaphore_mem>>)
      %slice3A_209 = vector.extract_strided_slice %get3A_16 {offsets = [6], sizes = [1], strides = [1]} : vector<16xi32> to vector<1xi32>
      %squeeze3A_210 = vector.extract %slice3A_209[0] : i32 from vector<1xi32>
      %dma_start3A_211 = arith.constant 6 : i32
      %dma_start3A_212 = arith.constant 0 : i32
      %dma_start3A_213 = tpu.memref_slice %arg12[%dma_start3A_211, %dma_start3A_212] : memref<32x64xf32, #tpu.memory_space<vmem>> -> memref<1x64xf32, #tpu.memory_space<vmem>>
      %dma_start3A_214 = tpu.memref_squeeze %dma_start3A_213 : memref<1x64xf32, #tpu.memory_space<vmem>> -> memref<64xf32, #tpu.memory_space<vmem>>
      %dma_start3A_215 = arith.constant 0 : i32
      %dma_start3A_216 = tpu.memref_slice %arg6[%squeeze3A_210, %dma_start3A_215] : memref<1000000x64xf32, #tpu.memory_space<hbm>> -> memref<1x64xf32, #tpu.memory_space<hbm>>
      %dma_start3A_217 = tpu.memref_squeeze %dma_start3A_216 : memref<1x64xf32, #tpu.memory_space<hbm>> -> memref<64xf32, #tpu.memory_space<hbm>>
      %dma_start3A_218 = arith.constant 0 : i32
      %dma_start3A_219 = tpu.memref_slice %arg12[%dma_start3A_211, %dma_start3A_218] : memref<32x64xf32, #tpu.memory_space<vmem>> -> memref<1x64xf32, #tpu.memory_space<vmem>>
      %dma_start3A_220 = tpu.memref_squeeze %dma_start3A_219 : memref<1x64xf32, #tpu.memory_space<vmem>> -> memref<64xf32, #tpu.memory_space<vmem>>
      %dma_start3A_221 = arith.constant 0 : i32
      %dma_start3A_222 = tpu.memref_slice %arg6[%squeeze3A_210, %dma_start3A_221] : memref<1000000x64xf32, #tpu.memory_space<hbm>> -> memref<1x64xf32, #tpu.memory_space<hbm>>
      %dma_start3A_223 = tpu.memref_squeeze %dma_start3A_222 : memref<1x64xf32, #tpu.memory_space<hbm>> -> memref<64xf32, #tpu.memory_space<hbm>>
      tpu.enqueue_dma source(%dma_start3A_223 : memref<64xf32, #tpu.memory_space<hbm>>) target(%dma_start3A_220 : memref<64xf32, #tpu.memory_space<vmem>>) target_semaphore(%arg16 : memref<!tpu.dma_semaphore, #tpu.memory_space<semaphore_mem>>)
      %slice3A_224 = vector.extract_strided_slice %get3A_14 {offsets = [7], sizes = [1], strides = [1]} : vector<16xi32> to vector<1xi32>
      %squeeze3A_225 = vector.extract %slice3A_224[0] : i32 from vector<1xi32>
      %dma_start3A_226 = arith.constant 7 : i32
      %dma_start3A_227 = arith.constant 0 : i32
      %dma_start3A_228 = tpu.memref_slice %arg11[%dma_start3A_226, %dma_start3A_227] : memref<32x64xf32, #tpu.memory_space<vmem>> -> memref<1x64xf32, #tpu.memory_space<vmem>>
      %dma_start3A_229 = tpu.memref_squeeze %dma_start3A_228 : memref<1x64xf32, #tpu.memory_space<vmem>> -> memref<64xf32, #tpu.memory_space<vmem>>
      %dma_start3A_230 = arith.constant 0 : i32
      %dma_start3A_231 = tpu.memref_slice %arg5[%squeeze3A_225, %dma_start3A_230] : memref<1000000x64xf32, #tpu.memory_space<hbm>> -> memref<1x64xf32, #tpu.memory_space<hbm>>
      %dma_start3A_232 = tpu.memref_squeeze %dma_start3A_231 : memref<1x64xf32, #tpu.memory_space<hbm>> -> memref<64xf32, #tpu.memory_space<hbm>>
      %dma_start3A_233 = arith.constant 0 : i32
      %dma_start3A_234 = tpu.memref_slice %arg11[%dma_start3A_226, %dma_start3A_233] : memref<32x64xf32, #tpu.memory_space<vmem>> -> memref<1x64xf32, #tpu.memory_space<vmem>>
      %dma_start3A_235 = tpu.memref_squeeze %dma_start3A_234 : memref<1x64xf32, #tpu.memory_space<vmem>> -> memref<64xf32, #tpu.memory_space<vmem>>
      %dma_start3A_236 = arith.constant 0 : i32
      %dma_start3A_237 = tpu.memref_slice %arg5[%squeeze3A_225, %dma_start3A_236] : memref<1000000x64xf32, #tpu.memory_space<hbm>> -> memref<1x64xf32, #tpu.memory_space<hbm>>
      %dma_start3A_238 = tpu.memref_squeeze %dma_start3A_237 : memref<1x64xf32, #tpu.memory_space<hbm>> -> memref<64xf32, #tpu.memory_space<hbm>>
      tpu.enqueue_dma source(%dma_start3A_238 : memref<64xf32, #tpu.memory_space<hbm>>) target(%dma_start3A_235 : memref<64xf32, #tpu.memory_space<vmem>>) target_semaphore(%arg15 : memref<!tpu.dma_semaphore, #tpu.memory_space<semaphore_mem>>)
      %slice3A_239 = vector.extract_strided_slice %get3A_16 {offsets = [7], sizes = [1], strides = [1]} : vector<16xi32> to vector<1xi32>
      %squeeze3A_240 = vector.extract %slice3A_239[0] : i32 from vector<1xi32>
      %dma_start3A_241 = arith.constant 7 : i32
      %dma_start3A_242 = arith.constant 0 : i32
      %dma_start3A_243 = tpu.memref_slice %arg12[%dma_start3A_241, %dma_start3A_242] : memref<32x64xf32, #tpu.memory_space<vmem>> -> memref<1x64xf32, #tpu.memory_space<vmem>>
      %dma_start3A_244 = tpu.memref_squeeze %dma_start3A_243 : memref<1x64xf32, #tpu.memory_space<vmem>> -> memref<64xf32, #tpu.memory_space<vmem>>
      %dma_start3A_245 = arith.constant 0 : i32
      %dma_start3A_246 = tpu.memref_slice %arg6[%squeeze3A_240, %dma_start3A_245] : memref<1000000x64xf32, #tpu.memory_space<hbm>> -> memref<1x64xf32, #tpu.memory_space<hbm>>
      %dma_start3A_247 = tpu.memref_squeeze %dma_start3A_246 : memref<1x64xf32, #tpu.memory_space<hbm>> -> memref<64xf32, #tpu.memory_space<hbm>>
      %dma_start3A_248 = arith.constant 0 : i32
      %dma_start3A_249 = tpu.memref_slice %arg12[%dma_start3A_241, %dma_start3A_248] : memref<32x64xf32, #tpu.memory_space<vmem>> -> memref<1x64xf32, #tpu.memory_space<vmem>>
      %dma_start3A_250 = tpu.memref_squeeze %dma_start3A_249 : memref<1x64xf32, #tpu.memory_space<vmem>> -> memref<64xf32, #tpu.memory_space<vmem>>
      %dma_start3A_251 = arith.constant 0 : i32
      %dma_start3A_252 = tpu.memref_slice %arg6[%squeeze3A_240, %dma_start3A_251] : memref<1000000x64xf32, #tpu.memory_space<hbm>> -> memref<1x64xf32, #tpu.memory_space<hbm>>
      %dma_start3A_253 = tpu.memref_squeeze %dma_start3A_252 : memref<1x64xf32, #tpu.memory_space<hbm>> -> memref<64xf32, #tpu.memory_space<hbm>>
      tpu.enqueue_dma source(%dma_start3A_253 : memref<64xf32, #tpu.memory_space<hbm>>) target(%dma_start3A_250 : memref<64xf32, #tpu.memory_space<vmem>>) target_semaphore(%arg16 : memref<!tpu.dma_semaphore, #tpu.memory_space<semaphore_mem>>)
      %slice3A_254 = vector.extract_strided_slice %get3A_14 {offsets = [8], sizes = [1], strides = [1]} : vector<16xi32> to vector<1xi32>
      %squeeze3A_255 = vector.extract %slice3A_254[0] : i32 from vector<1xi32>
      %dma_start3A_256 = arith.constant 8 : i32
      %dma_start3A_257 = arith.constant 0 : i32
      %dma_start3A_258 = tpu.memref_slice %arg11[%dma_start3A_256, %dma_start3A_257] : memref<32x64xf32, #tpu.memory_space<vmem>> -> memref<1x64xf32, #tpu.memory_space<vmem>>
      %dma_start3A_259 = tpu.memref_squeeze %dma_start3A_258 : memref<1x64xf32, #tpu.memory_space<vmem>> -> memref<64xf32, #tpu.memory_space<vmem>>
      %dma_start3A_260 = arith.constant 0 : i32
      %dma_start3A_261 = tpu.memref_slice %arg5[%squeeze3A_255, %dma_start3A_260] : memref<1000000x64xf32, #tpu.memory_space<hbm>> -> memref<1x64xf32, #tpu.memory_space<hbm>>
      %dma_start3A_262 = tpu.memref_squeeze %dma_start3A_261 : memref<1x64xf32, #tpu.memory_space<hbm>> -> memref<64xf32, #tpu.memory_space<hbm>>
      %dma_start3A_263 = arith.constant 0 : i32
      %dma_start3A_264 = tpu.memref_slice %arg11[%dma_start3A_256, %dma_start3A_263] : memref<32x64xf32, #tpu.memory_space<vmem>> -> memref<1x64xf32, #tpu.memory_space<vmem>>
      %dma_start3A_265 = tpu.memref_squeeze %dma_start3A_264 : memref<1x64xf32, #tpu.memory_space<vmem>> -> memref<64xf32, #tpu.memory_space<vmem>>
      %dma_start3A_266 = arith.constant 0 : i32
      %dma_start3A_267 = tpu.memref_slice %arg5[%squeeze3A_255, %dma_start3A_266] : memref<1000000x64xf32, #tpu.memory_space<hbm>> -> memref<1x64xf32, #tpu.memory_space<hbm>>
      %dma_start3A_268 = tpu.memref_squeeze %dma_start3A_267 : memref<1x64xf32, #tpu.memory_space<hbm>> -> memref<64xf32, #tpu.memory_space<hbm>>
      tpu.enqueue_dma source(%dma_start3A_268 : memref<64xf32, #tpu.memory_space<hbm>>) target(%dma_start3A_265 : memref<64xf32, #tpu.memory_space<vmem>>) target_semaphore(%arg15 : memref<!tpu.dma_semaphore, #tpu.memory_space<semaphore_mem>>)
      %slice3A_269 = vector.extract_strided_slice %get3A_16 {offsets = [8], sizes = [1], strides = [1]} : vector<16xi32> to vector<1xi32>
      %squeeze3A_270 = vector.extract %slice3A_269[0] : i32 from vector<1xi32>
      %dma_start3A_271 = arith.constant 8 : i32
      %dma_start3A_272 = arith.constant 0 : i32
      %dma_start3A_273 = tpu.memref_slice %arg12[%dma_start3A_271, %dma_start3A_272] : memref<32x64xf32, #tpu.memory_space<vmem>> -> memref<1x64xf32, #tpu.memory_space<vmem>>
      %dma_start3A_274 = tpu.memref_squeeze %dma_start3A_273 : memref<1x64xf32, #tpu.memory_space<vmem>> -> memref<64xf32, #tpu.memory_space<vmem>>
      %dma_start3A_275 = arith.constant 0 : i32
      %dma_start3A_276 = tpu.memref_slice %arg6[%squeeze3A_270, %dma_start3A_275] : memref<1000000x64xf32, #tpu.memory_space<hbm>> -> memref<1x64xf32, #tpu.memory_space<hbm>>
      %dma_start3A_277 = tpu.memref_squeeze %dma_start3A_276 : memref<1x64xf32, #tpu.memory_space<hbm>> -> memref<64xf32, #tpu.memory_space<hbm>>
      %dma_start3A_278 = arith.constant 0 : i32
      %dma_start3A_279 = tpu.memref_slice %arg12[%dma_start3A_271, %dma_start3A_278] : memref<32x64xf32, #tpu.memory_space<vmem>> -> memref<1x64xf32, #tpu.memory_space<vmem>>
      %dma_start3A_280 = tpu.memref_squeeze %dma_start3A_279 : memref<1x64xf32, #tpu.memory_space<vmem>> -> memref<64xf32, #tpu.memory_space<vmem>>
      %dma_start3A_281 = arith.constant 0 : i32
      %dma_start3A_282 = tpu.memref_slice %arg6[%squeeze3A_270, %dma_start3A_281] : memref<1000000x64xf32, #tpu.memory_space<hbm>> -> memref<1x64xf32, #tpu.memory_space<hbm>>
      %dma_start3A_283 = tpu.memref_squeeze %dma_start3A_282 : memref<1x64xf32, #tpu.memory_space<hbm>> -> memref<64xf32, #tpu.memory_space<hbm>>
      tpu.enqueue_dma source(%dma_start3A_283 : memref<64xf32, #tpu.memory_space<hbm>>) target(%dma_start3A_280 : memref<64xf32, #tpu.memory_space<vmem>>) target_semaphore(%arg16 : memref<!tpu.dma_semaphore, #tpu.memory_space<semaphore_mem>>)
      %slice3A_284 = vector.extract_strided_slice %get3A_14 {offsets = [9], sizes = [1], strides = [1]} : vector<16xi32> to vector<1xi32>
      %squeeze3A_285 = vector.extract %slice3A_284[0] : i32 from vector<1xi32>
      %dma_start3A_286 = arith.constant 9 : i32
      %dma_start3A_287 = arith.constant 0 : i32
      %dma_start3A_288 = tpu.memref_slice %arg11[%dma_start3A_286, %dma_start3A_287] : memref<32x64xf32, #tpu.memory_space<vmem>> -> memref<1x64xf32, #tpu.memory_space<vmem>>
      %dma_start3A_289 = tpu.memref_squeeze %dma_start3A_288 : memref<1x64xf32, #tpu.memory_space<vmem>> -> memref<64xf32, #tpu.memory_space<vmem>>
      %dma_start3A_290 = arith.constant 0 : i32
      %dma_start3A_291 = tpu.memref_slice %arg5[%squeeze3A_285, %dma_start3A_290] : memref<1000000x64xf32, #tpu.memory_space<hbm>> -> memref<1x64xf32, #tpu.memory_space<hbm>>
      %dma_start3A_292 = tpu.memref_squeeze %dma_start3A_291 : memref<1x64xf32, #tpu.memory_space<hbm>> -> memref<64xf32, #tpu.memory_space<hbm>>
      %dma_start3A_293 = arith.constant 0 : i32
      %dma_start3A_294 = tpu.memref_slice %arg11[%dma_start3A_286, %dma_start3A_293] : memref<32x64xf32, #tpu.memory_space<vmem>> -> memref<1x64xf32, #tpu.memory_space<vmem>>
      %dma_start3A_295 = tpu.memref_squeeze %dma_start3A_294 : memref<1x64xf32, #tpu.memory_space<vmem>> -> memref<64xf32, #tpu.memory_space<vmem>>
      %dma_start3A_296 = arith.constant 0 : i32
      %dma_start3A_297 = tpu.memref_slice %arg5[%squeeze3A_285, %dma_start3A_296] : memref<1000000x64xf32, #tpu.memory_space<hbm>> -> memref<1x64xf32, #tpu.memory_space<hbm>>
      %dma_start3A_298 = tpu.memref_squeeze %dma_start3A_297 : memref<1x64xf32, #tpu.memory_space<hbm>> -> memref<64xf32, #tpu.memory_space<hbm>>
      tpu.enqueue_dma source(%dma_start3A_298 : memref<64xf32, #tpu.memory_space<hbm>>) target(%dma_start3A_295 : memref<64xf32, #tpu.memory_space<vmem>>) target_semaphore(%arg15 : memref<!tpu.dma_semaphore, #tpu.memory_space<semaphore_mem>>)
      %slice3A_299 = vector.extract_strided_slice %get3A_16 {offsets = [9], sizes = [1], strides = [1]} : vector<16xi32> to vector<1xi32>
      %squeeze3A_300 = vector.extract %slice3A_299[0] : i32 from vector<1xi32>
      %dma_start3A_301 = arith.constant 9 : i32
      %dma_start3A_302 = arith.constant 0 : i32
      %dma_start3A_303 = tpu.memref_slice %arg12[%dma_start3A_301, %dma_start3A_302] : memref<32x64xf32, #tpu.memory_space<vmem>> -> memref<1x64xf32, #tpu.memory_space<vmem>>
      %dma_start3A_304 = tpu.memref_squeeze %dma_start3A_303 : memref<1x64xf32, #tpu.memory_space<vmem>> -> memref<64xf32, #tpu.memory_space<vmem>>
      %dma_start3A_305 = arith.constant 0 : i32
      %dma_start3A_306 = tpu.memref_slice %arg6[%squeeze3A_300, %dma_start3A_305] : memref<1000000x64xf32, #tpu.memory_space<hbm>> -> memref<1x64xf32, #tpu.memory_space<hbm>>
      %dma_start3A_307 = tpu.memref_squeeze %dma_start3A_306 : memref<1x64xf32, #tpu.memory_space<hbm>> -> memref<64xf32, #tpu.memory_space<hbm>>
      %dma_start3A_308 = arith.constant 0 : i32
      %dma_start3A_309 = tpu.memref_slice %arg12[%dma_start3A_301, %dma_start3A_308] : memref<32x64xf32, #tpu.memory_space<vmem>> -> memref<1x64xf32, #tpu.memory_space<vmem>>
      %dma_start3A_310 = tpu.memref_squeeze %dma_start3A_309 : memref<1x64xf32, #tpu.memory_space<vmem>> -> memref<64xf32, #tpu.memory_space<vmem>>
      %dma_start3A_311 = arith.constant 0 : i32
      %dma_start3A_312 = tpu.memref_slice %arg6[%squeeze3A_300, %dma_start3A_311] : memref<1000000x64xf32, #tpu.memory_space<hbm>> -> memref<1x64xf32, #tpu.memory_space<hbm>>
      %dma_start3A_313 = tpu.memref_squeeze %dma_start3A_312 : memref<1x64xf32, #tpu.memory_space<hbm>> -> memref<64xf32, #tpu.memory_space<hbm>>
      tpu.enqueue_dma source(%dma_start3A_313 : memref<64xf32, #tpu.memory_space<hbm>>) target(%dma_start3A_310 : memref<64xf32, #tpu.memory_space<vmem>>) target_semaphore(%arg16 : memref<!tpu.dma_semaphore, #tpu.memory_space<semaphore_mem>>)
      %slice3A_314 = vector.extract_strided_slice %get3A_14 {offsets = [10], sizes = [1], strides = [1]} : vector<16xi32> to vector<1xi32>
      %squeeze3A_315 = vector.extract %slice3A_314[0] : i32 from vector<1xi32>
      %dma_start3A_316 = arith.constant 10 : i32
      %dma_start3A_317 = arith.constant 0 : i32
      %dma_start3A_318 = tpu.memref_slice %arg11[%dma_start3A_316, %dma_start3A_317] : memref<32x64xf32, #tpu.memory_space<vmem>> -> memref<1x64xf32, #tpu.memory_space<vmem>>
      %dma_start3A_319 = tpu.memref_squeeze %dma_start3A_318 : memref<1x64xf32, #tpu.memory_space<vmem>> -> memref<64xf32, #tpu.memory_space<vmem>>
      %dma_start3A_320 = arith.constant 0 : i32
      %dma_start3A_321 = tpu.memref_slice %arg5[%squeeze3A_315, %dma_start3A_320] : memref<1000000x64xf32, #tpu.memory_space<hbm>> -> memref<1x64xf32, #tpu.memory_space<hbm>>
      %dma_start3A_322 = tpu.memref_squeeze %dma_start3A_321 : memref<1x64xf32, #tpu.memory_space<hbm>> -> memref<64xf32, #tpu.memory_space<hbm>>
      %dma_start3A_323 = arith.constant 0 : i32
      %dma_start3A_324 = tpu.memref_slice %arg11[%dma_start3A_316, %dma_start3A_323] : memref<32x64xf32, #tpu.memory_space<vmem>> -> memref<1x64xf32, #tpu.memory_space<vmem>>
      %dma_start3A_325 = tpu.memref_squeeze %dma_start3A_324 : memref<1x64xf32, #tpu.memory_space<vmem>> -> memref<64xf32, #tpu.memory_space<vmem>>
      %dma_start3A_326 = arith.constant 0 : i32
      %dma_start3A_327 = tpu.memref_slice %arg5[%squeeze3A_315, %dma_start3A_326] : memref<1000000x64xf32, #tpu.memory_space<hbm>> -> memref<1x64xf32, #tpu.memory_space<hbm>>
      %dma_start3A_328 = tpu.memref_squeeze %dma_start3A_327 : memref<1x64xf32, #tpu.memory_space<hbm>> -> memref<64xf32, #tpu.memory_space<hbm>>
      tpu.enqueue_dma source(%dma_start3A_328 : memref<64xf32, #tpu.memory_space<hbm>>) target(%dma_start3A_325 : memref<64xf32, #tpu.memory_space<vmem>>) target_semaphore(%arg15 : memref<!tpu.dma_semaphore, #tpu.memory_space<semaphore_mem>>)
      %slice3A_329 = vector.extract_strided_slice %get3A_16 {offsets = [10], sizes = [1], strides = [1]} : vector<16xi32> to vector<1xi32>
      %squeeze3A_330 = vector.extract %slice3A_329[0] : i32 from vector<1xi32>
      %dma_start3A_331 = arith.constant 10 : i32
      %dma_start3A_332 = arith.constant 0 : i32
      %dma_start3A_333 = tpu.memref_slice %arg12[%dma_start3A_331, %dma_start3A_332] : memref<32x64xf32, #tpu.memory_space<vmem>> -> memref<1x64xf32, #tpu.memory_space<vmem>>
      %dma_start3A_334 = tpu.memref_squeeze %dma_start3A_333 : memref<1x64xf32, #tpu.memory_space<vmem>> -> memref<64xf32, #tpu.memory_space<vmem>>
      %dma_start3A_335 = arith.constant 0 : i32
      %dma_start3A_336 = tpu.memref_slice %arg6[%squeeze3A_330, %dma_start3A_335] : memref<1000000x64xf32, #tpu.memory_space<hbm>> -> memref<1x64xf32, #tpu.memory_space<hbm>>
      %dma_start3A_337 = tpu.memref_squeeze %dma_start3A_336 : memref<1x64xf32, #tpu.memory_space<hbm>> -> memref<64xf32, #tpu.memory_space<hbm>>
      %dma_start3A_338 = arith.constant 0 : i32
      %dma_start3A_339 = tpu.memref_slice %arg12[%dma_start3A_331, %dma_start3A_338] : memref<32x64xf32, #tpu.memory_space<vmem>> -> memref<1x64xf32, #tpu.memory_space<vmem>>
      %dma_start3A_340 = tpu.memref_squeeze %dma_start3A_339 : memref<1x64xf32, #tpu.memory_space<vmem>> -> memref<64xf32, #tpu.memory_space<vmem>>
      %dma_start3A_341 = arith.constant 0 : i32
      %dma_start3A_342 = tpu.memref_slice %arg6[%squeeze3A_330, %dma_start3A_341] : memref<1000000x64xf32, #tpu.memory_space<hbm>> -> memref<1x64xf32, #tpu.memory_space<hbm>>
      %dma_start3A_343 = tpu.memref_squeeze %dma_start3A_342 : memref<1x64xf32, #tpu.memory_space<hbm>> -> memref<64xf32, #tpu.memory_space<hbm>>
      tpu.enqueue_dma source(%dma_start3A_343 : memref<64xf32, #tpu.memory_space<hbm>>) target(%dma_start3A_340 : memref<64xf32, #tpu.memory_space<vmem>>) target_semaphore(%arg16 : memref<!tpu.dma_semaphore, #tpu.memory_space<semaphore_mem>>)
      %slice3A_344 = vector.extract_strided_slice %get3A_14 {offsets = [11], sizes = [1], strides = [1]} : vector<16xi32> to vector<1xi32>
      %squeeze3A_345 = vector.extract %slice3A_344[0] : i32 from vector<1xi32>
      %dma_start3A_346 = arith.constant 11 : i32
      %dma_start3A_347 = arith.constant 0 : i32
      %dma_start3A_348 = tpu.memref_slice %arg11[%dma_start3A_346, %dma_start3A_347] : memref<32x64xf32, #tpu.memory_space<vmem>> -> memref<1x64xf32, #tpu.memory_space<vmem>>
      %dma_start3A_349 = tpu.memref_squeeze %dma_start3A_348 : memref<1x64xf32, #tpu.memory_space<vmem>> -> memref<64xf32, #tpu.memory_space<vmem>>
      %dma_start3A_350 = arith.constant 0 : i32
      %dma_start3A_351 = tpu.memref_slice %arg5[%squeeze3A_345, %dma_start3A_350] : memref<1000000x64xf32, #tpu.memory_space<hbm>> -> memref<1x64xf32, #tpu.memory_space<hbm>>
      %dma_start3A_352 = tpu.memref_squeeze %dma_start3A_351 : memref<1x64xf32, #tpu.memory_space<hbm>> -> memref<64xf32, #tpu.memory_space<hbm>>
      %dma_start3A_353 = arith.constant 0 : i32
      %dma_start3A_354 = tpu.memref_slice %arg11[%dma_start3A_346, %dma_start3A_353] : memref<32x64xf32, #tpu.memory_space<vmem>> -> memref<1x64xf32, #tpu.memory_space<vmem>>
      %dma_start3A_355 = tpu.memref_squeeze %dma_start3A_354 : memref<1x64xf32, #tpu.memory_space<vmem>> -> memref<64xf32, #tpu.memory_space<vmem>>
      %dma_start3A_356 = arith.constant 0 : i32
      %dma_start3A_357 = tpu.memref_slice %arg5[%squeeze3A_345, %dma_start3A_356] : memref<1000000x64xf32, #tpu.memory_space<hbm>> -> memref<1x64xf32, #tpu.memory_space<hbm>>
      %dma_start3A_358 = tpu.memref_squeeze %dma_start3A_357 : memref<1x64xf32, #tpu.memory_space<hbm>> -> memref<64xf32, #tpu.memory_space<hbm>>
      tpu.enqueue_dma source(%dma_start3A_358 : memref<64xf32, #tpu.memory_space<hbm>>) target(%dma_start3A_355 : memref<64xf32, #tpu.memory_space<vmem>>) target_semaphore(%arg15 : memref<!tpu.dma_semaphore, #tpu.memory_space<semaphore_mem>>)
      %slice3A_359 = vector.extract_strided_slice %get3A_16 {offsets = [11], sizes = [1], strides = [1]} : vector<16xi32> to vector<1xi32>
      %squeeze3A_360 = vector.extract %slice3A_359[0] : i32 from vector<1xi32>
      %dma_start3A_361 = arith.constant 11 : i32
      %dma_start3A_362 = arith.constant 0 : i32
      %dma_start3A_363 = tpu.memref_slice %arg12[%dma_start3A_361, %dma_start3A_362] : memref<32x64xf32, #tpu.memory_space<vmem>> -> memref<1x64xf32, #tpu.memory_space<vmem>>
      %dma_start3A_364 = tpu.memref_squeeze %dma_start3A_363 : memref<1x64xf32, #tpu.memory_space<vmem>> -> memref<64xf32, #tpu.memory_space<vmem>>
      %dma_start3A_365 = arith.constant 0 : i32
      %dma_start3A_366 = tpu.memref_slice %arg6[%squeeze3A_360, %dma_start3A_365] : memref<1000000x64xf32, #tpu.memory_space<hbm>> -> memref<1x64xf32, #tpu.memory_space<hbm>>
      %dma_start3A_367 = tpu.memref_squeeze %dma_start3A_366 : memref<1x64xf32, #tpu.memory_space<hbm>> -> memref<64xf32, #tpu.memory_space<hbm>>
      %dma_start3A_368 = arith.constant 0 : i32
      %dma_start3A_369 = tpu.memref_slice %arg12[%dma_start3A_361, %dma_start3A_368] : memref<32x64xf32, #tpu.memory_space<vmem>> -> memref<1x64xf32, #tpu.memory_space<vmem>>
      %dma_start3A_370 = tpu.memref_squeeze %dma_start3A_369 : memref<1x64xf32, #tpu.memory_space<vmem>> -> memref<64xf32, #tpu.memory_space<vmem>>
      %dma_start3A_371 = arith.constant 0 : i32
      %dma_start3A_372 = tpu.memref_slice %arg6[%squeeze3A_360, %dma_start3A_371] : memref<1000000x64xf32, #tpu.memory_space<hbm>> -> memref<1x64xf32, #tpu.memory_space<hbm>>
      %dma_start3A_373 = tpu.memref_squeeze %dma_start3A_372 : memref<1x64xf32, #tpu.memory_space<hbm>> -> memref<64xf32, #tpu.memory_space<hbm>>
      tpu.enqueue_dma source(%dma_start3A_373 : memref<64xf32, #tpu.memory_space<hbm>>) target(%dma_start3A_370 : memref<64xf32, #tpu.memory_space<vmem>>) target_semaphore(%arg16 : memref<!tpu.dma_semaphore, #tpu.memory_space<semaphore_mem>>)
      %slice3A_374 = vector.extract_strided_slice %get3A_14 {offsets = [12], sizes = [1], strides = [1]} : vector<16xi32> to vector<1xi32>
      %squeeze3A_375 = vector.extract %slice3A_374[0] : i32 from vector<1xi32>
      %dma_start3A_376 = arith.constant 12 : i32
      %dma_start3A_377 = arith.constant 0 : i32
      %dma_start3A_378 = tpu.memref_slice %arg11[%dma_start3A_376, %dma_start3A_377] : memref<32x64xf32, #tpu.memory_space<vmem>> -> memref<1x64xf32, #tpu.memory_space<vmem>>
      %dma_start3A_379 = tpu.memref_squeeze %dma_start3A_378 : memref<1x64xf32, #tpu.memory_space<vmem>> -> memref<64xf32, #tpu.memory_space<vmem>>
      %dma_start3A_380 = arith.constant 0 : i32
      %dma_start3A_381 = tpu.memref_slice %arg5[%squeeze3A_375, %dma_start3A_380] : memref<1000000x64xf32, #tpu.memory_space<hbm>> -> memref<1x64xf32, #tpu.memory_space<hbm>>
      %dma_start3A_382 = tpu.memref_squeeze %dma_start3A_381 : memref<1x64xf32, #tpu.memory_space<hbm>> -> memref<64xf32, #tpu.memory_space<hbm>>
      %dma_start3A_383 = arith.constant 0 : i32
      %dma_start3A_384 = tpu.memref_slice %arg11[%dma_start3A_376, %dma_start3A_383] : memref<32x64xf32, #tpu.memory_space<vmem>> -> memref<1x64xf32, #tpu.memory_space<vmem>>
      %dma_start3A_385 = tpu.memref_squeeze %dma_start3A_384 : memref<1x64xf32, #tpu.memory_space<vmem>> -> memref<64xf32, #tpu.memory_space<vmem>>
      %dma_start3A_386 = arith.constant 0 : i32
      %dma_start3A_387 = tpu.memref_slice %arg5[%squeeze3A_375, %dma_start3A_386] : memref<1000000x64xf32, #tpu.memory_space<hbm>> -> memref<1x64xf32, #tpu.memory_space<hbm>>
      %dma_start3A_388 = tpu.memref_squeeze %dma_start3A_387 : memref<1x64xf32, #tpu.memory_space<hbm>> -> memref<64xf32, #tpu.memory_space<hbm>>
      tpu.enqueue_dma source(%dma_start3A_388 : memref<64xf32, #tpu.memory_space<hbm>>) target(%dma_start3A_385 : memref<64xf32, #tpu.memory_space<vmem>>) target_semaphore(%arg15 : memref<!tpu.dma_semaphore, #tpu.memory_space<semaphore_mem>>)
      %slice3A_389 = vector.extract_strided_slice %get3A_16 {offsets = [12], sizes = [1], strides = [1]} : vector<16xi32> to vector<1xi32>
      %squeeze3A_390 = vector.extract %slice3A_389[0] : i32 from vector<1xi32>
      %dma_start3A_391 = arith.constant 12 : i32
      %dma_start3A_392 = arith.constant 0 : i32
      %dma_start3A_393 = tpu.memref_slice %arg12[%dma_start3A_391, %dma_start3A_392] : memref<32x64xf32, #tpu.memory_space<vmem>> -> memref<1x64xf32, #tpu.memory_space<vmem>>
      %dma_start3A_394 = tpu.memref_squeeze %dma_start3A_393 : memref<1x64xf32, #tpu.memory_space<vmem>> -> memref<64xf32, #tpu.memory_space<vmem>>
      %dma_start3A_395 = arith.constant 0 : i32
      %dma_start3A_396 = tpu.memref_slice %arg6[%squeeze3A_390, %dma_start3A_395] : memref<1000000x64xf32, #tpu.memory_space<hbm>> -> memref<1x64xf32, #tpu.memory_space<hbm>>
      %dma_start3A_397 = tpu.memref_squeeze %dma_start3A_396 : memref<1x64xf32, #tpu.memory_space<hbm>> -> memref<64xf32, #tpu.memory_space<hbm>>
      %dma_start3A_398 = arith.constant 0 : i32
      %dma_start3A_399 = tpu.memref_slice %arg12[%dma_start3A_391, %dma_start3A_398] : memref<32x64xf32, #tpu.memory_space<vmem>> -> memref<1x64xf32, #tpu.memory_space<vmem>>
      %dma_start3A_400 = tpu.memref_squeeze %dma_start3A_399 : memref<1x64xf32, #tpu.memory_space<vmem>> -> memref<64xf32, #tpu.memory_space<vmem>>
      %dma_start3A_401 = arith.constant 0 : i32
      %dma_start3A_402 = tpu.memref_slice %arg6[%squeeze3A_390, %dma_start3A_401] : memref<1000000x64xf32, #tpu.memory_space<hbm>> -> memref<1x64xf32, #tpu.memory_space<hbm>>
      %dma_start3A_403 = tpu.memref_squeeze %dma_start3A_402 : memref<1x64xf32, #tpu.memory_space<hbm>> -> memref<64xf32, #tpu.memory_space<hbm>>
      tpu.enqueue_dma source(%dma_start3A_403 : memref<64xf32, #tpu.memory_space<hbm>>) target(%dma_start3A_400 : memref<64xf32, #tpu.memory_space<vmem>>) target_semaphore(%arg16 : memref<!tpu.dma_semaphore, #tpu.memory_space<semaphore_mem>>)
      %slice3A_404 = vector.extract_strided_slice %get3A_14 {offsets = [13], sizes = [1], strides = [1]} : vector<16xi32> to vector<1xi32>
      %squeeze3A_405 = vector.extract %slice3A_404[0] : i32 from vector<1xi32>
      %dma_start3A_406 = arith.constant 13 : i32
      %dma_start3A_407 = arith.constant 0 : i32
      %dma_start3A_408 = tpu.memref_slice %arg11[%dma_start3A_406, %dma_start3A_407] : memref<32x64xf32, #tpu.memory_space<vmem>> -> memref<1x64xf32, #tpu.memory_space<vmem>>
      %dma_start3A_409 = tpu.memref_squeeze %dma_start3A_408 : memref<1x64xf32, #tpu.memory_space<vmem>> -> memref<64xf32, #tpu.memory_space<vmem>>
      %dma_start3A_410 = arith.constant 0 : i32
      %dma_start3A_411 = tpu.memref_slice %arg5[%squeeze3A_405, %dma_start3A_410] : memref<1000000x64xf32, #tpu.memory_space<hbm>> -> memref<1x64xf32, #tpu.memory_space<hbm>>
      %dma_start3A_412 = tpu.memref_squeeze %dma_start3A_411 : memref<1x64xf32, #tpu.memory_space<hbm>> -> memref<64xf32, #tpu.memory_space<hbm>>
      %dma_start3A_413 = arith.constant 0 : i32
      %dma_start3A_414 = tpu.memref_slice %arg11[%dma_start3A_406, %dma_start3A_413] : memref<32x64xf32, #tpu.memory_space<vmem>> -> memref<1x64xf32, #tpu.memory_space<vmem>>
      %dma_start3A_415 = tpu.memref_squeeze %dma_start3A_414 : memref<1x64xf32, #tpu.memory_space<vmem>> -> memref<64xf32, #tpu.memory_space<vmem>>
      %dma_start3A_416 = arith.constant 0 : i32
      %dma_start3A_417 = tpu.memref_slice %arg5[%squeeze3A_405, %dma_start3A_416] : memref<1000000x64xf32, #tpu.memory_space<hbm>> -> memref<1x64xf32, #tpu.memory_space<hbm>>
      %dma_start3A_418 = tpu.memref_squeeze %dma_start3A_417 : memref<1x64xf32, #tpu.memory_space<hbm>> -> memref<64xf32, #tpu.memory_space<hbm>>
      tpu.enqueue_dma source(%dma_start3A_418 : memref<64xf32, #tpu.memory_space<hbm>>) target(%dma_start3A_415 : memref<64xf32, #tpu.memory_space<vmem>>) target_semaphore(%arg15 : memref<!tpu.dma_semaphore, #tpu.memory_space<semaphore_mem>>)
      %slice3A_419 = vector.extract_strided_slice %get3A_16 {offsets = [13], sizes = [1], strides = [1]} : vector<16xi32> to vector<1xi32>
      %squeeze3A_420 = vector.extract %slice3A_419[0] : i32 from vector<1xi32>
      %dma_start3A_421 = arith.constant 13 : i32
      %dma_start3A_422 = arith.constant 0 : i32
      %dma_start3A_423 = tpu.memref_slice %arg12[%dma_start3A_421, %dma_start3A_422] : memref<32x64xf32, #tpu.memory_space<vmem>> -> memref<1x64xf32, #tpu.memory_space<vmem>>
      %dma_start3A_424 = tpu.memref_squeeze %dma_start3A_423 : memref<1x64xf32, #tpu.memory_space<vmem>> -> memref<64xf32, #tpu.memory_space<vmem>>
      %dma_start3A_425 = arith.constant 0 : i32
      %dma_start3A_426 = tpu.memref_slice %arg6[%squeeze3A_420, %dma_start3A_425] : memref<1000000x64xf32, #tpu.memory_space<hbm>> -> memref<1x64xf32, #tpu.memory_space<hbm>>
      %dma_start3A_427 = tpu.memref_squeeze %dma_start3A_426 : memref<1x64xf32, #tpu.memory_space<hbm>> -> memref<64xf32, #tpu.memory_space<hbm>>
      %dma_start3A_428 = arith.constant 0 : i32
      %dma_start3A_429 = tpu.memref_slice %arg12[%dma_start3A_421, %dma_start3A_428] : memref<32x64xf32, #tpu.memory_space<vmem>> -> memref<1x64xf32, #tpu.memory_space<vmem>>
      %dma_start3A_430 = tpu.memref_squeeze %dma_start3A_429 : memref<1x64xf32, #tpu.memory_space<vmem>> -> memref<64xf32, #tpu.memory_space<vmem>>
      %dma_start3A_431 = arith.constant 0 : i32
      %dma_start3A_432 = tpu.memref_slice %arg6[%squeeze3A_420, %dma_start3A_431] : memref<1000000x64xf32, #tpu.memory_space<hbm>> -> memref<1x64xf32, #tpu.memory_space<hbm>>
      %dma_start3A_433 = tpu.memref_squeeze %dma_start3A_432 : memref<1x64xf32, #tpu.memory_space<hbm>> -> memref<64xf32, #tpu.memory_space<hbm>>
      tpu.enqueue_dma source(%dma_start3A_433 : memref<64xf32, #tpu.memory_space<hbm>>) target(%dma_start3A_430 : memref<64xf32, #tpu.memory_space<vmem>>) target_semaphore(%arg16 : memref<!tpu.dma_semaphore, #tpu.memory_space<semaphore_mem>>)
      %slice3A_434 = vector.extract_strided_slice %get3A_14 {offsets = [14], sizes = [1], strides = [1]} : vector<16xi32> to vector<1xi32>
      %squeeze3A_435 = vector.extract %slice3A_434[0] : i32 from vector<1xi32>
      %dma_start3A_436 = arith.constant 14 : i32
      %dma_start3A_437 = arith.constant 0 : i32
      %dma_start3A_438 = tpu.memref_slice %arg11[%dma_start3A_436, %dma_start3A_437] : memref<32x64xf32, #tpu.memory_space<vmem>> -> memref<1x64xf32, #tpu.memory_space<vmem>>
      %dma_start3A_439 = tpu.memref_squeeze %dma_start3A_438 : memref<1x64xf32, #tpu.memory_space<vmem>> -> memref<64xf32, #tpu.memory_space<vmem>>
      %dma_start3A_440 = arith.constant 0 : i32
      %dma_start3A_441 = tpu.memref_slice %arg5[%squeeze3A_435, %dma_start3A_440] : memref<1000000x64xf32, #tpu.memory_space<hbm>> -> memref<1x64xf32, #tpu.memory_space<hbm>>
      %dma_start3A_442 = tpu.memref_squeeze %dma_start3A_441 : memref<1x64xf32, #tpu.memory_space<hbm>> -> memref<64xf32, #tpu.memory_space<hbm>>
      %dma_start3A_443 = arith.constant 0 : i32
      %dma_start3A_444 = tpu.memref_slice %arg11[%dma_start3A_436, %dma_start3A_443] : memref<32x64xf32, #tpu.memory_space<vmem>> -> memref<1x64xf32, #tpu.memory_space<vmem>>
      %dma_start3A_445 = tpu.memref_squeeze %dma_start3A_444 : memref<1x64xf32, #tpu.memory_space<vmem>> -> memref<64xf32, #tpu.memory_space<vmem>>
      %dma_start3A_446 = arith.constant 0 : i32
      %dma_start3A_447 = tpu.memref_slice %arg5[%squeeze3A_435, %dma_start3A_446] : memref<1000000x64xf32, #tpu.memory_space<hbm>> -> memref<1x64xf32, #tpu.memory_space<hbm>>
      %dma_start3A_448 = tpu.memref_squeeze %dma_start3A_447 : memref<1x64xf32, #tpu.memory_space<hbm>> -> memref<64xf32, #tpu.memory_space<hbm>>
      tpu.enqueue_dma source(%dma_start3A_448 : memref<64xf32, #tpu.memory_space<hbm>>) target(%dma_start3A_445 : memref<64xf32, #tpu.memory_space<vmem>>) target_semaphore(%arg15 : memref<!tpu.dma_semaphore, #tpu.memory_space<semaphore_mem>>)
      %slice3A_449 = vector.extract_strided_slice %get3A_16 {offsets = [14], sizes = [1], strides = [1]} : vector<16xi32> to vector<1xi32>
      %squeeze3A_450 = vector.extract %slice3A_449[0] : i32 from vector<1xi32>
      %dma_start3A_451 = arith.constant 14 : i32
      %dma_start3A_452 = arith.constant 0 : i32
      %dma_start3A_453 = tpu.memref_slice %arg12[%dma_start3A_451, %dma_start3A_452] : memref<32x64xf32, #tpu.memory_space<vmem>> -> memref<1x64xf32, #tpu.memory_space<vmem>>
      %dma_start3A_454 = tpu.memref_squeeze %dma_start3A_453 : memref<1x64xf32, #tpu.memory_space<vmem>> -> memref<64xf32, #tpu.memory_space<vmem>>
      %dma_start3A_455 = arith.constant 0 : i32
      %dma_start3A_456 = tpu.memref_slice %arg6[%squeeze3A_450, %dma_start3A_455] : memref<1000000x64xf32, #tpu.memory_space<hbm>> -> memref<1x64xf32, #tpu.memory_space<hbm>>
      %dma_start3A_457 = tpu.memref_squeeze %dma_start3A_456 : memref<1x64xf32, #tpu.memory_space<hbm>> -> memref<64xf32, #tpu.memory_space<hbm>>
      %dma_start3A_458 = arith.constant 0 : i32
      %dma_start3A_459 = tpu.memref_slice %arg12[%dma_start3A_451, %dma_start3A_458] : memref<32x64xf32, #tpu.memory_space<vmem>> -> memref<1x64xf32, #tpu.memory_space<vmem>>
      %dma_start3A_460 = tpu.memref_squeeze %dma_start3A_459 : memref<1x64xf32, #tpu.memory_space<vmem>> -> memref<64xf32, #tpu.memory_space<vmem>>
      %dma_start3A_461 = arith.constant 0 : i32
      %dma_start3A_462 = tpu.memref_slice %arg6[%squeeze3A_450, %dma_start3A_461] : memref<1000000x64xf32, #tpu.memory_space<hbm>> -> memref<1x64xf32, #tpu.memory_space<hbm>>
      %dma_start3A_463 = tpu.memref_squeeze %dma_start3A_462 : memref<1x64xf32, #tpu.memory_space<hbm>> -> memref<64xf32, #tpu.memory_space<hbm>>
      tpu.enqueue_dma source(%dma_start3A_463 : memref<64xf32, #tpu.memory_space<hbm>>) target(%dma_start3A_460 : memref<64xf32, #tpu.memory_space<vmem>>) target_semaphore(%arg16 : memref<!tpu.dma_semaphore, #tpu.memory_space<semaphore_mem>>)
      %slice3A_464 = vector.extract_strided_slice %get3A_14 {offsets = [15], sizes = [1], strides = [1]} : vector<16xi32> to vector<1xi32>
      %squeeze3A_465 = vector.extract %slice3A_464[0] : i32 from vector<1xi32>
      %dma_start3A_466 = arith.constant 15 : i32
      %dma_start3A_467 = arith.constant 0 : i32
      %dma_start3A_468 = tpu.memref_slice %arg11[%dma_start3A_466, %dma_start3A_467] : memref<32x64xf32, #tpu.memory_space<vmem>> -> memref<1x64xf32, #tpu.memory_space<vmem>>
      %dma_start3A_469 = tpu.memref_squeeze %dma_start3A_468 : memref<1x64xf32, #tpu.memory_space<vmem>> -> memref<64xf32, #tpu.memory_space<vmem>>
      %dma_start3A_470 = arith.constant 0 : i32
      %dma_start3A_471 = tpu.memref_slice %arg5[%squeeze3A_465, %dma_start3A_470] : memref<1000000x64xf32, #tpu.memory_space<hbm>> -> memref<1x64xf32, #tpu.memory_space<hbm>>
      %dma_start3A_472 = tpu.memref_squeeze %dma_start3A_471 : memref<1x64xf32, #tpu.memory_space<hbm>> -> memref<64xf32, #tpu.memory_space<hbm>>
      %dma_start3A_473 = arith.constant 0 : i32
      %dma_start3A_474 = tpu.memref_slice %arg11[%dma_start3A_466, %dma_start3A_473] : memref<32x64xf32, #tpu.memory_space<vmem>> -> memref<1x64xf32, #tpu.memory_space<vmem>>
      %dma_start3A_475 = tpu.memref_squeeze %dma_start3A_474 : memref<1x64xf32, #tpu.memory_space<vmem>> -> memref<64xf32, #tpu.memory_space<vmem>>
      %dma_start3A_476 = arith.constant 0 : i32
      %dma_start3A_477 = tpu.memref_slice %arg5[%squeeze3A_465, %dma_start3A_476] : memref<1000000x64xf32, #tpu.memory_space<hbm>> -> memref<1x64xf32, #tpu.memory_space<hbm>>
      %dma_start3A_478 = tpu.memref_squeeze %dma_start3A_477 : memref<1x64xf32, #tpu.memory_space<hbm>> -> memref<64xf32, #tpu.memory_space<hbm>>
      tpu.enqueue_dma source(%dma_start3A_478 : memref<64xf32, #tpu.memory_space<hbm>>) target(%dma_start3A_475 : memref<64xf32, #tpu.memory_space<vmem>>) target_semaphore(%arg15 : memref<!tpu.dma_semaphore, #tpu.memory_space<semaphore_mem>>)
      %slice3A_479 = vector.extract_strided_slice %get3A_16 {offsets = [15], sizes = [1], strides = [1]} : vector<16xi32> to vector<1xi32>
      %squeeze3A_480 = vector.extract %slice3A_479[0] : i32 from vector<1xi32>
      %dma_start3A_481 = arith.constant 15 : i32
      %dma_start3A_482 = arith.constant 0 : i32
      %dma_start3A_483 = tpu.memref_slice %arg12[%dma_start3A_481, %dma_start3A_482] : memref<32x64xf32, #tpu.memory_space<vmem>> -> memref<1x64xf32, #tpu.memory_space<vmem>>
      %dma_start3A_484 = tpu.memref_squeeze %dma_start3A_483 : memref<1x64xf32, #tpu.memory_space<vmem>> -> memref<64xf32, #tpu.memory_space<vmem>>
      %dma_start3A_485 = arith.constant 0 : i32
      %dma_start3A_486 = tpu.memref_slice %arg6[%squeeze3A_480, %dma_start3A_485] : memref<1000000x64xf32, #tpu.memory_space<hbm>> -> memref<1x64xf32, #tpu.memory_space<hbm>>
      %dma_start3A_487 = tpu.memref_squeeze %dma_start3A_486 : memref<1x64xf32, #tpu.memory_space<hbm>> -> memref<64xf32, #tpu.memory_space<hbm>>
      %dma_start3A_488 = arith.constant 0 : i32
      %dma_start3A_489 = tpu.memref_slice %arg12[%dma_start3A_481, %dma_start3A_488] : memref<32x64xf32, #tpu.memory_space<vmem>> -> memref<1x64xf32, #tpu.memory_space<vmem>>
      %dma_start3A_490 = tpu.memref_squeeze %dma_start3A_489 : memref<1x64xf32, #tpu.memory_space<vmem>> -> memref<64xf32, #tpu.memory_space<vmem>>
      %dma_start3A_491 = arith.constant 0 : i32
      %dma_start3A_492 = tpu.memref_slice %arg6[%squeeze3A_480, %dma_start3A_491] : memref<1000000x64xf32, #tpu.memory_space<hbm>> -> memref<1x64xf32, #tpu.memory_space<hbm>>
      %dma_start3A_493 = tpu.memref_squeeze %dma_start3A_492 : memref<1x64xf32, #tpu.memory_space<hbm>> -> memref<64xf32, #tpu.memory_space<hbm>>
      tpu.enqueue_dma source(%dma_start3A_493 : memref<64xf32, #tpu.memory_space<hbm>>) target(%dma_start3A_490 : memref<64xf32, #tpu.memory_space<vmem>>) target_semaphore(%arg16 : memref<!tpu.dma_semaphore, #tpu.memory_space<semaphore_mem>>)
      %get3A_494 = arith.constant 16 : index
      %get3A_495 = tpu.vector_load %arg8[%get3A_494] {strides = array<i32>} : memref<32xi32, #tpu.memory_space<vmem>>, vector<16xi32>,
      %get3A_496 = arith.constant 16 : index
      %get3A_497 = tpu.vector_load %arg9[%get3A_496] {strides = array<i32>} : memref<32xi32, #tpu.memory_space<vmem>>, vector<16xi32>,
      %slice3A_498 = vector.extract_strided_slice %get3A_495 {offsets = [0], sizes = [1], strides = [1]} : vector<16xi32> to vector<1xi32>
      %squeeze3A_499 = vector.extract %slice3A_498[0] : i32 from vector<1xi32>
      %dma_start3A_500 = arith.constant 16 : i32
      %dma_start3A_501 = arith.constant 0 : i32
      %dma_start3A_502 = tpu.memref_slice %arg11[%dma_start3A_500, %dma_start3A_501] : memref<32x64xf32, #tpu.memory_space<vmem>> -> memref<1x64xf32, #tpu.memory_space<vmem>>
      %dma_start3A_503 = tpu.memref_squeeze %dma_start3A_502 : memref<1x64xf32, #tpu.memory_space<vmem>> -> memref<64xf32, #tpu.memory_space<vmem>>
      %dma_start3A_504 = arith.constant 0 : i32
      %dma_start3A_505 = tpu.memref_slice %arg5[%squeeze3A_499, %dma_start3A_504] : memref<1000000x64xf32, #tpu.memory_space<hbm>> -> memref<1x64xf32, #tpu.memory_space<hbm>>
      %dma_start3A_506 = tpu.memref_squeeze %dma_start3A_505 : memref<1x64xf32, #tpu.memory_space<hbm>> -> memref<64xf32, #tpu.memory_space<hbm>>
      %dma_start3A_507 = arith.constant 0 : i32
      %dma_start3A_508 = tpu.memref_slice %arg11[%dma_start3A_500, %dma_start3A_507] : memref<32x64xf32, #tpu.memory_space<vmem>> -> memref<1x64xf32, #tpu.memory_space<vmem>>
      %dma_start3A_509 = tpu.memref_squeeze %dma_start3A_508 : memref<1x64xf32, #tpu.memory_space<vmem>> -> memref<64xf32, #tpu.memory_space<vmem>>
      %dma_start3A_510 = arith.constant 0 : i32
      %dma_start3A_511 = tpu.memref_slice %arg5[%squeeze3A_499, %dma_start3A_510] : memref<1000000x64xf32, #tpu.memory_space<hbm>> -> memref<1x64xf32, #tpu.memory_space<hbm>>
      %dma_start3A_512 = tpu.memref_squeeze %dma_start3A_511 : memref<1x64xf32, #tpu.memory_space<hbm>> -> memref<64xf32, #tpu.memory_space<hbm>>
      tpu.enqueue_dma source(%dma_start3A_512 : memref<64xf32, #tpu.memory_space<hbm>>) target(%dma_start3A_509 : memref<64xf32, #tpu.memory_space<vmem>>) target_semaphore(%arg15 : memref<!tpu.dma_semaphore, #tpu.memory_space<semaphore_mem>>)
      %slice3A_513 = vector.extract_strided_slice %get3A_497 {offsets = [0], sizes = [1], strides = [1]} : vector<16xi32> to vector<1xi32>
      %squeeze3A_514 = vector.extract %slice3A_513[0] : i32 from vector<1xi32>
      %dma_start3A_515 = arith.constant 16 : i32
      %dma_start3A_516 = arith.constant 0 : i32
      %dma_start3A_517 = tpu.memref_slice %arg12[%dma_start3A_515, %dma_start3A_516] : memref<32x64xf32, #tpu.memory_space<vmem>> -> memref<1x64xf32, #tpu.memory_space<vmem>>
      %dma_start3A_518 = tpu.memref_squeeze %dma_start3A_517 : memref<1x64xf32, #tpu.memory_space<vmem>> -> memref<64xf32, #tpu.memory_space<vmem>>
      %dma_start3A_519 = arith.constant 0 : i32
      %dma_start3A_520 = tpu.memref_slice %arg6[%squeeze3A_514, %dma_start3A_519] : memref<1000000x64xf32, #tpu.memory_space<hbm>> -> memref<1x64xf32, #tpu.memory_space<hbm>>
      %dma_start3A_521 = tpu.memref_squeeze %dma_start3A_520 : memref<1x64xf32, #tpu.memory_space<hbm>> -> memref<64xf32, #tpu.memory_space<hbm>>
      %dma_start3A_522 = arith.constant 0 : i32
      %dma_start3A_523 = tpu.memref_slice %arg12[%dma_start3A_515, %dma_start3A_522] : memref<32x64xf32, #tpu.memory_space<vmem>> -> memref<1x64xf32, #tpu.memory_space<vmem>>
      %dma_start3A_524 = tpu.memref_squeeze %dma_start3A_523 : memref<1x64xf32, #tpu.memory_space<vmem>> -> memref<64xf32, #tpu.memory_space<vmem>>
      %dma_start3A_525 = arith.constant 0 : i32
      %dma_start3A_526 = tpu.memref_slice %arg6[%squeeze3A_514, %dma_start3A_525] : memref<1000000x64xf32, #tpu.memory_space<hbm>> -> memref<1x64xf32, #tpu.memory_space<hbm>>
      %dma_start3A_527 = tpu.memref_squeeze %dma_start3A_526 : memref<1x64xf32, #tpu.memory_space<hbm>> -> memref<64xf32, #tpu.memory_space<hbm>>
      tpu.enqueue_dma source(%dma_start3A_527 : memref<64xf32, #tpu.memory_space<hbm>>) target(%dma_start3A_524 : memref<64xf32, #tpu.memory_space<vmem>>) target_semaphore(%arg16 : memref<!tpu.dma_semaphore, #tpu.memory_space<semaphore_mem>>)
      %slice3A_528 = vector.extract_strided_slice %get3A_495 {offsets = [1], sizes = [1], strides = [1]} : vector<16xi32> to vector<1xi32>
      %squeeze3A_529 = vector.extract %slice3A_528[0] : i32 from vector<1xi32>
      %dma_start3A_530 = arith.constant 17 : i32
      %dma_start3A_531 = arith.constant 0 : i32
      %dma_start3A_532 = tpu.memref_slice %arg11[%dma_start3A_530, %dma_start3A_531] : memref<32x64xf32, #tpu.memory_space<vmem>> -> memref<1x64xf32, #tpu.memory_space<vmem>>
      %dma_start3A_533 = tpu.memref_squeeze %dma_start3A_532 : memref<1x64xf32, #tpu.memory_space<vmem>> -> memref<64xf32, #tpu.memory_space<vmem>>
      %dma_start3A_534 = arith.constant 0 : i32
      %dma_start3A_535 = tpu.memref_slice %arg5[%squeeze3A_529, %dma_start3A_534] : memref<1000000x64xf32, #tpu.memory_space<hbm>> -> memref<1x64xf32, #tpu.memory_space<hbm>>
      %dma_start3A_536 = tpu.memref_squeeze %dma_start3A_535 : memref<1x64xf32, #tpu.memory_space<hbm>> -> memref<64xf32, #tpu.memory_space<hbm>>
      %dma_start3A_537 = arith.constant 0 : i32
      %dma_start3A_538 = tpu.memref_slice %arg11[%dma_start3A_530, %dma_start3A_537] : memref<32x64xf32, #tpu.memory_space<vmem>> -> memref<1x64xf32, #tpu.memory_space<vmem>>
      %dma_start3A_539 = tpu.memref_squeeze %dma_start3A_538 : memref<1x64xf32, #tpu.memory_space<vmem>> -> memref<64xf32, #tpu.memory_space<vmem>>
      %dma_start3A_540 = arith.constant 0 : i32
      %dma_start3A_541 = tpu.memref_slice %arg5[%squeeze3A_529, %dma_start3A_540] : memref<1000000x64xf32, #tpu.memory_space<hbm>> -> memref<1x64xf32, #tpu.memory_space<hbm>>
      %dma_start3A_542 = tpu.memref_squeeze %dma_start3A_541 : memref<1x64xf32, #tpu.memory_space<hbm>> -> memref<64xf32, #tpu.memory_space<hbm>>
      tpu.enqueue_dma source(%dma_start3A_542 : memref<64xf32, #tpu.memory_space<hbm>>) target(%dma_start3A_539 : memref<64xf32, #tpu.memory_space<vmem>>) target_semaphore(%arg15 : memref<!tpu.dma_semaphore, #tpu.memory_space<semaphore_mem>>)
      %slice3A_543 = vector.extract_strided_slice %get3A_497 {offsets = [1], sizes = [1], strides = [1]} : vector<16xi32> to vector<1xi32>
      %squeeze3A_544 = vector.extract %slice3A_543[0] : i32 from vector<1xi32>
      %dma_start3A_545 = arith.constant 17 : i32
      %dma_start3A_546 = arith.constant 0 : i32
      %dma_start3A_547 = tpu.memref_slice %arg12[%dma_start3A_545, %dma_start3A_546] : memref<32x64xf32, #tpu.memory_space<vmem>> -> memref<1x64xf32, #tpu.memory_space<vmem>>
      %dma_start3A_548 = tpu.memref_squeeze %dma_start3A_547 : memref<1x64xf32, #tpu.memory_space<vmem>> -> memref<64xf32, #tpu.memory_space<vmem>>
      %dma_start3A_549 = arith.constant 0 : i32
      %dma_start3A_550 = tpu.memref_slice %arg6[%squeeze3A_544, %dma_start3A_549] : memref<1000000x64xf32, #tpu.memory_space<hbm>> -> memref<1x64xf32, #tpu.memory_space<hbm>>
      %dma_start3A_551 = tpu.memref_squeeze %dma_start3A_550 : memref<1x64xf32, #tpu.memory_space<hbm>> -> memref<64xf32, #tpu.memory_space<hbm>>
      %dma_start3A_552 = arith.constant 0 : i32
      %dma_start3A_553 = tpu.memref_slice %arg12[%dma_start3A_545, %dma_start3A_552] : memref<32x64xf32, #tpu.memory_space<vmem>> -> memref<1x64xf32, #tpu.memory_space<vmem>>
      %dma_start3A_554 = tpu.memref_squeeze %dma_start3A_553 : memref<1x64xf32, #tpu.memory_space<vmem>> -> memref<64xf32, #tpu.memory_space<vmem>>
      %dma_start3A_555 = arith.constant 0 : i32
      %dma_start3A_556 = tpu.memref_slice %arg6[%squeeze3A_544, %dma_start3A_555] : memref<1000000x64xf32, #tpu.memory_space<hbm>> -> memref<1x64xf32, #tpu.memory_space<hbm>>
      %dma_start3A_557 = tpu.memref_squeeze %dma_start3A_556 : memref<1x64xf32, #tpu.memory_space<hbm>> -> memref<64xf32, #tpu.memory_space<hbm>>
      tpu.enqueue_dma source(%dma_start3A_557 : memref<64xf32, #tpu.memory_space<hbm>>) target(%dma_start3A_554 : memref<64xf32, #tpu.memory_space<vmem>>) target_semaphore(%arg16 : memref<!tpu.dma_semaphore, #tpu.memory_space<semaphore_mem>>)
      %slice3A_558 = vector.extract_strided_slice %get3A_495 {offsets = [2], sizes = [1], strides = [1]} : vector<16xi32> to vector<1xi32>
      %squeeze3A_559 = vector.extract %slice3A_558[0] : i32 from vector<1xi32>
      %dma_start3A_560 = arith.constant 18 : i32
      %dma_start3A_561 = arith.constant 0 : i32
      %dma_start3A_562 = tpu.memref_slice %arg11[%dma_start3A_560, %dma_start3A_561] : memref<32x64xf32, #tpu.memory_space<vmem>> -> memref<1x64xf32, #tpu.memory_space<vmem>>
      %dma_start3A_563 = tpu.memref_squeeze %dma_start3A_562 : memref<1x64xf32, #tpu.memory_space<vmem>> -> memref<64xf32, #tpu.memory_space<vmem>>
      %dma_start3A_564 = arith.constant 0 : i32
      %dma_start3A_565 = tpu.memref_slice %arg5[%squeeze3A_559, %dma_start3A_564] : memref<1000000x64xf32, #tpu.memory_space<hbm>> -> memref<1x64xf32, #tpu.memory_space<hbm>>
      %dma_start3A_566 = tpu.memref_squeeze %dma_start3A_565 : memref<1x64xf32, #tpu.memory_space<hbm>> -> memref<64xf32, #tpu.memory_space<hbm>>
      %dma_start3A_567 = arith.constant 0 : i32
      %dma_start3A_568 = tpu.memref_slice %arg11[%dma_start3A_560, %dma_start3A_567] : memref<32x64xf32, #tpu.memory_space<vmem>> -> memref<1x64xf32, #tpu.memory_space<vmem>>
      %dma_start3A_569 = tpu.memref_squeeze %dma_start3A_568 : memref<1x64xf32, #tpu.memory_space<vmem>> -> memref<64xf32, #tpu.memory_space<vmem>>
      %dma_start3A_570 = arith.constant 0 : i32
      %dma_start3A_571 = tpu.memref_slice %arg5[%squeeze3A_559, %dma_start3A_570] : memref<1000000x64xf32, #tpu.memory_space<hbm>> -> memref<1x64xf32, #tpu.memory_space<hbm>>
      %dma_start3A_572 = tpu.memref_squeeze %dma_start3A_571 : memref<1x64xf32, #tpu.memory_space<hbm>> -> memref<64xf32, #tpu.memory_space<hbm>>
      tpu.enqueue_dma source(%dma_start3A_572 : memref<64xf32, #tpu.memory_space<hbm>>) target(%dma_start3A_569 : memref<64xf32, #tpu.memory_space<vmem>>) target_semaphore(%arg15 : memref<!tpu.dma_semaphore, #tpu.memory_space<semaphore_mem>>)
      %slice3A_573 = vector.extract_strided_slice %get3A_497 {offsets = [2], sizes = [1], strides = [1]} : vector<16xi32> to vector<1xi32>
      %squeeze3A_574 = vector.extract %slice3A_573[0] : i32 from vector<1xi32>
      %dma_start3A_575 = arith.constant 18 : i32
      %dma_start3A_576 = arith.constant 0 : i32
      %dma_start3A_577 = tpu.memref_slice %arg12[%dma_start3A_575, %dma_start3A_576] : memref<32x64xf32, #tpu.memory_space<vmem>> -> memref<1x64xf32, #tpu.memory_space<vmem>>
      %dma_start3A_578 = tpu.memref_squeeze %dma_start3A_577 : memref<1x64xf32, #tpu.memory_space<vmem>> -> memref<64xf32, #tpu.memory_space<vmem>>
      %dma_start3A_579 = arith.constant 0 : i32
      %dma_start3A_580 = tpu.memref_slice %arg6[%squeeze3A_574, %dma_start3A_579] : memref<1000000x64xf32, #tpu.memory_space<hbm>> -> memref<1x64xf32, #tpu.memory_space<hbm>>
      %dma_start3A_581 = tpu.memref_squeeze %dma_start3A_580 : memref<1x64xf32, #tpu.memory_space<hbm>> -> memref<64xf32, #tpu.memory_space<hbm>>
      %dma_start3A_582 = arith.constant 0 : i32
      %dma_start3A_583 = tpu.memref_slice %arg12[%dma_start3A_575, %dma_start3A_582] : memref<32x64xf32, #tpu.memory_space<vmem>> -> memref<1x64xf32, #tpu.memory_space<vmem>>
      %dma_start3A_584 = tpu.memref_squeeze %dma_start3A_583 : memref<1x64xf32, #tpu.memory_space<vmem>> -> memref<64xf32, #tpu.memory_space<vmem>>
      %dma_start3A_585 = arith.constant 0 : i32
      %dma_start3A_586 = tpu.memref_slice %arg6[%squeeze3A_574, %dma_start3A_585] : memref<1000000x64xf32, #tpu.memory_space<hbm>> -> memref<1x64xf32, #tpu.memory_space<hbm>>
      %dma_start3A_587 = tpu.memref_squeeze %dma_start3A_586 : memref<1x64xf32, #tpu.memory_space<hbm>> -> memref<64xf32, #tpu.memory_space<hbm>>
      tpu.enqueue_dma source(%dma_start3A_587 : memref<64xf32, #tpu.memory_space<hbm>>) target(%dma_start3A_584 : memref<64xf32, #tpu.memory_space<vmem>>) target_semaphore(%arg16 : memref<!tpu.dma_semaphore, #tpu.memory_space<semaphore_mem>>)
      %slice3A_588 = vector.extract_strided_slice %get3A_495 {offsets = [3], sizes = [1], strides = [1]} : vector<16xi32> to vector<1xi32>
      %squeeze3A_589 = vector.extract %slice3A_588[0] : i32 from vector<1xi32>
      %dma_start3A_590 = arith.constant 19 : i32
      %dma_start3A_591 = arith.constant 0 : i32
      %dma_start3A_592 = tpu.memref_slice %arg11[%dma_start3A_590, %dma_start3A_591] : memref<32x64xf32, #tpu.memory_space<vmem>> -> memref<1x64xf32, #tpu.memory_space<vmem>>
      %dma_start3A_593 = tpu.memref_squeeze %dma_start3A_592 : memref<1x64xf32, #tpu.memory_space<vmem>> -> memref<64xf32, #tpu.memory_space<vmem>>
      %dma_start3A_594 = arith.constant 0 : i32
      %dma_start3A_595 = tpu.memref_slice %arg5[%squeeze3A_589, %dma_start3A_594] : memref<1000000x64xf32, #tpu.memory_space<hbm>> -> memref<1x64xf32, #tpu.memory_space<hbm>>
      %dma_start3A_596 = tpu.memref_squeeze %dma_start3A_595 : memref<1x64xf32, #tpu.memory_space<hbm>> -> memref<64xf32, #tpu.memory_space<hbm>>
      %dma_start3A_597 = arith.constant 0 : i32
      %dma_start3A_598 = tpu.memref_slice %arg11[%dma_start3A_590, %dma_start3A_597] : memref<32x64xf32, #tpu.memory_space<vmem>> -> memref<1x64xf32, #tpu.memory_space<vmem>>
      %dma_start3A_599 = tpu.memref_squeeze %dma_start3A_598 : memref<1x64xf32, #tpu.memory_space<vmem>> -> memref<64xf32, #tpu.memory_space<vmem>>
      %dma_start3A_600 = arith.constant 0 : i32
      %dma_start3A_601 = tpu.memref_slice %arg5[%squeeze3A_589, %dma_start3A_600] : memref<1000000x64xf32, #tpu.memory_space<hbm>> -> memref<1x64xf32, #tpu.memory_space<hbm>>
      %dma_start3A_602 = tpu.memref_squeeze %dma_start3A_601 : memref<1x64xf32, #tpu.memory_space<hbm>> -> memref<64xf32, #tpu.memory_space<hbm>>
      tpu.enqueue_dma source(%dma_start3A_602 : memref<64xf32, #tpu.memory_space<hbm>>) target(%dma_start3A_599 : memref<64xf32, #tpu.memory_space<vmem>>) target_semaphore(%arg15 : memref<!tpu.dma_semaphore, #tpu.memory_space<semaphore_mem>>)
      %slice3A_603 = vector.extract_strided_slice %get3A_497 {offsets = [3], sizes = [1], strides = [1]} : vector<16xi32> to vector<1xi32>
      %squeeze3A_604 = vector.extract %slice3A_603[0] : i32 from vector<1xi32>
      %dma_start3A_605 = arith.constant 19 : i32
      %dma_start3A_606 = arith.constant 0 : i32
      %dma_start3A_607 = tpu.memref_slice %arg12[%dma_start3A_605, %dma_start3A_606] : memref<32x64xf32, #tpu.memory_space<vmem>> -> memref<1x64xf32, #tpu.memory_space<vmem>>
      %dma_start3A_608 = tpu.memref_squeeze %dma_start3A_607 : memref<1x64xf32, #tpu.memory_space<vmem>> -> memref<64xf32, #tpu.memory_space<vmem>>
      %dma_start3A_609 = arith.constant 0 : i32
      %dma_start3A_610 = tpu.memref_slice %arg6[%squeeze3A_604, %dma_start3A_609] : memref<1000000x64xf32, #tpu.memory_space<hbm>> -> memref<1x64xf32, #tpu.memory_space<hbm>>
      %dma_start3A_611 = tpu.memref_squeeze %dma_start3A_610 : memref<1x64xf32, #tpu.memory_space<hbm>> -> memref<64xf32, #tpu.memory_space<hbm>>
      %dma_start3A_612 = arith.constant 0 : i32
      %dma_start3A_613 = tpu.memref_slice %arg12[%dma_start3A_605, %dma_start3A_612] : memref<32x64xf32, #tpu.memory_space<vmem>> -> memref<1x64xf32, #tpu.memory_space<vmem>>
      %dma_start3A_614 = tpu.memref_squeeze %dma_start3A_613 : memref<1x64xf32, #tpu.memory_space<vmem>> -> memref<64xf32, #tpu.memory_space<vmem>>
      %dma_start3A_615 = arith.constant 0 : i32
      %dma_start3A_616 = tpu.memref_slice %arg6[%squeeze3A_604, %dma_start3A_615] : memref<1000000x64xf32, #tpu.memory_space<hbm>> -> memref<1x64xf32, #tpu.memory_space<hbm>>
      %dma_start3A_617 = tpu.memref_squeeze %dma_start3A_616 : memref<1x64xf32, #tpu.memory_space<hbm>> -> memref<64xf32, #tpu.memory_space<hbm>>
      tpu.enqueue_dma source(%dma_start3A_617 : memref<64xf32, #tpu.memory_space<hbm>>) target(%dma_start3A_614 : memref<64xf32, #tpu.memory_space<vmem>>) target_semaphore(%arg16 : memref<!tpu.dma_semaphore, #tpu.memory_space<semaphore_mem>>)
      %slice3A_618 = vector.extract_strided_slice %get3A_495 {offsets = [4], sizes = [1], strides = [1]} : vector<16xi32> to vector<1xi32>
      %squeeze3A_619 = vector.extract %slice3A_618[0] : i32 from vector<1xi32>
      %dma_start3A_620 = arith.constant 20 : i32
      %dma_start3A_621 = arith.constant 0 : i32
      %dma_start3A_622 = tpu.memref_slice %arg11[%dma_start3A_620, %dma_start3A_621] : memref<32x64xf32, #tpu.memory_space<vmem>> -> memref<1x64xf32, #tpu.memory_space<vmem>>
      %dma_start3A_623 = tpu.memref_squeeze %dma_start3A_622 : memref<1x64xf32, #tpu.memory_space<vmem>> -> memref<64xf32, #tpu.memory_space<vmem>>
      %dma_start3A_624 = arith.constant 0 : i32
      %dma_start3A_625 = tpu.memref_slice %arg5[%squeeze3A_619, %dma_start3A_624] : memref<1000000x64xf32, #tpu.memory_space<hbm>> -> memref<1x64xf32, #tpu.memory_space<hbm>>
      %dma_start3A_626 = tpu.memref_squeeze %dma_start3A_625 : memref<1x64xf32, #tpu.memory_space<hbm>> -> memref<64xf32, #tpu.memory_space<hbm>>
      %dma_start3A_627 = arith.constant 0 : i32
      %dma_start3A_628 = tpu.memref_slice %arg11[%dma_start3A_620, %dma_start3A_627] : memref<32x64xf32, #tpu.memory_space<vmem>> -> memref<1x64xf32, #tpu.memory_space<vmem>>
      %dma_start3A_629 = tpu.memref_squeeze %dma_start3A_628 : memref<1x64xf32, #tpu.memory_space<vmem>> -> memref<64xf32, #tpu.memory_space<vmem>>
      %dma_start3A_630 = arith.constant 0 : i32
      %dma_start3A_631 = tpu.memref_slice %arg5[%squeeze3A_619, %dma_start3A_630] : memref<1000000x64xf32, #tpu.memory_space<hbm>> -> memref<1x64xf32, #tpu.memory_space<hbm>>
      %dma_start3A_632 = tpu.memref_squeeze %dma_start3A_631 : memref<1x64xf32, #tpu.memory_space<hbm>> -> memref<64xf32, #tpu.memory_space<hbm>>
      tpu.enqueue_dma source(%dma_start3A_632 : memref<64xf32, #tpu.memory_space<hbm>>) target(%dma_start3A_629 : memref<64xf32, #tpu.memory_space<vmem>>) target_semaphore(%arg15 : memref<!tpu.dma_semaphore, #tpu.memory_space<semaphore_mem>>)
      %slice3A_633 = vector.extract_strided_slice %get3A_497 {offsets = [4], sizes = [1], strides = [1]} : vector<16xi32> to vector<1xi32>
      %squeeze3A_634 = vector.extract %slice3A_633[0] : i32 from vector<1xi32>
      %dma_start3A_635 = arith.constant 20 : i32
      %dma_start3A_636 = arith.constant 0 : i32
      %dma_start3A_637 = tpu.memref_slice %arg12[%dma_start3A_635, %dma_start3A_636] : memref<32x64xf32, #tpu.memory_space<vmem>> -> memref<1x64xf32, #tpu.memory_space<vmem>>
      %dma_start3A_638 = tpu.memref_squeeze %dma_start3A_637 : memref<1x64xf32, #tpu.memory_space<vmem>> -> memref<64xf32, #tpu.memory_space<vmem>>
      %dma_start3A_639 = arith.constant 0 : i32
      %dma_start3A_640 = tpu.memref_slice %arg6[%squeeze3A_634, %dma_start3A_639] : memref<1000000x64xf32, #tpu.memory_space<hbm>> -> memref<1x64xf32, #tpu.memory_space<hbm>>
      %dma_start3A_641 = tpu.memref_squeeze %dma_start3A_640 : memref<1x64xf32, #tpu.memory_space<hbm>> -> memref<64xf32, #tpu.memory_space<hbm>>
      %dma_start3A_642 = arith.constant 0 : i32
      %dma_start3A_643 = tpu.memref_slice %arg12[%dma_start3A_635, %dma_start3A_642] : memref<32x64xf32, #tpu.memory_space<vmem>> -> memref<1x64xf32, #tpu.memory_space<vmem>>
      %dma_start3A_644 = tpu.memref_squeeze %dma_start3A_643 : memref<1x64xf32, #tpu.memory_space<vmem>> -> memref<64xf32, #tpu.memory_space<vmem>>
      %dma_start3A_645 = arith.constant 0 : i32
      %dma_start3A_646 = tpu.memref_slice %arg6[%squeeze3A_634, %dma_start3A_645] : memref<1000000x64xf32, #tpu.memory_space<hbm>> -> memref<1x64xf32, #tpu.memory_space<hbm>>
      %dma_start3A_647 = tpu.memref_squeeze %dma_start3A_646 : memref<1x64xf32, #tpu.memory_space<hbm>> -> memref<64xf32, #tpu.memory_space<hbm>>
      tpu.enqueue_dma source(%dma_start3A_647 : memref<64xf32, #tpu.memory_space<hbm>>) target(%dma_start3A_644 : memref<64xf32, #tpu.memory_space<vmem>>) target_semaphore(%arg16 : memref<!tpu.dma_semaphore, #tpu.memory_space<semaphore_mem>>)
      %slice3A_648 = vector.extract_strided_slice %get3A_495 {offsets = [5], sizes = [1], strides = [1]} : vector<16xi32> to vector<1xi32>
      %squeeze3A_649 = vector.extract %slice3A_648[0] : i32 from vector<1xi32>
      %dma_start3A_650 = arith.constant 21 : i32
      %dma_start3A_651 = arith.constant 0 : i32
      %dma_start3A_652 = tpu.memref_slice %arg11[%dma_start3A_650, %dma_start3A_651] : memref<32x64xf32, #tpu.memory_space<vmem>> -> memref<1x64xf32, #tpu.memory_space<vmem>>
      %dma_start3A_653 = tpu.memref_squeeze %dma_start3A_652 : memref<1x64xf32, #tpu.memory_space<vmem>> -> memref<64xf32, #tpu.memory_space<vmem>>
      %dma_start3A_654 = arith.constant 0 : i32
      %dma_start3A_655 = tpu.memref_slice %arg5[%squeeze3A_649, %dma_start3A_654] : memref<1000000x64xf32, #tpu.memory_space<hbm>> -> memref<1x64xf32, #tpu.memory_space<hbm>>
      %dma_start3A_656 = tpu.memref_squeeze %dma_start3A_655 : memref<1x64xf32, #tpu.memory_space<hbm>> -> memref<64xf32, #tpu.memory_space<hbm>>
      %dma_start3A_657 = arith.constant 0 : i32
      %dma_start3A_658 = tpu.memref_slice %arg11[%dma_start3A_650, %dma_start3A_657] : memref<32x64xf32, #tpu.memory_space<vmem>> -> memref<1x64xf32, #tpu.memory_space<vmem>>
      %dma_start3A_659 = tpu.memref_squeeze %dma_start3A_658 : memref<1x64xf32, #tpu.memory_space<vmem>> -> memref<64xf32, #tpu.memory_space<vmem>>
      %dma_start3A_660 = arith.constant 0 : i32
      %dma_start3A_661 = tpu.memref_slice %arg5[%squeeze3A_649, %dma_start3A_660] : memref<1000000x64xf32, #tpu.memory_space<hbm>> -> memref<1x64xf32, #tpu.memory_space<hbm>>
      %dma_start3A_662 = tpu.memref_squeeze %dma_start3A_661 : memref<1x64xf32, #tpu.memory_space<hbm>> -> memref<64xf32, #tpu.memory_space<hbm>>
      tpu.enqueue_dma source(%dma_start3A_662 : memref<64xf32, #tpu.memory_space<hbm>>) target(%dma_start3A_659 : memref<64xf32, #tpu.memory_space<vmem>>) target_semaphore(%arg15 : memref<!tpu.dma_semaphore, #tpu.memory_space<semaphore_mem>>)
      %slice3A_663 = vector.extract_strided_slice %get3A_497 {offsets = [5], sizes = [1], strides = [1]} : vector<16xi32> to vector<1xi32>
      %squeeze3A_664 = vector.extract %slice3A_663[0] : i32 from vector<1xi32>
      %dma_start3A_665 = arith.constant 21 : i32
      %dma_start3A_666 = arith.constant 0 : i32
      %dma_start3A_667 = tpu.memref_slice %arg12[%dma_start3A_665, %dma_start3A_666] : memref<32x64xf32, #tpu.memory_space<vmem>> -> memref<1x64xf32, #tpu.memory_space<vmem>>
      %dma_start3A_668 = tpu.memref_squeeze %dma_start3A_667 : memref<1x64xf32, #tpu.memory_space<vmem>> -> memref<64xf32, #tpu.memory_space<vmem>>
      %dma_start3A_669 = arith.constant 0 : i32
      %dma_start3A_670 = tpu.memref_slice %arg6[%squeeze3A_664, %dma_start3A_669] : memref<1000000x64xf32, #tpu.memory_space<hbm>> -> memref<1x64xf32, #tpu.memory_space<hbm>>
      %dma_start3A_671 = tpu.memref_squeeze %dma_start3A_670 : memref<1x64xf32, #tpu.memory_space<hbm>> -> memref<64xf32, #tpu.memory_space<hbm>>
      %dma_start3A_672 = arith.constant 0 : i32
      %dma_start3A_673 = tpu.memref_slice %arg12[%dma_start3A_665, %dma_start3A_672] : memref<32x64xf32, #tpu.memory_space<vmem>> -> memref<1x64xf32, #tpu.memory_space<vmem>>
      %dma_start3A_674 = tpu.memref_squeeze %dma_start3A_673 : memref<1x64xf32, #tpu.memory_space<vmem>> -> memref<64xf32, #tpu.memory_space<vmem>>
      %dma_start3A_675 = arith.constant 0 : i32
      %dma_start3A_676 = tpu.memref_slice %arg6[%squeeze3A_664, %dma_start3A_675] : memref<1000000x64xf32, #tpu.memory_space<hbm>> -> memref<1x64xf32, #tpu.memory_space<hbm>>
      %dma_start3A_677 = tpu.memref_squeeze %dma_start3A_676 : memref<1x64xf32, #tpu.memory_space<hbm>> -> memref<64xf32, #tpu.memory_space<hbm>>
      tpu.enqueue_dma source(%dma_start3A_677 : memref<64xf32, #tpu.memory_space<hbm>>) target(%dma_start3A_674 : memref<64xf32, #tpu.memory_space<vmem>>) target_semaphore(%arg16 : memref<!tpu.dma_semaphore, #tpu.memory_space<semaphore_mem>>)
      %slice3A_678 = vector.extract_strided_slice %get3A_495 {offsets = [6], sizes = [1], strides = [1]} : vector<16xi32> to vector<1xi32>
      %squeeze3A_679 = vector.extract %slice3A_678[0] : i32 from vector<1xi32>
      %dma_start3A_680 = arith.constant 22 : i32
      %dma_start3A_681 = arith.constant 0 : i32
      %dma_start3A_682 = tpu.memref_slice %arg11[%dma_start3A_680, %dma_start3A_681] : memref<32x64xf32, #tpu.memory_space<vmem>> -> memref<1x64xf32, #tpu.memory_space<vmem>>
      %dma_start3A_683 = tpu.memref_squeeze %dma_start3A_682 : memref<1x64xf32, #tpu.memory_space<vmem>> -> memref<64xf32, #tpu.memory_space<vmem>>
      %dma_start3A_684 = arith.constant 0 : i32
      %dma_start3A_685 = tpu.memref_slice %arg5[%squeeze3A_679, %dma_start3A_684] : memref<1000000x64xf32, #tpu.memory_space<hbm>> -> memref<1x64xf32, #tpu.memory_space<hbm>>
      %dma_start3A_686 = tpu.memref_squeeze %dma_start3A_685 : memref<1x64xf32, #tpu.memory_space<hbm>> -> memref<64xf32, #tpu.memory_space<hbm>>
      %dma_start3A_687 = arith.constant 0 : i32
      %dma_start3A_688 = tpu.memref_slice %arg11[%dma_start3A_680, %dma_start3A_687] : memref<32x64xf32, #tpu.memory_space<vmem>> -> memref<1x64xf32, #tpu.memory_space<vmem>>
      %dma_start3A_689 = tpu.memref_squeeze %dma_start3A_688 : memref<1x64xf32, #tpu.memory_space<vmem>> -> memref<64xf32, #tpu.memory_space<vmem>>
      %dma_start3A_690 = arith.constant 0 : i32
      %dma_start3A_691 = tpu.memref_slice %arg5[%squeeze3A_679, %dma_start3A_690] : memref<1000000x64xf32, #tpu.memory_space<hbm>> -> memref<1x64xf32, #tpu.memory_space<hbm>>
      %dma_start3A_692 = tpu.memref_squeeze %dma_start3A_691 : memref<1x64xf32, #tpu.memory_space<hbm>> -> memref<64xf32, #tpu.memory_space<hbm>>
      tpu.enqueue_dma source(%dma_start3A_692 : memref<64xf32, #tpu.memory_space<hbm>>) target(%dma_start3A_689 : memref<64xf32, #tpu.memory_space<vmem>>) target_semaphore(%arg15 : memref<!tpu.dma_semaphore, #tpu.memory_space<semaphore_mem>>)
      %slice3A_693 = vector.extract_strided_slice %get3A_497 {offsets = [6], sizes = [1], strides = [1]} : vector<16xi32> to vector<1xi32>
      %squeeze3A_694 = vector.extract %slice3A_693[0] : i32 from vector<1xi32>
      %dma_start3A_695 = arith.constant 22 : i32
      %dma_start3A_696 = arith.constant 0 : i32
      %dma_start3A_697 = tpu.memref_slice %arg12[%dma_start3A_695, %dma_start3A_696] : memref<32x64xf32, #tpu.memory_space<vmem>> -> memref<1x64xf32, #tpu.memory_space<vmem>>
      %dma_start3A_698 = tpu.memref_squeeze %dma_start3A_697 : memref<1x64xf32, #tpu.memory_space<vmem>> -> memref<64xf32, #tpu.memory_space<vmem>>
      %dma_start3A_699 = arith.constant 0 : i32
      %dma_start3A_700 = tpu.memref_slice %arg6[%squeeze3A_694, %dma_start3A_699] : memref<1000000x64xf32, #tpu.memory_space<hbm>> -> memref<1x64xf32, #tpu.memory_space<hbm>>
      %dma_start3A_701 = tpu.memref_squeeze %dma_start3A_700 : memref<1x64xf32, #tpu.memory_space<hbm>> -> memref<64xf32, #tpu.memory_space<hbm>>
      %dma_start3A_702 = arith.constant 0 : i32
      %dma_start3A_703 = tpu.memref_slice %arg12[%dma_start3A_695, %dma_start3A_702] : memref<32x64xf32, #tpu.memory_space<vmem>> -> memref<1x64xf32, #tpu.memory_space<vmem>>
      %dma_start3A_704 = tpu.memref_squeeze %dma_start3A_703 : memref<1x64xf32, #tpu.memory_space<vmem>> -> memref<64xf32, #tpu.memory_space<vmem>>
      %dma_start3A_705 = arith.constant 0 : i32
      %dma_start3A_706 = tpu.memref_slice %arg6[%squeeze3A_694, %dma_start3A_705] : memref<1000000x64xf32, #tpu.memory_space<hbm>> -> memref<1x64xf32, #tpu.memory_space<hbm>>
      %dma_start3A_707 = tpu.memref_squeeze %dma_start3A_706 : memref<1x64xf32, #tpu.memory_space<hbm>> -> memref<64xf32, #tpu.memory_space<hbm>>
      tpu.enqueue_dma source(%dma_start3A_707 : memref<64xf32, #tpu.memory_space<hbm>>) target(%dma_start3A_704 : memref<64xf32, #tpu.memory_space<vmem>>) target_semaphore(%arg16 : memref<!tpu.dma_semaphore, #tpu.memory_space<semaphore_mem>>)
      %slice3A_708 = vector.extract_strided_slice %get3A_495 {offsets = [7], sizes = [1], strides = [1]} : vector<16xi32> to vector<1xi32>
      %squeeze3A_709 = vector.extract %slice3A_708[0] : i32 from vector<1xi32>
      %dma_start3A_710 = arith.constant 23 : i32
      %dma_start3A_711 = arith.constant 0 : i32
      %dma_start3A_712 = tpu.memref_slice %arg11[%dma_start3A_710, %dma_start3A_711] : memref<32x64xf32, #tpu.memory_space<vmem>> -> memref<1x64xf32, #tpu.memory_space<vmem>>
      %dma_start3A_713 = tpu.memref_squeeze %dma_start3A_712 : memref<1x64xf32, #tpu.memory_space<vmem>> -> memref<64xf32, #tpu.memory_space<vmem>>
      %dma_start3A_714 = arith.constant 0 : i32
      %dma_start3A_715 = tpu.memref_slice %arg5[%squeeze3A_709, %dma_start3A_714] : memref<1000000x64xf32, #tpu.memory_space<hbm>> -> memref<1x64xf32, #tpu.memory_space<hbm>>
      %dma_start3A_716 = tpu.memref_squeeze %dma_start3A_715 : memref<1x64xf32, #tpu.memory_space<hbm>> -> memref<64xf32, #tpu.memory_space<hbm>>
      %dma_start3A_717 = arith.constant 0 : i32
      %dma_start3A_718 = tpu.memref_slice %arg11[%dma_start3A_710, %dma_start3A_717] : memref<32x64xf32, #tpu.memory_space<vmem>> -> memref<1x64xf32, #tpu.memory_space<vmem>>
      %dma_start3A_719 = tpu.memref_squeeze %dma_start3A_718 : memref<1x64xf32, #tpu.memory_space<vmem>> -> memref<64xf32, #tpu.memory_space<vmem>>
      %dma_start3A_720 = arith.constant 0 : i32
      %dma_start3A_721 = tpu.memref_slice %arg5[%squeeze3A_709, %dma_start3A_720] : memref<1000000x64xf32, #tpu.memory_space<hbm>> -> memref<1x64xf32, #tpu.memory_space<hbm>>
      %dma_start3A_722 = tpu.memref_squeeze %dma_start3A_721 : memref<1x64xf32, #tpu.memory_space<hbm>> -> memref<64xf32, #tpu.memory_space<hbm>>
      tpu.enqueue_dma source(%dma_start3A_722 : memref<64xf32, #tpu.memory_space<hbm>>) target(%dma_start3A_719 : memref<64xf32, #tpu.memory_space<vmem>>) target_semaphore(%arg15 : memref<!tpu.dma_semaphore, #tpu.memory_space<semaphore_mem>>)
      %slice3A_723 = vector.extract_strided_slice %get3A_497 {offsets = [7], sizes = [1], strides = [1]} : vector<16xi32> to vector<1xi32>
      %squeeze3A_724 = vector.extract %slice3A_723[0] : i32 from vector<1xi32>
      %dma_start3A_725 = arith.constant 23 : i32
      %dma_start3A_726 = arith.constant 0 : i32
      %dma_start3A_727 = tpu.memref_slice %arg12[%dma_start3A_725, %dma_start3A_726] : memref<32x64xf32, #tpu.memory_space<vmem>> -> memref<1x64xf32, #tpu.memory_space<vmem>>
      %dma_start3A_728 = tpu.memref_squeeze %dma_start3A_727 : memref<1x64xf32, #tpu.memory_space<vmem>> -> memref<64xf32, #tpu.memory_space<vmem>>
      %dma_start3A_729 = arith.constant 0 : i32
      %dma_start3A_730 = tpu.memref_slice %arg6[%squeeze3A_724, %dma_start3A_729] : memref<1000000x64xf32, #tpu.memory_space<hbm>> -> memref<1x64xf32, #tpu.memory_space<hbm>>
      %dma_start3A_731 = tpu.memref_squeeze %dma_start3A_730 : memref<1x64xf32, #tpu.memory_space<hbm>> -> memref<64xf32, #tpu.memory_space<hbm>>
      %dma_start3A_732 = arith.constant 0 : i32
      %dma_start3A_733 = tpu.memref_slice %arg12[%dma_start3A_725, %dma_start3A_732] : memref<32x64xf32, #tpu.memory_space<vmem>> -> memref<1x64xf32, #tpu.memory_space<vmem>>
      %dma_start3A_734 = tpu.memref_squeeze %dma_start3A_733 : memref<1x64xf32, #tpu.memory_space<vmem>> -> memref<64xf32, #tpu.memory_space<vmem>>
      %dma_start3A_735 = arith.constant 0 : i32
      %dma_start3A_736 = tpu.memref_slice %arg6[%squeeze3A_724, %dma_start3A_735] : memref<1000000x64xf32, #tpu.memory_space<hbm>> -> memref<1x64xf32, #tpu.memory_space<hbm>>
      %dma_start3A_737 = tpu.memref_squeeze %dma_start3A_736 : memref<1x64xf32, #tpu.memory_space<hbm>> -> memref<64xf32, #tpu.memory_space<hbm>>
      tpu.enqueue_dma source(%dma_start3A_737 : memref<64xf32, #tpu.memory_space<hbm>>) target(%dma_start3A_734 : memref<64xf32, #tpu.memory_space<vmem>>) target_semaphore(%arg16 : memref<!tpu.dma_semaphore, #tpu.memory_space<semaphore_mem>>)
      %slice3A_738 = vector.extract_strided_slice %get3A_495 {offsets = [8], sizes = [1], strides = [1]} : vector<16xi32> to vector<1xi32>
      %squeeze3A_739 = vector.extract %slice3A_738[0] : i32 from vector<1xi32>
      %dma_start3A_740 = arith.constant 24 : i32
      %dma_start3A_741 = arith.constant 0 : i32
      %dma_start3A_742 = tpu.memref_slice %arg11[%dma_start3A_740, %dma_start3A_741] : memref<32x64xf32, #tpu.memory_space<vmem>> -> memref<1x64xf32, #tpu.memory_space<vmem>>
      %dma_start3A_743 = tpu.memref_squeeze %dma_start3A_742 : memref<1x64xf32, #tpu.memory_space<vmem>> -> memref<64xf32, #tpu.memory_space<vmem>>
      %dma_start3A_744 = arith.constant 0 : i32
      %dma_start3A_745 = tpu.memref_slice %arg5[%squeeze3A_739, %dma_start3A_744] : memref<1000000x64xf32, #tpu.memory_space<hbm>> -> memref<1x64xf32, #tpu.memory_space<hbm>>
      %dma_start3A_746 = tpu.memref_squeeze %dma_start3A_745 : memref<1x64xf32, #tpu.memory_space<hbm>> -> memref<64xf32, #tpu.memory_space<hbm>>
      %dma_start3A_747 = arith.constant 0 : i32
      %dma_start3A_748 = tpu.memref_slice %arg11[%dma_start3A_740, %dma_start3A_747] : memref<32x64xf32, #tpu.memory_space<vmem>> -> memref<1x64xf32, #tpu.memory_space<vmem>>
      %dma_start3A_749 = tpu.memref_squeeze %dma_start3A_748 : memref<1x64xf32, #tpu.memory_space<vmem>> -> memref<64xf32, #tpu.memory_space<vmem>>
      %dma_start3A_750 = arith.constant 0 : i32
      %dma_start3A_751 = tpu.memref_slice %arg5[%squeeze3A_739, %dma_start3A_750] : memref<1000000x64xf32, #tpu.memory_space<hbm>> -> memref<1x64xf32, #tpu.memory_space<hbm>>
      %dma_start3A_752 = tpu.memref_squeeze %dma_start3A_751 : memref<1x64xf32, #tpu.memory_space<hbm>> -> memref<64xf32, #tpu.memory_space<hbm>>
      tpu.enqueue_dma source(%dma_start3A_752 : memref<64xf32, #tpu.memory_space<hbm>>) target(%dma_start3A_749 : memref<64xf32, #tpu.memory_space<vmem>>) target_semaphore(%arg15 : memref<!tpu.dma_semaphore, #tpu.memory_space<semaphore_mem>>)
      %slice3A_753 = vector.extract_strided_slice %get3A_497 {offsets = [8], sizes = [1], strides = [1]} : vector<16xi32> to vector<1xi32>
      %squeeze3A_754 = vector.extract %slice3A_753[0] : i32 from vector<1xi32>
      %dma_start3A_755 = arith.constant 24 : i32
      %dma_start3A_756 = arith.constant 0 : i32
      %dma_start3A_757 = tpu.memref_slice %arg12[%dma_start3A_755, %dma_start3A_756] : memref<32x64xf32, #tpu.memory_space<vmem>> -> memref<1x64xf32, #tpu.memory_space<vmem>>
      %dma_start3A_758 = tpu.memref_squeeze %dma_start3A_757 : memref<1x64xf32, #tpu.memory_space<vmem>> -> memref<64xf32, #tpu.memory_space<vmem>>
      %dma_start3A_759 = arith.constant 0 : i32
      %dma_start3A_760 = tpu.memref_slice %arg6[%squeeze3A_754, %dma_start3A_759] : memref<1000000x64xf32, #tpu.memory_space<hbm>> -> memref<1x64xf32, #tpu.memory_space<hbm>>
      %dma_start3A_761 = tpu.memref_squeeze %dma_start3A_760 : memref<1x64xf32, #tpu.memory_space<hbm>> -> memref<64xf32, #tpu.memory_space<hbm>>
      %dma_start3A_762 = arith.constant 0 : i32
      %dma_start3A_763 = tpu.memref_slice %arg12[%dma_start3A_755, %dma_start3A_762] : memref<32x64xf32, #tpu.memory_space<vmem>> -> memref<1x64xf32, #tpu.memory_space<vmem>>
      %dma_start3A_764 = tpu.memref_squeeze %dma_start3A_763 : memref<1x64xf32, #tpu.memory_space<vmem>> -> memref<64xf32, #tpu.memory_space<vmem>>
      %dma_start3A_765 = arith.constant 0 : i32
      %dma_start3A_766 = tpu.memref_slice %arg6[%squeeze3A_754, %dma_start3A_765] : memref<1000000x64xf32, #tpu.memory_space<hbm>> -> memref<1x64xf32, #tpu.memory_space<hbm>>
      %dma_start3A_767 = tpu.memref_squeeze %dma_start3A_766 : memref<1x64xf32, #tpu.memory_space<hbm>> -> memref<64xf32, #tpu.memory_space<hbm>>
      tpu.enqueue_dma source(%dma_start3A_767 : memref<64xf32, #tpu.memory_space<hbm>>) target(%dma_start3A_764 : memref<64xf32, #tpu.memory_space<vmem>>) target_semaphore(%arg16 : memref<!tpu.dma_semaphore, #tpu.memory_space<semaphore_mem>>)
      %slice3A_768 = vector.extract_strided_slice %get3A_495 {offsets = [9], sizes = [1], strides = [1]} : vector<16xi32> to vector<1xi32>
      %squeeze3A_769 = vector.extract %slice3A_768[0] : i32 from vector<1xi32>
      %dma_start3A_770 = arith.constant 25 : i32
      %dma_start3A_771 = arith.constant 0 : i32
      %dma_start3A_772 = tpu.memref_slice %arg11[%dma_start3A_770, %dma_start3A_771] : memref<32x64xf32, #tpu.memory_space<vmem>> -> memref<1x64xf32, #tpu.memory_space<vmem>>
      %dma_start3A_773 = tpu.memref_squeeze %dma_start3A_772 : memref<1x64xf32, #tpu.memory_space<vmem>> -> memref<64xf32, #tpu.memory_space<vmem>>
      %dma_start3A_774 = arith.constant 0 : i32
      %dma_start3A_775 = tpu.memref_slice %arg5[%squeeze3A_769, %dma_start3A_774] : memref<1000000x64xf32, #tpu.memory_space<hbm>> -> memref<1x64xf32, #tpu.memory_space<hbm>>
      %dma_start3A_776 = tpu.memref_squeeze %dma_start3A_775 : memref<1x64xf32, #tpu.memory_space<hbm>> -> memref<64xf32, #tpu.memory_space<hbm>>
      %dma_start3A_777 = arith.constant 0 : i32
      %dma_start3A_778 = tpu.memref_slice %arg11[%dma_start3A_770, %dma_start3A_777] : memref<32x64xf32, #tpu.memory_space<vmem>> -> memref<1x64xf32, #tpu.memory_space<vmem>>
      %dma_start3A_779 = tpu.memref_squeeze %dma_start3A_778 : memref<1x64xf32, #tpu.memory_space<vmem>> -> memref<64xf32, #tpu.memory_space<vmem>>
      %dma_start3A_780 = arith.constant 0 : i32
      %dma_start3A_781 = tpu.memref_slice %arg5[%squeeze3A_769, %dma_start3A_780] : memref<1000000x64xf32, #tpu.memory_space<hbm>> -> memref<1x64xf32, #tpu.memory_space<hbm>>
      %dma_start3A_782 = tpu.memref_squeeze %dma_start3A_781 : memref<1x64xf32, #tpu.memory_space<hbm>> -> memref<64xf32, #tpu.memory_space<hbm>>
      tpu.enqueue_dma source(%dma_start3A_782 : memref<64xf32, #tpu.memory_space<hbm>>) target(%dma_start3A_779 : memref<64xf32, #tpu.memory_space<vmem>>) target_semaphore(%arg15 : memref<!tpu.dma_semaphore, #tpu.memory_space<semaphore_mem>>)
      %slice3A_783 = vector.extract_strided_slice %get3A_497 {offsets = [9], sizes = [1], strides = [1]} : vector<16xi32> to vector<1xi32>
      %squeeze3A_784 = vector.extract %slice3A_783[0] : i32 from vector<1xi32>
      %dma_start3A_785 = arith.constant 25 : i32
      %dma_start3A_786 = arith.constant 0 : i32
      %dma_start3A_787 = tpu.memref_slice %arg12[%dma_start3A_785, %dma_start3A_786] : memref<32x64xf32, #tpu.memory_space<vmem>> -> memref<1x64xf32, #tpu.memory_space<vmem>>
      %dma_start3A_788 = tpu.memref_squeeze %dma_start3A_787 : memref<1x64xf32, #tpu.memory_space<vmem>> -> memref<64xf32, #tpu.memory_space<vmem>>
      %dma_start3A_789 = arith.constant 0 : i32
      %dma_start3A_790 = tpu.memref_slice %arg6[%squeeze3A_784, %dma_start3A_789] : memref<1000000x64xf32, #tpu.memory_space<hbm>> -> memref<1x64xf32, #tpu.memory_space<hbm>>
      %dma_start3A_791 = tpu.memref_squeeze %dma_start3A_790 : memref<1x64xf32, #tpu.memory_space<hbm>> -> memref<64xf32, #tpu.memory_space<hbm>>
      %dma_start3A_792 = arith.constant 0 : i32
      %dma_start3A_793 = tpu.memref_slice %arg12[%dma_start3A_785, %dma_start3A_792] : memref<32x64xf32, #tpu.memory_space<vmem>> -> memref<1x64xf32, #tpu.memory_space<vmem>>
      %dma_start3A_794 = tpu.memref_squeeze %dma_start3A_793 : memref<1x64xf32, #tpu.memory_space<vmem>> -> memref<64xf32, #tpu.memory_space<vmem>>
      %dma_start3A_795 = arith.constant 0 : i32
      %dma_start3A_796 = tpu.memref_slice %arg6[%squeeze3A_784, %dma_start3A_795] : memref<1000000x64xf32, #tpu.memory_space<hbm>> -> memref<1x64xf32, #tpu.memory_space<hbm>>
      %dma_start3A_797 = tpu.memref_squeeze %dma_start3A_796 : memref<1x64xf32, #tpu.memory_space<hbm>> -> memref<64xf32, #tpu.memory_space<hbm>>
      tpu.enqueue_dma source(%dma_start3A_797 : memref<64xf32, #tpu.memory_space<hbm>>) target(%dma_start3A_794 : memref<64xf32, #tpu.memory_space<vmem>>) target_semaphore(%arg16 : memref<!tpu.dma_semaphore, #tpu.memory_space<semaphore_mem>>)
      %slice3A_798 = vector.extract_strided_slice %get3A_495 {offsets = [10], sizes = [1], strides = [1]} : vector<16xi32> to vector<1xi32>
      %squeeze3A_799 = vector.extract %slice3A_798[0] : i32 from vector<1xi32>
      %dma_start3A_800 = arith.constant 26 : i32
      %dma_start3A_801 = arith.constant 0 : i32
      %dma_start3A_802 = tpu.memref_slice %arg11[%dma_start3A_800, %dma_start3A_801] : memref<32x64xf32, #tpu.memory_space<vmem>> -> memref<1x64xf32, #tpu.memory_space<vmem>>
      %dma_start3A_803 = tpu.memref_squeeze %dma_start3A_802 : memref<1x64xf32, #tpu.memory_space<vmem>> -> memref<64xf32, #tpu.memory_space<vmem>>
      %dma_start3A_804 = arith.constant 0 : i32
      %dma_start3A_805 = tpu.memref_slice %arg5[%squeeze3A_799, %dma_start3A_804] : memref<1000000x64xf32, #tpu.memory_space<hbm>> -> memref<1x64xf32, #tpu.memory_space<hbm>>
      %dma_start3A_806 = tpu.memref_squeeze %dma_start3A_805 : memref<1x64xf32, #tpu.memory_space<hbm>> -> memref<64xf32, #tpu.memory_space<hbm>>
      %dma_start3A_807 = arith.constant 0 : i32
      %dma_start3A_808 = tpu.memref_slice %arg11[%dma_start3A_800, %dma_start3A_807] : memref<32x64xf32, #tpu.memory_space<vmem>> -> memref<1x64xf32, #tpu.memory_space<vmem>>
      %dma_start3A_809 = tpu.memref_squeeze %dma_start3A_808 : memref<1x64xf32, #tpu.memory_space<vmem>> -> memref<64xf32, #tpu.memory_space<vmem>>
      %dma_start3A_810 = arith.constant 0 : i32
      %dma_start3A_811 = tpu.memref_slice %arg5[%squeeze3A_799, %dma_start3A_810] : memref<1000000x64xf32, #tpu.memory_space<hbm>> -> memref<1x64xf32, #tpu.memory_space<hbm>>
      %dma_start3A_812 = tpu.memref_squeeze %dma_start3A_811 : memref<1x64xf32, #tpu.memory_space<hbm>> -> memref<64xf32, #tpu.memory_space<hbm>>
      tpu.enqueue_dma source(%dma_start3A_812 : memref<64xf32, #tpu.memory_space<hbm>>) target(%dma_start3A_809 : memref<64xf32, #tpu.memory_space<vmem>>) target_semaphore(%arg15 : memref<!tpu.dma_semaphore, #tpu.memory_space<semaphore_mem>>)
      %slice3A_813 = vector.extract_strided_slice %get3A_497 {offsets = [10], sizes = [1], strides = [1]} : vector<16xi32> to vector<1xi32>
      %squeeze3A_814 = vector.extract %slice3A_813[0] : i32 from vector<1xi32>
      %dma_start3A_815 = arith.constant 26 : i32
      %dma_start3A_816 = arith.constant 0 : i32
      %dma_start3A_817 = tpu.memref_slice %arg12[%dma_start3A_815, %dma_start3A_816] : memref<32x64xf32, #tpu.memory_space<vmem>> -> memref<1x64xf32, #tpu.memory_space<vmem>>
      %dma_start3A_818 = tpu.memref_squeeze %dma_start3A_817 : memref<1x64xf32, #tpu.memory_space<vmem>> -> memref<64xf32, #tpu.memory_space<vmem>>
      %dma_start3A_819 = arith.constant 0 : i32
      %dma_start3A_820 = tpu.memref_slice %arg6[%squeeze3A_814, %dma_start3A_819] : memref<1000000x64xf32, #tpu.memory_space<hbm>> -> memref<1x64xf32, #tpu.memory_space<hbm>>
      %dma_start3A_821 = tpu.memref_squeeze %dma_start3A_820 : memref<1x64xf32, #tpu.memory_space<hbm>> -> memref<64xf32, #tpu.memory_space<hbm>>
      %dma_start3A_822 = arith.constant 0 : i32
      %dma_start3A_823 = tpu.memref_slice %arg12[%dma_start3A_815, %dma_start3A_822] : memref<32x64xf32, #tpu.memory_space<vmem>> -> memref<1x64xf32, #tpu.memory_space<vmem>>
      %dma_start3A_824 = tpu.memref_squeeze %dma_start3A_823 : memref<1x64xf32, #tpu.memory_space<vmem>> -> memref<64xf32, #tpu.memory_space<vmem>>
      %dma_start3A_825 = arith.constant 0 : i32
      %dma_start3A_826 = tpu.memref_slice %arg6[%squeeze3A_814, %dma_start3A_825] : memref<1000000x64xf32, #tpu.memory_space<hbm>> -> memref<1x64xf32, #tpu.memory_space<hbm>>
      %dma_start3A_827 = tpu.memref_squeeze %dma_start3A_826 : memref<1x64xf32, #tpu.memory_space<hbm>> -> memref<64xf32, #tpu.memory_space<hbm>>
      tpu.enqueue_dma source(%dma_start3A_827 : memref<64xf32, #tpu.memory_space<hbm>>) target(%dma_start3A_824 : memref<64xf32, #tpu.memory_space<vmem>>) target_semaphore(%arg16 : memref<!tpu.dma_semaphore, #tpu.memory_space<semaphore_mem>>)
      %slice3A_828 = vector.extract_strided_slice %get3A_495 {offsets = [11], sizes = [1], strides = [1]} : vector<16xi32> to vector<1xi32>
      %squeeze3A_829 = vector.extract %slice3A_828[0] : i32 from vector<1xi32>
      %dma_start3A_830 = arith.constant 27 : i32
      %dma_start3A_831 = arith.constant 0 : i32
      %dma_start3A_832 = tpu.memref_slice %arg11[%dma_start3A_830, %dma_start3A_831] : memref<32x64xf32, #tpu.memory_space<vmem>> -> memref<1x64xf32, #tpu.memory_space<vmem>>
      %dma_start3A_833 = tpu.memref_squeeze %dma_start3A_832 : memref<1x64xf32, #tpu.memory_space<vmem>> -> memref<64xf32, #tpu.memory_space<vmem>>
      %dma_start3A_834 = arith.constant 0 : i32
      %dma_start3A_835 = tpu.memref_slice %arg5[%squeeze3A_829, %dma_start3A_834] : memref<1000000x64xf32, #tpu.memory_space<hbm>> -> memref<1x64xf32, #tpu.memory_space<hbm>>
      %dma_start3A_836 = tpu.memref_squeeze %dma_start3A_835 : memref<1x64xf32, #tpu.memory_space<hbm>> -> memref<64xf32, #tpu.memory_space<hbm>>
      %dma_start3A_837 = arith.constant 0 : i32
      %dma_start3A_838 = tpu.memref_slice %arg11[%dma_start3A_830, %dma_start3A_837] : memref<32x64xf32, #tpu.memory_space<vmem>> -> memref<1x64xf32, #tpu.memory_space<vmem>>
      %dma_start3A_839 = tpu.memref_squeeze %dma_start3A_838 : memref<1x64xf32, #tpu.memory_space<vmem>> -> memref<64xf32, #tpu.memory_space<vmem>>
      %dma_start3A_840 = arith.constant 0 : i32
      %dma_start3A_841 = tpu.memref_slice %arg5[%squeeze3A_829, %dma_start3A_840] : memref<1000000x64xf32, #tpu.memory_space<hbm>> -> memref<1x64xf32, #tpu.memory_space<hbm>>
      %dma_start3A_842 = tpu.memref_squeeze %dma_start3A_841 : memref<1x64xf32, #tpu.memory_space<hbm>> -> memref<64xf32, #tpu.memory_space<hbm>>
      tpu.enqueue_dma source(%dma_start3A_842 : memref<64xf32, #tpu.memory_space<hbm>>) target(%dma_start3A_839 : memref<64xf32, #tpu.memory_space<vmem>>) target_semaphore(%arg15 : memref<!tpu.dma_semaphore, #tpu.memory_space<semaphore_mem>>)
      %slice3A_843 = vector.extract_strided_slice %get3A_497 {offsets = [11], sizes = [1], strides = [1]} : vector<16xi32> to vector<1xi32>
      %squeeze3A_844 = vector.extract %slice3A_843[0] : i32 from vector<1xi32>
      %dma_start3A_845 = arith.constant 27 : i32
      %dma_start3A_846 = arith.constant 0 : i32
      %dma_start3A_847 = tpu.memref_slice %arg12[%dma_start3A_845, %dma_start3A_846] : memref<32x64xf32, #tpu.memory_space<vmem>> -> memref<1x64xf32, #tpu.memory_space<vmem>>
      %dma_start3A_848 = tpu.memref_squeeze %dma_start3A_847 : memref<1x64xf32, #tpu.memory_space<vmem>> -> memref<64xf32, #tpu.memory_space<vmem>>
      %dma_start3A_849 = arith.constant 0 : i32
      %dma_start3A_850 = tpu.memref_slice %arg6[%squeeze3A_844, %dma_start3A_849] : memref<1000000x64xf32, #tpu.memory_space<hbm>> -> memref<1x64xf32, #tpu.memory_space<hbm>>
      %dma_start3A_851 = tpu.memref_squeeze %dma_start3A_850 : memref<1x64xf32, #tpu.memory_space<hbm>> -> memref<64xf32, #tpu.memory_space<hbm>>
      %dma_start3A_852 = arith.constant 0 : i32
      %dma_start3A_853 = tpu.memref_slice %arg12[%dma_start3A_845, %dma_start3A_852] : memref<32x64xf32, #tpu.memory_space<vmem>> -> memref<1x64xf32, #tpu.memory_space<vmem>>
      %dma_start3A_854 = tpu.memref_squeeze %dma_start3A_853 : memref<1x64xf32, #tpu.memory_space<vmem>> -> memref<64xf32, #tpu.memory_space<vmem>>
      %dma_start3A_855 = arith.constant 0 : i32
      %dma_start3A_856 = tpu.memref_slice %arg6[%squeeze3A_844, %dma_start3A_855] : memref<1000000x64xf32, #tpu.memory_space<hbm>> -> memref<1x64xf32, #tpu.memory_space<hbm>>
      %dma_start3A_857 = tpu.memref_squeeze %dma_start3A_856 : memref<1x64xf32, #tpu.memory_space<hbm>> -> memref<64xf32, #tpu.memory_space<hbm>>
      tpu.enqueue_dma source(%dma_start3A_857 : memref<64xf32, #tpu.memory_space<hbm>>) target(%dma_start3A_854 : memref<64xf32, #tpu.memory_space<vmem>>) target_semaphore(%arg16 : memref<!tpu.dma_semaphore, #tpu.memory_space<semaphore_mem>>)
      %slice3A_858 = vector.extract_strided_slice %get3A_495 {offsets = [12], sizes = [1], strides = [1]} : vector<16xi32> to vector<1xi32>
      %squeeze3A_859 = vector.extract %slice3A_858[0] : i32 from vector<1xi32>
      %dma_start3A_860 = arith.constant 28 : i32
      %dma_start3A_861 = arith.constant 0 : i32
      %dma_start3A_862 = tpu.memref_slice %arg11[%dma_start3A_860, %dma_start3A_861] : memref<32x64xf32, #tpu.memory_space<vmem>> -> memref<1x64xf32, #tpu.memory_space<vmem>>
      %dma_start3A_863 = tpu.memref_squeeze %dma_start3A_862 : memref<1x64xf32, #tpu.memory_space<vmem>> -> memref<64xf32, #tpu.memory_space<vmem>>
      %dma_start3A_864 = arith.constant 0 : i32
      %dma_start3A_865 = tpu.memref_slice %arg5[%squeeze3A_859, %dma_start3A_864] : memref<1000000x64xf32, #tpu.memory_space<hbm>> -> memref<1x64xf32, #tpu.memory_space<hbm>>
      %dma_start3A_866 = tpu.memref_squeeze %dma_start3A_865 : memref<1x64xf32, #tpu.memory_space<hbm>> -> memref<64xf32, #tpu.memory_space<hbm>>
      %dma_start3A_867 = arith.constant 0 : i32
      %dma_start3A_868 = tpu.memref_slice %arg11[%dma_start3A_860, %dma_start3A_867] : memref<32x64xf32, #tpu.memory_space<vmem>> -> memref<1x64xf32, #tpu.memory_space<vmem>>
      %dma_start3A_869 = tpu.memref_squeeze %dma_start3A_868 : memref<1x64xf32, #tpu.memory_space<vmem>> -> memref<64xf32, #tpu.memory_space<vmem>>
      %dma_start3A_870 = arith.constant 0 : i32
      %dma_start3A_871 = tpu.memref_slice %arg5[%squeeze3A_859, %dma_start3A_870] : memref<1000000x64xf32, #tpu.memory_space<hbm>> -> memref<1x64xf32, #tpu.memory_space<hbm>>
      %dma_start3A_872 = tpu.memref_squeeze %dma_start3A_871 : memref<1x64xf32, #tpu.memory_space<hbm>> -> memref<64xf32, #tpu.memory_space<hbm>>
      tpu.enqueue_dma source(%dma_start3A_872 : memref<64xf32, #tpu.memory_space<hbm>>) target(%dma_start3A_869 : memref<64xf32, #tpu.memory_space<vmem>>) target_semaphore(%arg15 : memref<!tpu.dma_semaphore, #tpu.memory_space<semaphore_mem>>)
      %slice3A_873 = vector.extract_strided_slice %get3A_497 {offsets = [12], sizes = [1], strides = [1]} : vector<16xi32> to vector<1xi32>
      %squeeze3A_874 = vector.extract %slice3A_873[0] : i32 from vector<1xi32>
      %dma_start3A_875 = arith.constant 28 : i32
      %dma_start3A_876 = arith.constant 0 : i32
      %dma_start3A_877 = tpu.memref_slice %arg12[%dma_start3A_875, %dma_start3A_876] : memref<32x64xf32, #tpu.memory_space<vmem>> -> memref<1x64xf32, #tpu.memory_space<vmem>>
      %dma_start3A_878 = tpu.memref_squeeze %dma_start3A_877 : memref<1x64xf32, #tpu.memory_space<vmem>> -> memref<64xf32, #tpu.memory_space<vmem>>
      %dma_start3A_879 = arith.constant 0 : i32
      %dma_start3A_880 = tpu.memref_slice %arg6[%squeeze3A_874, %dma_start3A_879] : memref<1000000x64xf32, #tpu.memory_space<hbm>> -> memref<1x64xf32, #tpu.memory_space<hbm>>
      %dma_start3A_881 = tpu.memref_squeeze %dma_start3A_880 : memref<1x64xf32, #tpu.memory_space<hbm>> -> memref<64xf32, #tpu.memory_space<hbm>>
      %dma_start3A_882 = arith.constant 0 : i32
      %dma_start3A_883 = tpu.memref_slice %arg12[%dma_start3A_875, %dma_start3A_882] : memref<32x64xf32, #tpu.memory_space<vmem>> -> memref<1x64xf32, #tpu.memory_space<vmem>>
      %dma_start3A_884 = tpu.memref_squeeze %dma_start3A_883 : memref<1x64xf32, #tpu.memory_space<vmem>> -> memref<64xf32, #tpu.memory_space<vmem>>
      %dma_start3A_885 = arith.constant 0 : i32
      %dma_start3A_886 = tpu.memref_slice %arg6[%squeeze3A_874, %dma_start3A_885] : memref<1000000x64xf32, #tpu.memory_space<hbm>> -> memref<1x64xf32, #tpu.memory_space<hbm>>
      %dma_start3A_887 = tpu.memref_squeeze %dma_start3A_886 : memref<1x64xf32, #tpu.memory_space<hbm>> -> memref<64xf32, #tpu.memory_space<hbm>>
      tpu.enqueue_dma source(%dma_start3A_887 : memref<64xf32, #tpu.memory_space<hbm>>) target(%dma_start3A_884 : memref<64xf32, #tpu.memory_space<vmem>>) target_semaphore(%arg16 : memref<!tpu.dma_semaphore, #tpu.memory_space<semaphore_mem>>)
      %slice3A_888 = vector.extract_strided_slice %get3A_495 {offsets = [13], sizes = [1], strides = [1]} : vector<16xi32> to vector<1xi32>
      %squeeze3A_889 = vector.extract %slice3A_888[0] : i32 from vector<1xi32>
      %dma_start3A_890 = arith.constant 29 : i32
      %dma_start3A_891 = arith.constant 0 : i32
      %dma_start3A_892 = tpu.memref_slice %arg11[%dma_start3A_890, %dma_start3A_891] : memref<32x64xf32, #tpu.memory_space<vmem>> -> memref<1x64xf32, #tpu.memory_space<vmem>>
      %dma_start3A_893 = tpu.memref_squeeze %dma_start3A_892 : memref<1x64xf32, #tpu.memory_space<vmem>> -> memref<64xf32, #tpu.memory_space<vmem>>
      %dma_start3A_894 = arith.constant 0 : i32
      %dma_start3A_895 = tpu.memref_slice %arg5[%squeeze3A_889, %dma_start3A_894] : memref<1000000x64xf32, #tpu.memory_space<hbm>> -> memref<1x64xf32, #tpu.memory_space<hbm>>
      %dma_start3A_896 = tpu.memref_squeeze %dma_start3A_895 : memref<1x64xf32, #tpu.memory_space<hbm>> -> memref<64xf32, #tpu.memory_space<hbm>>
      %dma_start3A_897 = arith.constant 0 : i32
      %dma_start3A_898 = tpu.memref_slice %arg11[%dma_start3A_890, %dma_start3A_897] : memref<32x64xf32, #tpu.memory_space<vmem>> -> memref<1x64xf32, #tpu.memory_space<vmem>>
      %dma_start3A_899 = tpu.memref_squeeze %dma_start3A_898 : memref<1x64xf32, #tpu.memory_space<vmem>> -> memref<64xf32, #tpu.memory_space<vmem>>
      %dma_start3A_900 = arith.constant 0 : i32
      %dma_start3A_901 = tpu.memref_slice %arg5[%squeeze3A_889, %dma_start3A_900] : memref<1000000x64xf32, #tpu.memory_space<hbm>> -> memref<1x64xf32, #tpu.memory_space<hbm>>
      %dma_start3A_902 = tpu.memref_squeeze %dma_start3A_901 : memref<1x64xf32, #tpu.memory_space<hbm>> -> memref<64xf32, #tpu.memory_space<hbm>>
      tpu.enqueue_dma source(%dma_start3A_902 : memref<64xf32, #tpu.memory_space<hbm>>) target(%dma_start3A_899 : memref<64xf32, #tpu.memory_space<vmem>>) target_semaphore(%arg15 : memref<!tpu.dma_semaphore, #tpu.memory_space<semaphore_mem>>)
      %slice3A_903 = vector.extract_strided_slice %get3A_497 {offsets = [13], sizes = [1], strides = [1]} : vector<16xi32> to vector<1xi32>
      %squeeze3A_904 = vector.extract %slice3A_903[0] : i32 from vector<1xi32>
      %dma_start3A_905 = arith.constant 29 : i32
      %dma_start3A_906 = arith.constant 0 : i32
      %dma_start3A_907 = tpu.memref_slice %arg12[%dma_start3A_905, %dma_start3A_906] : memref<32x64xf32, #tpu.memory_space<vmem>> -> memref<1x64xf32, #tpu.memory_space<vmem>>
      %dma_start3A_908 = tpu.memref_squeeze %dma_start3A_907 : memref<1x64xf32, #tpu.memory_space<vmem>> -> memref<64xf32, #tpu.memory_space<vmem>>
      %dma_start3A_909 = arith.constant 0 : i32
      %dma_start3A_910 = tpu.memref_slice %arg6[%squeeze3A_904, %dma_start3A_909] : memref<1000000x64xf32, #tpu.memory_space<hbm>> -> memref<1x64xf32, #tpu.memory_space<hbm>>
      %dma_start3A_911 = tpu.memref_squeeze %dma_start3A_910 : memref<1x64xf32, #tpu.memory_space<hbm>> -> memref<64xf32, #tpu.memory_space<hbm>>
      %dma_start3A_912 = arith.constant 0 : i32
      %dma_start3A_913 = tpu.memref_slice %arg12[%dma_start3A_905, %dma_start3A_912] : memref<32x64xf32, #tpu.memory_space<vmem>> -> memref<1x64xf32, #tpu.memory_space<vmem>>
      %dma_start3A_914 = tpu.memref_squeeze %dma_start3A_913 : memref<1x64xf32, #tpu.memory_space<vmem>> -> memref<64xf32, #tpu.memory_space<vmem>>
      %dma_start3A_915 = arith.constant 0 : i32
      %dma_start3A_916 = tpu.memref_slice %arg6[%squeeze3A_904, %dma_start3A_915] : memref<1000000x64xf32, #tpu.memory_space<hbm>> -> memref<1x64xf32, #tpu.memory_space<hbm>>
      %dma_start3A_917 = tpu.memref_squeeze %dma_start3A_916 : memref<1x64xf32, #tpu.memory_space<hbm>> -> memref<64xf32, #tpu.memory_space<hbm>>
      tpu.enqueue_dma source(%dma_start3A_917 : memref<64xf32, #tpu.memory_space<hbm>>) target(%dma_start3A_914 : memref<64xf32, #tpu.memory_space<vmem>>) target_semaphore(%arg16 : memref<!tpu.dma_semaphore, #tpu.memory_space<semaphore_mem>>)
      %slice3A_918 = vector.extract_strided_slice %get3A_495 {offsets = [14], sizes = [1], strides = [1]} : vector<16xi32> to vector<1xi32>
      %squeeze3A_919 = vector.extract %slice3A_918[0] : i32 from vector<1xi32>
      %dma_start3A_920 = arith.constant 30 : i32
      %dma_start3A_921 = arith.constant 0 : i32
      %dma_start3A_922 = tpu.memref_slice %arg11[%dma_start3A_920, %dma_start3A_921] : memref<32x64xf32, #tpu.memory_space<vmem>> -> memref<1x64xf32, #tpu.memory_space<vmem>>
      %dma_start3A_923 = tpu.memref_squeeze %dma_start3A_922 : memref<1x64xf32, #tpu.memory_space<vmem>> -> memref<64xf32, #tpu.memory_space<vmem>>
      %dma_start3A_924 = arith.constant 0 : i32
      %dma_start3A_925 = tpu.memref_slice %arg5[%squeeze3A_919, %dma_start3A_924] : memref<1000000x64xf32, #tpu.memory_space<hbm>> -> memref<1x64xf32, #tpu.memory_space<hbm>>
      %dma_start3A_926 = tpu.memref_squeeze %dma_start3A_925 : memref<1x64xf32, #tpu.memory_space<hbm>> -> memref<64xf32, #tpu.memory_space<hbm>>
      %dma_start3A_927 = arith.constant 0 : i32
      %dma_start3A_928 = tpu.memref_slice %arg11[%dma_start3A_920, %dma_start3A_927] : memref<32x64xf32, #tpu.memory_space<vmem>> -> memref<1x64xf32, #tpu.memory_space<vmem>>
      %dma_start3A_929 = tpu.memref_squeeze %dma_start3A_928 : memref<1x64xf32, #tpu.memory_space<vmem>> -> memref<64xf32, #tpu.memory_space<vmem>>
      %dma_start3A_930 = arith.constant 0 : i32
      %dma_start3A_931 = tpu.memref_slice %arg5[%squeeze3A_919, %dma_start3A_930] : memref<1000000x64xf32, #tpu.memory_space<hbm>> -> memref<1x64xf32, #tpu.memory_space<hbm>>
      %dma_start3A_932 = tpu.memref_squeeze %dma_start3A_931 : memref<1x64xf32, #tpu.memory_space<hbm>> -> memref<64xf32, #tpu.memory_space<hbm>>
      tpu.enqueue_dma source(%dma_start3A_932 : memref<64xf32, #tpu.memory_space<hbm>>) target(%dma_start3A_929 : memref<64xf32, #tpu.memory_space<vmem>>) target_semaphore(%arg15 : memref<!tpu.dma_semaphore, #tpu.memory_space<semaphore_mem>>)
      %slice3A_933 = vector.extract_strided_slice %get3A_497 {offsets = [14], sizes = [1], strides = [1]} : vector<16xi32> to vector<1xi32>
      %squeeze3A_934 = vector.extract %slice3A_933[0] : i32 from vector<1xi32>
      %dma_start3A_935 = arith.constant 30 : i32
      %dma_start3A_936 = arith.constant 0 : i32
      %dma_start3A_937 = tpu.memref_slice %arg12[%dma_start3A_935, %dma_start3A_936] : memref<32x64xf32, #tpu.memory_space<vmem>> -> memref<1x64xf32, #tpu.memory_space<vmem>>
      %dma_start3A_938 = tpu.memref_squeeze %dma_start3A_937 : memref<1x64xf32, #tpu.memory_space<vmem>> -> memref<64xf32, #tpu.memory_space<vmem>>
      %dma_start3A_939 = arith.constant 0 : i32
      %dma_start3A_940 = tpu.memref_slice %arg6[%squeeze3A_934, %dma_start3A_939] : memref<1000000x64xf32, #tpu.memory_space<hbm>> -> memref<1x64xf32, #tpu.memory_space<hbm>>
      %dma_start3A_941 = tpu.memref_squeeze %dma_start3A_940 : memref<1x64xf32, #tpu.memory_space<hbm>> -> memref<64xf32, #tpu.memory_space<hbm>>
      %dma_start3A_942 = arith.constant 0 : i32
      %dma_start3A_943 = tpu.memref_slice %arg12[%dma_start3A_935, %dma_start3A_942] : memref<32x64xf32, #tpu.memory_space<vmem>> -> memref<1x64xf32, #tpu.memory_space<vmem>>
      %dma_start3A_944 = tpu.memref_squeeze %dma_start3A_943 : memref<1x64xf32, #tpu.memory_space<vmem>> -> memref<64xf32, #tpu.memory_space<vmem>>
      %dma_start3A_945 = arith.constant 0 : i32
      %dma_start3A_946 = tpu.memref_slice %arg6[%squeeze3A_934, %dma_start3A_945] : memref<1000000x64xf32, #tpu.memory_space<hbm>> -> memref<1x64xf32, #tpu.memory_space<hbm>>
      %dma_start3A_947 = tpu.memref_squeeze %dma_start3A_946 : memref<1x64xf32, #tpu.memory_space<hbm>> -> memref<64xf32, #tpu.memory_space<hbm>>
      tpu.enqueue_dma source(%dma_start3A_947 : memref<64xf32, #tpu.memory_space<hbm>>) target(%dma_start3A_944 : memref<64xf32, #tpu.memory_space<vmem>>) target_semaphore(%arg16 : memref<!tpu.dma_semaphore, #tpu.memory_space<semaphore_mem>>)
      %slice3A_948 = vector.extract_strided_slice %get3A_495 {offsets = [15], sizes = [1], strides = [1]} : vector<16xi32> to vector<1xi32>
      %squeeze3A_949 = vector.extract %slice3A_948[0] : i32 from vector<1xi32>
      %dma_start3A_950 = arith.constant 31 : i32
      %dma_start3A_951 = arith.constant 0 : i32
      %dma_start3A_952 = tpu.memref_slice %arg11[%dma_start3A_950, %dma_start3A_951] : memref<32x64xf32, #tpu.memory_space<vmem>> -> memref<1x64xf32, #tpu.memory_space<vmem>>
      %dma_start3A_953 = tpu.memref_squeeze %dma_start3A_952 : memref<1x64xf32, #tpu.memory_space<vmem>> -> memref<64xf32, #tpu.memory_space<vmem>>
      %dma_start3A_954 = arith.constant 0 : i32
      %dma_start3A_955 = tpu.memref_slice %arg5[%squeeze3A_949, %dma_start3A_954] : memref<1000000x64xf32, #tpu.memory_space<hbm>> -> memref<1x64xf32, #tpu.memory_space<hbm>>
      %dma_start3A_956 = tpu.memref_squeeze %dma_start3A_955 : memref<1x64xf32, #tpu.memory_space<hbm>> -> memref<64xf32, #tpu.memory_space<hbm>>
      %dma_start3A_957 = arith.constant 0 : i32
      %dma_start3A_958 = tpu.memref_slice %arg11[%dma_start3A_950, %dma_start3A_957] : memref<32x64xf32, #tpu.memory_space<vmem>> -> memref<1x64xf32, #tpu.memory_space<vmem>>
      %dma_start3A_959 = tpu.memref_squeeze %dma_start3A_958 : memref<1x64xf32, #tpu.memory_space<vmem>> -> memref<64xf32, #tpu.memory_space<vmem>>
      %dma_start3A_960 = arith.constant 0 : i32
      %dma_start3A_961 = tpu.memref_slice %arg5[%squeeze3A_949, %dma_start3A_960] : memref<1000000x64xf32, #tpu.memory_space<hbm>> -> memref<1x64xf32, #tpu.memory_space<hbm>>
      %dma_start3A_962 = tpu.memref_squeeze %dma_start3A_961 : memref<1x64xf32, #tpu.memory_space<hbm>> -> memref<64xf32, #tpu.memory_space<hbm>>
      tpu.enqueue_dma source(%dma_start3A_962 : memref<64xf32, #tpu.memory_space<hbm>>) target(%dma_start3A_959 : memref<64xf32, #tpu.memory_space<vmem>>) target_semaphore(%arg15 : memref<!tpu.dma_semaphore, #tpu.memory_space<semaphore_mem>>)
      %slice3A_963 = vector.extract_strided_slice %get3A_497 {offsets = [15], sizes = [1], strides = [1]} : vector<16xi32> to vector<1xi32>
      %squeeze3A_964 = vector.extract %slice3A_963[0] : i32 from vector<1xi32>
      %dma_start3A_965 = arith.constant 31 : i32
      %dma_start3A_966 = arith.constant 0 : i32
      %dma_start3A_967 = tpu.memref_slice %arg12[%dma_start3A_965, %dma_start3A_966] : memref<32x64xf32, #tpu.memory_space<vmem>> -> memref<1x64xf32, #tpu.memory_space<vmem>>
      %dma_start3A_968 = tpu.memref_squeeze %dma_start3A_967 : memref<1x64xf32, #tpu.memory_space<vmem>> -> memref<64xf32, #tpu.memory_space<vmem>>
      %dma_start3A_969 = arith.constant 0 : i32
      %dma_start3A_970 = tpu.memref_slice %arg6[%squeeze3A_964, %dma_start3A_969] : memref<1000000x64xf32, #tpu.memory_space<hbm>> -> memref<1x64xf32, #tpu.memory_space<hbm>>
      %dma_start3A_971 = tpu.memref_squeeze %dma_start3A_970 : memref<1x64xf32, #tpu.memory_space<hbm>> -> memref<64xf32, #tpu.memory_space<hbm>>
      %dma_start3A_972 = arith.constant 0 : i32
      %dma_start3A_973 = tpu.memref_slice %arg12[%dma_start3A_965, %dma_start3A_972] : memref<32x64xf32, #tpu.memory_space<vmem>> -> memref<1x64xf32, #tpu.memory_space<vmem>>
      %dma_start3A_974 = tpu.memref_squeeze %dma_start3A_973 : memref<1x64xf32, #tpu.memory_space<vmem>> -> memref<64xf32, #tpu.memory_space<vmem>>
      %dma_start3A_975 = arith.constant 0 : i32
      %dma_start3A_976 = tpu.memref_slice %arg6[%squeeze3A_964, %dma_start3A_975] : memref<1000000x64xf32, #tpu.memory_space<hbm>> -> memref<1x64xf32, #tpu.memory_space<hbm>>
      %dma_start3A_977 = tpu.memref_squeeze %dma_start3A_976 : memref<1x64xf32, #tpu.memory_space<hbm>> -> memref<64xf32, #tpu.memory_space<hbm>>
      tpu.enqueue_dma source(%dma_start3A_977 : memref<64xf32, #tpu.memory_space<hbm>>) target(%dma_start3A_974 : memref<64xf32, #tpu.memory_space<vmem>>) target_semaphore(%arg16 : memref<!tpu.dma_semaphore, #tpu.memory_space<semaphore_mem>>)
      %scan3A_978 = arith.constant 0 : i32
      %scan3A_979 = arith.constant 0 : i32
      %scan3A_980 = arith.constant 40 : i32
      %scan3A_981 = arith.addi %scan3A_979, %scan3A_980 : i32
      %scan3A_982 = arith.constant 1 : i32
      scf.for %scan3A_1104 = %scan3A_979 to %scan3A_981 step %scan3A_982  : i32 {
        %mul3A_1105 = arith.constant 16 : i32
        %mul3A_1106 = arith.muli %scan3A_1104, %mul3A_1105 : i32
        %get3A_1107 = arith.index_cast %mul3A_1106 : i32 to index
        %get3A_1108 = tpu.vector_load %arg10[%get3A_1107] {strides = array<i32>} : memref<640xi32, #tpu.memory_space<vmem>>, vector<16xi32>,
        %slice3A_1109 = vector.extract_strided_slice %get3A_1108 {offsets = [0], sizes = [1], strides = [1]} : vector<16xi32> to vector<1xi32>
        %squeeze3A_1110 = vector.extract %slice3A_1109[0] : i32 from vector<1xi32>
        %mul3A_1111 = arith.constant 16 : i32
        %mul3A_1112 = arith.muli %scan3A_1104, %mul3A_1111 : i32
        %add3A_1113 = arith.constant 0 : i32
        %add3A_1114 = arith.addi %mul3A_1112, %add3A_1113 : i32
        %dma_start3A_1115 = arith.constant 0 : i32
        %dma_start3A_1116 = tpu.memref_slice %arg13[%add3A_1114, %dma_start3A_1115] : memref<640x64xf32, #tpu.memory_space<vmem>> -> memref<1x64xf32, #tpu.memory_space<vmem>>
        %dma_start3A_1117 = tpu.memref_squeeze %dma_start3A_1116 : memref<1x64xf32, #tpu.memory_space<vmem>> -> memref<64xf32, #tpu.memory_space<vmem>>
        %dma_start3A_1118 = arith.constant 0 : i32
        %dma_start3A_1119 = tpu.memref_slice %arg6[%squeeze3A_1110, %dma_start3A_1118] : memref<1000000x64xf32, #tpu.memory_space<hbm>> -> memref<1x64xf32, #tpu.memory_space<hbm>>
        %dma_start3A_1120 = tpu.memref_squeeze %dma_start3A_1119 : memref<1x64xf32, #tpu.memory_space<hbm>> -> memref<64xf32, #tpu.memory_space<hbm>>
        %dma_start3A_1121 = arith.constant 0 : i32
        %dma_start3A_1122 = tpu.memref_slice %arg13[%add3A_1114, %dma_start3A_1121] : memref<640x64xf32, #tpu.memory_space<vmem>> -> memref<1x64xf32, #tpu.memory_space<vmem>>
        %dma_start3A_1123 = tpu.memref_squeeze %dma_start3A_1122 : memref<1x64xf32, #tpu.memory_space<vmem>> -> memref<64xf32, #tpu.memory_space<vmem>>
        %dma_start3A_1124 = arith.constant 0 : i32
        %dma_start3A_1125 = tpu.memref_slice %arg6[%squeeze3A_1110, %dma_start3A_1124] : memref<1000000x64xf32, #tpu.memory_space<hbm>> -> memref<1x64xf32, #tpu.memory_space<hbm>>
        %dma_start3A_1126 = tpu.memref_squeeze %dma_start3A_1125 : memref<1x64xf32, #tpu.memory_space<hbm>> -> memref<64xf32, #tpu.memory_space<hbm>>
        tpu.enqueue_dma source(%dma_start3A_1126 : memref<64xf32, #tpu.memory_space<hbm>>) target(%dma_start3A_1123 : memref<64xf32, #tpu.memory_space<vmem>>) target_semaphore(%arg17 : memref<!tpu.dma_semaphore, #tpu.memory_space<semaphore_mem>>)
        %slice3A_1127 = vector.extract_strided_slice %get3A_1108 {offsets = [1], sizes = [1], strides = [1]} : vector<16xi32> to vector<1xi32>
        %squeeze3A_1128 = vector.extract %slice3A_1127[0] : i32 from vector<1xi32>
        %mul3A_1129 = arith.constant 16 : i32
        %mul3A_1130 = arith.muli %scan3A_1104, %mul3A_1129 : i32
        %add3A_1131 = arith.constant 1 : i32
        %add3A_1132 = arith.addi %mul3A_1130, %add3A_1131 : i32
        %dma_start3A_1133 = arith.constant 0 : i32
        %dma_start3A_1134 = tpu.memref_slice %arg13[%add3A_1132, %dma_start3A_1133] : memref<640x64xf32, #tpu.memory_space<vmem>> -> memref<1x64xf32, #tpu.memory_space<vmem>>
        %dma_start3A_1135 = tpu.memref_squeeze %dma_start3A_1134 : memref<1x64xf32, #tpu.memory_space<vmem>> -> memref<64xf32, #tpu.memory_space<vmem>>
        %dma_start3A_1136 = arith.constant 0 : i32
        %dma_start3A_1137 = tpu.memref_slice %arg6[%squeeze3A_1128, %dma_start3A_1136] : memref<1000000x64xf32, #tpu.memory_space<hbm>> -> memref<1x64xf32, #tpu.memory_space<hbm>>
        %dma_start3A_1138 = tpu.memref_squeeze %dma_start3A_1137 : memref<1x64xf32, #tpu.memory_space<hbm>> -> memref<64xf32, #tpu.memory_space<hbm>>
        %dma_start3A_1139 = arith.constant 0 : i32
        %dma_start3A_1140 = tpu.memref_slice %arg13[%add3A_1132, %dma_start3A_1139] : memref<640x64xf32, #tpu.memory_space<vmem>> -> memref<1x64xf32, #tpu.memory_space<vmem>>
        %dma_start3A_1141 = tpu.memref_squeeze %dma_start3A_1140 : memref<1x64xf32, #tpu.memory_space<vmem>> -> memref<64xf32, #tpu.memory_space<vmem>>
        %dma_start3A_1142 = arith.constant 0 : i32
        %dma_start3A_1143 = tpu.memref_slice %arg6[%squeeze3A_1128, %dma_start3A_1142] : memref<1000000x64xf32, #tpu.memory_space<hbm>> -> memref<1x64xf32, #tpu.memory_space<hbm>>
        %dma_start3A_1144 = tpu.memref_squeeze %dma_start3A_1143 : memref<1x64xf32, #tpu.memory_space<hbm>> -> memref<64xf32, #tpu.memory_space<hbm>>
        tpu.enqueue_dma source(%dma_start3A_1144 : memref<64xf32, #tpu.memory_space<hbm>>) target(%dma_start3A_1141 : memref<64xf32, #tpu.memory_space<vmem>>) target_semaphore(%arg17 : memref<!tpu.dma_semaphore, #tpu.memory_space<semaphore_mem>>)
        %slice3A_1145 = vector.extract_strided_slice %get3A_1108 {offsets = [2], sizes = [1], strides = [1]} : vector<16xi32> to vector<1xi32>
        %squeeze3A_1146 = vector.extract %slice3A_1145[0] : i32 from vector<1xi32>
        %mul3A_1147 = arith.constant 16 : i32
        %mul3A_1148 = arith.muli %scan3A_1104, %mul3A_1147 : i32
        %add3A_1149 = arith.constant 2 : i32
        %add3A_1150 = arith.addi %mul3A_1148, %add3A_1149 : i32
        %dma_start3A_1151 = arith.constant 0 : i32
        %dma_start3A_1152 = tpu.memref_slice %arg13[%add3A_1150, %dma_start3A_1151] : memref<640x64xf32, #tpu.memory_space<vmem>> -> memref<1x64xf32, #tpu.memory_space<vmem>>
        %dma_start3A_1153 = tpu.memref_squeeze %dma_start3A_1152 : memref<1x64xf32, #tpu.memory_space<vmem>> -> memref<64xf32, #tpu.memory_space<vmem>>
        %dma_start3A_1154 = arith.constant 0 : i32
        %dma_start3A_1155 = tpu.memref_slice %arg6[%squeeze3A_1146, %dma_start3A_1154] : memref<1000000x64xf32, #tpu.memory_space<hbm>> -> memref<1x64xf32, #tpu.memory_space<hbm>>
        %dma_start3A_1156 = tpu.memref_squeeze %dma_start3A_1155 : memref<1x64xf32, #tpu.memory_space<hbm>> -> memref<64xf32, #tpu.memory_space<hbm>>
        %dma_start3A_1157 = arith.constant 0 : i32
        %dma_start3A_1158 = tpu.memref_slice %arg13[%add3A_1150, %dma_start3A_1157] : memref<640x64xf32, #tpu.memory_space<vmem>> -> memref<1x64xf32, #tpu.memory_space<vmem>>
        %dma_start3A_1159 = tpu.memref_squeeze %dma_start3A_1158 : memref<1x64xf32, #tpu.memory_space<vmem>> -> memref<64xf32, #tpu.memory_space<vmem>>
        %dma_start3A_1160 = arith.constant 0 : i32
        %dma_start3A_1161 = tpu.memref_slice %arg6[%squeeze3A_1146, %dma_start3A_1160] : memref<1000000x64xf32, #tpu.memory_space<hbm>> -> memref<1x64xf32, #tpu.memory_space<hbm>>
        %dma_start3A_1162 = tpu.memref_squeeze %dma_start3A_1161 : memref<1x64xf32, #tpu.memory_space<hbm>> -> memref<64xf32, #tpu.memory_space<hbm>>
        tpu.enqueue_dma source(%dma_start3A_1162 : memref<64xf32, #tpu.memory_space<hbm>>) target(%dma_start3A_1159 : memref<64xf32, #tpu.memory_space<vmem>>) target_semaphore(%arg17 : memref<!tpu.dma_semaphore, #tpu.memory_space<semaphore_mem>>)
        %slice3A_1163 = vector.extract_strided_slice %get3A_1108 {offsets = [3], sizes = [1], strides = [1]} : vector<16xi32> to vector<1xi32>
        %squeeze3A_1164 = vector.extract %slice3A_1163[0] : i32 from vector<1xi32>
        %mul3A_1165 = arith.constant 16 : i32
        %mul3A_1166 = arith.muli %scan3A_1104, %mul3A_1165 : i32
        %add3A_1167 = arith.constant 3 : i32
        %add3A_1168 = arith.addi %mul3A_1166, %add3A_1167 : i32
        %dma_start3A_1169 = arith.constant 0 : i32
        %dma_start3A_1170 = tpu.memref_slice %arg13[%add3A_1168, %dma_start3A_1169] : memref<640x64xf32, #tpu.memory_space<vmem>> -> memref<1x64xf32, #tpu.memory_space<vmem>>
        %dma_start3A_1171 = tpu.memref_squeeze %dma_start3A_1170 : memref<1x64xf32, #tpu.memory_space<vmem>> -> memref<64xf32, #tpu.memory_space<vmem>>
        %dma_start3A_1172 = arith.constant 0 : i32
        %dma_start3A_1173 = tpu.memref_slice %arg6[%squeeze3A_1164, %dma_start3A_1172] : memref<1000000x64xf32, #tpu.memory_space<hbm>> -> memref<1x64xf32, #tpu.memory_space<hbm>>
        %dma_start3A_1174 = tpu.memref_squeeze %dma_start3A_1173 : memref<1x64xf32, #tpu.memory_space<hbm>> -> memref<64xf32, #tpu.memory_space<hbm>>
        %dma_start3A_1175 = arith.constant 0 : i32
        %dma_start3A_1176 = tpu.memref_slice %arg13[%add3A_1168, %dma_start3A_1175] : memref<640x64xf32, #tpu.memory_space<vmem>> -> memref<1x64xf32, #tpu.memory_space<vmem>>
        %dma_start3A_1177 = tpu.memref_squeeze %dma_start3A_1176 : memref<1x64xf32, #tpu.memory_space<vmem>> -> memref<64xf32, #tpu.memory_space<vmem>>
        %dma_start3A_1178 = arith.constant 0 : i32
        %dma_start3A_1179 = tpu.memref_slice %arg6[%squeeze3A_1164, %dma_start3A_1178] : memref<1000000x64xf32, #tpu.memory_space<hbm>> -> memref<1x64xf32, #tpu.memory_space<hbm>>
        %dma_start3A_1180 = tpu.memref_squeeze %dma_start3A_1179 : memref<1x64xf32, #tpu.memory_space<hbm>> -> memref<64xf32, #tpu.memory_space<hbm>>
        tpu.enqueue_dma source(%dma_start3A_1180 : memref<64xf32, #tpu.memory_space<hbm>>) target(%dma_start3A_1177 : memref<64xf32, #tpu.memory_space<vmem>>) target_semaphore(%arg17 : memref<!tpu.dma_semaphore, #tpu.memory_space<semaphore_mem>>)
        %slice3A_1181 = vector.extract_strided_slice %get3A_1108 {offsets = [4], sizes = [1], strides = [1]} : vector<16xi32> to vector<1xi32>
        %squeeze3A_1182 = vector.extract %slice3A_1181[0] : i32 from vector<1xi32>
        %mul3A_1183 = arith.constant 16 : i32
        %mul3A_1184 = arith.muli %scan3A_1104, %mul3A_1183 : i32
        %add3A_1185 = arith.constant 4 : i32
        %add3A_1186 = arith.addi %mul3A_1184, %add3A_1185 : i32
        %dma_start3A_1187 = arith.constant 0 : i32
        %dma_start3A_1188 = tpu.memref_slice %arg13[%add3A_1186, %dma_start3A_1187] : memref<640x64xf32, #tpu.memory_space<vmem>> -> memref<1x64xf32, #tpu.memory_space<vmem>>
        %dma_start3A_1189 = tpu.memref_squeeze %dma_start3A_1188 : memref<1x64xf32, #tpu.memory_space<vmem>> -> memref<64xf32, #tpu.memory_space<vmem>>
        %dma_start3A_1190 = arith.constant 0 : i32
        %dma_start3A_1191 = tpu.memref_slice %arg6[%squeeze3A_1182, %dma_start3A_1190] : memref<1000000x64xf32, #tpu.memory_space<hbm>> -> memref<1x64xf32, #tpu.memory_space<hbm>>
        %dma_start3A_1192 = tpu.memref_squeeze %dma_start3A_1191 : memref<1x64xf32, #tpu.memory_space<hbm>> -> memref<64xf32, #tpu.memory_space<hbm>>
        %dma_start3A_1193 = arith.constant 0 : i32
        %dma_start3A_1194 = tpu.memref_slice %arg13[%add3A_1186, %dma_start3A_1193] : memref<640x64xf32, #tpu.memory_space<vmem>> -> memref<1x64xf32, #tpu.memory_space<vmem>>
        %dma_start3A_1195 = tpu.memref_squeeze %dma_start3A_1194 : memref<1x64xf32, #tpu.memory_space<vmem>> -> memref<64xf32, #tpu.memory_space<vmem>>
        %dma_start3A_1196 = arith.constant 0 : i32
        %dma_start3A_1197 = tpu.memref_slice %arg6[%squeeze3A_1182, %dma_start3A_1196] : memref<1000000x64xf32, #tpu.memory_space<hbm>> -> memref<1x64xf32, #tpu.memory_space<hbm>>
        %dma_start3A_1198 = tpu.memref_squeeze %dma_start3A_1197 : memref<1x64xf32, #tpu.memory_space<hbm>> -> memref<64xf32, #tpu.memory_space<hbm>>
        tpu.enqueue_dma source(%dma_start3A_1198 : memref<64xf32, #tpu.memory_space<hbm>>) target(%dma_start3A_1195 : memref<64xf32, #tpu.memory_space<vmem>>) target_semaphore(%arg17 : memref<!tpu.dma_semaphore, #tpu.memory_space<semaphore_mem>>)
        %slice3A_1199 = vector.extract_strided_slice %get3A_1108 {offsets = [5], sizes = [1], strides = [1]} : vector<16xi32> to vector<1xi32>
        %squeeze3A_1200 = vector.extract %slice3A_1199[0] : i32 from vector<1xi32>
        %mul3A_1201 = arith.constant 16 : i32
        %mul3A_1202 = arith.muli %scan3A_1104, %mul3A_1201 : i32
        %add3A_1203 = arith.constant 5 : i32
        %add3A_1204 = arith.addi %mul3A_1202, %add3A_1203 : i32
        %dma_start3A_1205 = arith.constant 0 : i32
        %dma_start3A_1206 = tpu.memref_slice %arg13[%add3A_1204, %dma_start3A_1205] : memref<640x64xf32, #tpu.memory_space<vmem>> -> memref<1x64xf32, #tpu.memory_space<vmem>>
        %dma_start3A_1207 = tpu.memref_squeeze %dma_start3A_1206 : memref<1x64xf32, #tpu.memory_space<vmem>> -> memref<64xf32, #tpu.memory_space<vmem>>
        %dma_start3A_1208 = arith.constant 0 : i32
        %dma_start3A_1209 = tpu.memref_slice %arg6[%squeeze3A_1200, %dma_start3A_1208] : memref<1000000x64xf32, #tpu.memory_space<hbm>> -> memref<1x64xf32, #tpu.memory_space<hbm>>
        %dma_start3A_1210 = tpu.memref_squeeze %dma_start3A_1209 : memref<1x64xf32, #tpu.memory_space<hbm>> -> memref<64xf32, #tpu.memory_space<hbm>>
        %dma_start3A_1211 = arith.constant 0 : i32
        %dma_start3A_1212 = tpu.memref_slice %arg13[%add3A_1204, %dma_start3A_1211] : memref<640x64xf32, #tpu.memory_space<vmem>> -> memref<1x64xf32, #tpu.memory_space<vmem>>
        %dma_start3A_1213 = tpu.memref_squeeze %dma_start3A_1212 : memref<1x64xf32, #tpu.memory_space<vmem>> -> memref<64xf32, #tpu.memory_space<vmem>>
        %dma_start3A_1214 = arith.constant 0 : i32
        %dma_start3A_1215 = tpu.memref_slice %arg6[%squeeze3A_1200, %dma_start3A_1214] : memref<1000000x64xf32, #tpu.memory_space<hbm>> -> memref<1x64xf32, #tpu.memory_space<hbm>>
        %dma_start3A_1216 = tpu.memref_squeeze %dma_start3A_1215 : memref<1x64xf32, #tpu.memory_space<hbm>> -> memref<64xf32, #tpu.memory_space<hbm>>
        tpu.enqueue_dma source(%dma_start3A_1216 : memref<64xf32, #tpu.memory_space<hbm>>) target(%dma_start3A_1213 : memref<64xf32, #tpu.memory_space<vmem>>) target_semaphore(%arg17 : memref<!tpu.dma_semaphore, #tpu.memory_space<semaphore_mem>>)
        %slice3A_1217 = vector.extract_strided_slice %get3A_1108 {offsets = [6], sizes = [1], strides = [1]} : vector<16xi32> to vector<1xi32>
        %squeeze3A_1218 = vector.extract %slice3A_1217[0] : i32 from vector<1xi32>
        %mul3A_1219 = arith.constant 16 : i32
        %mul3A_1220 = arith.muli %scan3A_1104, %mul3A_1219 : i32
        %add3A_1221 = arith.constant 6 : i32
        %add3A_1222 = arith.addi %mul3A_1220, %add3A_1221 : i32
        %dma_start3A_1223 = arith.constant 0 : i32
        %dma_start3A_1224 = tpu.memref_slice %arg13[%add3A_1222, %dma_start3A_1223] : memref<640x64xf32, #tpu.memory_space<vmem>> -> memref<1x64xf32, #tpu.memory_space<vmem>>
        %dma_start3A_1225 = tpu.memref_squeeze %dma_start3A_1224 : memref<1x64xf32, #tpu.memory_space<vmem>> -> memref<64xf32, #tpu.memory_space<vmem>>
        %dma_start3A_1226 = arith.constant 0 : i32
        %dma_start3A_1227 = tpu.memref_slice %arg6[%squeeze3A_1218, %dma_start3A_1226] : memref<1000000x64xf32, #tpu.memory_space<hbm>> -> memref<1x64xf32, #tpu.memory_space<hbm>>
        %dma_start3A_1228 = tpu.memref_squeeze %dma_start3A_1227 : memref<1x64xf32, #tpu.memory_space<hbm>> -> memref<64xf32, #tpu.memory_space<hbm>>
        %dma_start3A_1229 = arith.constant 0 : i32
        %dma_start3A_1230 = tpu.memref_slice %arg13[%add3A_1222, %dma_start3A_1229] : memref<640x64xf32, #tpu.memory_space<vmem>> -> memref<1x64xf32, #tpu.memory_space<vmem>>
        %dma_start3A_1231 = tpu.memref_squeeze %dma_start3A_1230 : memref<1x64xf32, #tpu.memory_space<vmem>> -> memref<64xf32, #tpu.memory_space<vmem>>
        %dma_start3A_1232 = arith.constant 0 : i32
        %dma_start3A_1233 = tpu.memref_slice %arg6[%squeeze3A_1218, %dma_start3A_1232] : memref<1000000x64xf32, #tpu.memory_space<hbm>> -> memref<1x64xf32, #tpu.memory_space<hbm>>
        %dma_start3A_1234 = tpu.memref_squeeze %dma_start3A_1233 : memref<1x64xf32, #tpu.memory_space<hbm>> -> memref<64xf32, #tpu.memory_space<hbm>>
        tpu.enqueue_dma source(%dma_start3A_1234 : memref<64xf32, #tpu.memory_space<hbm>>) target(%dma_start3A_1231 : memref<64xf32, #tpu.memory_space<vmem>>) target_semaphore(%arg17 : memref<!tpu.dma_semaphore, #tpu.memory_space<semaphore_mem>>)
        %slice3A_1235 = vector.extract_strided_slice %get3A_1108 {offsets = [7], sizes = [1], strides = [1]} : vector<16xi32> to vector<1xi32>
        %squeeze3A_1236 = vector.extract %slice3A_1235[0] : i32 from vector<1xi32>
        %mul3A_1237 = arith.constant 16 : i32
        %mul3A_1238 = arith.muli %scan3A_1104, %mul3A_1237 : i32
        %add3A_1239 = arith.constant 7 : i32
        %add3A_1240 = arith.addi %mul3A_1238, %add3A_1239 : i32
        %dma_start3A_1241 = arith.constant 0 : i32
        %dma_start3A_1242 = tpu.memref_slice %arg13[%add3A_1240, %dma_start3A_1241] : memref<640x64xf32, #tpu.memory_space<vmem>> -> memref<1x64xf32, #tpu.memory_space<vmem>>
        %dma_start3A_1243 = tpu.memref_squeeze %dma_start3A_1242 : memref<1x64xf32, #tpu.memory_space<vmem>> -> memref<64xf32, #tpu.memory_space<vmem>>
        %dma_start3A_1244 = arith.constant 0 : i32
        %dma_start3A_1245 = tpu.memref_slice %arg6[%squeeze3A_1236, %dma_start3A_1244] : memref<1000000x64xf32, #tpu.memory_space<hbm>> -> memref<1x64xf32, #tpu.memory_space<hbm>>
        %dma_start3A_1246 = tpu.memref_squeeze %dma_start3A_1245 : memref<1x64xf32, #tpu.memory_space<hbm>> -> memref<64xf32, #tpu.memory_space<hbm>>
        %dma_start3A_1247 = arith.constant 0 : i32
        %dma_start3A_1248 = tpu.memref_slice %arg13[%add3A_1240, %dma_start3A_1247] : memref<640x64xf32, #tpu.memory_space<vmem>> -> memref<1x64xf32, #tpu.memory_space<vmem>>
        %dma_start3A_1249 = tpu.memref_squeeze %dma_start3A_1248 : memref<1x64xf32, #tpu.memory_space<vmem>> -> memref<64xf32, #tpu.memory_space<vmem>>
        %dma_start3A_1250 = arith.constant 0 : i32
        %dma_start3A_1251 = tpu.memref_slice %arg6[%squeeze3A_1236, %dma_start3A_1250] : memref<1000000x64xf32, #tpu.memory_space<hbm>> -> memref<1x64xf32, #tpu.memory_space<hbm>>
        %dma_start3A_1252 = tpu.memref_squeeze %dma_start3A_1251 : memref<1x64xf32, #tpu.memory_space<hbm>> -> memref<64xf32, #tpu.memory_space<hbm>>
        tpu.enqueue_dma source(%dma_start3A_1252 : memref<64xf32, #tpu.memory_space<hbm>>) target(%dma_start3A_1249 : memref<64xf32, #tpu.memory_space<vmem>>) target_semaphore(%arg17 : memref<!tpu.dma_semaphore, #tpu.memory_space<semaphore_mem>>)
        %slice3A_1253 = vector.extract_strided_slice %get3A_1108 {offsets = [8], sizes = [1], strides = [1]} : vector<16xi32> to vector<1xi32>
        %squeeze3A_1254 = vector.extract %slice3A_1253[0] : i32 from vector<1xi32>
        %mul3A_1255 = arith.constant 16 : i32
        %mul3A_1256 = arith.muli %scan3A_1104, %mul3A_1255 : i32
        %add3A_1257 = arith.constant 8 : i32
        %add3A_1258 = arith.addi %mul3A_1256, %add3A_1257 : i32
        %dma_start3A_1259 = arith.constant 0 : i32
        %dma_start3A_1260 = tpu.memref_slice %arg13[%add3A_1258, %dma_start3A_1259] : memref<640x64xf32, #tpu.memory_space<vmem>> -> memref<1x64xf32, #tpu.memory_space<vmem>>
        %dma_start3A_1261 = tpu.memref_squeeze %dma_start3A_1260 : memref<1x64xf32, #tpu.memory_space<vmem>> -> memref<64xf32, #tpu.memory_space<vmem>>
        %dma_start3A_1262 = arith.constant 0 : i32
        %dma_start3A_1263 = tpu.memref_slice %arg6[%squeeze3A_1254, %dma_start3A_1262] : memref<1000000x64xf32, #tpu.memory_space<hbm>> -> memref<1x64xf32, #tpu.memory_space<hbm>>
        %dma_start3A_1264 = tpu.memref_squeeze %dma_start3A_1263 : memref<1x64xf32, #tpu.memory_space<hbm>> -> memref<64xf32, #tpu.memory_space<hbm>>
        %dma_start3A_1265 = arith.constant 0 : i32
        %dma_start3A_1266 = tpu.memref_slice %arg13[%add3A_1258, %dma_start3A_1265] : memref<640x64xf32, #tpu.memory_space<vmem>> -> memref<1x64xf32, #tpu.memory_space<vmem>>
        %dma_start3A_1267 = tpu.memref_squeeze %dma_start3A_1266 : memref<1x64xf32, #tpu.memory_space<vmem>> -> memref<64xf32, #tpu.memory_space<vmem>>
        %dma_start3A_1268 = arith.constant 0 : i32
        %dma_start3A_1269 = tpu.memref_slice %arg6[%squeeze3A_1254, %dma_start3A_1268] : memref<1000000x64xf32, #tpu.memory_space<hbm>> -> memref<1x64xf32, #tpu.memory_space<hbm>>
        %dma_start3A_1270 = tpu.memref_squeeze %dma_start3A_1269 : memref<1x64xf32, #tpu.memory_space<hbm>> -> memref<64xf32, #tpu.memory_space<hbm>>
        tpu.enqueue_dma source(%dma_start3A_1270 : memref<64xf32, #tpu.memory_space<hbm>>) target(%dma_start3A_1267 : memref<64xf32, #tpu.memory_space<vmem>>) target_semaphore(%arg17 : memref<!tpu.dma_semaphore, #tpu.memory_space<semaphore_mem>>)
        %slice3A_1271 = vector.extract_strided_slice %get3A_1108 {offsets = [9], sizes = [1], strides = [1]} : vector<16xi32> to vector<1xi32>
        %squeeze3A_1272 = vector.extract %slice3A_1271[0] : i32 from vector<1xi32>
        %mul3A_1273 = arith.constant 16 : i32
        %mul3A_1274 = arith.muli %scan3A_1104, %mul3A_1273 : i32
        %add3A_1275 = arith.constant 9 : i32
        %add3A_1276 = arith.addi %mul3A_1274, %add3A_1275 : i32
        %dma_start3A_1277 = arith.constant 0 : i32
        %dma_start3A_1278 = tpu.memref_slice %arg13[%add3A_1276, %dma_start3A_1277] : memref<640x64xf32, #tpu.memory_space<vmem>> -> memref<1x64xf32, #tpu.memory_space<vmem>>
        %dma_start3A_1279 = tpu.memref_squeeze %dma_start3A_1278 : memref<1x64xf32, #tpu.memory_space<vmem>> -> memref<64xf32, #tpu.memory_space<vmem>>
        %dma_start3A_1280 = arith.constant 0 : i32
        %dma_start3A_1281 = tpu.memref_slice %arg6[%squeeze3A_1272, %dma_start3A_1280] : memref<1000000x64xf32, #tpu.memory_space<hbm>> -> memref<1x64xf32, #tpu.memory_space<hbm>>
        %dma_start3A_1282 = tpu.memref_squeeze %dma_start3A_1281 : memref<1x64xf32, #tpu.memory_space<hbm>> -> memref<64xf32, #tpu.memory_space<hbm>>
        %dma_start3A_1283 = arith.constant 0 : i32
        %dma_start3A_1284 = tpu.memref_slice %arg13[%add3A_1276, %dma_start3A_1283] : memref<640x64xf32, #tpu.memory_space<vmem>> -> memref<1x64xf32, #tpu.memory_space<vmem>>
        %dma_start3A_1285 = tpu.memref_squeeze %dma_start3A_1284 : memref<1x64xf32, #tpu.memory_space<vmem>> -> memref<64xf32, #tpu.memory_space<vmem>>
        %dma_start3A_1286 = arith.constant 0 : i32
        %dma_start3A_1287 = tpu.memref_slice %arg6[%squeeze3A_1272, %dma_start3A_1286] : memref<1000000x64xf32, #tpu.memory_space<hbm>> -> memref<1x64xf32, #tpu.memory_space<hbm>>
        %dma_start3A_1288 = tpu.memref_squeeze %dma_start3A_1287 : memref<1x64xf32, #tpu.memory_space<hbm>> -> memref<64xf32, #tpu.memory_space<hbm>>
        tpu.enqueue_dma source(%dma_start3A_1288 : memref<64xf32, #tpu.memory_space<hbm>>) target(%dma_start3A_1285 : memref<64xf32, #tpu.memory_space<vmem>>) target_semaphore(%arg17 : memref<!tpu.dma_semaphore, #tpu.memory_space<semaphore_mem>>)
        %slice3A_1289 = vector.extract_strided_slice %get3A_1108 {offsets = [10], sizes = [1], strides = [1]} : vector<16xi32> to vector<1xi32>
        %squeeze3A_1290 = vector.extract %slice3A_1289[0] : i32 from vector<1xi32>
        %mul3A_1291 = arith.constant 16 : i32
        %mul3A_1292 = arith.muli %scan3A_1104, %mul3A_1291 : i32
        %add3A_1293 = arith.constant 10 : i32
        %add3A_1294 = arith.addi %mul3A_1292, %add3A_1293 : i32
        %dma_start3A_1295 = arith.constant 0 : i32
        %dma_start3A_1296 = tpu.memref_slice %arg13[%add3A_1294, %dma_start3A_1295] : memref<640x64xf32, #tpu.memory_space<vmem>> -> memref<1x64xf32, #tpu.memory_space<vmem>>
        %dma_start3A_1297 = tpu.memref_squeeze %dma_start3A_1296 : memref<1x64xf32, #tpu.memory_space<vmem>> -> memref<64xf32, #tpu.memory_space<vmem>>
        %dma_start3A_1298 = arith.constant 0 : i32
        %dma_start3A_1299 = tpu.memref_slice %arg6[%squeeze3A_1290, %dma_start3A_1298] : memref<1000000x64xf32, #tpu.memory_space<hbm>> -> memref<1x64xf32, #tpu.memory_space<hbm>>
        %dma_start3A_1300 = tpu.memref_squeeze %dma_start3A_1299 : memref<1x64xf32, #tpu.memory_space<hbm>> -> memref<64xf32, #tpu.memory_space<hbm>>
        %dma_start3A_1301 = arith.constant 0 : i32
        %dma_start3A_1302 = tpu.memref_slice %arg13[%add3A_1294, %dma_start3A_1301] : memref<640x64xf32, #tpu.memory_space<vmem>> -> memref<1x64xf32, #tpu.memory_space<vmem>>
        %dma_start3A_1303 = tpu.memref_squeeze %dma_start3A_1302 : memref<1x64xf32, #tpu.memory_space<vmem>> -> memref<64xf32, #tpu.memory_space<vmem>>
        %dma_start3A_1304 = arith.constant 0 : i32
        %dma_start3A_1305 = tpu.memref_slice %arg6[%squeeze3A_1290, %dma_start3A_1304] : memref<1000000x64xf32, #tpu.memory_space<hbm>> -> memref<1x64xf32, #tpu.memory_space<hbm>>
        %dma_start3A_1306 = tpu.memref_squeeze %dma_start3A_1305 : memref<1x64xf32, #tpu.memory_space<hbm>> -> memref<64xf32, #tpu.memory_space<hbm>>
        tpu.enqueue_dma source(%dma_start3A_1306 : memref<64xf32, #tpu.memory_space<hbm>>) target(%dma_start3A_1303 : memref<64xf32, #tpu.memory_space<vmem>>) target_semaphore(%arg17 : memref<!tpu.dma_semaphore, #tpu.memory_space<semaphore_mem>>)
        %slice3A_1307 = vector.extract_strided_slice %get3A_1108 {offsets = [11], sizes = [1], strides = [1]} : vector<16xi32> to vector<1xi32>
        %squeeze3A_1308 = vector.extract %slice3A_1307[0] : i32 from vector<1xi32>
        %mul3A_1309 = arith.constant 16 : i32
        %mul3A_1310 = arith.muli %scan3A_1104, %mul3A_1309 : i32
        %add3A_1311 = arith.constant 11 : i32
        %add3A_1312 = arith.addi %mul3A_1310, %add3A_1311 : i32
        %dma_start3A_1313 = arith.constant 0 : i32
        %dma_start3A_1314 = tpu.memref_slice %arg13[%add3A_1312, %dma_start3A_1313] : memref<640x64xf32, #tpu.memory_space<vmem>> -> memref<1x64xf32, #tpu.memory_space<vmem>>
        %dma_start3A_1315 = tpu.memref_squeeze %dma_start3A_1314 : memref<1x64xf32, #tpu.memory_space<vmem>> -> memref<64xf32, #tpu.memory_space<vmem>>
        %dma_start3A_1316 = arith.constant 0 : i32
        %dma_start3A_1317 = tpu.memref_slice %arg6[%squeeze3A_1308, %dma_start3A_1316] : memref<1000000x64xf32, #tpu.memory_space<hbm>> -> memref<1x64xf32, #tpu.memory_space<hbm>>
        %dma_start3A_1318 = tpu.memref_squeeze %dma_start3A_1317 : memref<1x64xf32, #tpu.memory_space<hbm>> -> memref<64xf32, #tpu.memory_space<hbm>>
        %dma_start3A_1319 = arith.constant 0 : i32
        %dma_start3A_1320 = tpu.memref_slice %arg13[%add3A_1312, %dma_start3A_1319] : memref<640x64xf32, #tpu.memory_space<vmem>> -> memref<1x64xf32, #tpu.memory_space<vmem>>
        %dma_start3A_1321 = tpu.memref_squeeze %dma_start3A_1320 : memref<1x64xf32, #tpu.memory_space<vmem>> -> memref<64xf32, #tpu.memory_space<vmem>>
        %dma_start3A_1322 = arith.constant 0 : i32
        %dma_start3A_1323 = tpu.memref_slice %arg6[%squeeze3A_1308, %dma_start3A_1322] : memref<1000000x64xf32, #tpu.memory_space<hbm>> -> memref<1x64xf32, #tpu.memory_space<hbm>>
        %dma_start3A_1324 = tpu.memref_squeeze %dma_start3A_1323 : memref<1x64xf32, #tpu.memory_space<hbm>> -> memref<64xf32, #tpu.memory_space<hbm>>
        tpu.enqueue_dma source(%dma_start3A_1324 : memref<64xf32, #tpu.memory_space<hbm>>) target(%dma_start3A_1321 : memref<64xf32, #tpu.memory_space<vmem>>) target_semaphore(%arg17 : memref<!tpu.dma_semaphore, #tpu.memory_space<semaphore_mem>>)
        %slice3A_1325 = vector.extract_strided_slice %get3A_1108 {offsets = [12], sizes = [1], strides = [1]} : vector<16xi32> to vector<1xi32>
        %squeeze3A_1326 = vector.extract %slice3A_1325[0] : i32 from vector<1xi32>
        %mul3A_1327 = arith.constant 16 : i32
        %mul3A_1328 = arith.muli %scan3A_1104, %mul3A_1327 : i32
        %add3A_1329 = arith.constant 12 : i32
        %add3A_1330 = arith.addi %mul3A_1328, %add3A_1329 : i32
        %dma_start3A_1331 = arith.constant 0 : i32
        %dma_start3A_1332 = tpu.memref_slice %arg13[%add3A_1330, %dma_start3A_1331] : memref<640x64xf32, #tpu.memory_space<vmem>> -> memref<1x64xf32, #tpu.memory_space<vmem>>
        %dma_start3A_1333 = tpu.memref_squeeze %dma_start3A_1332 : memref<1x64xf32, #tpu.memory_space<vmem>> -> memref<64xf32, #tpu.memory_space<vmem>>
        %dma_start3A_1334 = arith.constant 0 : i32
        %dma_start3A_1335 = tpu.memref_slice %arg6[%squeeze3A_1326, %dma_start3A_1334] : memref<1000000x64xf32, #tpu.memory_space<hbm>> -> memref<1x64xf32, #tpu.memory_space<hbm>>
        %dma_start3A_1336 = tpu.memref_squeeze %dma_start3A_1335 : memref<1x64xf32, #tpu.memory_space<hbm>> -> memref<64xf32, #tpu.memory_space<hbm>>
        %dma_start3A_1337 = arith.constant 0 : i32
        %dma_start3A_1338 = tpu.memref_slice %arg13[%add3A_1330, %dma_start3A_1337] : memref<640x64xf32, #tpu.memory_space<vmem>> -> memref<1x64xf32, #tpu.memory_space<vmem>>
        %dma_start3A_1339 = tpu.memref_squeeze %dma_start3A_1338 : memref<1x64xf32, #tpu.memory_space<vmem>> -> memref<64xf32, #tpu.memory_space<vmem>>
        %dma_start3A_1340 = arith.constant 0 : i32
        %dma_start3A_1341 = tpu.memref_slice %arg6[%squeeze3A_1326, %dma_start3A_1340] : memref<1000000x64xf32, #tpu.memory_space<hbm>> -> memref<1x64xf32, #tpu.memory_space<hbm>>
        %dma_start3A_1342 = tpu.memref_squeeze %dma_start3A_1341 : memref<1x64xf32, #tpu.memory_space<hbm>> -> memref<64xf32, #tpu.memory_space<hbm>>
        tpu.enqueue_dma source(%dma_start3A_1342 : memref<64xf32, #tpu.memory_space<hbm>>) target(%dma_start3A_1339 : memref<64xf32, #tpu.memory_space<vmem>>) target_semaphore(%arg17 : memref<!tpu.dma_semaphore, #tpu.memory_space<semaphore_mem>>)
        %slice3A_1343 = vector.extract_strided_slice %get3A_1108 {offsets = [13], sizes = [1], strides = [1]} : vector<16xi32> to vector<1xi32>
        %squeeze3A_1344 = vector.extract %slice3A_1343[0] : i32 from vector<1xi32>
        %mul3A_1345 = arith.constant 16 : i32
        %mul3A_1346 = arith.muli %scan3A_1104, %mul3A_1345 : i32
        %add3A_1347 = arith.constant 13 : i32
        %add3A_1348 = arith.addi %mul3A_1346, %add3A_1347 : i32
        %dma_start3A_1349 = arith.constant 0 : i32
        %dma_start3A_1350 = tpu.memref_slice %arg13[%add3A_1348, %dma_start3A_1349] : memref<640x64xf32, #tpu.memory_space<vmem>> -> memref<1x64xf32, #tpu.memory_space<vmem>>
        %dma_start3A_1351 = tpu.memref_squeeze %dma_start3A_1350 : memref<1x64xf32, #tpu.memory_space<vmem>> -> memref<64xf32, #tpu.memory_space<vmem>>
        %dma_start3A_1352 = arith.constant 0 : i32
        %dma_start3A_1353 = tpu.memref_slice %arg6[%squeeze3A_1344, %dma_start3A_1352] : memref<1000000x64xf32, #tpu.memory_space<hbm>> -> memref<1x64xf32, #tpu.memory_space<hbm>>
        %dma_start3A_1354 = tpu.memref_squeeze %dma_start3A_1353 : memref<1x64xf32, #tpu.memory_space<hbm>> -> memref<64xf32, #tpu.memory_space<hbm>>
        %dma_start3A_1355 = arith.constant 0 : i32
        %dma_start3A_1356 = tpu.memref_slice %arg13[%add3A_1348, %dma_start3A_1355] : memref<640x64xf32, #tpu.memory_space<vmem>> -> memref<1x64xf32, #tpu.memory_space<vmem>>
        %dma_start3A_1357 = tpu.memref_squeeze %dma_start3A_1356 : memref<1x64xf32, #tpu.memory_space<vmem>> -> memref<64xf32, #tpu.memory_space<vmem>>
        %dma_start3A_1358 = arith.constant 0 : i32
        %dma_start3A_1359 = tpu.memref_slice %arg6[%squeeze3A_1344, %dma_start3A_1358] : memref<1000000x64xf32, #tpu.memory_space<hbm>> -> memref<1x64xf32, #tpu.memory_space<hbm>>
        %dma_start3A_1360 = tpu.memref_squeeze %dma_start3A_1359 : memref<1x64xf32, #tpu.memory_space<hbm>> -> memref<64xf32, #tpu.memory_space<hbm>>
        tpu.enqueue_dma source(%dma_start3A_1360 : memref<64xf32, #tpu.memory_space<hbm>>) target(%dma_start3A_1357 : memref<64xf32, #tpu.memory_space<vmem>>) target_semaphore(%arg17 : memref<!tpu.dma_semaphore, #tpu.memory_space<semaphore_mem>>)
        %slice3A_1361 = vector.extract_strided_slice %get3A_1108 {offsets = [14], sizes = [1], strides = [1]} : vector<16xi32> to vector<1xi32>
        %squeeze3A_1362 = vector.extract %slice3A_1361[0] : i32 from vector<1xi32>
        %mul3A_1363 = arith.constant 16 : i32
        %mul3A_1364 = arith.muli %scan3A_1104, %mul3A_1363 : i32
        %add3A_1365 = arith.constant 14 : i32
        %add3A_1366 = arith.addi %mul3A_1364, %add3A_1365 : i32
        %dma_start3A_1367 = arith.constant 0 : i32
        %dma_start3A_1368 = tpu.memref_slice %arg13[%add3A_1366, %dma_start3A_1367] : memref<640x64xf32, #tpu.memory_space<vmem>> -> memref<1x64xf32, #tpu.memory_space<vmem>>
        %dma_start3A_1369 = tpu.memref_squeeze %dma_start3A_1368 : memref<1x64xf32, #tpu.memory_space<vmem>> -> memref<64xf32, #tpu.memory_space<vmem>>
        %dma_start3A_1370 = arith.constant 0 : i32
        %dma_start3A_1371 = tpu.memref_slice %arg6[%squeeze3A_1362, %dma_start3A_1370] : memref<1000000x64xf32, #tpu.memory_space<hbm>> -> memref<1x64xf32, #tpu.memory_space<hbm>>
        %dma_start3A_1372 = tpu.memref_squeeze %dma_start3A_1371 : memref<1x64xf32, #tpu.memory_space<hbm>> -> memref<64xf32, #tpu.memory_space<hbm>>
        %dma_start3A_1373 = arith.constant 0 : i32
        %dma_start3A_1374 = tpu.memref_slice %arg13[%add3A_1366, %dma_start3A_1373] : memref<640x64xf32, #tpu.memory_space<vmem>> -> memref<1x64xf32, #tpu.memory_space<vmem>>
        %dma_start3A_1375 = tpu.memref_squeeze %dma_start3A_1374 : memref<1x64xf32, #tpu.memory_space<vmem>> -> memref<64xf32, #tpu.memory_space<vmem>>
        %dma_start3A_1376 = arith.constant 0 : i32
        %dma_start3A_1377 = tpu.memref_slice %arg6[%squeeze3A_1362, %dma_start3A_1376] : memref<1000000x64xf32, #tpu.memory_space<hbm>> -> memref<1x64xf32, #tpu.memory_space<hbm>>
        %dma_start3A_1378 = tpu.memref_squeeze %dma_start3A_1377 : memref<1x64xf32, #tpu.memory_space<hbm>> -> memref<64xf32, #tpu.memory_space<hbm>>
        tpu.enqueue_dma source(%dma_start3A_1378 : memref<64xf32, #tpu.memory_space<hbm>>) target(%dma_start3A_1375 : memref<64xf32, #tpu.memory_space<vmem>>) target_semaphore(%arg17 : memref<!tpu.dma_semaphore, #tpu.memory_space<semaphore_mem>>)
        %slice3A_1379 = vector.extract_strided_slice %get3A_1108 {offsets = [15], sizes = [1], strides = [1]} : vector<16xi32> to vector<1xi32>
        %squeeze3A_1380 = vector.extract %slice3A_1379[0] : i32 from vector<1xi32>
        %mul3A_1381 = arith.constant 16 : i32
        %mul3A_1382 = arith.muli %scan3A_1104, %mul3A_1381 : i32
        %add3A_1383 = arith.constant 15 : i32
        %add3A_1384 = arith.addi %mul3A_1382, %add3A_1383 : i32
        %dma_start3A_1385 = arith.constant 0 : i32
        %dma_start3A_1386 = tpu.memref_slice %arg13[%add3A_1384, %dma_start3A_1385] : memref<640x64xf32, #tpu.memory_space<vmem>> -> memref<1x64xf32, #tpu.memory_space<vmem>>
        %dma_start3A_1387 = tpu.memref_squeeze %dma_start3A_1386 : memref<1x64xf32, #tpu.memory_space<vmem>> -> memref<64xf32, #tpu.memory_space<vmem>>
        %dma_start3A_1388 = arith.constant 0 : i32
        %dma_start3A_1389 = tpu.memref_slice %arg6[%squeeze3A_1380, %dma_start3A_1388] : memref<1000000x64xf32, #tpu.memory_space<hbm>> -> memref<1x64xf32, #tpu.memory_space<hbm>>
        %dma_start3A_1390 = tpu.memref_squeeze %dma_start3A_1389 : memref<1x64xf32, #tpu.memory_space<hbm>> -> memref<64xf32, #tpu.memory_space<hbm>>
        %dma_start3A_1391 = arith.constant 0 : i32
        %dma_start3A_1392 = tpu.memref_slice %arg13[%add3A_1384, %dma_start3A_1391] : memref<640x64xf32, #tpu.memory_space<vmem>> -> memref<1x64xf32, #tpu.memory_space<vmem>>
        %dma_start3A_1393 = tpu.memref_squeeze %dma_start3A_1392 : memref<1x64xf32, #tpu.memory_space<vmem>> -> memref<64xf32, #tpu.memory_space<vmem>>
        %dma_start3A_1394 = arith.constant 0 : i32
        %dma_start3A_1395 = tpu.memref_slice %arg6[%squeeze3A_1380, %dma_start3A_1394] : memref<1000000x64xf32, #tpu.memory_space<hbm>> -> memref<1x64xf32, #tpu.memory_space<hbm>>
        %dma_start3A_1396 = tpu.memref_squeeze %dma_start3A_1395 : memref<1x64xf32, #tpu.memory_space<hbm>> -> memref<64xf32, #tpu.memory_space<hbm>>
        tpu.enqueue_dma source(%dma_start3A_1396 : memref<64xf32, #tpu.memory_space<hbm>>) target(%dma_start3A_1393 : memref<64xf32, #tpu.memory_space<vmem>>) target_semaphore(%arg17 : memref<!tpu.dma_semaphore, #tpu.memory_space<semaphore_mem>>)
      }
      %scan3A_983 = arith.constant 40 : i32
      %dma_wait3A = arith.constant 0 : i32
      %dma_wait3A_984 = arith.constant 0 : i32
      %dma_wait3A_985 = tpu.memref_slice %arg5[%dma_wait3A, %dma_wait3A_984] : memref<1000000x64xf32, #tpu.memory_space<hbm>> -> memref<32x64xf32, #tpu.memory_space<hbm>>
      %dma_wait3A_986 = arith.constant 0 : i32
      %dma_wait3A_987 = arith.constant 0 : i32
      %dma_wait3A_988 = tpu.memref_slice %arg5[%dma_wait3A_986, %dma_wait3A_987] : memref<1000000x64xf32, #tpu.memory_space<hbm>> -> memref<32x64xf32, #tpu.memory_space<hbm>>
      tpu.wait_dma2 semaphore(%arg15 : memref<!tpu.dma_semaphore, #tpu.memory_space<semaphore_mem>>) src(%dma_wait3A_988 : memref<32x64xf32, #tpu.memory_space<hbm>>) dst(%arg11 : memref<32x64xf32, #tpu.memory_space<vmem>>)
      %dma_wait3A_989 = arith.constant 0 : i32
      %dma_wait3A_990 = arith.constant 0 : i32
      %dma_wait3A_991 = tpu.memref_slice %arg6[%dma_wait3A_989, %dma_wait3A_990] : memref<1000000x64xf32, #tpu.memory_space<hbm>> -> memref<32x64xf32, #tpu.memory_space<hbm>>
      %dma_wait3A_992 = arith.constant 0 : i32
      %dma_wait3A_993 = arith.constant 0 : i32
      %dma_wait3A_994 = tpu.memref_slice %arg6[%dma_wait3A_992, %dma_wait3A_993] : memref<1000000x64xf32, #tpu.memory_space<hbm>> -> memref<32x64xf32, #tpu.memory_space<hbm>>
      tpu.wait_dma2 semaphore(%arg16 : memref<!tpu.dma_semaphore, #tpu.memory_space<semaphore_mem>>) src(%dma_wait3A_994 : memref<32x64xf32, #tpu.memory_space<hbm>>) dst(%arg12 : memref<32x64xf32, #tpu.memory_space<vmem>>)
      %dma_wait3A_995 = arith.constant 0 : i32
      %dma_wait3A_996 = arith.constant 0 : i32
      %dma_wait3A_997 = tpu.memref_slice %arg6[%dma_wait3A_995, %dma_wait3A_996] : memref<1000000x64xf32, #tpu.memory_space<hbm>> -> memref<640x64xf32, #tpu.memory_space<hbm>>
      %dma_wait3A_998 = arith.constant 0 : i32
      %dma_wait3A_999 = arith.constant 0 : i32
      %dma_wait3A_1000 = tpu.memref_slice %arg6[%dma_wait3A_998, %dma_wait3A_999] : memref<1000000x64xf32, #tpu.memory_space<hbm>> -> memref<640x64xf32, #tpu.memory_space<hbm>>
      tpu.wait_dma2 semaphore(%arg17 : memref<!tpu.dma_semaphore, #tpu.memory_space<semaphore_mem>>) src(%dma_wait3A_1000 : memref<640x64xf32, #tpu.memory_space<hbm>>) dst(%arg13 : memref<640x64xf32, #tpu.memory_space<vmem>>)
      %broadcast_in_dim3A = arith.constant 0.000000e+00 : f32
      %broadcast_in_dim3A_1001 = vector.broadcast %broadcast_in_dim3A : f32 to vector<16xf32>
      %scan3A_1002 = arith.constant 0 : i32
      %scan3A_1003 = arith.constant 16 : i32
      %scan3A_1004 = arith.addi %scan3A_1002, %scan3A_1003 : i32
      %scan3A_1005 = arith.constant 1 : i32
      %scan3A_1006:21 = scf.for %scan3A_1104 = %scan3A_1002 to %scan3A_1004 step %scan3A_1005 iter_args(%scan3A_1105 = %broadcast_in_dim3A_1001, %scan3A_1106 = %broadcast_in_dim3A_1001, %scan3A_1107 = %broadcast_in_dim3A_1001, %scan3A_1108 = %broadcast_in_dim3A_1001, %scan3A_1109 = %broadcast_in_dim3A_1001, %scan3A_1110 = %broadcast_in_dim3A_1001, %scan3A_1111 = %broadcast_in_dim3A_1001, %scan3A_1112 = %broadcast_in_dim3A_1001, %scan3A_1113 = %broadcast_in_dim3A_1001, %scan3A_1114 = %broadcast_in_dim3A_1001, %scan3A_1115 = %broadcast_in_dim3A_1001, %scan3A_1116 = %broadcast_in_dim3A_1001, %scan3A_1117 = %broadcast_in_dim3A_1001, %scan3A_1118 = %broadcast_in_dim3A_1001, %scan3A_1119 = %broadcast_in_dim3A_1001, %scan3A_1120 = %broadcast_in_dim3A_1001, %scan3A_1121 = %broadcast_in_dim3A_1001, %scan3A_1122 = %broadcast_in_dim3A_1001, %scan3A_1123 = %broadcast_in_dim3A_1001, %scan3A_1124 = %broadcast_in_dim3A_1001, %scan3A_1125 = %broadcast_in_dim3A_1001) -> (vector<16xf32>, vector<16xf32>, vector<16xf32>, vector<16xf32>, vector<16xf32>, vector<16xf32>, vector<16xf32>, vector<16xf32>, vector<16xf32>, vector<16xf32>, vector<16xf32>, vector<16xf32>, vector<16xf32>, vector<16xf32>, vector<16xf32>, vector<16xf32>, vector<16xf32>, vector<16xf32>, vector<16xf32>, vector<16xf32>, vector<16xf32>)  : i32 {
        %sub3A = arith.constant 0 : i32
        %sub3A_1126 = arith.subi %scan3A_1104, %sub3A : i32
        %eq3A = vector.broadcast %sub3A_1126 : i32 to vector<16xi32>
        %eq3A_1127 = arith.cmpi eq, %iota3A, %eq3A : vector<16xi32>
        %get3A_1128 = arith.index_cast %scan3A_1104 : i32 to index
        %get3A_1129 = arith.constant 0 : index
        %get3A_1130 = tpu.vector_load %arg11[%get3A_1128, %get3A_1129] {strides = array<i32>} : memref<32x64xf32, #tpu.memory_space<vmem>>, vector<16xf32>,
        %get3A_1131 = arith.index_cast %scan3A_1104 : i32 to index
        %get3A_1132 = arith.constant 16 : index
        %get3A_1133 = tpu.vector_load %arg11[%get3A_1131, %get3A_1132] {strides = array<i32>} : memref<32x64xf32, #tpu.memory_space<vmem>>, vector<16xf32>,
        %get3A_1134 = arith.index_cast %scan3A_1104 : i32 to index
        %get3A_1135 = arith.constant 32 : index
        %get3A_1136 = tpu.vector_load %arg11[%get3A_1134, %get3A_1135] {strides = array<i32>} : memref<32x64xf32, #tpu.memory_space<vmem>>, vector<16xf32>,
        %get3A_1137 = arith.index_cast %scan3A_1104 : i32 to index
        %get3A_1138 = arith.constant 48 : index
        %get3A_1139 = tpu.vector_load %arg11[%get3A_1137, %get3A_1138] {strides = array<i32>} : memref<32x64xf32, #tpu.memory_space<vmem>>, vector<16xf32>,
        %get3A_1140 = arith.index_cast %scan3A_1104 : i32 to index
        %get3A_1141 = arith.constant 0 : index
        %get3A_1142 = tpu.vector_load %arg12[%get3A_1140, %get3A_1141] {strides = array<i32>} : memref<32x64xf32, #tpu.memory_space<vmem>>, vector<16xf32>,
        %get3A_1143 = arith.index_cast %scan3A_1104 : i32 to index
        %get3A_1144 = arith.constant 16 : index
        %get3A_1145 = tpu.vector_load %arg12[%get3A_1143, %get3A_1144] {strides = array<i32>} : memref<32x64xf32, #tpu.memory_space<vmem>>, vector<16xf32>,
        %get3A_1146 = arith.index_cast %scan3A_1104 : i32 to index
        %get3A_1147 = arith.constant 32 : index
        %get3A_1148 = tpu.vector_load %arg12[%get3A_1146, %get3A_1147] {strides = array<i32>} : memref<32x64xf32, #tpu.memory_space<vmem>>, vector<16xf32>,
        %get3A_1149 = arith.index_cast %scan3A_1104 : i32 to index
        %get3A_1150 = arith.constant 48 : index
        %get3A_1151 = tpu.vector_load %arg12[%get3A_1149, %get3A_1150] {strides = array<i32>} : memref<32x64xf32, #tpu.memory_space<vmem>>, vector<16xf32>,
        %mul3A_1152 = arith.mulf %get3A_1130, %get3A_1142 : vector<16xf32>
        %mul3A_1153 = arith.mulf %get3A_1133, %get3A_1145 : vector<16xf32>
        %add3A_1154 = arith.addf %mul3A_1152, %mul3A_1153 : vector<16xf32>
        %mul3A_1155 = arith.mulf %get3A_1136, %get3A_1148 : vector<16xf32>
        %add3A_1156 = arith.addf %add3A_1154, %mul3A_1155 : vector<16xf32>
        %mul3A_1157 = arith.mulf %get3A_1139, %get3A_1151 : vector<16xf32>
        %add3A_1158 = arith.addf %add3A_1156, %mul3A_1157 : vector<16xf32>
        %reduce_sum3A = arith.constant true
        %reduce_sum3A_1159 = vector.broadcast %reduce_sum3A : i1 to vector<16xi1>
        %reduce_sum3A_1160 = tpu.scan <sum>, %add3A_1158 masked %reduce_sum3A_1159 : vector<16xf32>, vector<16xi1> -> vector<16xf32>
        %reduce_sum3A_1161 = vector.extract %reduce_sum3A_1160[15] : f32 from vector<16xf32>
        %broadcast_in_dim3A_1162 = vector.broadcast %reduce_sum3A_1161 : f32 to vector<16xf32>
        %select_n3A = arith.select %eq3A_1127, %broadcast_in_dim3A_1162, %scan3A_1105 : vector<16xi1>, vector<16xf32>
        %mul3A_1163 = arith.constant 20 : i32
        %mul3A_1164 = arith.muli %scan3A_1104, %mul3A_1163 : i32
        %add3A_1165 = arith.constant 0 : i32
        %add3A_1166 = arith.addi %mul3A_1164, %add3A_1165 : i32
        %get3A_1167 = arith.index_cast %add3A_1166 : i32 to index
        %get3A_1168 = arith.constant 0 : index
        %get3A_1169 = tpu.vector_load %arg13[%get3A_1167, %get3A_1168] {strides = array<i32>} : memref<640x64xf32, #tpu.memory_space<vmem>>, vector<16xf32>,
        %mul3A_1170 = arith.mulf %get3A_1130, %get3A_1169 : vector<16xf32>
        %get3A_1171 = arith.index_cast %add3A_1166 : i32 to index
        %get3A_1172 = arith.constant 16 : index
        %get3A_1173 = tpu.vector_load %arg13[%get3A_1171, %get3A_1172] {strides = array<i32>} : memref<640x64xf32, #tpu.memory_space<vmem>>, vector<16xf32>,
        %mul3A_1174 = arith.mulf %get3A_1133, %get3A_1173 : vector<16xf32>
        %add3A_1175 = arith.addf %mul3A_1170, %mul3A_1174 : vector<16xf32>
        %get3A_1176 = arith.index_cast %add3A_1166 : i32 to index
        %get3A_1177 = arith.constant 32 : index
        %get3A_1178 = tpu.vector_load %arg13[%get3A_1176, %get3A_1177] {strides = array<i32>} : memref<640x64xf32, #tpu.memory_space<vmem>>, vector<16xf32>,
        %mul3A_1179 = arith.mulf %get3A_1136, %get3A_1178 : vector<16xf32>
        %add3A_1180 = arith.addf %add3A_1175, %mul3A_1179 : vector<16xf32>
        %get3A_1181 = arith.index_cast %add3A_1166 : i32 to index
        %get3A_1182 = arith.constant 48 : index
        %get3A_1183 = tpu.vector_load %arg13[%get3A_1181, %get3A_1182] {strides = array<i32>} : memref<640x64xf32, #tpu.memory_space<vmem>>, vector<16xf32>,
        %mul3A_1184 = arith.mulf %get3A_1139, %get3A_1183 : vector<16xf32>
        %add3A_1185 = arith.addf %add3A_1180, %mul3A_1184 : vector<16xf32>
        %reduce_sum3A_1186 = arith.constant true
        %reduce_sum3A_1187 = vector.broadcast %reduce_sum3A_1186 : i1 to vector<16xi1>
        %reduce_sum3A_1188 = tpu.scan <sum>, %add3A_1185 masked %reduce_sum3A_1187 : vector<16xf32>, vector<16xi1> -> vector<16xf32>
        %reduce_sum3A_1189 = vector.extract %reduce_sum3A_1188[15] : f32 from vector<16xf32>
        %broadcast_in_dim3A_1190 = vector.broadcast %reduce_sum3A_1189 : f32 to vector<16xf32>
        %select_n3A_1191 = arith.select %eq3A_1127, %broadcast_in_dim3A_1190, %scan3A_1106 : vector<16xi1>, vector<16xf32>
        %mul3A_1192 = arith.constant 20 : i32
        %mul3A_1193 = arith.muli %scan3A_1104, %mul3A_1192 : i32
        %add3A_1194 = arith.constant 1 : i32
        %add3A_1195 = arith.addi %mul3A_1193, %add3A_1194 : i32
        %get3A_1196 = arith.index_cast %add3A_1195 : i32 to index
        %get3A_1197 = arith.constant 0 : index
        %get3A_1198 = tpu.vector_load %arg13[%get3A_1196, %get3A_1197] {strides = array<i32>} : memref<640x64xf32, #tpu.memory_space<vmem>>, vector<16xf32>,
        %mul3A_1199 = arith.mulf %get3A_1130, %get3A_1198 : vector<16xf32>
        %get3A_1200 = arith.index_cast %add3A_1195 : i32 to index
        %get3A_1201 = arith.constant 16 : index
        %get3A_1202 = tpu.vector_load %arg13[%get3A_1200, %get3A_1201] {strides = array<i32>} : memref<640x64xf32, #tpu.memory_space<vmem>>, vector<16xf32>,
        %mul3A_1203 = arith.mulf %get3A_1133, %get3A_1202 : vector<16xf32>
        %add3A_1204 = arith.addf %mul3A_1199, %mul3A_1203 : vector<16xf32>
        %get3A_1205 = arith.index_cast %add3A_1195 : i32 to index
        %get3A_1206 = arith.constant 32 : index
        %get3A_1207 = tpu.vector_load %arg13[%get3A_1205, %get3A_1206] {strides = array<i32>} : memref<640x64xf32, #tpu.memory_space<vmem>>, vector<16xf32>,
        %mul3A_1208 = arith.mulf %get3A_1136, %get3A_1207 : vector<16xf32>
        %add3A_1209 = arith.addf %add3A_1204, %mul3A_1208 : vector<16xf32>
        %get3A_1210 = arith.index_cast %add3A_1195 : i32 to index
        %get3A_1211 = arith.constant 48 : index
        %get3A_1212 = tpu.vector_load %arg13[%get3A_1210, %get3A_1211] {strides = array<i32>} : memref<640x64xf32, #tpu.memory_space<vmem>>, vector<16xf32>,
        %mul3A_1213 = arith.mulf %get3A_1139, %get3A_1212 : vector<16xf32>
        %add3A_1214 = arith.addf %add3A_1209, %mul3A_1213 : vector<16xf32>
        %reduce_sum3A_1215 = arith.constant true
        %reduce_sum3A_1216 = vector.broadcast %reduce_sum3A_1215 : i1 to vector<16xi1>
        %reduce_sum3A_1217 = tpu.scan <sum>, %add3A_1214 masked %reduce_sum3A_1216 : vector<16xf32>, vector<16xi1> -> vector<16xf32>
        %reduce_sum3A_1218 = vector.extract %reduce_sum3A_1217[15] : f32 from vector<16xf32>
        %broadcast_in_dim3A_1219 = vector.broadcast %reduce_sum3A_1218 : f32 to vector<16xf32>
        %select_n3A_1220 = arith.select %eq3A_1127, %broadcast_in_dim3A_1219, %scan3A_1107 : vector<16xi1>, vector<16xf32>
        %mul3A_1221 = arith.constant 20 : i32
        %mul3A_1222 = arith.muli %scan3A_1104, %mul3A_1221 : i32
        %add3A_1223 = arith.constant 2 : i32
        %add3A_1224 = arith.addi %mul3A_1222, %add3A_1223 : i32
        %get3A_1225 = arith.index_cast %add3A_1224 : i32 to index
        %get3A_1226 = arith.constant 0 : index
        %get3A_1227 = tpu.vector_load %arg13[%get3A_1225, %get3A_1226] {strides = array<i32>} : memref<640x64xf32, #tpu.memory_space<vmem>>, vector<16xf32>,
        %mul3A_1228 = arith.mulf %get3A_1130, %get3A_1227 : vector<16xf32>
        %get3A_1229 = arith.index_cast %add3A_1224 : i32 to index
        %get3A_1230 = arith.constant 16 : index
        %get3A_1231 = tpu.vector_load %arg13[%get3A_1229, %get3A_1230] {strides = array<i32>} : memref<640x64xf32, #tpu.memory_space<vmem>>, vector<16xf32>,
        %mul3A_1232 = arith.mulf %get3A_1133, %get3A_1231 : vector<16xf32>
        %add3A_1233 = arith.addf %mul3A_1228, %mul3A_1232 : vector<16xf32>
        %get3A_1234 = arith.index_cast %add3A_1224 : i32 to index
        %get3A_1235 = arith.constant 32 : index
        %get3A_1236 = tpu.vector_load %arg13[%get3A_1234, %get3A_1235] {strides = array<i32>} : memref<640x64xf32, #tpu.memory_space<vmem>>, vector<16xf32>,
        %mul3A_1237 = arith.mulf %get3A_1136, %get3A_1236 : vector<16xf32>
        %add3A_1238 = arith.addf %add3A_1233, %mul3A_1237 : vector<16xf32>
        %get3A_1239 = arith.index_cast %add3A_1224 : i32 to index
        %get3A_1240 = arith.constant 48 : index
        %get3A_1241 = tpu.vector_load %arg13[%get3A_1239, %get3A_1240] {strides = array<i32>} : memref<640x64xf32, #tpu.memory_space<vmem>>, vector<16xf32>,
        %mul3A_1242 = arith.mulf %get3A_1139, %get3A_1241 : vector<16xf32>
        %add3A_1243 = arith.addf %add3A_1238, %mul3A_1242 : vector<16xf32>
        %reduce_sum3A_1244 = arith.constant true
        %reduce_sum3A_1245 = vector.broadcast %reduce_sum3A_1244 : i1 to vector<16xi1>
        %reduce_sum3A_1246 = tpu.scan <sum>, %add3A_1243 masked %reduce_sum3A_1245 : vector<16xf32>, vector<16xi1> -> vector<16xf32>
        %reduce_sum3A_1247 = vector.extract %reduce_sum3A_1246[15] : f32 from vector<16xf32>
        %broadcast_in_dim3A_1248 = vector.broadcast %reduce_sum3A_1247 : f32 to vector<16xf32>
        %select_n3A_1249 = arith.select %eq3A_1127, %broadcast_in_dim3A_1248, %scan3A_1108 : vector<16xi1>, vector<16xf32>
        %mul3A_1250 = arith.constant 20 : i32
        %mul3A_1251 = arith.muli %scan3A_1104, %mul3A_1250 : i32
        %add3A_1252 = arith.constant 3 : i32
        %add3A_1253 = arith.addi %mul3A_1251, %add3A_1252 : i32
        %get3A_1254 = arith.index_cast %add3A_1253 : i32 to index
        %get3A_1255 = arith.constant 0 : index
        %get3A_1256 = tpu.vector_load %arg13[%get3A_1254, %get3A_1255] {strides = array<i32>} : memref<640x64xf32, #tpu.memory_space<vmem>>, vector<16xf32>,
        %mul3A_1257 = arith.mulf %get3A_1130, %get3A_1256 : vector<16xf32>
        %get3A_1258 = arith.index_cast %add3A_1253 : i32 to index
        %get3A_1259 = arith.constant 16 : index
        %get3A_1260 = tpu.vector_load %arg13[%get3A_1258, %get3A_1259] {strides = array<i32>} : memref<640x64xf32, #tpu.memory_space<vmem>>, vector<16xf32>,
        %mul3A_1261 = arith.mulf %get3A_1133, %get3A_1260 : vector<16xf32>
        %add3A_1262 = arith.addf %mul3A_1257, %mul3A_1261 : vector<16xf32>
        %get3A_1263 = arith.index_cast %add3A_1253 : i32 to index
        %get3A_1264 = arith.constant 32 : index
        %get3A_1265 = tpu.vector_load %arg13[%get3A_1263, %get3A_1264] {strides = array<i32>} : memref<640x64xf32, #tpu.memory_space<vmem>>, vector<16xf32>,
        %mul3A_1266 = arith.mulf %get3A_1136, %get3A_1265 : vector<16xf32>
        %add3A_1267 = arith.addf %add3A_1262, %mul3A_1266 : vector<16xf32>
        %get3A_1268 = arith.index_cast %add3A_1253 : i32 to index
        %get3A_1269 = arith.constant 48 : index
        %get3A_1270 = tpu.vector_load %arg13[%get3A_1268, %get3A_1269] {strides = array<i32>} : memref<640x64xf32, #tpu.memory_space<vmem>>, vector<16xf32>,
        %mul3A_1271 = arith.mulf %get3A_1139, %get3A_1270 : vector<16xf32>
        %add3A_1272 = arith.addf %add3A_1267, %mul3A_1271 : vector<16xf32>
        %reduce_sum3A_1273 = arith.constant true
        %reduce_sum3A_1274 = vector.broadcast %reduce_sum3A_1273 : i1 to vector<16xi1>
        %reduce_sum3A_1275 = tpu.scan <sum>, %add3A_1272 masked %reduce_sum3A_1274 : vector<16xf32>, vector<16xi1> -> vector<16xf32>
        %reduce_sum3A_1276 = vector.extract %reduce_sum3A_1275[15] : f32 from vector<16xf32>
        %broadcast_in_dim3A_1277 = vector.broadcast %reduce_sum3A_1276 : f32 to vector<16xf32>
        %select_n3A_1278 = arith.select %eq3A_1127, %broadcast_in_dim3A_1277, %scan3A_1109 : vector<16xi1>, vector<16xf32>
        %mul3A_1279 = arith.constant 20 : i32
        %mul3A_1280 = arith.muli %scan3A_1104, %mul3A_1279 : i32
        %add3A_1281 = arith.constant 4 : i32
        %add3A_1282 = arith.addi %mul3A_1280, %add3A_1281 : i32
        %get3A_1283 = arith.index_cast %add3A_1282 : i32 to index
        %get3A_1284 = arith.constant 0 : index
        %get3A_1285 = tpu.vector_load %arg13[%get3A_1283, %get3A_1284] {strides = array<i32>} : memref<640x64xf32, #tpu.memory_space<vmem>>, vector<16xf32>,
        %mul3A_1286 = arith.mulf %get3A_1130, %get3A_1285 : vector<16xf32>
        %get3A_1287 = arith.index_cast %add3A_1282 : i32 to index
        %get3A_1288 = arith.constant 16 : index
        %get3A_1289 = tpu.vector_load %arg13[%get3A_1287, %get3A_1288] {strides = array<i32>} : memref<640x64xf32, #tpu.memory_space<vmem>>, vector<16xf32>,
        %mul3A_1290 = arith.mulf %get3A_1133, %get3A_1289 : vector<16xf32>
        %add3A_1291 = arith.addf %mul3A_1286, %mul3A_1290 : vector<16xf32>
        %get3A_1292 = arith.index_cast %add3A_1282 : i32 to index
        %get3A_1293 = arith.constant 32 : index
        %get3A_1294 = tpu.vector_load %arg13[%get3A_1292, %get3A_1293] {strides = array<i32>} : memref<640x64xf32, #tpu.memory_space<vmem>>, vector<16xf32>,
        %mul3A_1295 = arith.mulf %get3A_1136, %get3A_1294 : vector<16xf32>
        %add3A_1296 = arith.addf %add3A_1291, %mul3A_1295 : vector<16xf32>
        %get3A_1297 = arith.index_cast %add3A_1282 : i32 to index
        %get3A_1298 = arith.constant 48 : index
        %get3A_1299 = tpu.vector_load %arg13[%get3A_1297, %get3A_1298] {strides = array<i32>} : memref<640x64xf32, #tpu.memory_space<vmem>>, vector<16xf32>,
        %mul3A_1300 = arith.mulf %get3A_1139, %get3A_1299 : vector<16xf32>
        %add3A_1301 = arith.addf %add3A_1296, %mul3A_1300 : vector<16xf32>
        %reduce_sum3A_1302 = arith.constant true
        %reduce_sum3A_1303 = vector.broadcast %reduce_sum3A_1302 : i1 to vector<16xi1>
        %reduce_sum3A_1304 = tpu.scan <sum>, %add3A_1301 masked %reduce_sum3A_1303 : vector<16xf32>, vector<16xi1> -> vector<16xf32>
        %reduce_sum3A_1305 = vector.extract %reduce_sum3A_1304[15] : f32 from vector<16xf32>
        %broadcast_in_dim3A_1306 = vector.broadcast %reduce_sum3A_1305 : f32 to vector<16xf32>
        %select_n3A_1307 = arith.select %eq3A_1127, %broadcast_in_dim3A_1306, %scan3A_1110 : vector<16xi1>, vector<16xf32>
        %mul3A_1308 = arith.constant 20 : i32
        %mul3A_1309 = arith.muli %scan3A_1104, %mul3A_1308 : i32
        %add3A_1310 = arith.constant 5 : i32
        %add3A_1311 = arith.addi %mul3A_1309, %add3A_1310 : i32
        %get3A_1312 = arith.index_cast %add3A_1311 : i32 to index
        %get3A_1313 = arith.constant 0 : index
        %get3A_1314 = tpu.vector_load %arg13[%get3A_1312, %get3A_1313] {strides = array<i32>} : memref<640x64xf32, #tpu.memory_space<vmem>>, vector<16xf32>,
        %mul3A_1315 = arith.mulf %get3A_1130, %get3A_1314 : vector<16xf32>
        %get3A_1316 = arith.index_cast %add3A_1311 : i32 to index
        %get3A_1317 = arith.constant 16 : index
        %get3A_1318 = tpu.vector_load %arg13[%get3A_1316, %get3A_1317] {strides = array<i32>} : memref<640x64xf32, #tpu.memory_space<vmem>>, vector<16xf32>,
        %mul3A_1319 = arith.mulf %get3A_1133, %get3A_1318 : vector<16xf32>
        %add3A_1320 = arith.addf %mul3A_1315, %mul3A_1319 : vector<16xf32>
        %get3A_1321 = arith.index_cast %add3A_1311 : i32 to index
        %get3A_1322 = arith.constant 32 : index
        %get3A_1323 = tpu.vector_load %arg13[%get3A_1321, %get3A_1322] {strides = array<i32>} : memref<640x64xf32, #tpu.memory_space<vmem>>, vector<16xf32>,
        %mul3A_1324 = arith.mulf %get3A_1136, %get3A_1323 : vector<16xf32>
        %add3A_1325 = arith.addf %add3A_1320, %mul3A_1324 : vector<16xf32>
        %get3A_1326 = arith.index_cast %add3A_1311 : i32 to index
        %get3A_1327 = arith.constant 48 : index
        %get3A_1328 = tpu.vector_load %arg13[%get3A_1326, %get3A_1327] {strides = array<i32>} : memref<640x64xf32, #tpu.memory_space<vmem>>, vector<16xf32>,
        %mul3A_1329 = arith.mulf %get3A_1139, %get3A_1328 : vector<16xf32>
        %add3A_1330 = arith.addf %add3A_1325, %mul3A_1329 : vector<16xf32>
        %reduce_sum3A_1331 = arith.constant true
        %reduce_sum3A_1332 = vector.broadcast %reduce_sum3A_1331 : i1 to vector<16xi1>
        %reduce_sum3A_1333 = tpu.scan <sum>, %add3A_1330 masked %reduce_sum3A_1332 : vector<16xf32>, vector<16xi1> -> vector<16xf32>
        %reduce_sum3A_1334 = vector.extract %reduce_sum3A_1333[15] : f32 from vector<16xf32>
        %broadcast_in_dim3A_1335 = vector.broadcast %reduce_sum3A_1334 : f32 to vector<16xf32>
        %select_n3A_1336 = arith.select %eq3A_1127, %broadcast_in_dim3A_1335, %scan3A_1111 : vector<16xi1>, vector<16xf32>
        %mul3A_1337 = arith.constant 20 : i32
        %mul3A_1338 = arith.muli %scan3A_1104, %mul3A_1337 : i32
        %add3A_1339 = arith.constant 6 : i32
        %add3A_1340 = arith.addi %mul3A_1338, %add3A_1339 : i32
        %get3A_1341 = arith.index_cast %add3A_1340 : i32 to index
        %get3A_1342 = arith.constant 0 : index
        %get3A_1343 = tpu.vector_load %arg13[%get3A_1341, %get3A_1342] {strides = array<i32>} : memref<640x64xf32, #tpu.memory_space<vmem>>, vector<16xf32>,
        %mul3A_1344 = arith.mulf %get3A_1130, %get3A_1343 : vector<16xf32>
        %get3A_1345 = arith.index_cast %add3A_1340 : i32 to index
        %get3A_1346 = arith.constant 16 : index
        %get3A_1347 = tpu.vector_load %arg13[%get3A_1345, %get3A_1346] {strides = array<i32>} : memref<640x64xf32, #tpu.memory_space<vmem>>, vector<16xf32>,
        %mul3A_1348 = arith.mulf %get3A_1133, %get3A_1347 : vector<16xf32>
        %add3A_1349 = arith.addf %mul3A_1344, %mul3A_1348 : vector<16xf32>
        %get3A_1350 = arith.index_cast %add3A_1340 : i32 to index
        %get3A_1351 = arith.constant 32 : index
        %get3A_1352 = tpu.vector_load %arg13[%get3A_1350, %get3A_1351] {strides = array<i32>} : memref<640x64xf32, #tpu.memory_space<vmem>>, vector<16xf32>,
        %mul3A_1353 = arith.mulf %get3A_1136, %get3A_1352 : vector<16xf32>
        %add3A_1354 = arith.addf %add3A_1349, %mul3A_1353 : vector<16xf32>
        %get3A_1355 = arith.index_cast %add3A_1340 : i32 to index
        %get3A_1356 = arith.constant 48 : index
        %get3A_1357 = tpu.vector_load %arg13[%get3A_1355, %get3A_1356] {strides = array<i32>} : memref<640x64xf32, #tpu.memory_space<vmem>>, vector<16xf32>,
        %mul3A_1358 = arith.mulf %get3A_1139, %get3A_1357 : vector<16xf32>
        %add3A_1359 = arith.addf %add3A_1354, %mul3A_1358 : vector<16xf32>
        %reduce_sum3A_1360 = arith.constant true
        %reduce_sum3A_1361 = vector.broadcast %reduce_sum3A_1360 : i1 to vector<16xi1>
        %reduce_sum3A_1362 = tpu.scan <sum>, %add3A_1359 masked %reduce_sum3A_1361 : vector<16xf32>, vector<16xi1> -> vector<16xf32>
        %reduce_sum3A_1363 = vector.extract %reduce_sum3A_1362[15] : f32 from vector<16xf32>
        %broadcast_in_dim3A_1364 = vector.broadcast %reduce_sum3A_1363 : f32 to vector<16xf32>
        %select_n3A_1365 = arith.select %eq3A_1127, %broadcast_in_dim3A_1364, %scan3A_1112 : vector<16xi1>, vector<16xf32>
        %mul3A_1366 = arith.constant 20 : i32
        %mul3A_1367 = arith.muli %scan3A_1104, %mul3A_1366 : i32
        %add3A_1368 = arith.constant 7 : i32
        %add3A_1369 = arith.addi %mul3A_1367, %add3A_1368 : i32
        %get3A_1370 = arith.index_cast %add3A_1369 : i32 to index
        %get3A_1371 = arith.constant 0 : index
        %get3A_1372 = tpu.vector_load %arg13[%get3A_1370, %get3A_1371] {strides = array<i32>} : memref<640x64xf32, #tpu.memory_space<vmem>>, vector<16xf32>,
        %mul3A_1373 = arith.mulf %get3A_1130, %get3A_1372 : vector<16xf32>
        %get3A_1374 = arith.index_cast %add3A_1369 : i32 to index
        %get3A_1375 = arith.constant 16 : index
        %get3A_1376 = tpu.vector_load %arg13[%get3A_1374, %get3A_1375] {strides = array<i32>} : memref<640x64xf32, #tpu.memory_space<vmem>>, vector<16xf32>,
        %mul3A_1377 = arith.mulf %get3A_1133, %get3A_1376 : vector<16xf32>
        %add3A_1378 = arith.addf %mul3A_1373, %mul3A_1377 : vector<16xf32>
        %get3A_1379 = arith.index_cast %add3A_1369 : i32 to index
        %get3A_1380 = arith.constant 32 : index
        %get3A_1381 = tpu.vector_load %arg13[%get3A_1379, %get3A_1380] {strides = array<i32>} : memref<640x64xf32, #tpu.memory_space<vmem>>, vector<16xf32>,
        %mul3A_1382 = arith.mulf %get3A_1136, %get3A_1381 : vector<16xf32>
        %add3A_1383 = arith.addf %add3A_1378, %mul3A_1382 : vector<16xf32>
        %get3A_1384 = arith.index_cast %add3A_1369 : i32 to index
        %get3A_1385 = arith.constant 48 : index
        %get3A_1386 = tpu.vector_load %arg13[%get3A_1384, %get3A_1385] {strides = array<i32>} : memref<640x64xf32, #tpu.memory_space<vmem>>, vector<16xf32>,
        %mul3A_1387 = arith.mulf %get3A_1139, %get3A_1386 : vector<16xf32>
        %add3A_1388 = arith.addf %add3A_1383, %mul3A_1387 : vector<16xf32>
        %reduce_sum3A_1389 = arith.constant true
        %reduce_sum3A_1390 = vector.broadcast %reduce_sum3A_1389 : i1 to vector<16xi1>
        %reduce_sum3A_1391 = tpu.scan <sum>, %add3A_1388 masked %reduce_sum3A_1390 : vector<16xf32>, vector<16xi1> -> vector<16xf32>
        %reduce_sum3A_1392 = vector.extract %reduce_sum3A_1391[15] : f32 from vector<16xf32>
        %broadcast_in_dim3A_1393 = vector.broadcast %reduce_sum3A_1392 : f32 to vector<16xf32>
        %select_n3A_1394 = arith.select %eq3A_1127, %broadcast_in_dim3A_1393, %scan3A_1113 : vector<16xi1>, vector<16xf32>
        %mul3A_1395 = arith.constant 20 : i32
        %mul3A_1396 = arith.muli %scan3A_1104, %mul3A_1395 : i32
        %add3A_1397 = arith.constant 8 : i32
        %add3A_1398 = arith.addi %mul3A_1396, %add3A_1397 : i32
        %get3A_1399 = arith.index_cast %add3A_1398 : i32 to index
        %get3A_1400 = arith.constant 0 : index
        %get3A_1401 = tpu.vector_load %arg13[%get3A_1399, %get3A_1400] {strides = array<i32>} : memref<640x64xf32, #tpu.memory_space<vmem>>, vector<16xf32>,
        %mul3A_1402 = arith.mulf %get3A_1130, %get3A_1401 : vector<16xf32>
        %get3A_1403 = arith.index_cast %add3A_1398 : i32 to index
        %get3A_1404 = arith.constant 16 : index
        %get3A_1405 = tpu.vector_load %arg13[%get3A_1403, %get3A_1404] {strides = array<i32>} : memref<640x64xf32, #tpu.memory_space<vmem>>, vector<16xf32>,
        %mul3A_1406 = arith.mulf %get3A_1133, %get3A_1405 : vector<16xf32>
        %add3A_1407 = arith.addf %mul3A_1402, %mul3A_1406 : vector<16xf32>
        %get3A_1408 = arith.index_cast %add3A_1398 : i32 to index
        %get3A_1409 = arith.constant 32 : index
        %get3A_1410 = tpu.vector_load %arg13[%get3A_1408, %get3A_1409] {strides = array<i32>} : memref<640x64xf32, #tpu.memory_space<vmem>>, vector<16xf32>,
        %mul3A_1411 = arith.mulf %get3A_1136, %get3A_1410 : vector<16xf32>
        %add3A_1412 = arith.addf %add3A_1407, %mul3A_1411 : vector<16xf32>
        %get3A_1413 = arith.index_cast %add3A_1398 : i32 to index
        %get3A_1414 = arith.constant 48 : index
        %get3A_1415 = tpu.vector_load %arg13[%get3A_1413, %get3A_1414] {strides = array<i32>} : memref<640x64xf32, #tpu.memory_space<vmem>>, vector<16xf32>,
        %mul3A_1416 = arith.mulf %get3A_1139, %get3A_1415 : vector<16xf32>
        %add3A_1417 = arith.addf %add3A_1412, %mul3A_1416 : vector<16xf32>
        %reduce_sum3A_1418 = arith.constant true
        %reduce_sum3A_1419 = vector.broadcast %reduce_sum3A_1418 : i1 to vector<16xi1>
        %reduce_sum3A_1420 = tpu.scan <sum>, %add3A_1417 masked %reduce_sum3A_1419 : vector<16xf32>, vector<16xi1> -> vector<16xf32>
        %reduce_sum3A_1421 = vector.extract %reduce_sum3A_1420[15] : f32 from vector<16xf32>
        %broadcast_in_dim3A_1422 = vector.broadcast %reduce_sum3A_1421 : f32 to vector<16xf32>
        %select_n3A_1423 = arith.select %eq3A_1127, %broadcast_in_dim3A_1422, %scan3A_1114 : vector<16xi1>, vector<16xf32>
        %mul3A_1424 = arith.constant 20 : i32
        %mul3A_1425 = arith.muli %scan3A_1104, %mul3A_1424 : i32
        %add3A_1426 = arith.constant 9 : i32
        %add3A_1427 = arith.addi %mul3A_1425, %add3A_1426 : i32
        %get3A_1428 = arith.index_cast %add3A_1427 : i32 to index
        %get3A_1429 = arith.constant 0 : index
        %get3A_1430 = tpu.vector_load %arg13[%get3A_1428, %get3A_1429] {strides = array<i32>} : memref<640x64xf32, #tpu.memory_space<vmem>>, vector<16xf32>,
        %mul3A_1431 = arith.mulf %get3A_1130, %get3A_1430 : vector<16xf32>
        %get3A_1432 = arith.index_cast %add3A_1427 : i32 to index
        %get3A_1433 = arith.constant 16 : index
        %get3A_1434 = tpu.vector_load %arg13[%get3A_1432, %get3A_1433] {strides = array<i32>} : memref<640x64xf32, #tpu.memory_space<vmem>>, vector<16xf32>,
        %mul3A_1435 = arith.mulf %get3A_1133, %get3A_1434 : vector<16xf32>
        %add3A_1436 = arith.addf %mul3A_1431, %mul3A_1435 : vector<16xf32>
        %get3A_1437 = arith.index_cast %add3A_1427 : i32 to index
        %get3A_1438 = arith.constant 32 : index
        %get3A_1439 = tpu.vector_load %arg13[%get3A_1437, %get3A_1438] {strides = array<i32>} : memref<640x64xf32, #tpu.memory_space<vmem>>, vector<16xf32>,
        %mul3A_1440 = arith.mulf %get3A_1136, %get3A_1439 : vector<16xf32>
        %add3A_1441 = arith.addf %add3A_1436, %mul3A_1440 : vector<16xf32>
        %get3A_1442 = arith.index_cast %add3A_1427 : i32 to index
        %get3A_1443 = arith.constant 48 : index
        %get3A_1444 = tpu.vector_load %arg13[%get3A_1442, %get3A_1443] {strides = array<i32>} : memref<640x64xf32, #tpu.memory_space<vmem>>, vector<16xf32>,
        %mul3A_1445 = arith.mulf %get3A_1139, %get3A_1444 : vector<16xf32>
        %add3A_1446 = arith.addf %add3A_1441, %mul3A_1445 : vector<16xf32>
        %reduce_sum3A_1447 = arith.constant true
        %reduce_sum3A_1448 = vector.broadcast %reduce_sum3A_1447 : i1 to vector<16xi1>
        %reduce_sum3A_1449 = tpu.scan <sum>, %add3A_1446 masked %reduce_sum3A_1448 : vector<16xf32>, vector<16xi1> -> vector<16xf32>
        %reduce_sum3A_1450 = vector.extract %reduce_sum3A_1449[15] : f32 from vector<16xf32>
        %broadcast_in_dim3A_1451 = vector.broadcast %reduce_sum3A_1450 : f32 to vector<16xf32>
        %select_n3A_1452 = arith.select %eq3A_1127, %broadcast_in_dim3A_1451, %scan3A_1115 : vector<16xi1>, vector<16xf32>
        %mul3A_1453 = arith.constant 20 : i32
        %mul3A_1454 = arith.muli %scan3A_1104, %mul3A_1453 : i32
        %add3A_1455 = arith.constant 10 : i32
        %add3A_1456 = arith.addi %mul3A_1454, %add3A_1455 : i32
        %get3A_1457 = arith.index_cast %add3A_1456 : i32 to index
        %get3A_1458 = arith.constant 0 : index
        %get3A_1459 = tpu.vector_load %arg13[%get3A_1457, %get3A_1458] {strides = array<i32>} : memref<640x64xf32, #tpu.memory_space<vmem>>, vector<16xf32>,
        %mul3A_1460 = arith.mulf %get3A_1130, %get3A_1459 : vector<16xf32>
        %get3A_1461 = arith.index_cast %add3A_1456 : i32 to index
        %get3A_1462 = arith.constant 16 : index
        %get3A_1463 = tpu.vector_load %arg13[%get3A_1461, %get3A_1462] {strides = array<i32>} : memref<640x64xf32, #tpu.memory_space<vmem>>, vector<16xf32>,
        %mul3A_1464 = arith.mulf %get3A_1133, %get3A_1463 : vector<16xf32>
        %add3A_1465 = arith.addf %mul3A_1460, %mul3A_1464 : vector<16xf32>
        %get3A_1466 = arith.index_cast %add3A_1456 : i32 to index
        %get3A_1467 = arith.constant 32 : index
        %get3A_1468 = tpu.vector_load %arg13[%get3A_1466, %get3A_1467] {strides = array<i32>} : memref<640x64xf32, #tpu.memory_space<vmem>>, vector<16xf32>,
        %mul3A_1469 = arith.mulf %get3A_1136, %get3A_1468 : vector<16xf32>
        %add3A_1470 = arith.addf %add3A_1465, %mul3A_1469 : vector<16xf32>
        %get3A_1471 = arith.index_cast %add3A_1456 : i32 to index
        %get3A_1472 = arith.constant 48 : index
        %get3A_1473 = tpu.vector_load %arg13[%get3A_1471, %get3A_1472] {strides = array<i32>} : memref<640x64xf32, #tpu.memory_space<vmem>>, vector<16xf32>,
        %mul3A_1474 = arith.mulf %get3A_1139, %get3A_1473 : vector<16xf32>
        %add3A_1475 = arith.addf %add3A_1470, %mul3A_1474 : vector<16xf32>
        %reduce_sum3A_1476 = arith.constant true
        %reduce_sum3A_1477 = vector.broadcast %reduce_sum3A_1476 : i1 to vector<16xi1>
        %reduce_sum3A_1478 = tpu.scan <sum>, %add3A_1475 masked %reduce_sum3A_1477 : vector<16xf32>, vector<16xi1> -> vector<16xf32>
        %reduce_sum3A_1479 = vector.extract %reduce_sum3A_1478[15] : f32 from vector<16xf32>
        %broadcast_in_dim3A_1480 = vector.broadcast %reduce_sum3A_1479 : f32 to vector<16xf32>
        %select_n3A_1481 = arith.select %eq3A_1127, %broadcast_in_dim3A_1480, %scan3A_1116 : vector<16xi1>, vector<16xf32>
        %mul3A_1482 = arith.constant 20 : i32
        %mul3A_1483 = arith.muli %scan3A_1104, %mul3A_1482 : i32
        %add3A_1484 = arith.constant 11 : i32
        %add3A_1485 = arith.addi %mul3A_1483, %add3A_1484 : i32
        %get3A_1486 = arith.index_cast %add3A_1485 : i32 to index
        %get3A_1487 = arith.constant 0 : index
        %get3A_1488 = tpu.vector_load %arg13[%get3A_1486, %get3A_1487] {strides = array<i32>} : memref<640x64xf32, #tpu.memory_space<vmem>>, vector<16xf32>,
        %mul3A_1489 = arith.mulf %get3A_1130, %get3A_1488 : vector<16xf32>
        %get3A_1490 = arith.index_cast %add3A_1485 : i32 to index
        %get3A_1491 = arith.constant 16 : index
        %get3A_1492 = tpu.vector_load %arg13[%get3A_1490, %get3A_1491] {strides = array<i32>} : memref<640x64xf32, #tpu.memory_space<vmem>>, vector<16xf32>,
        %mul3A_1493 = arith.mulf %get3A_1133, %get3A_1492 : vector<16xf32>
        %add3A_1494 = arith.addf %mul3A_1489, %mul3A_1493 : vector<16xf32>
        %get3A_1495 = arith.index_cast %add3A_1485 : i32 to index
        %get3A_1496 = arith.constant 32 : index
        %get3A_1497 = tpu.vector_load %arg13[%get3A_1495, %get3A_1496] {strides = array<i32>} : memref<640x64xf32, #tpu.memory_space<vmem>>, vector<16xf32>,
        %mul3A_1498 = arith.mulf %get3A_1136, %get3A_1497 : vector<16xf32>
        %add3A_1499 = arith.addf %add3A_1494, %mul3A_1498 : vector<16xf32>
        %get3A_1500 = arith.index_cast %add3A_1485 : i32 to index
        %get3A_1501 = arith.constant 48 : index
        %get3A_1502 = tpu.vector_load %arg13[%get3A_1500, %get3A_1501] {strides = array<i32>} : memref<640x64xf32, #tpu.memory_space<vmem>>, vector<16xf32>,
        %mul3A_1503 = arith.mulf %get3A_1139, %get3A_1502 : vector<16xf32>
        %add3A_1504 = arith.addf %add3A_1499, %mul3A_1503 : vector<16xf32>
        %reduce_sum3A_1505 = arith.constant true
        %reduce_sum3A_1506 = vector.broadcast %reduce_sum3A_1505 : i1 to vector<16xi1>
        %reduce_sum3A_1507 = tpu.scan <sum>, %add3A_1504 masked %reduce_sum3A_1506 : vector<16xf32>, vector<16xi1> -> vector<16xf32>
        %reduce_sum3A_1508 = vector.extract %reduce_sum3A_1507[15] : f32 from vector<16xf32>
        %broadcast_in_dim3A_1509 = vector.broadcast %reduce_sum3A_1508 : f32 to vector<16xf32>
        %select_n3A_1510 = arith.select %eq3A_1127, %broadcast_in_dim3A_1509, %scan3A_1117 : vector<16xi1>, vector<16xf32>
        %mul3A_1511 = arith.constant 20 : i32
        %mul3A_1512 = arith.muli %scan3A_1104, %mul3A_1511 : i32
        %add3A_1513 = arith.constant 12 : i32
        %add3A_1514 = arith.addi %mul3A_1512, %add3A_1513 : i32
        %get3A_1515 = arith.index_cast %add3A_1514 : i32 to index
        %get3A_1516 = arith.constant 0 : index
        %get3A_1517 = tpu.vector_load %arg13[%get3A_1515, %get3A_1516] {strides = array<i32>} : memref<640x64xf32, #tpu.memory_space<vmem>>, vector<16xf32>,
        %mul3A_1518 = arith.mulf %get3A_1130, %get3A_1517 : vector<16xf32>
        %get3A_1519 = arith.index_cast %add3A_1514 : i32 to index
        %get3A_1520 = arith.constant 16 : index
        %get3A_1521 = tpu.vector_load %arg13[%get3A_1519, %get3A_1520] {strides = array<i32>} : memref<640x64xf32, #tpu.memory_space<vmem>>, vector<16xf32>,
        %mul3A_1522 = arith.mulf %get3A_1133, %get3A_1521 : vector<16xf32>
        %add3A_1523 = arith.addf %mul3A_1518, %mul3A_1522 : vector<16xf32>
        %get3A_1524 = arith.index_cast %add3A_1514 : i32 to index
        %get3A_1525 = arith.constant 32 : index
        %get3A_1526 = tpu.vector_load %arg13[%get3A_1524, %get3A_1525] {strides = array<i32>} : memref<640x64xf32, #tpu.memory_space<vmem>>, vector<16xf32>,
        %mul3A_1527 = arith.mulf %get3A_1136, %get3A_1526 : vector<16xf32>
        %add3A_1528 = arith.addf %add3A_1523, %mul3A_1527 : vector<16xf32>
        %get3A_1529 = arith.index_cast %add3A_1514 : i32 to index
        %get3A_1530 = arith.constant 48 : index
        %get3A_1531 = tpu.vector_load %arg13[%get3A_1529, %get3A_1530] {strides = array<i32>} : memref<640x64xf32, #tpu.memory_space<vmem>>, vector<16xf32>,
        %mul3A_1532 = arith.mulf %get3A_1139, %get3A_1531 : vector<16xf32>
        %add3A_1533 = arith.addf %add3A_1528, %mul3A_1532 : vector<16xf32>
        %reduce_sum3A_1534 = arith.constant true
        %reduce_sum3A_1535 = vector.broadcast %reduce_sum3A_1534 : i1 to vector<16xi1>
        %reduce_sum3A_1536 = tpu.scan <sum>, %add3A_1533 masked %reduce_sum3A_1535 : vector<16xf32>, vector<16xi1> -> vector<16xf32>
        %reduce_sum3A_1537 = vector.extract %reduce_sum3A_1536[15] : f32 from vector<16xf32>
        %broadcast_in_dim3A_1538 = vector.broadcast %reduce_sum3A_1537 : f32 to vector<16xf32>
        %select_n3A_1539 = arith.select %eq3A_1127, %broadcast_in_dim3A_1538, %scan3A_1118 : vector<16xi1>, vector<16xf32>
        %mul3A_1540 = arith.constant 20 : i32
        %mul3A_1541 = arith.muli %scan3A_1104, %mul3A_1540 : i32
        %add3A_1542 = arith.constant 13 : i32
        %add3A_1543 = arith.addi %mul3A_1541, %add3A_1542 : i32
        %get3A_1544 = arith.index_cast %add3A_1543 : i32 to index
        %get3A_1545 = arith.constant 0 : index
        %get3A_1546 = tpu.vector_load %arg13[%get3A_1544, %get3A_1545] {strides = array<i32>} : memref<640x64xf32, #tpu.memory_space<vmem>>, vector<16xf32>,
        %mul3A_1547 = arith.mulf %get3A_1130, %get3A_1546 : vector<16xf32>
        %get3A_1548 = arith.index_cast %add3A_1543 : i32 to index
        %get3A_1549 = arith.constant 16 : index
        %get3A_1550 = tpu.vector_load %arg13[%get3A_1548, %get3A_1549] {strides = array<i32>} : memref<640x64xf32, #tpu.memory_space<vmem>>, vector<16xf32>,
        %mul3A_1551 = arith.mulf %get3A_1133, %get3A_1550 : vector<16xf32>
        %add3A_1552 = arith.addf %mul3A_1547, %mul3A_1551 : vector<16xf32>
        %get3A_1553 = arith.index_cast %add3A_1543 : i32 to index
        %get3A_1554 = arith.constant 32 : index
        %get3A_1555 = tpu.vector_load %arg13[%get3A_1553, %get3A_1554] {strides = array<i32>} : memref<640x64xf32, #tpu.memory_space<vmem>>, vector<16xf32>,
        %mul3A_1556 = arith.mulf %get3A_1136, %get3A_1555 : vector<16xf32>
        %add3A_1557 = arith.addf %add3A_1552, %mul3A_1556 : vector<16xf32>
        %get3A_1558 = arith.index_cast %add3A_1543 : i32 to index
        %get3A_1559 = arith.constant 48 : index
        %get3A_1560 = tpu.vector_load %arg13[%get3A_1558, %get3A_1559] {strides = array<i32>} : memref<640x64xf32, #tpu.memory_space<vmem>>, vector<16xf32>,
        %mul3A_1561 = arith.mulf %get3A_1139, %get3A_1560 : vector<16xf32>
        %add3A_1562 = arith.addf %add3A_1557, %mul3A_1561 : vector<16xf32>
        %reduce_sum3A_1563 = arith.constant true
        %reduce_sum3A_1564 = vector.broadcast %reduce_sum3A_1563 : i1 to vector<16xi1>
        %reduce_sum3A_1565 = tpu.scan <sum>, %add3A_1562 masked %reduce_sum3A_1564 : vector<16xf32>, vector<16xi1> -> vector<16xf32>
        %reduce_sum3A_1566 = vector.extract %reduce_sum3A_1565[15] : f32 from vector<16xf32>
        %broadcast_in_dim3A_1567 = vector.broadcast %reduce_sum3A_1566 : f32 to vector<16xf32>
        %select_n3A_1568 = arith.select %eq3A_1127, %broadcast_in_dim3A_1567, %scan3A_1119 : vector<16xi1>, vector<16xf32>
        %mul3A_1569 = arith.constant 20 : i32
        %mul3A_1570 = arith.muli %scan3A_1104, %mul3A_1569 : i32
        %add3A_1571 = arith.constant 14 : i32
        %add3A_1572 = arith.addi %mul3A_1570, %add3A_1571 : i32
        %get3A_1573 = arith.index_cast %add3A_1572 : i32 to index
        %get3A_1574 = arith.constant 0 : index
        %get3A_1575 = tpu.vector_load %arg13[%get3A_1573, %get3A_1574] {strides = array<i32>} : memref<640x64xf32, #tpu.memory_space<vmem>>, vector<16xf32>,
        %mul3A_1576 = arith.mulf %get3A_1130, %get3A_1575 : vector<16xf32>
        %get3A_1577 = arith.index_cast %add3A_1572 : i32 to index
        %get3A_1578 = arith.constant 16 : index
        %get3A_1579 = tpu.vector_load %arg13[%get3A_1577, %get3A_1578] {strides = array<i32>} : memref<640x64xf32, #tpu.memory_space<vmem>>, vector<16xf32>,
        %mul3A_1580 = arith.mulf %get3A_1133, %get3A_1579 : vector<16xf32>
        %add3A_1581 = arith.addf %mul3A_1576, %mul3A_1580 : vector<16xf32>
        %get3A_1582 = arith.index_cast %add3A_1572 : i32 to index
        %get3A_1583 = arith.constant 32 : index
        %get3A_1584 = tpu.vector_load %arg13[%get3A_1582, %get3A_1583] {strides = array<i32>} : memref<640x64xf32, #tpu.memory_space<vmem>>, vector<16xf32>,
        %mul3A_1585 = arith.mulf %get3A_1136, %get3A_1584 : vector<16xf32>
        %add3A_1586 = arith.addf %add3A_1581, %mul3A_1585 : vector<16xf32>
        %get3A_1587 = arith.index_cast %add3A_1572 : i32 to index
        %get3A_1588 = arith.constant 48 : index
        %get3A_1589 = tpu.vector_load %arg13[%get3A_1587, %get3A_1588] {strides = array<i32>} : memref<640x64xf32, #tpu.memory_space<vmem>>, vector<16xf32>,
        %mul3A_1590 = arith.mulf %get3A_1139, %get3A_1589 : vector<16xf32>
        %add3A_1591 = arith.addf %add3A_1586, %mul3A_1590 : vector<16xf32>
        %reduce_sum3A_1592 = arith.constant true
        %reduce_sum3A_1593 = vector.broadcast %reduce_sum3A_1592 : i1 to vector<16xi1>
        %reduce_sum3A_1594 = tpu.scan <sum>, %add3A_1591 masked %reduce_sum3A_1593 : vector<16xf32>, vector<16xi1> -> vector<16xf32>
        %reduce_sum3A_1595 = vector.extract %reduce_sum3A_1594[15] : f32 from vector<16xf32>
        %broadcast_in_dim3A_1596 = vector.broadcast %reduce_sum3A_1595 : f32 to vector<16xf32>
        %select_n3A_1597 = arith.select %eq3A_1127, %broadcast_in_dim3A_1596, %scan3A_1120 : vector<16xi1>, vector<16xf32>
        %mul3A_1598 = arith.constant 20 : i32
        %mul3A_1599 = arith.muli %scan3A_1104, %mul3A_1598 : i32
        %add3A_1600 = arith.constant 15 : i32
        %add3A_1601 = arith.addi %mul3A_1599, %add3A_1600 : i32
        %get3A_1602 = arith.index_cast %add3A_1601 : i32 to index
        %get3A_1603 = arith.constant 0 : index
        %get3A_1604 = tpu.vector_load %arg13[%get3A_1602, %get3A_1603] {strides = array<i32>} : memref<640x64xf32, #tpu.memory_space<vmem>>, vector<16xf32>,
        %mul3A_1605 = arith.mulf %get3A_1130, %get3A_1604 : vector<16xf32>
        %get3A_1606 = arith.index_cast %add3A_1601 : i32 to index
        %get3A_1607 = arith.constant 16 : index
        %get3A_1608 = tpu.vector_load %arg13[%get3A_1606, %get3A_1607] {strides = array<i32>} : memref<640x64xf32, #tpu.memory_space<vmem>>, vector<16xf32>,
        %mul3A_1609 = arith.mulf %get3A_1133, %get3A_1608 : vector<16xf32>
        %add3A_1610 = arith.addf %mul3A_1605, %mul3A_1609 : vector<16xf32>
        %get3A_1611 = arith.index_cast %add3A_1601 : i32 to index
        %get3A_1612 = arith.constant 32 : index
        %get3A_1613 = tpu.vector_load %arg13[%get3A_1611, %get3A_1612] {strides = array<i32>} : memref<640x64xf32, #tpu.memory_space<vmem>>, vector<16xf32>,
        %mul3A_1614 = arith.mulf %get3A_1136, %get3A_1613 : vector<16xf32>
        %add3A_1615 = arith.addf %add3A_1610, %mul3A_1614 : vector<16xf32>
        %get3A_1616 = arith.index_cast %add3A_1601 : i32 to index
        %get3A_1617 = arith.constant 48 : index
        %get3A_1618 = tpu.vector_load %arg13[%get3A_1616, %get3A_1617] {strides = array<i32>} : memref<640x64xf32, #tpu.memory_space<vmem>>, vector<16xf32>,
        %mul3A_1619 = arith.mulf %get3A_1139, %get3A_1618 : vector<16xf32>
        %add3A_1620 = arith.addf %add3A_1615, %mul3A_1619 : vector<16xf32>
        %reduce_sum3A_1621 = arith.constant true
        %reduce_sum3A_1622 = vector.broadcast %reduce_sum3A_1621 : i1 to vector<16xi1>
        %reduce_sum3A_1623 = tpu.scan <sum>, %add3A_1620 masked %reduce_sum3A_1622 : vector<16xf32>, vector<16xi1> -> vector<16xf32>
        %reduce_sum3A_1624 = vector.extract %reduce_sum3A_1623[15] : f32 from vector<16xf32>
        %broadcast_in_dim3A_1625 = vector.broadcast %reduce_sum3A_1624 : f32 to vector<16xf32>
        %select_n3A_1626 = arith.select %eq3A_1127, %broadcast_in_dim3A_1625, %scan3A_1121 : vector<16xi1>, vector<16xf32>
        %mul3A_1627 = arith.constant 20 : i32
        %mul3A_1628 = arith.muli %scan3A_1104, %mul3A_1627 : i32
        %add3A_1629 = arith.constant 16 : i32
        %add3A_1630 = arith.addi %mul3A_1628, %add3A_1629 : i32
        %get3A_1631 = arith.index_cast %add3A_1630 : i32 to index
        %get3A_1632 = arith.constant 0 : index
        %get3A_1633 = tpu.vector_load %arg13[%get3A_1631, %get3A_1632] {strides = array<i32>} : memref<640x64xf32, #tpu.memory_space<vmem>>, vector<16xf32>,
        %mul3A_1634 = arith.mulf %get3A_1130, %get3A_1633 : vector<16xf32>
        %get3A_1635 = arith.index_cast %add3A_1630 : i32 to index
        %get3A_1636 = arith.constant 16 : index
        %get3A_1637 = tpu.vector_load %arg13[%get3A_1635, %get3A_1636] {strides = array<i32>} : memref<640x64xf32, #tpu.memory_space<vmem>>, vector<16xf32>,
        %mul3A_1638 = arith.mulf %get3A_1133, %get3A_1637 : vector<16xf32>
        %add3A_1639 = arith.addf %mul3A_1634, %mul3A_1638 : vector<16xf32>
        %get3A_1640 = arith.index_cast %add3A_1630 : i32 to index
        %get3A_1641 = arith.constant 32 : index
        %get3A_1642 = tpu.vector_load %arg13[%get3A_1640, %get3A_1641] {strides = array<i32>} : memref<640x64xf32, #tpu.memory_space<vmem>>, vector<16xf32>,
        %mul3A_1643 = arith.mulf %get3A_1136, %get3A_1642 : vector<16xf32>
        %add3A_1644 = arith.addf %add3A_1639, %mul3A_1643 : vector<16xf32>
        %get3A_1645 = arith.index_cast %add3A_1630 : i32 to index
        %get3A_1646 = arith.constant 48 : index
        %get3A_1647 = tpu.vector_load %arg13[%get3A_1645, %get3A_1646] {strides = array<i32>} : memref<640x64xf32, #tpu.memory_space<vmem>>, vector<16xf32>,
        %mul3A_1648 = arith.mulf %get3A_1139, %get3A_1647 : vector<16xf32>
        %add3A_1649 = arith.addf %add3A_1644, %mul3A_1648 : vector<16xf32>
        %reduce_sum3A_1650 = arith.constant true
        %reduce_sum3A_1651 = vector.broadcast %reduce_sum3A_1650 : i1 to vector<16xi1>
        %reduce_sum3A_1652 = tpu.scan <sum>, %add3A_1649 masked %reduce_sum3A_1651 : vector<16xf32>, vector<16xi1> -> vector<16xf32>
        %reduce_sum3A_1653 = vector.extract %reduce_sum3A_1652[15] : f32 from vector<16xf32>
        %broadcast_in_dim3A_1654 = vector.broadcast %reduce_sum3A_1653 : f32 to vector<16xf32>
        %select_n3A_1655 = arith.select %eq3A_1127, %broadcast_in_dim3A_1654, %scan3A_1122 : vector<16xi1>, vector<16xf32>
        %mul3A_1656 = arith.constant 20 : i32
        %mul3A_1657 = arith.muli %scan3A_1104, %mul3A_1656 : i32
        %add3A_1658 = arith.constant 17 : i32
        %add3A_1659 = arith.addi %mul3A_1657, %add3A_1658 : i32
        %get3A_1660 = arith.index_cast %add3A_1659 : i32 to index
        %get3A_1661 = arith.constant 0 : index
        %get3A_1662 = tpu.vector_load %arg13[%get3A_1660, %get3A_1661] {strides = array<i32>} : memref<640x64xf32, #tpu.memory_space<vmem>>, vector<16xf32>,
        %mul3A_1663 = arith.mulf %get3A_1130, %get3A_1662 : vector<16xf32>
        %get3A_1664 = arith.index_cast %add3A_1659 : i32 to index
        %get3A_1665 = arith.constant 16 : index
        %get3A_1666 = tpu.vector_load %arg13[%get3A_1664, %get3A_1665] {strides = array<i32>} : memref<640x64xf32, #tpu.memory_space<vmem>>, vector<16xf32>,
        %mul3A_1667 = arith.mulf %get3A_1133, %get3A_1666 : vector<16xf32>
        %add3A_1668 = arith.addf %mul3A_1663, %mul3A_1667 : vector<16xf32>
        %get3A_1669 = arith.index_cast %add3A_1659 : i32 to index
        %get3A_1670 = arith.constant 32 : index
        %get3A_1671 = tpu.vector_load %arg13[%get3A_1669, %get3A_1670] {strides = array<i32>} : memref<640x64xf32, #tpu.memory_space<vmem>>, vector<16xf32>,
        %mul3A_1672 = arith.mulf %get3A_1136, %get3A_1671 : vector<16xf32>
        %add3A_1673 = arith.addf %add3A_1668, %mul3A_1672 : vector<16xf32>
        %get3A_1674 = arith.index_cast %add3A_1659 : i32 to index
        %get3A_1675 = arith.constant 48 : index
        %get3A_1676 = tpu.vector_load %arg13[%get3A_1674, %get3A_1675] {strides = array<i32>} : memref<640x64xf32, #tpu.memory_space<vmem>>, vector<16xf32>,
        %mul3A_1677 = arith.mulf %get3A_1139, %get3A_1676 : vector<16xf32>
        %add3A_1678 = arith.addf %add3A_1673, %mul3A_1677 : vector<16xf32>
        %reduce_sum3A_1679 = arith.constant true
        %reduce_sum3A_1680 = vector.broadcast %reduce_sum3A_1679 : i1 to vector<16xi1>
        %reduce_sum3A_1681 = tpu.scan <sum>, %add3A_1678 masked %reduce_sum3A_1680 : vector<16xf32>, vector<16xi1> -> vector<16xf32>
        %reduce_sum3A_1682 = vector.extract %reduce_sum3A_1681[15] : f32 from vector<16xf32>
        %broadcast_in_dim3A_1683 = vector.broadcast %reduce_sum3A_1682 : f32 to vector<16xf32>
        %select_n3A_1684 = arith.select %eq3A_1127, %broadcast_in_dim3A_1683, %scan3A_1123 : vector<16xi1>, vector<16xf32>
        %mul3A_1685 = arith.constant 20 : i32
        %mul3A_1686 = arith.muli %scan3A_1104, %mul3A_1685 : i32
        %add3A_1687 = arith.constant 18 : i32
        %add3A_1688 = arith.addi %mul3A_1686, %add3A_1687 : i32
        %get3A_1689 = arith.index_cast %add3A_1688 : i32 to index
        %get3A_1690 = arith.constant 0 : index
        %get3A_1691 = tpu.vector_load %arg13[%get3A_1689, %get3A_1690] {strides = array<i32>} : memref<640x64xf32, #tpu.memory_space<vmem>>, vector<16xf32>,
        %mul3A_1692 = arith.mulf %get3A_1130, %get3A_1691 : vector<16xf32>
        %get3A_1693 = arith.index_cast %add3A_1688 : i32 to index
        %get3A_1694 = arith.constant 16 : index
        %get3A_1695 = tpu.vector_load %arg13[%get3A_1693, %get3A_1694] {strides = array<i32>} : memref<640x64xf32, #tpu.memory_space<vmem>>, vector<16xf32>,
        %mul3A_1696 = arith.mulf %get3A_1133, %get3A_1695 : vector<16xf32>
        %add3A_1697 = arith.addf %mul3A_1692, %mul3A_1696 : vector<16xf32>
        %get3A_1698 = arith.index_cast %add3A_1688 : i32 to index
        %get3A_1699 = arith.constant 32 : index
        %get3A_1700 = tpu.vector_load %arg13[%get3A_1698, %get3A_1699] {strides = array<i32>} : memref<640x64xf32, #tpu.memory_space<vmem>>, vector<16xf32>,
        %mul3A_1701 = arith.mulf %get3A_1136, %get3A_1700 : vector<16xf32>
        %add3A_1702 = arith.addf %add3A_1697, %mul3A_1701 : vector<16xf32>
        %get3A_1703 = arith.index_cast %add3A_1688 : i32 to index
        %get3A_1704 = arith.constant 48 : index
        %get3A_1705 = tpu.vector_load %arg13[%get3A_1703, %get3A_1704] {strides = array<i32>} : memref<640x64xf32, #tpu.memory_space<vmem>>, vector<16xf32>,
        %mul3A_1706 = arith.mulf %get3A_1139, %get3A_1705 : vector<16xf32>
        %add3A_1707 = arith.addf %add3A_1702, %mul3A_1706 : vector<16xf32>
        %reduce_sum3A_1708 = arith.constant true
        %reduce_sum3A_1709 = vector.broadcast %reduce_sum3A_1708 : i1 to vector<16xi1>
        %reduce_sum3A_1710 = tpu.scan <sum>, %add3A_1707 masked %reduce_sum3A_1709 : vector<16xf32>, vector<16xi1> -> vector<16xf32>
        %reduce_sum3A_1711 = vector.extract %reduce_sum3A_1710[15] : f32 from vector<16xf32>
        %broadcast_in_dim3A_1712 = vector.broadcast %reduce_sum3A_1711 : f32 to vector<16xf32>
        %select_n3A_1713 = arith.select %eq3A_1127, %broadcast_in_dim3A_1712, %scan3A_1124 : vector<16xi1>, vector<16xf32>
        %mul3A_1714 = arith.constant 20 : i32
        %mul3A_1715 = arith.muli %scan3A_1104, %mul3A_1714 : i32
        %add3A_1716 = arith.constant 19 : i32
        %add3A_1717 = arith.addi %mul3A_1715, %add3A_1716 : i32
        %get3A_1718 = arith.index_cast %add3A_1717 : i32 to index
        %get3A_1719 = arith.constant 0 : index
        %get3A_1720 = tpu.vector_load %arg13[%get3A_1718, %get3A_1719] {strides = array<i32>} : memref<640x64xf32, #tpu.memory_space<vmem>>, vector<16xf32>,
        %mul3A_1721 = arith.mulf %get3A_1130, %get3A_1720 : vector<16xf32>
        %get3A_1722 = arith.index_cast %add3A_1717 : i32 to index
        %get3A_1723 = arith.constant 16 : index
        %get3A_1724 = tpu.vector_load %arg13[%get3A_1722, %get3A_1723] {strides = array<i32>} : memref<640x64xf32, #tpu.memory_space<vmem>>, vector<16xf32>,
        %mul3A_1725 = arith.mulf %get3A_1133, %get3A_1724 : vector<16xf32>
        %add3A_1726 = arith.addf %mul3A_1721, %mul3A_1725 : vector<16xf32>
        %get3A_1727 = arith.index_cast %add3A_1717 : i32 to index
        %get3A_1728 = arith.constant 32 : index
        %get3A_1729 = tpu.vector_load %arg13[%get3A_1727, %get3A_1728] {strides = array<i32>} : memref<640x64xf32, #tpu.memory_space<vmem>>, vector<16xf32>,
        %mul3A_1730 = arith.mulf %get3A_1136, %get3A_1729 : vector<16xf32>
        %add3A_1731 = arith.addf %add3A_1726, %mul3A_1730 : vector<16xf32>
        %get3A_1732 = arith.index_cast %add3A_1717 : i32 to index
        %get3A_1733 = arith.constant 48 : index
        %get3A_1734 = tpu.vector_load %arg13[%get3A_1732, %get3A_1733] {strides = array<i32>} : memref<640x64xf32, #tpu.memory_space<vmem>>, vector<16xf32>,
        %mul3A_1735 = arith.mulf %get3A_1139, %get3A_1734 : vector<16xf32>
        %add3A_1736 = arith.addf %add3A_1731, %mul3A_1735 : vector<16xf32>
        %reduce_sum3A_1737 = arith.constant true
        %reduce_sum3A_1738 = vector.broadcast %reduce_sum3A_1737 : i1 to vector<16xi1>
        %reduce_sum3A_1739 = tpu.scan <sum>, %add3A_1736 masked %reduce_sum3A_1738 : vector<16xf32>, vector<16xi1> -> vector<16xf32>
        %reduce_sum3A_1740 = vector.extract %reduce_sum3A_1739[15] : f32 from vector<16xf32>
        %broadcast_in_dim3A_1741 = vector.broadcast %reduce_sum3A_1740 : f32 to vector<16xf32>
        %select_n3A_1742 = arith.select %eq3A_1127, %broadcast_in_dim3A_1741, %scan3A_1125 : vector<16xi1>, vector<16xf32>
        scf.yield %select_n3A, %select_n3A_1191, %select_n3A_1220, %select_n3A_1249, %select_n3A_1278, %select_n3A_1307, %select_n3A_1336, %select_n3A_1365, %select_n3A_1394, %select_n3A_1423, %select_n3A_1452, %select_n3A_1481, %select_n3A_1510, %select_n3A_1539, %select_n3A_1568, %select_n3A_1597, %select_n3A_1626, %select_n3A_1655, %select_n3A_1684, %select_n3A_1713, %select_n3A_1742 : vector<16xf32>, vector<16xf32>, vector<16xf32>, vector<16xf32>, vector<16xf32>, vector<16xf32>, vector<16xf32>, vector<16xf32>, vector<16xf32>, vector<16xf32>, vector<16xf32>, vector<16xf32>, vector<16xf32>, vector<16xf32>, vector<16xf32>, vector<16xf32>, vector<16xf32>, vector<16xf32>, vector<16xf32>, vector<16xf32>, vector<16xf32>
      }
      %scan3A_1007 = arith.constant 16 : i32
      %add3A_1008 = arith.constant 0 : i32
      %add3A_1009 = vector.broadcast %add3A_1008 : i32 to vector<16xi32>
      %add3A_1010 = arith.addi %add3A_1009, %iota3A : vector<16xi32>
      %broadcast_in_dim3A_1011 = arith.constant 0 : i32
      %broadcast_in_dim3A_1012 = vector.broadcast %broadcast_in_dim3A_1011 : i32 to vector<16xi32>
      tpu.vector_store_idx %arg14[%add3A_1010, %broadcast_in_dim3A_1012], %scan3A_1006#0 : memref<32x21xf32, #tpu.memory_space<vmem>>[vector<16xi32>, vector<16xi32>], vector<16xf32>,
      %broadcast_in_dim3A_1013 = arith.constant 1 : i32
      %broadcast_in_dim3A_1014 = vector.broadcast %broadcast_in_dim3A_1013 : i32 to vector<16xi32>
      tpu.vector_store_idx %arg14[%add3A_1010, %broadcast_in_dim3A_1014], %scan3A_1006#1 : memref<32x21xf32, #tpu.memory_space<vmem>>[vector<16xi32>, vector<16xi32>], vector<16xf32>,
      %broadcast_in_dim3A_1015 = arith.constant 2 : i32
      %broadcast_in_dim3A_1016 = vector.broadcast %broadcast_in_dim3A_1015 : i32 to vector<16xi32>
      tpu.vector_store_idx %arg14[%add3A_1010, %broadcast_in_dim3A_1016], %scan3A_1006#2 : memref<32x21xf32, #tpu.memory_space<vmem>>[vector<16xi32>, vector<16xi32>], vector<16xf32>,
      %broadcast_in_dim3A_1017 = arith.constant 3 : i32
      %broadcast_in_dim3A_1018 = vector.broadcast %broadcast_in_dim3A_1017 : i32 to vector<16xi32>
      tpu.vector_store_idx %arg14[%add3A_1010, %broadcast_in_dim3A_1018], %scan3A_1006#3 : memref<32x21xf32, #tpu.memory_space<vmem>>[vector<16xi32>, vector<16xi32>], vector<16xf32>,
      %broadcast_in_dim3A_1019 = arith.constant 4 : i32
      %broadcast_in_dim3A_1020 = vector.broadcast %broadcast_in_dim3A_1019 : i32 to vector<16xi32>
      tpu.vector_store_idx %arg14[%add3A_1010, %broadcast_in_dim3A_1020], %scan3A_1006#4 : memref<32x21xf32, #tpu.memory_space<vmem>>[vector<16xi32>, vector<16xi32>], vector<16xf32>,
      %broadcast_in_dim3A_1021 = arith.constant 5 : i32
      %broadcast_in_dim3A_1022 = vector.broadcast %broadcast_in_dim3A_1021 : i32 to vector<16xi32>
      tpu.vector_store_idx %arg14[%add3A_1010, %broadcast_in_dim3A_1022], %scan3A_1006#5 : memref<32x21xf32, #tpu.memory_space<vmem>>[vector<16xi32>, vector<16xi32>], vector<16xf32>,
      %broadcast_in_dim3A_1023 = arith.constant 6 : i32
      %broadcast_in_dim3A_1024 = vector.broadcast %broadcast_in_dim3A_1023 : i32 to vector<16xi32>
      tpu.vector_store_idx %arg14[%add3A_1010, %broadcast_in_dim3A_1024], %scan3A_1006#6 : memref<32x21xf32, #tpu.memory_space<vmem>>[vector<16xi32>, vector<16xi32>], vector<16xf32>,
      %broadcast_in_dim3A_1025 = arith.constant 7 : i32
      %broadcast_in_dim3A_1026 = vector.broadcast %broadcast_in_dim3A_1025 : i32 to vector<16xi32>
      tpu.vector_store_idx %arg14[%add3A_1010, %broadcast_in_dim3A_1026], %scan3A_1006#7 : memref<32x21xf32, #tpu.memory_space<vmem>>[vector<16xi32>, vector<16xi32>], vector<16xf32>,
      %broadcast_in_dim3A_1027 = arith.constant 8 : i32
      %broadcast_in_dim3A_1028 = vector.broadcast %broadcast_in_dim3A_1027 : i32 to vector<16xi32>
      tpu.vector_store_idx %arg14[%add3A_1010, %broadcast_in_dim3A_1028], %scan3A_1006#8 : memref<32x21xf32, #tpu.memory_space<vmem>>[vector<16xi32>, vector<16xi32>], vector<16xf32>,
      %broadcast_in_dim3A_1029 = arith.constant 9 : i32
      %broadcast_in_dim3A_1030 = vector.broadcast %broadcast_in_dim3A_1029 : i32 to vector<16xi32>
      tpu.vector_store_idx %arg14[%add3A_1010, %broadcast_in_dim3A_1030], %scan3A_1006#9 : memref<32x21xf32, #tpu.memory_space<vmem>>[vector<16xi32>, vector<16xi32>], vector<16xf32>,
      %broadcast_in_dim3A_1031 = arith.constant 10 : i32
      %broadcast_in_dim3A_1032 = vector.broadcast %broadcast_in_dim3A_1031 : i32 to vector<16xi32>
      tpu.vector_store_idx %arg14[%add3A_1010, %broadcast_in_dim3A_1032], %scan3A_1006#10 : memref<32x21xf32, #tpu.memory_space<vmem>>[vector<16xi32>, vector<16xi32>], vector<16xf32>,
      %broadcast_in_dim3A_1033 = arith.constant 11 : i32
      %broadcast_in_dim3A_1034 = vector.broadcast %broadcast_in_dim3A_1033 : i32 to vector<16xi32>
      tpu.vector_store_idx %arg14[%add3A_1010, %broadcast_in_dim3A_1034], %scan3A_1006#11 : memref<32x21xf32, #tpu.memory_space<vmem>>[vector<16xi32>, vector<16xi32>], vector<16xf32>,
      %broadcast_in_dim3A_1035 = arith.constant 12 : i32
      %broadcast_in_dim3A_1036 = vector.broadcast %broadcast_in_dim3A_1035 : i32 to vector<16xi32>
      tpu.vector_store_idx %arg14[%add3A_1010, %broadcast_in_dim3A_1036], %scan3A_1006#12 : memref<32x21xf32, #tpu.memory_space<vmem>>[vector<16xi32>, vector<16xi32>], vector<16xf32>,
      %broadcast_in_dim3A_1037 = arith.constant 13 : i32
      %broadcast_in_dim3A_1038 = vector.broadcast %broadcast_in_dim3A_1037 : i32 to vector<16xi32>
      tpu.vector_store_idx %arg14[%add3A_1010, %broadcast_in_dim3A_1038], %scan3A_1006#13 : memref<32x21xf32, #tpu.memory_space<vmem>>[vector<16xi32>, vector<16xi32>], vector<16xf32>,
      %broadcast_in_dim3A_1039 = arith.constant 14 : i32
      %broadcast_in_dim3A_1040 = vector.broadcast %broadcast_in_dim3A_1039 : i32 to vector<16xi32>
      tpu.vector_store_idx %arg14[%add3A_1010, %broadcast_in_dim3A_1040], %scan3A_1006#14 : memref<32x21xf32, #tpu.memory_space<vmem>>[vector<16xi32>, vector<16xi32>], vector<16xf32>,
      %broadcast_in_dim3A_1041 = arith.constant 15 : i32
      %broadcast_in_dim3A_1042 = vector.broadcast %broadcast_in_dim3A_1041 : i32 to vector<16xi32>
      tpu.vector_store_idx %arg14[%add3A_1010, %broadcast_in_dim3A_1042], %scan3A_1006#15 : memref<32x21xf32, #tpu.memory_space<vmem>>[vector<16xi32>, vector<16xi32>], vector<16xf32>,
      %broadcast_in_dim3A_1043 = arith.constant 16 : i32
      %broadcast_in_dim3A_1044 = vector.broadcast %broadcast_in_dim3A_1043 : i32 to vector<16xi32>
      tpu.vector_store_idx %arg14[%add3A_1010, %broadcast_in_dim3A_1044], %scan3A_1006#16 : memref<32x21xf32, #tpu.memory_space<vmem>>[vector<16xi32>, vector<16xi32>], vector<16xf32>,
      %broadcast_in_dim3A_1045 = arith.constant 17 : i32
      %broadcast_in_dim3A_1046 = vector.broadcast %broadcast_in_dim3A_1045 : i32 to vector<16xi32>
      tpu.vector_store_idx %arg14[%add3A_1010, %broadcast_in_dim3A_1046], %scan3A_1006#17 : memref<32x21xf32, #tpu.memory_space<vmem>>[vector<16xi32>, vector<16xi32>], vector<16xf32>,
      %broadcast_in_dim3A_1047 = arith.constant 18 : i32
      %broadcast_in_dim3A_1048 = vector.broadcast %broadcast_in_dim3A_1047 : i32 to vector<16xi32>
      tpu.vector_store_idx %arg14[%add3A_1010, %broadcast_in_dim3A_1048], %scan3A_1006#18 : memref<32x21xf32, #tpu.memory_space<vmem>>[vector<16xi32>, vector<16xi32>], vector<16xf32>,
      %broadcast_in_dim3A_1049 = arith.constant 19 : i32
      %broadcast_in_dim3A_1050 = vector.broadcast %broadcast_in_dim3A_1049 : i32 to vector<16xi32>
      tpu.vector_store_idx %arg14[%add3A_1010, %broadcast_in_dim3A_1050], %scan3A_1006#19 : memref<32x21xf32, #tpu.memory_space<vmem>>[vector<16xi32>, vector<16xi32>], vector<16xf32>,
      %broadcast_in_dim3A_1051 = arith.constant 20 : i32
      %broadcast_in_dim3A_1052 = vector.broadcast %broadcast_in_dim3A_1051 : i32 to vector<16xi32>
      tpu.vector_store_idx %arg14[%add3A_1010, %broadcast_in_dim3A_1052], %scan3A_1006#20 : memref<32x21xf32, #tpu.memory_space<vmem>>[vector<16xi32>, vector<16xi32>], vector<16xf32>,
      %scan3A_1053 = arith.constant 16 : i32
      %scan3A_1054 = arith.constant 16 : i32
      %scan3A_1055 = arith.addi %scan3A_1053, %scan3A_1054 : i32
      %scan3A_1056 = arith.constant 1 : i32
      %scan3A_1057:21 = scf.for %scan3A_1104 = %scan3A_1053 to %scan3A_1055 step %scan3A_1056 iter_args(%scan3A_1105 = %broadcast_in_dim3A_1001, %scan3A_1106 = %broadcast_in_dim3A_1001, %scan3A_1107 = %broadcast_in_dim3A_1001, %scan3A_1108 = %broadcast_in_dim3A_1001, %scan3A_1109 = %broadcast_in_dim3A_1001, %scan3A_1110 = %broadcast_in_dim3A_1001, %scan3A_1111 = %broadcast_in_dim3A_1001, %scan3A_1112 = %broadcast_in_dim3A_1001, %scan3A_1113 = %broadcast_in_dim3A_1001, %scan3A_1114 = %broadcast_in_dim3A_1001, %scan3A_1115 = %broadcast_in_dim3A_1001, %scan3A_1116 = %broadcast_in_dim3A_1001, %scan3A_1117 = %broadcast_in_dim3A_1001, %scan3A_1118 = %broadcast_in_dim3A_1001, %scan3A_1119 = %broadcast_in_dim3A_1001, %scan3A_1120 = %broadcast_in_dim3A_1001, %scan3A_1121 = %broadcast_in_dim3A_1001, %scan3A_1122 = %broadcast_in_dim3A_1001, %scan3A_1123 = %broadcast_in_dim3A_1001, %scan3A_1124 = %broadcast_in_dim3A_1001, %scan3A_1125 = %broadcast_in_dim3A_1001) -> (vector<16xf32>, vector<16xf32>, vector<16xf32>, vector<16xf32>, vector<16xf32>, vector<16xf32>, vector<16xf32>, vector<16xf32>, vector<16xf32>, vector<16xf32>, vector<16xf32>, vector<16xf32>, vector<16xf32>, vector<16xf32>, vector<16xf32>, vector<16xf32>, vector<16xf32>, vector<16xf32>, vector<16xf32>, vector<16xf32>, vector<16xf32>)  : i32 {
        %sub3A = arith.constant 16 : i32
        %sub3A_1126 = arith.subi %scan3A_1104, %sub3A : i32
        %eq3A = vector.broadcast %sub3A_1126 : i32 to vector<16xi32>
        %eq3A_1127 = arith.cmpi eq, %iota3A, %eq3A : vector<16xi32>
        %get3A_1128 = arith.index_cast %scan3A_1104 : i32 to index
        %get3A_1129 = arith.constant 0 : index
        %get3A_1130 = tpu.vector_load %arg11[%get3A_1128, %get3A_1129] {strides = array<i32>} : memref<32x64xf32, #tpu.memory_space<vmem>>, vector<16xf32>,
        %get3A_1131 = arith.index_cast %scan3A_1104 : i32 to index
        %get3A_1132 = arith.constant 16 : index
        %get3A_1133 = tpu.vector_load %arg11[%get3A_1131, %get3A_1132] {strides = array<i32>} : memref<32x64xf32, #tpu.memory_space<vmem>>, vector<16xf32>,
        %get3A_1134 = arith.index_cast %scan3A_1104 : i32 to index
        %get3A_1135 = arith.constant 32 : index
        %get3A_1136 = tpu.vector_load %arg11[%get3A_1134, %get3A_1135] {strides = array<i32>} : memref<32x64xf32, #tpu.memory_space<vmem>>, vector<16xf32>,
        %get3A_1137 = arith.index_cast %scan3A_1104 : i32 to index
        %get3A_1138 = arith.constant 48 : index
        %get3A_1139 = tpu.vector_load %arg11[%get3A_1137, %get3A_1138] {strides = array<i32>} : memref<32x64xf32, #tpu.memory_space<vmem>>, vector<16xf32>,
        %get3A_1140 = arith.index_cast %scan3A_1104 : i32 to index
        %get3A_1141 = arith.constant 0 : index
        %get3A_1142 = tpu.vector_load %arg12[%get3A_1140, %get3A_1141] {strides = array<i32>} : memref<32x64xf32, #tpu.memory_space<vmem>>, vector<16xf32>,
        %get3A_1143 = arith.index_cast %scan3A_1104 : i32 to index
        %get3A_1144 = arith.constant 16 : index
        %get3A_1145 = tpu.vector_load %arg12[%get3A_1143, %get3A_1144] {strides = array<i32>} : memref<32x64xf32, #tpu.memory_space<vmem>>, vector<16xf32>,
        %get3A_1146 = arith.index_cast %scan3A_1104 : i32 to index
        %get3A_1147 = arith.constant 32 : index
        %get3A_1148 = tpu.vector_load %arg12[%get3A_1146, %get3A_1147] {strides = array<i32>} : memref<32x64xf32, #tpu.memory_space<vmem>>, vector<16xf32>,
        %get3A_1149 = arith.index_cast %scan3A_1104 : i32 to index
        %get3A_1150 = arith.constant 48 : index
        %get3A_1151 = tpu.vector_load %arg12[%get3A_1149, %get3A_1150] {strides = array<i32>} : memref<32x64xf32, #tpu.memory_space<vmem>>, vector<16xf32>,
        %mul3A_1152 = arith.mulf %get3A_1130, %get3A_1142 : vector<16xf32>
        %mul3A_1153 = arith.mulf %get3A_1133, %get3A_1145 : vector<16xf32>
        %add3A_1154 = arith.addf %mul3A_1152, %mul3A_1153 : vector<16xf32>
        %mul3A_1155 = arith.mulf %get3A_1136, %get3A_1148 : vector<16xf32>
        %add3A_1156 = arith.addf %add3A_1154, %mul3A_1155 : vector<16xf32>
        %mul3A_1157 = arith.mulf %get3A_1139, %get3A_1151 : vector<16xf32>
        %add3A_1158 = arith.addf %add3A_1156, %mul3A_1157 : vector<16xf32>
        %reduce_sum3A = arith.constant true
        %reduce_sum3A_1159 = vector.broadcast %reduce_sum3A : i1 to vector<16xi1>
        %reduce_sum3A_1160 = tpu.scan <sum>, %add3A_1158 masked %reduce_sum3A_1159 : vector<16xf32>, vector<16xi1> -> vector<16xf32>
        %reduce_sum3A_1161 = vector.extract %reduce_sum3A_1160[15] : f32 from vector<16xf32>
        %broadcast_in_dim3A_1162 = vector.broadcast %reduce_sum3A_1161 : f32 to vector<16xf32>
        %select_n3A = arith.select %eq3A_1127, %broadcast_in_dim3A_1162, %scan3A_1105 : vector<16xi1>, vector<16xf32>
        %mul3A_1163 = arith.constant 20 : i32
        %mul3A_1164 = arith.muli %scan3A_1104, %mul3A_1163 : i32
        %add3A_1165 = arith.constant 0 : i32
        %add3A_1166 = arith.addi %mul3A_1164, %add3A_1165 : i32
        %get3A_1167 = arith.index_cast %add3A_1166 : i32 to index
        %get3A_1168 = arith.constant 0 : index
        %get3A_1169 = tpu.vector_load %arg13[%get3A_1167, %get3A_1168] {strides = array<i32>} : memref<640x64xf32, #tpu.memory_space<vmem>>, vector<16xf32>,
        %mul3A_1170 = arith.mulf %get3A_1130, %get3A_1169 : vector<16xf32>
        %get3A_1171 = arith.index_cast %add3A_1166 : i32 to index
        %get3A_1172 = arith.constant 16 : index
        %get3A_1173 = tpu.vector_load %arg13[%get3A_1171, %get3A_1172] {strides = array<i32>} : memref<640x64xf32, #tpu.memory_space<vmem>>, vector<16xf32>,
        %mul3A_1174 = arith.mulf %get3A_1133, %get3A_1173 : vector<16xf32>
        %add3A_1175 = arith.addf %mul3A_1170, %mul3A_1174 : vector<16xf32>
        %get3A_1176 = arith.index_cast %add3A_1166 : i32 to index
        %get3A_1177 = arith.constant 32 : index
        %get3A_1178 = tpu.vector_load %arg13[%get3A_1176, %get3A_1177] {strides = array<i32>} : memref<640x64xf32, #tpu.memory_space<vmem>>, vector<16xf32>,
        %mul3A_1179 = arith.mulf %get3A_1136, %get3A_1178 : vector<16xf32>
        %add3A_1180 = arith.addf %add3A_1175, %mul3A_1179 : vector<16xf32>
        %get3A_1181 = arith.index_cast %add3A_1166 : i32 to index
        %get3A_1182 = arith.constant 48 : index
        %get3A_1183 = tpu.vector_load %arg13[%get3A_1181, %get3A_1182] {strides = array<i32>} : memref<640x64xf32, #tpu.memory_space<vmem>>, vector<16xf32>,
        %mul3A_1184 = arith.mulf %get3A_1139, %get3A_1183 : vector<16xf32>
        %add3A_1185 = arith.addf %add3A_1180, %mul3A_1184 : vector<16xf32>
        %reduce_sum3A_1186 = arith.constant true
        %reduce_sum3A_1187 = vector.broadcast %reduce_sum3A_1186 : i1 to vector<16xi1>
        %reduce_sum3A_1188 = tpu.scan <sum>, %add3A_1185 masked %reduce_sum3A_1187 : vector<16xf32>, vector<16xi1> -> vector<16xf32>
        %reduce_sum3A_1189 = vector.extract %reduce_sum3A_1188[15] : f32 from vector<16xf32>
        %broadcast_in_dim3A_1190 = vector.broadcast %reduce_sum3A_1189 : f32 to vector<16xf32>
        %select_n3A_1191 = arith.select %eq3A_1127, %broadcast_in_dim3A_1190, %scan3A_1106 : vector<16xi1>, vector<16xf32>
        %mul3A_1192 = arith.constant 20 : i32
        %mul3A_1193 = arith.muli %scan3A_1104, %mul3A_1192 : i32
        %add3A_1194 = arith.constant 1 : i32
        %add3A_1195 = arith.addi %mul3A_1193, %add3A_1194 : i32
        %get3A_1196 = arith.index_cast %add3A_1195 : i32 to index
        %get3A_1197 = arith.constant 0 : index
        %get3A_1198 = tpu.vector_load %arg13[%get3A_1196, %get3A_1197] {strides = array<i32>} : memref<640x64xf32, #tpu.memory_space<vmem>>, vector<16xf32>,
        %mul3A_1199 = arith.mulf %get3A_1130, %get3A_1198 : vector<16xf32>
        %get3A_1200 = arith.index_cast %add3A_1195 : i32 to index
        %get3A_1201 = arith.constant 16 : index
        %get3A_1202 = tpu.vector_load %arg13[%get3A_1200, %get3A_1201] {strides = array<i32>} : memref<640x64xf32, #tpu.memory_space<vmem>>, vector<16xf32>,
        %mul3A_1203 = arith.mulf %get3A_1133, %get3A_1202 : vector<16xf32>
        %add3A_1204 = arith.addf %mul3A_1199, %mul3A_1203 : vector<16xf32>
        %get3A_1205 = arith.index_cast %add3A_1195 : i32 to index
        %get3A_1206 = arith.constant 32 : index
        %get3A_1207 = tpu.vector_load %arg13[%get3A_1205, %get3A_1206] {strides = array<i32>} : memref<640x64xf32, #tpu.memory_space<vmem>>, vector<16xf32>,
        %mul3A_1208 = arith.mulf %get3A_1136, %get3A_1207 : vector<16xf32>
        %add3A_1209 = arith.addf %add3A_1204, %mul3A_1208 : vector<16xf32>
        %get3A_1210 = arith.index_cast %add3A_1195 : i32 to index
        %get3A_1211 = arith.constant 48 : index
        %get3A_1212 = tpu.vector_load %arg13[%get3A_1210, %get3A_1211] {strides = array<i32>} : memref<640x64xf32, #tpu.memory_space<vmem>>, vector<16xf32>,
        %mul3A_1213 = arith.mulf %get3A_1139, %get3A_1212 : vector<16xf32>
        %add3A_1214 = arith.addf %add3A_1209, %mul3A_1213 : vector<16xf32>
        %reduce_sum3A_1215 = arith.constant true
        %reduce_sum3A_1216 = vector.broadcast %reduce_sum3A_1215 : i1 to vector<16xi1>
        %reduce_sum3A_1217 = tpu.scan <sum>, %add3A_1214 masked %reduce_sum3A_1216 : vector<16xf32>, vector<16xi1> -> vector<16xf32>
        %reduce_sum3A_1218 = vector.extract %reduce_sum3A_1217[15] : f32 from vector<16xf32>
        %broadcast_in_dim3A_1219 = vector.broadcast %reduce_sum3A_1218 : f32 to vector<16xf32>
        %select_n3A_1220 = arith.select %eq3A_1127, %broadcast_in_dim3A_1219, %scan3A_1107 : vector<16xi1>, vector<16xf32>
        %mul3A_1221 = arith.constant 20 : i32
        %mul3A_1222 = arith.muli %scan3A_1104, %mul3A_1221 : i32
        %add3A_1223 = arith.constant 2 : i32
        %add3A_1224 = arith.addi %mul3A_1222, %add3A_1223 : i32
        %get3A_1225 = arith.index_cast %add3A_1224 : i32 to index
        %get3A_1226 = arith.constant 0 : index
        %get3A_1227 = tpu.vector_load %arg13[%get3A_1225, %get3A_1226] {strides = array<i32>} : memref<640x64xf32, #tpu.memory_space<vmem>>, vector<16xf32>,
        %mul3A_1228 = arith.mulf %get3A_1130, %get3A_1227 : vector<16xf32>
        %get3A_1229 = arith.index_cast %add3A_1224 : i32 to index
        %get3A_1230 = arith.constant 16 : index
        %get3A_1231 = tpu.vector_load %arg13[%get3A_1229, %get3A_1230] {strides = array<i32>} : memref<640x64xf32, #tpu.memory_space<vmem>>, vector<16xf32>,
        %mul3A_1232 = arith.mulf %get3A_1133, %get3A_1231 : vector<16xf32>
        %add3A_1233 = arith.addf %mul3A_1228, %mul3A_1232 : vector<16xf32>
        %get3A_1234 = arith.index_cast %add3A_1224 : i32 to index
        %get3A_1235 = arith.constant 32 : index
        %get3A_1236 = tpu.vector_load %arg13[%get3A_1234, %get3A_1235] {strides = array<i32>} : memref<640x64xf32, #tpu.memory_space<vmem>>, vector<16xf32>,
        %mul3A_1237 = arith.mulf %get3A_1136, %get3A_1236 : vector<16xf32>
        %add3A_1238 = arith.addf %add3A_1233, %mul3A_1237 : vector<16xf32>
        %get3A_1239 = arith.index_cast %add3A_1224 : i32 to index
        %get3A_1240 = arith.constant 48 : index
        %get3A_1241 = tpu.vector_load %arg13[%get3A_1239, %get3A_1240] {strides = array<i32>} : memref<640x64xf32, #tpu.memory_space<vmem>>, vector<16xf32>,
        %mul3A_1242 = arith.mulf %get3A_1139, %get3A_1241 : vector<16xf32>
        %add3A_1243 = arith.addf %add3A_1238, %mul3A_1242 : vector<16xf32>
        %reduce_sum3A_1244 = arith.constant true
        %reduce_sum3A_1245 = vector.broadcast %reduce_sum3A_1244 : i1 to vector<16xi1>
        %reduce_sum3A_1246 = tpu.scan <sum>, %add3A_1243 masked %reduce_sum3A_1245 : vector<16xf32>, vector<16xi1> -> vector<16xf32>
        %reduce_sum3A_1247 = vector.extract %reduce_sum3A_1246[15] : f32 from vector<16xf32>
        %broadcast_in_dim3A_1248 = vector.broadcast %reduce_sum3A_1247 : f32 to vector<16xf32>
        %select_n3A_1249 = arith.select %eq3A_1127, %broadcast_in_dim3A_1248, %scan3A_1108 : vector<16xi1>, vector<16xf32>
        %mul3A_1250 = arith.constant 20 : i32
        %mul3A_1251 = arith.muli %scan3A_1104, %mul3A_1250 : i32
        %add3A_1252 = arith.constant 3 : i32
        %add3A_1253 = arith.addi %mul3A_1251, %add3A_1252 : i32
        %get3A_1254 = arith.index_cast %add3A_1253 : i32 to index
        %get3A_1255 = arith.constant 0 : index
        %get3A_1256 = tpu.vector_load %arg13[%get3A_1254, %get3A_1255] {strides = array<i32>} : memref<640x64xf32, #tpu.memory_space<vmem>>, vector<16xf32>,
        %mul3A_1257 = arith.mulf %get3A_1130, %get3A_1256 : vector<16xf32>
        %get3A_1258 = arith.index_cast %add3A_1253 : i32 to index
        %get3A_1259 = arith.constant 16 : index
        %get3A_1260 = tpu.vector_load %arg13[%get3A_1258, %get3A_1259] {strides = array<i32>} : memref<640x64xf32, #tpu.memory_space<vmem>>, vector<16xf32>,
        %mul3A_1261 = arith.mulf %get3A_1133, %get3A_1260 : vector<16xf32>
        %add3A_1262 = arith.addf %mul3A_1257, %mul3A_1261 : vector<16xf32>
        %get3A_1263 = arith.index_cast %add3A_1253 : i32 to index
        %get3A_1264 = arith.constant 32 : index
        %get3A_1265 = tpu.vector_load %arg13[%get3A_1263, %get3A_1264] {strides = array<i32>} : memref<640x64xf32, #tpu.memory_space<vmem>>, vector<16xf32>,
        %mul3A_1266 = arith.mulf %get3A_1136, %get3A_1265 : vector<16xf32>
        %add3A_1267 = arith.addf %add3A_1262, %mul3A_1266 : vector<16xf32>
        %get3A_1268 = arith.index_cast %add3A_1253 : i32 to index
        %get3A_1269 = arith.constant 48 : index
        %get3A_1270 = tpu.vector_load %arg13[%get3A_1268, %get3A_1269] {strides = array<i32>} : memref<640x64xf32, #tpu.memory_space<vmem>>, vector<16xf32>,
        %mul3A_1271 = arith.mulf %get3A_1139, %get3A_1270 : vector<16xf32>
        %add3A_1272 = arith.addf %add3A_1267, %mul3A_1271 : vector<16xf32>
        %reduce_sum3A_1273 = arith.constant true
        %reduce_sum3A_1274 = vector.broadcast %reduce_sum3A_1273 : i1 to vector<16xi1>
        %reduce_sum3A_1275 = tpu.scan <sum>, %add3A_1272 masked %reduce_sum3A_1274 : vector<16xf32>, vector<16xi1> -> vector<16xf32>
        %reduce_sum3A_1276 = vector.extract %reduce_sum3A_1275[15] : f32 from vector<16xf32>
        %broadcast_in_dim3A_1277 = vector.broadcast %reduce_sum3A_1276 : f32 to vector<16xf32>
        %select_n3A_1278 = arith.select %eq3A_1127, %broadcast_in_dim3A_1277, %scan3A_1109 : vector<16xi1>, vector<16xf32>
        %mul3A_1279 = arith.constant 20 : i32
        %mul3A_1280 = arith.muli %scan3A_1104, %mul3A_1279 : i32
        %add3A_1281 = arith.constant 4 : i32
        %add3A_1282 = arith.addi %mul3A_1280, %add3A_1281 : i32
        %get3A_1283 = arith.index_cast %add3A_1282 : i32 to index
        %get3A_1284 = arith.constant 0 : index
        %get3A_1285 = tpu.vector_load %arg13[%get3A_1283, %get3A_1284] {strides = array<i32>} : memref<640x64xf32, #tpu.memory_space<vmem>>, vector<16xf32>,
        %mul3A_1286 = arith.mulf %get3A_1130, %get3A_1285 : vector<16xf32>
        %get3A_1287 = arith.index_cast %add3A_1282 : i32 to index
        %get3A_1288 = arith.constant 16 : index
        %get3A_1289 = tpu.vector_load %arg13[%get3A_1287, %get3A_1288] {strides = array<i32>} : memref<640x64xf32, #tpu.memory_space<vmem>>, vector<16xf32>,
        %mul3A_1290 = arith.mulf %get3A_1133, %get3A_1289 : vector<16xf32>
        %add3A_1291 = arith.addf %mul3A_1286, %mul3A_1290 : vector<16xf32>
        %get3A_1292 = arith.index_cast %add3A_1282 : i32 to index
        %get3A_1293 = arith.constant 32 : index
        %get3A_1294 = tpu.vector_load %arg13[%get3A_1292, %get3A_1293] {strides = array<i32>} : memref<640x64xf32, #tpu.memory_space<vmem>>, vector<16xf32>,
        %mul3A_1295 = arith.mulf %get3A_1136, %get3A_1294 : vector<16xf32>
        %add3A_1296 = arith.addf %add3A_1291, %mul3A_1295 : vector<16xf32>
        %get3A_1297 = arith.index_cast %add3A_1282 : i32 to index
        %get3A_1298 = arith.constant 48 : index
        %get3A_1299 = tpu.vector_load %arg13[%get3A_1297, %get3A_1298] {strides = array<i32>} : memref<640x64xf32, #tpu.memory_space<vmem>>, vector<16xf32>,
        %mul3A_1300 = arith.mulf %get3A_1139, %get3A_1299 : vector<16xf32>
        %add3A_1301 = arith.addf %add3A_1296, %mul3A_1300 : vector<16xf32>
        %reduce_sum3A_1302 = arith.constant true
        %reduce_sum3A_1303 = vector.broadcast %reduce_sum3A_1302 : i1 to vector<16xi1>
        %reduce_sum3A_1304 = tpu.scan <sum>, %add3A_1301 masked %reduce_sum3A_1303 : vector<16xf32>, vector<16xi1> -> vector<16xf32>
        %reduce_sum3A_1305 = vector.extract %reduce_sum3A_1304[15] : f32 from vector<16xf32>
        %broadcast_in_dim3A_1306 = vector.broadcast %reduce_sum3A_1305 : f32 to vector<16xf32>
        %select_n3A_1307 = arith.select %eq3A_1127, %broadcast_in_dim3A_1306, %scan3A_1110 : vector<16xi1>, vector<16xf32>
        %mul3A_1308 = arith.constant 20 : i32
        %mul3A_1309 = arith.muli %scan3A_1104, %mul3A_1308 : i32
        %add3A_1310 = arith.constant 5 : i32
        %add3A_1311 = arith.addi %mul3A_1309, %add3A_1310 : i32
        %get3A_1312 = arith.index_cast %add3A_1311 : i32 to index
        %get3A_1313 = arith.constant 0 : index
        %get3A_1314 = tpu.vector_load %arg13[%get3A_1312, %get3A_1313] {strides = array<i32>} : memref<640x64xf32, #tpu.memory_space<vmem>>, vector<16xf32>,
        %mul3A_1315 = arith.mulf %get3A_1130, %get3A_1314 : vector<16xf32>
        %get3A_1316 = arith.index_cast %add3A_1311 : i32 to index
        %get3A_1317 = arith.constant 16 : index
        %get3A_1318 = tpu.vector_load %arg13[%get3A_1316, %get3A_1317] {strides = array<i32>} : memref<640x64xf32, #tpu.memory_space<vmem>>, vector<16xf32>,
        %mul3A_1319 = arith.mulf %get3A_1133, %get3A_1318 : vector<16xf32>
        %add3A_1320 = arith.addf %mul3A_1315, %mul3A_1319 : vector<16xf32>
        %get3A_1321 = arith.index_cast %add3A_1311 : i32 to index
        %get3A_1322 = arith.constant 32 : index
        %get3A_1323 = tpu.vector_load %arg13[%get3A_1321, %get3A_1322] {strides = array<i32>} : memref<640x64xf32, #tpu.memory_space<vmem>>, vector<16xf32>,
        %mul3A_1324 = arith.mulf %get3A_1136, %get3A_1323 : vector<16xf32>
        %add3A_1325 = arith.addf %add3A_1320, %mul3A_1324 : vector<16xf32>
        %get3A_1326 = arith.index_cast %add3A_1311 : i32 to index
        %get3A_1327 = arith.constant 48 : index
        %get3A_1328 = tpu.vector_load %arg13[%get3A_1326, %get3A_1327] {strides = array<i32>} : memref<640x64xf32, #tpu.memory_space<vmem>>, vector<16xf32>,
        %mul3A_1329 = arith.mulf %get3A_1139, %get3A_1328 : vector<16xf32>
        %add3A_1330 = arith.addf %add3A_1325, %mul3A_1329 : vector<16xf32>
        %reduce_sum3A_1331 = arith.constant true
        %reduce_sum3A_1332 = vector.broadcast %reduce_sum3A_1331 : i1 to vector<16xi1>
        %reduce_sum3A_1333 = tpu.scan <sum>, %add3A_1330 masked %reduce_sum3A_1332 : vector<16xf32>, vector<16xi1> -> vector<16xf32>
        %reduce_sum3A_1334 = vector.extract %reduce_sum3A_1333[15] : f32 from vector<16xf32>
        %broadcast_in_dim3A_1335 = vector.broadcast %reduce_sum3A_1334 : f32 to vector<16xf32>
        %select_n3A_1336 = arith.select %eq3A_1127, %broadcast_in_dim3A_1335, %scan3A_1111 : vector<16xi1>, vector<16xf32>
        %mul3A_1337 = arith.constant 20 : i32
        %mul3A_1338 = arith.muli %scan3A_1104, %mul3A_1337 : i32
        %add3A_1339 = arith.constant 6 : i32
        %add3A_1340 = arith.addi %mul3A_1338, %add3A_1339 : i32
        %get3A_1341 = arith.index_cast %add3A_1340 : i32 to index
        %get3A_1342 = arith.constant 0 : index
        %get3A_1343 = tpu.vector_load %arg13[%get3A_1341, %get3A_1342] {strides = array<i32>} : memref<640x64xf32, #tpu.memory_space<vmem>>, vector<16xf32>,
        %mul3A_1344 = arith.mulf %get3A_1130, %get3A_1343 : vector<16xf32>
        %get3A_1345 = arith.index_cast %add3A_1340 : i32 to index
        %get3A_1346 = arith.constant 16 : index
        %get3A_1347 = tpu.vector_load %arg13[%get3A_1345, %get3A_1346] {strides = array<i32>} : memref<640x64xf32, #tpu.memory_space<vmem>>, vector<16xf32>,
        %mul3A_1348 = arith.mulf %get3A_1133, %get3A_1347 : vector<16xf32>
        %add3A_1349 = arith.addf %mul3A_1344, %mul3A_1348 : vector<16xf32>
        %get3A_1350 = arith.index_cast %add3A_1340 : i32 to index
        %get3A_1351 = arith.constant 32 : index
        %get3A_1352 = tpu.vector_load %arg13[%get3A_1350, %get3A_1351] {strides = array<i32>} : memref<640x64xf32, #tpu.memory_space<vmem>>, vector<16xf32>,
        %mul3A_1353 = arith.mulf %get3A_1136, %get3A_1352 : vector<16xf32>
        %add3A_1354 = arith.addf %add3A_1349, %mul3A_1353 : vector<16xf32>
        %get3A_1355 = arith.index_cast %add3A_1340 : i32 to index
        %get3A_1356 = arith.constant 48 : index
        %get3A_1357 = tpu.vector_load %arg13[%get3A_1355, %get3A_1356] {strides = array<i32>} : memref<640x64xf32, #tpu.memory_space<vmem>>, vector<16xf32>,
        %mul3A_1358 = arith.mulf %get3A_1139, %get3A_1357 : vector<16xf32>
        %add3A_1359 = arith.addf %add3A_1354, %mul3A_1358 : vector<16xf32>
        %reduce_sum3A_1360 = arith.constant true
        %reduce_sum3A_1361 = vector.broadcast %reduce_sum3A_1360 : i1 to vector<16xi1>
        %reduce_sum3A_1362 = tpu.scan <sum>, %add3A_1359 masked %reduce_sum3A_1361 : vector<16xf32>, vector<16xi1> -> vector<16xf32>
        %reduce_sum3A_1363 = vector.extract %reduce_sum3A_1362[15] : f32 from vector<16xf32>
        %broadcast_in_dim3A_1364 = vector.broadcast %reduce_sum3A_1363 : f32 to vector<16xf32>
        %select_n3A_1365 = arith.select %eq3A_1127, %broadcast_in_dim3A_1364, %scan3A_1112 : vector<16xi1>, vector<16xf32>
        %mul3A_1366 = arith.constant 20 : i32
        %mul3A_1367 = arith.muli %scan3A_1104, %mul3A_1366 : i32
        %add3A_1368 = arith.constant 7 : i32
        %add3A_1369 = arith.addi %mul3A_1367, %add3A_1368 : i32
        %get3A_1370 = arith.index_cast %add3A_1369 : i32 to index
        %get3A_1371 = arith.constant 0 : index
        %get3A_1372 = tpu.vector_load %arg13[%get3A_1370, %get3A_1371] {strides = array<i32>} : memref<640x64xf32, #tpu.memory_space<vmem>>, vector<16xf32>,
        %mul3A_1373 = arith.mulf %get3A_1130, %get3A_1372 : vector<16xf32>
        %get3A_1374 = arith.index_cast %add3A_1369 : i32 to index
        %get3A_1375 = arith.constant 16 : index
        %get3A_1376 = tpu.vector_load %arg13[%get3A_1374, %get3A_1375] {strides = array<i32>} : memref<640x64xf32, #tpu.memory_space<vmem>>, vector<16xf32>,
        %mul3A_1377 = arith.mulf %get3A_1133, %get3A_1376 : vector<16xf32>
        %add3A_1378 = arith.addf %mul3A_1373, %mul3A_1377 : vector<16xf32>
        %get3A_1379 = arith.index_cast %add3A_1369 : i32 to index
        %get3A_1380 = arith.constant 32 : index
        %get3A_1381 = tpu.vector_load %arg13[%get3A_1379, %get3A_1380] {strides = array<i32>} : memref<640x64xf32, #tpu.memory_space<vmem>>, vector<16xf32>,
        %mul3A_1382 = arith.mulf %get3A_1136, %get3A_1381 : vector<16xf32>
        %add3A_1383 = arith.addf %add3A_1378, %mul3A_1382 : vector<16xf32>
        %get3A_1384 = arith.index_cast %add3A_1369 : i32 to index
        %get3A_1385 = arith.constant 48 : index
        %get3A_1386 = tpu.vector_load %arg13[%get3A_1384, %get3A_1385] {strides = array<i32>} : memref<640x64xf32, #tpu.memory_space<vmem>>, vector<16xf32>,
        %mul3A_1387 = arith.mulf %get3A_1139, %get3A_1386 : vector<16xf32>
        %add3A_1388 = arith.addf %add3A_1383, %mul3A_1387 : vector<16xf32>
        %reduce_sum3A_1389 = arith.constant true
        %reduce_sum3A_1390 = vector.broadcast %reduce_sum3A_1389 : i1 to vector<16xi1>
        %reduce_sum3A_1391 = tpu.scan <sum>, %add3A_1388 masked %reduce_sum3A_1390 : vector<16xf32>, vector<16xi1> -> vector<16xf32>
        %reduce_sum3A_1392 = vector.extract %reduce_sum3A_1391[15] : f32 from vector<16xf32>
        %broadcast_in_dim3A_1393 = vector.broadcast %reduce_sum3A_1392 : f32 to vector<16xf32>
        %select_n3A_1394 = arith.select %eq3A_1127, %broadcast_in_dim3A_1393, %scan3A_1113 : vector<16xi1>, vector<16xf32>
        %mul3A_1395 = arith.constant 20 : i32
        %mul3A_1396 = arith.muli %scan3A_1104, %mul3A_1395 : i32
        %add3A_1397 = arith.constant 8 : i32
        %add3A_1398 = arith.addi %mul3A_1396, %add3A_1397 : i32
        %get3A_1399 = arith.index_cast %add3A_1398 : i32 to index
        %get3A_1400 = arith.constant 0 : index
        %get3A_1401 = tpu.vector_load %arg13[%get3A_1399, %get3A_1400] {strides = array<i32>} : memref<640x64xf32, #tpu.memory_space<vmem>>, vector<16xf32>,
        %mul3A_1402 = arith.mulf %get3A_1130, %get3A_1401 : vector<16xf32>
        %get3A_1403 = arith.index_cast %add3A_1398 : i32 to index
        %get3A_1404 = arith.constant 16 : index
        %get3A_1405 = tpu.vector_load %arg13[%get3A_1403, %get3A_1404] {strides = array<i32>} : memref<640x64xf32, #tpu.memory_space<vmem>>, vector<16xf32>,
        %mul3A_1406 = arith.mulf %get3A_1133, %get3A_1405 : vector<16xf32>
        %add3A_1407 = arith.addf %mul3A_1402, %mul3A_1406 : vector<16xf32>
        %get3A_1408 = arith.index_cast %add3A_1398 : i32 to index
        %get3A_1409 = arith.constant 32 : index
        %get3A_1410 = tpu.vector_load %arg13[%get3A_1408, %get3A_1409] {strides = array<i32>} : memref<640x64xf32, #tpu.memory_space<vmem>>, vector<16xf32>,
        %mul3A_1411 = arith.mulf %get3A_1136, %get3A_1410 : vector<16xf32>
        %add3A_1412 = arith.addf %add3A_1407, %mul3A_1411 : vector<16xf32>
        %get3A_1413 = arith.index_cast %add3A_1398 : i32 to index
        %get3A_1414 = arith.constant 48 : index
        %get3A_1415 = tpu.vector_load %arg13[%get3A_1413, %get3A_1414] {strides = array<i32>} : memref<640x64xf32, #tpu.memory_space<vmem>>, vector<16xf32>,
        %mul3A_1416 = arith.mulf %get3A_1139, %get3A_1415 : vector<16xf32>
        %add3A_1417 = arith.addf %add3A_1412, %mul3A_1416 : vector<16xf32>
        %reduce_sum3A_1418 = arith.constant true
        %reduce_sum3A_1419 = vector.broadcast %reduce_sum3A_1418 : i1 to vector<16xi1>
        %reduce_sum3A_1420 = tpu.scan <sum>, %add3A_1417 masked %reduce_sum3A_1419 : vector<16xf32>, vector<16xi1> -> vector<16xf32>
        %reduce_sum3A_1421 = vector.extract %reduce_sum3A_1420[15] : f32 from vector<16xf32>
        %broadcast_in_dim3A_1422 = vector.broadcast %reduce_sum3A_1421 : f32 to vector<16xf32>
        %select_n3A_1423 = arith.select %eq3A_1127, %broadcast_in_dim3A_1422, %scan3A_1114 : vector<16xi1>, vector<16xf32>
        %mul3A_1424 = arith.constant 20 : i32
        %mul3A_1425 = arith.muli %scan3A_1104, %mul3A_1424 : i32
        %add3A_1426 = arith.constant 9 : i32
        %add3A_1427 = arith.addi %mul3A_1425, %add3A_1426 : i32
        %get3A_1428 = arith.index_cast %add3A_1427 : i32 to index
        %get3A_1429 = arith.constant 0 : index
        %get3A_1430 = tpu.vector_load %arg13[%get3A_1428, %get3A_1429] {strides = array<i32>} : memref<640x64xf32, #tpu.memory_space<vmem>>, vector<16xf32>,
        %mul3A_1431 = arith.mulf %get3A_1130, %get3A_1430 : vector<16xf32>
        %get3A_1432 = arith.index_cast %add3A_1427 : i32 to index
        %get3A_1433 = arith.constant 16 : index
        %get3A_1434 = tpu.vector_load %arg13[%get3A_1432, %get3A_1433] {strides = array<i32>} : memref<640x64xf32, #tpu.memory_space<vmem>>, vector<16xf32>,
        %mul3A_1435 = arith.mulf %get3A_1133, %get3A_1434 : vector<16xf32>
        %add3A_1436 = arith.addf %mul3A_1431, %mul3A_1435 : vector<16xf32>
        %get3A_1437 = arith.index_cast %add3A_1427 : i32 to index
        %get3A_1438 = arith.constant 32 : index
        %get3A_1439 = tpu.vector_load %arg13[%get3A_1437, %get3A_1438] {strides = array<i32>} : memref<640x64xf32, #tpu.memory_space<vmem>>, vector<16xf32>,
        %mul3A_1440 = arith.mulf %get3A_1136, %get3A_1439 : vector<16xf32>
        %add3A_1441 = arith.addf %add3A_1436, %mul3A_1440 : vector<16xf32>
        %get3A_1442 = arith.index_cast %add3A_1427 : i32 to index
        %get3A_1443 = arith.constant 48 : index
        %get3A_1444 = tpu.vector_load %arg13[%get3A_1442, %get3A_1443] {strides = array<i32>} : memref<640x64xf32, #tpu.memory_space<vmem>>, vector<16xf32>,
        %mul3A_1445 = arith.mulf %get3A_1139, %get3A_1444 : vector<16xf32>
        %add3A_1446 = arith.addf %add3A_1441, %mul3A_1445 : vector<16xf32>
        %reduce_sum3A_1447 = arith.constant true
        %reduce_sum3A_1448 = vector.broadcast %reduce_sum3A_1447 : i1 to vector<16xi1>
        %reduce_sum3A_1449 = tpu.scan <sum>, %add3A_1446 masked %reduce_sum3A_1448 : vector<16xf32>, vector<16xi1> -> vector<16xf32>
        %reduce_sum3A_1450 = vector.extract %reduce_sum3A_1449[15] : f32 from vector<16xf32>
        %broadcast_in_dim3A_1451 = vector.broadcast %reduce_sum3A_1450 : f32 to vector<16xf32>
        %select_n3A_1452 = arith.select %eq3A_1127, %broadcast_in_dim3A_1451, %scan3A_1115 : vector<16xi1>, vector<16xf32>
        %mul3A_1453 = arith.constant 20 : i32
        %mul3A_1454 = arith.muli %scan3A_1104, %mul3A_1453 : i32
        %add3A_1455 = arith.constant 10 : i32
        %add3A_1456 = arith.addi %mul3A_1454, %add3A_1455 : i32
        %get3A_1457 = arith.index_cast %add3A_1456 : i32 to index
        %get3A_1458 = arith.constant 0 : index
        %get3A_1459 = tpu.vector_load %arg13[%get3A_1457, %get3A_1458] {strides = array<i32>} : memref<640x64xf32, #tpu.memory_space<vmem>>, vector<16xf32>,
        %mul3A_1460 = arith.mulf %get3A_1130, %get3A_1459 : vector<16xf32>
        %get3A_1461 = arith.index_cast %add3A_1456 : i32 to index
        %get3A_1462 = arith.constant 16 : index
        %get3A_1463 = tpu.vector_load %arg13[%get3A_1461, %get3A_1462] {strides = array<i32>} : memref<640x64xf32, #tpu.memory_space<vmem>>, vector<16xf32>,
        %mul3A_1464 = arith.mulf %get3A_1133, %get3A_1463 : vector<16xf32>
        %add3A_1465 = arith.addf %mul3A_1460, %mul3A_1464 : vector<16xf32>
        %get3A_1466 = arith.index_cast %add3A_1456 : i32 to index
        %get3A_1467 = arith.constant 32 : index
        %get3A_1468 = tpu.vector_load %arg13[%get3A_1466, %get3A_1467] {strides = array<i32>} : memref<640x64xf32, #tpu.memory_space<vmem>>, vector<16xf32>,
        %mul3A_1469 = arith.mulf %get3A_1136, %get3A_1468 : vector<16xf32>
        %add3A_1470 = arith.addf %add3A_1465, %mul3A_1469 : vector<16xf32>
        %get3A_1471 = arith.index_cast %add3A_1456 : i32 to index
        %get3A_1472 = arith.constant 48 : index
        %get3A_1473 = tpu.vector_load %arg13[%get3A_1471, %get3A_1472] {strides = array<i32>} : memref<640x64xf32, #tpu.memory_space<vmem>>, vector<16xf32>,
        %mul3A_1474 = arith.mulf %get3A_1139, %get3A_1473 : vector<16xf32>
        %add3A_1475 = arith.addf %add3A_1470, %mul3A_1474 : vector<16xf32>
        %reduce_sum3A_1476 = arith.constant true
        %reduce_sum3A_1477 = vector.broadcast %reduce_sum3A_1476 : i1 to vector<16xi1>
        %reduce_sum3A_1478 = tpu.scan <sum>, %add3A_1475 masked %reduce_sum3A_1477 : vector<16xf32>, vector<16xi1> -> vector<16xf32>
        %reduce_sum3A_1479 = vector.extract %reduce_sum3A_1478[15] : f32 from vector<16xf32>
        %broadcast_in_dim3A_1480 = vector.broadcast %reduce_sum3A_1479 : f32 to vector<16xf32>
        %select_n3A_1481 = arith.select %eq3A_1127, %broadcast_in_dim3A_1480, %scan3A_1116 : vector<16xi1>, vector<16xf32>
        %mul3A_1482 = arith.constant 20 : i32
        %mul3A_1483 = arith.muli %scan3A_1104, %mul3A_1482 : i32
        %add3A_1484 = arith.constant 11 : i32
        %add3A_1485 = arith.addi %mul3A_1483, %add3A_1484 : i32
        %get3A_1486 = arith.index_cast %add3A_1485 : i32 to index
        %get3A_1487 = arith.constant 0 : index
        %get3A_1488 = tpu.vector_load %arg13[%get3A_1486, %get3A_1487] {strides = array<i32>} : memref<640x64xf32, #tpu.memory_space<vmem>>, vector<16xf32>,
        %mul3A_1489 = arith.mulf %get3A_1130, %get3A_1488 : vector<16xf32>
        %get3A_1490 = arith.index_cast %add3A_1485 : i32 to index
        %get3A_1491 = arith.constant 16 : index
        %get3A_1492 = tpu.vector_load %arg13[%get3A_1490, %get3A_1491] {strides = array<i32>} : memref<640x64xf32, #tpu.memory_space<vmem>>, vector<16xf32>,
        %mul3A_1493 = arith.mulf %get3A_1133, %get3A_1492 : vector<16xf32>
        %add3A_1494 = arith.addf %mul3A_1489, %mul3A_1493 : vector<16xf32>
        %get3A_1495 = arith.index_cast %add3A_1485 : i32 to index
        %get3A_1496 = arith.constant 32 : index
        %get3A_1497 = tpu.vector_load %arg13[%get3A_1495, %get3A_1496] {strides = array<i32>} : memref<640x64xf32, #tpu.memory_space<vmem>>, vector<16xf32>,
        %mul3A_1498 = arith.mulf %get3A_1136, %get3A_1497 : vector<16xf32>
        %add3A_1499 = arith.addf %add3A_1494, %mul3A_1498 : vector<16xf32>
        %get3A_1500 = arith.index_cast %add3A_1485 : i32 to index
        %get3A_1501 = arith.constant 48 : index
        %get3A_1502 = tpu.vector_load %arg13[%get3A_1500, %get3A_1501] {strides = array<i32>} : memref<640x64xf32, #tpu.memory_space<vmem>>, vector<16xf32>,
        %mul3A_1503 = arith.mulf %get3A_1139, %get3A_1502 : vector<16xf32>
        %add3A_1504 = arith.addf %add3A_1499, %mul3A_1503 : vector<16xf32>
        %reduce_sum3A_1505 = arith.constant true
        %reduce_sum3A_1506 = vector.broadcast %reduce_sum3A_1505 : i1 to vector<16xi1>
        %reduce_sum3A_1507 = tpu.scan <sum>, %add3A_1504 masked %reduce_sum3A_1506 : vector<16xf32>, vector<16xi1> -> vector<16xf32>
        %reduce_sum3A_1508 = vector.extract %reduce_sum3A_1507[15] : f32 from vector<16xf32>
        %broadcast_in_dim3A_1509 = vector.broadcast %reduce_sum3A_1508 : f32 to vector<16xf32>
        %select_n3A_1510 = arith.select %eq3A_1127, %broadcast_in_dim3A_1509, %scan3A_1117 : vector<16xi1>, vector<16xf32>
        %mul3A_1511 = arith.constant 20 : i32
        %mul3A_1512 = arith.muli %scan3A_1104, %mul3A_1511 : i32
        %add3A_1513 = arith.constant 12 : i32
        %add3A_1514 = arith.addi %mul3A_1512, %add3A_1513 : i32
        %get3A_1515 = arith.index_cast %add3A_1514 : i32 to index
        %get3A_1516 = arith.constant 0 : index
        %get3A_1517 = tpu.vector_load %arg13[%get3A_1515, %get3A_1516] {strides = array<i32>} : memref<640x64xf32, #tpu.memory_space<vmem>>, vector<16xf32>,
        %mul3A_1518 = arith.mulf %get3A_1130, %get3A_1517 : vector<16xf32>
        %get3A_1519 = arith.index_cast %add3A_1514 : i32 to index
        %get3A_1520 = arith.constant 16 : index
        %get3A_1521 = tpu.vector_load %arg13[%get3A_1519, %get3A_1520] {strides = array<i32>} : memref<640x64xf32, #tpu.memory_space<vmem>>, vector<16xf32>,
        %mul3A_1522 = arith.mulf %get3A_1133, %get3A_1521 : vector<16xf32>
        %add3A_1523 = arith.addf %mul3A_1518, %mul3A_1522 : vector<16xf32>
        %get3A_1524 = arith.index_cast %add3A_1514 : i32 to index
        %get3A_1525 = arith.constant 32 : index
        %get3A_1526 = tpu.vector_load %arg13[%get3A_1524, %get3A_1525] {strides = array<i32>} : memref<640x64xf32, #tpu.memory_space<vmem>>, vector<16xf32>,
        %mul3A_1527 = arith.mulf %get3A_1136, %get3A_1526 : vector<16xf32>
        %add3A_1528 = arith.addf %add3A_1523, %mul3A_1527 : vector<16xf32>
        %get3A_1529 = arith.index_cast %add3A_1514 : i32 to index
        %get3A_1530 = arith.constant 48 : index
        %get3A_1531 = tpu.vector_load %arg13[%get3A_1529, %get3A_1530] {strides = array<i32>} : memref<640x64xf32, #tpu.memory_space<vmem>>, vector<16xf32>,
        %mul3A_1532 = arith.mulf %get3A_1139, %get3A_1531 : vector<16xf32>
        %add3A_1533 = arith.addf %add3A_1528, %mul3A_1532 : vector<16xf32>
        %reduce_sum3A_1534 = arith.constant true
        %reduce_sum3A_1535 = vector.broadcast %reduce_sum3A_1534 : i1 to vector<16xi1>
        %reduce_sum3A_1536 = tpu.scan <sum>, %add3A_1533 masked %reduce_sum3A_1535 : vector<16xf32>, vector<16xi1> -> vector<16xf32>
        %reduce_sum3A_1537 = vector.extract %reduce_sum3A_1536[15] : f32 from vector<16xf32>
        %broadcast_in_dim3A_1538 = vector.broadcast %reduce_sum3A_1537 : f32 to vector<16xf32>
        %select_n3A_1539 = arith.select %eq3A_1127, %broadcast_in_dim3A_1538, %scan3A_1118 : vector<16xi1>, vector<16xf32>
        %mul3A_1540 = arith.constant 20 : i32
        %mul3A_1541 = arith.muli %scan3A_1104, %mul3A_1540 : i32
        %add3A_1542 = arith.constant 13 : i32
        %add3A_1543 = arith.addi %mul3A_1541, %add3A_1542 : i32
        %get3A_1544 = arith.index_cast %add3A_1543 : i32 to index
        %get3A_1545 = arith.constant 0 : index
        %get3A_1546 = tpu.vector_load %arg13[%get3A_1544, %get3A_1545] {strides = array<i32>} : memref<640x64xf32, #tpu.memory_space<vmem>>, vector<16xf32>,
        %mul3A_1547 = arith.mulf %get3A_1130, %get3A_1546 : vector<16xf32>
        %get3A_1548 = arith.index_cast %add3A_1543 : i32 to index
        %get3A_1549 = arith.constant 16 : index
        %get3A_1550 = tpu.vector_load %arg13[%get3A_1548, %get3A_1549] {strides = array<i32>} : memref<640x64xf32, #tpu.memory_space<vmem>>, vector<16xf32>,
        %mul3A_1551 = arith.mulf %get3A_1133, %get3A_1550 : vector<16xf32>
        %add3A_1552 = arith.addf %mul3A_1547, %mul3A_1551 : vector<16xf32>
        %get3A_1553 = arith.index_cast %add3A_1543 : i32 to index
        %get3A_1554 = arith.constant 32 : index
        %get3A_1555 = tpu.vector_load %arg13[%get3A_1553, %get3A_1554] {strides = array<i32>} : memref<640x64xf32, #tpu.memory_space<vmem>>, vector<16xf32>,
        %mul3A_1556 = arith.mulf %get3A_1136, %get3A_1555 : vector<16xf32>
        %add3A_1557 = arith.addf %add3A_1552, %mul3A_1556 : vector<16xf32>
        %get3A_1558 = arith.index_cast %add3A_1543 : i32 to index
        %get3A_1559 = arith.constant 48 : index
        %get3A_1560 = tpu.vector_load %arg13[%get3A_1558, %get3A_1559] {strides = array<i32>} : memref<640x64xf32, #tpu.memory_space<vmem>>, vector<16xf32>,
        %mul3A_1561 = arith.mulf %get3A_1139, %get3A_1560 : vector<16xf32>
        %add3A_1562 = arith.addf %add3A_1557, %mul3A_1561 : vector<16xf32>
        %reduce_sum3A_1563 = arith.constant true
        %reduce_sum3A_1564 = vector.broadcast %reduce_sum3A_1563 : i1 to vector<16xi1>
        %reduce_sum3A_1565 = tpu.scan <sum>, %add3A_1562 masked %reduce_sum3A_1564 : vector<16xf32>, vector<16xi1> -> vector<16xf32>
        %reduce_sum3A_1566 = vector.extract %reduce_sum3A_1565[15] : f32 from vector<16xf32>
        %broadcast_in_dim3A_1567 = vector.broadcast %reduce_sum3A_1566 : f32 to vector<16xf32>
        %select_n3A_1568 = arith.select %eq3A_1127, %broadcast_in_dim3A_1567, %scan3A_1119 : vector<16xi1>, vector<16xf32>
        %mul3A_1569 = arith.constant 20 : i32
        %mul3A_1570 = arith.muli %scan3A_1104, %mul3A_1569 : i32
        %add3A_1571 = arith.constant 14 : i32
        %add3A_1572 = arith.addi %mul3A_1570, %add3A_1571 : i32
        %get3A_1573 = arith.index_cast %add3A_1572 : i32 to index
        %get3A_1574 = arith.constant 0 : index
        %get3A_1575 = tpu.vector_load %arg13[%get3A_1573, %get3A_1574] {strides = array<i32>} : memref<640x64xf32, #tpu.memory_space<vmem>>, vector<16xf32>,
        %mul3A_1576 = arith.mulf %get3A_1130, %get3A_1575 : vector<16xf32>
        %get3A_1577 = arith.index_cast %add3A_1572 : i32 to index
        %get3A_1578 = arith.constant 16 : index
        %get3A_1579 = tpu.vector_load %arg13[%get3A_1577, %get3A_1578] {strides = array<i32>} : memref<640x64xf32, #tpu.memory_space<vmem>>, vector<16xf32>,
        %mul3A_1580 = arith.mulf %get3A_1133, %get3A_1579 : vector<16xf32>
        %add3A_1581 = arith.addf %mul3A_1576, %mul3A_1580 : vector<16xf32>
        %get3A_1582 = arith.index_cast %add3A_1572 : i32 to index
        %get3A_1583 = arith.constant 32 : index
        %get3A_1584 = tpu.vector_load %arg13[%get3A_1582, %get3A_1583] {strides = array<i32>} : memref<640x64xf32, #tpu.memory_space<vmem>>, vector<16xf32>,
        %mul3A_1585 = arith.mulf %get3A_1136, %get3A_1584 : vector<16xf32>
        %add3A_1586 = arith.addf %add3A_1581, %mul3A_1585 : vector<16xf32>
        %get3A_1587 = arith.index_cast %add3A_1572 : i32 to index
        %get3A_1588 = arith.constant 48 : index
        %get3A_1589 = tpu.vector_load %arg13[%get3A_1587, %get3A_1588] {strides = array<i32>} : memref<640x64xf32, #tpu.memory_space<vmem>>, vector<16xf32>,
        %mul3A_1590 = arith.mulf %get3A_1139, %get3A_1589 : vector<16xf32>
        %add3A_1591 = arith.addf %add3A_1586, %mul3A_1590 : vector<16xf32>
        %reduce_sum3A_1592 = arith.constant true
        %reduce_sum3A_1593 = vector.broadcast %reduce_sum3A_1592 : i1 to vector<16xi1>
        %reduce_sum3A_1594 = tpu.scan <sum>, %add3A_1591 masked %reduce_sum3A_1593 : vector<16xf32>, vector<16xi1> -> vector<16xf32>
        %reduce_sum3A_1595 = vector.extract %reduce_sum3A_1594[15] : f32 from vector<16xf32>
        %broadcast_in_dim3A_1596 = vector.broadcast %reduce_sum3A_1595 : f32 to vector<16xf32>
        %select_n3A_1597 = arith.select %eq3A_1127, %broadcast_in_dim3A_1596, %scan3A_1120 : vector<16xi1>, vector<16xf32>
        %mul3A_1598 = arith.constant 20 : i32
        %mul3A_1599 = arith.muli %scan3A_1104, %mul3A_1598 : i32
        %add3A_1600 = arith.constant 15 : i32
        %add3A_1601 = arith.addi %mul3A_1599, %add3A_1600 : i32
        %get3A_1602 = arith.index_cast %add3A_1601 : i32 to index
        %get3A_1603 = arith.constant 0 : index
        %get3A_1604 = tpu.vector_load %arg13[%get3A_1602, %get3A_1603] {strides = array<i32>} : memref<640x64xf32, #tpu.memory_space<vmem>>, vector<16xf32>,
        %mul3A_1605 = arith.mulf %get3A_1130, %get3A_1604 : vector<16xf32>
        %get3A_1606 = arith.index_cast %add3A_1601 : i32 to index
        %get3A_1607 = arith.constant 16 : index
        %get3A_1608 = tpu.vector_load %arg13[%get3A_1606, %get3A_1607] {strides = array<i32>} : memref<640x64xf32, #tpu.memory_space<vmem>>, vector<16xf32>,
        %mul3A_1609 = arith.mulf %get3A_1133, %get3A_1608 : vector<16xf32>
        %add3A_1610 = arith.addf %mul3A_1605, %mul3A_1609 : vector<16xf32>
        %get3A_1611 = arith.index_cast %add3A_1601 : i32 to index
        %get3A_1612 = arith.constant 32 : index
        %get3A_1613 = tpu.vector_load %arg13[%get3A_1611, %get3A_1612] {strides = array<i32>} : memref<640x64xf32, #tpu.memory_space<vmem>>, vector<16xf32>,
        %mul3A_1614 = arith.mulf %get3A_1136, %get3A_1613 : vector<16xf32>
        %add3A_1615 = arith.addf %add3A_1610, %mul3A_1614 : vector<16xf32>
        %get3A_1616 = arith.index_cast %add3A_1601 : i32 to index
        %get3A_1617 = arith.constant 48 : index
        %get3A_1618 = tpu.vector_load %arg13[%get3A_1616, %get3A_1617] {strides = array<i32>} : memref<640x64xf32, #tpu.memory_space<vmem>>, vector<16xf32>,
        %mul3A_1619 = arith.mulf %get3A_1139, %get3A_1618 : vector<16xf32>
        %add3A_1620 = arith.addf %add3A_1615, %mul3A_1619 : vector<16xf32>
        %reduce_sum3A_1621 = arith.constant true
        %reduce_sum3A_1622 = vector.broadcast %reduce_sum3A_1621 : i1 to vector<16xi1>
        %reduce_sum3A_1623 = tpu.scan <sum>, %add3A_1620 masked %reduce_sum3A_1622 : vector<16xf32>, vector<16xi1> -> vector<16xf32>
        %reduce_sum3A_1624 = vector.extract %reduce_sum3A_1623[15] : f32 from vector<16xf32>
        %broadcast_in_dim3A_1625 = vector.broadcast %reduce_sum3A_1624 : f32 to vector<16xf32>
        %select_n3A_1626 = arith.select %eq3A_1127, %broadcast_in_dim3A_1625, %scan3A_1121 : vector<16xi1>, vector<16xf32>
        %mul3A_1627 = arith.constant 20 : i32
        %mul3A_1628 = arith.muli %scan3A_1104, %mul3A_1627 : i32
        %add3A_1629 = arith.constant 16 : i32
        %add3A_1630 = arith.addi %mul3A_1628, %add3A_1629 : i32
        %get3A_1631 = arith.index_cast %add3A_1630 : i32 to index
        %get3A_1632 = arith.constant 0 : index
        %get3A_1633 = tpu.vector_load %arg13[%get3A_1631, %get3A_1632] {strides = array<i32>} : memref<640x64xf32, #tpu.memory_space<vmem>>, vector<16xf32>,
        %mul3A_1634 = arith.mulf %get3A_1130, %get3A_1633 : vector<16xf32>
        %get3A_1635 = arith.index_cast %add3A_1630 : i32 to index
        %get3A_1636 = arith.constant 16 : index
        %get3A_1637 = tpu.vector_load %arg13[%get3A_1635, %get3A_1636] {strides = array<i32>} : memref<640x64xf32, #tpu.memory_space<vmem>>, vector<16xf32>,
        %mul3A_1638 = arith.mulf %get3A_1133, %get3A_1637 : vector<16xf32>
        %add3A_1639 = arith.addf %mul3A_1634, %mul3A_1638 : vector<16xf32>
        %get3A_1640 = arith.index_cast %add3A_1630 : i32 to index
        %get3A_1641 = arith.constant 32 : index
        %get3A_1642 = tpu.vector_load %arg13[%get3A_1640, %get3A_1641] {strides = array<i32>} : memref<640x64xf32, #tpu.memory_space<vmem>>, vector<16xf32>,
        %mul3A_1643 = arith.mulf %get3A_1136, %get3A_1642 : vector<16xf32>
        %add3A_1644 = arith.addf %add3A_1639, %mul3A_1643 : vector<16xf32>
        %get3A_1645 = arith.index_cast %add3A_1630 : i32 to index
        %get3A_1646 = arith.constant 48 : index
        %get3A_1647 = tpu.vector_load %arg13[%get3A_1645, %get3A_1646] {strides = array<i32>} : memref<640x64xf32, #tpu.memory_space<vmem>>, vector<16xf32>,
        %mul3A_1648 = arith.mulf %get3A_1139, %get3A_1647 : vector<16xf32>
        %add3A_1649 = arith.addf %add3A_1644, %mul3A_1648 : vector<16xf32>
        %reduce_sum3A_1650 = arith.constant true
        %reduce_sum3A_1651 = vector.broadcast %reduce_sum3A_1650 : i1 to vector<16xi1>
        %reduce_sum3A_1652 = tpu.scan <sum>, %add3A_1649 masked %reduce_sum3A_1651 : vector<16xf32>, vector<16xi1> -> vector<16xf32>
        %reduce_sum3A_1653 = vector.extract %reduce_sum3A_1652[15] : f32 from vector<16xf32>
        %broadcast_in_dim3A_1654 = vector.broadcast %reduce_sum3A_1653 : f32 to vector<16xf32>
        %select_n3A_1655 = arith.select %eq3A_1127, %broadcast_in_dim3A_1654, %scan3A_1122 : vector<16xi1>, vector<16xf32>
        %mul3A_1656 = arith.constant 20 : i32
        %mul3A_1657 = arith.muli %scan3A_1104, %mul3A_1656 : i32
        %add3A_1658 = arith.constant 17 : i32
        %add3A_1659 = arith.addi %mul3A_1657, %add3A_1658 : i32
        %get3A_1660 = arith.index_cast %add3A_1659 : i32 to index
        %get3A_1661 = arith.constant 0 : index
        %get3A_1662 = tpu.vector_load %arg13[%get3A_1660, %get3A_1661] {strides = array<i32>} : memref<640x64xf32, #tpu.memory_space<vmem>>, vector<16xf32>,
        %mul3A_1663 = arith.mulf %get3A_1130, %get3A_1662 : vector<16xf32>
        %get3A_1664 = arith.index_cast %add3A_1659 : i32 to index
        %get3A_1665 = arith.constant 16 : index
        %get3A_1666 = tpu.vector_load %arg13[%get3A_1664, %get3A_1665] {strides = array<i32>} : memref<640x64xf32, #tpu.memory_space<vmem>>, vector<16xf32>,
        %mul3A_1667 = arith.mulf %get3A_1133, %get3A_1666 : vector<16xf32>
        %add3A_1668 = arith.addf %mul3A_1663, %mul3A_1667 : vector<16xf32>
        %get3A_1669 = arith.index_cast %add3A_1659 : i32 to index
        %get3A_1670 = arith.constant 32 : index
        %get3A_1671 = tpu.vector_load %arg13[%get3A_1669, %get3A_1670] {strides = array<i32>} : memref<640x64xf32, #tpu.memory_space<vmem>>, vector<16xf32>,
        %mul3A_1672 = arith.mulf %get3A_1136, %get3A_1671 : vector<16xf32>
        %add3A_1673 = arith.addf %add3A_1668, %mul3A_1672 : vector<16xf32>
        %get3A_1674 = arith.index_cast %add3A_1659 : i32 to index
        %get3A_1675 = arith.constant 48 : index
        %get3A_1676 = tpu.vector_load %arg13[%get3A_1674, %get3A_1675] {strides = array<i32>} : memref<640x64xf32, #tpu.memory_space<vmem>>, vector<16xf32>,
        %mul3A_1677 = arith.mulf %get3A_1139, %get3A_1676 : vector<16xf32>
        %add3A_1678 = arith.addf %add3A_1673, %mul3A_1677 : vector<16xf32>
        %reduce_sum3A_1679 = arith.constant true
        %reduce_sum3A_1680 = vector.broadcast %reduce_sum3A_1679 : i1 to vector<16xi1>
        %reduce_sum3A_1681 = tpu.scan <sum>, %add3A_1678 masked %reduce_sum3A_1680 : vector<16xf32>, vector<16xi1> -> vector<16xf32>
        %reduce_sum3A_1682 = vector.extract %reduce_sum3A_1681[15] : f32 from vector<16xf32>
        %broadcast_in_dim3A_1683 = vector.broadcast %reduce_sum3A_1682 : f32 to vector<16xf32>
        %select_n3A_1684 = arith.select %eq3A_1127, %broadcast_in_dim3A_1683, %scan3A_1123 : vector<16xi1>, vector<16xf32>
        %mul3A_1685 = arith.constant 20 : i32
        %mul3A_1686 = arith.muli %scan3A_1104, %mul3A_1685 : i32
        %add3A_1687 = arith.constant 18 : i32
        %add3A_1688 = arith.addi %mul3A_1686, %add3A_1687 : i32
        %get3A_1689 = arith.index_cast %add3A_1688 : i32 to index
        %get3A_1690 = arith.constant 0 : index
        %get3A_1691 = tpu.vector_load %arg13[%get3A_1689, %get3A_1690] {strides = array<i32>} : memref<640x64xf32, #tpu.memory_space<vmem>>, vector<16xf32>,
        %mul3A_1692 = arith.mulf %get3A_1130, %get3A_1691 : vector<16xf32>
        %get3A_1693 = arith.index_cast %add3A_1688 : i32 to index
        %get3A_1694 = arith.constant 16 : index
        %get3A_1695 = tpu.vector_load %arg13[%get3A_1693, %get3A_1694] {strides = array<i32>} : memref<640x64xf32, #tpu.memory_space<vmem>>, vector<16xf32>,
        %mul3A_1696 = arith.mulf %get3A_1133, %get3A_1695 : vector<16xf32>
        %add3A_1697 = arith.addf %mul3A_1692, %mul3A_1696 : vector<16xf32>
        %get3A_1698 = arith.index_cast %add3A_1688 : i32 to index
        %get3A_1699 = arith.constant 32 : index
        %get3A_1700 = tpu.vector_load %arg13[%get3A_1698, %get3A_1699] {strides = array<i32>} : memref<640x64xf32, #tpu.memory_space<vmem>>, vector<16xf32>,
        %mul3A_1701 = arith.mulf %get3A_1136, %get3A_1700 : vector<16xf32>
        %add3A_1702 = arith.addf %add3A_1697, %mul3A_1701 : vector<16xf32>
        %get3A_1703 = arith.index_cast %add3A_1688 : i32 to index
        %get3A_1704 = arith.constant 48 : index
        %get3A_1705 = tpu.vector_load %arg13[%get3A_1703, %get3A_1704] {strides = array<i32>} : memref<640x64xf32, #tpu.memory_space<vmem>>, vector<16xf32>,
        %mul3A_1706 = arith.mulf %get3A_1139, %get3A_1705 : vector<16xf32>
        %add3A_1707 = arith.addf %add3A_1702, %mul3A_1706 : vector<16xf32>
        %reduce_sum3A_1708 = arith.constant true
        %reduce_sum3A_1709 = vector.broadcast %reduce_sum3A_1708 : i1 to vector<16xi1>
        %reduce_sum3A_1710 = tpu.scan <sum>, %add3A_1707 masked %reduce_sum3A_1709 : vector<16xf32>, vector<16xi1> -> vector<16xf32>
        %reduce_sum3A_1711 = vector.extract %reduce_sum3A_1710[15] : f32 from vector<16xf32>
        %broadcast_in_dim3A_1712 = vector.broadcast %reduce_sum3A_1711 : f32 to vector<16xf32>
        %select_n3A_1713 = arith.select %eq3A_1127, %broadcast_in_dim3A_1712, %scan3A_1124 : vector<16xi1>, vector<16xf32>
        %mul3A_1714 = arith.constant 20 : i32
        %mul3A_1715 = arith.muli %scan3A_1104, %mul3A_1714 : i32
        %add3A_1716 = arith.constant 19 : i32
        %add3A_1717 = arith.addi %mul3A_1715, %add3A_1716 : i32
        %get3A_1718 = arith.index_cast %add3A_1717 : i32 to index
        %get3A_1719 = arith.constant 0 : index
        %get3A_1720 = tpu.vector_load %arg13[%get3A_1718, %get3A_1719] {strides = array<i32>} : memref<640x64xf32, #tpu.memory_space<vmem>>, vector<16xf32>,
        %mul3A_1721 = arith.mulf %get3A_1130, %get3A_1720 : vector<16xf32>
        %get3A_1722 = arith.index_cast %add3A_1717 : i32 to index
        %get3A_1723 = arith.constant 16 : index
        %get3A_1724 = tpu.vector_load %arg13[%get3A_1722, %get3A_1723] {strides = array<i32>} : memref<640x64xf32, #tpu.memory_space<vmem>>, vector<16xf32>,
        %mul3A_1725 = arith.mulf %get3A_1133, %get3A_1724 : vector<16xf32>
        %add3A_1726 = arith.addf %mul3A_1721, %mul3A_1725 : vector<16xf32>
        %get3A_1727 = arith.index_cast %add3A_1717 : i32 to index
        %get3A_1728 = arith.constant 32 : index
        %get3A_1729 = tpu.vector_load %arg13[%get3A_1727, %get3A_1728] {strides = array<i32>} : memref<640x64xf32, #tpu.memory_space<vmem>>, vector<16xf32>,
        %mul3A_1730 = arith.mulf %get3A_1136, %get3A_1729 : vector<16xf32>
        %add3A_1731 = arith.addf %add3A_1726, %mul3A_1730 : vector<16xf32>
        %get3A_1732 = arith.index_cast %add3A_1717 : i32 to index
        %get3A_1733 = arith.constant 48 : index
        %get3A_1734 = tpu.vector_load %arg13[%get3A_1732, %get3A_1733] {strides = array<i32>} : memref<640x64xf32, #tpu.memory_space<vmem>>, vector<16xf32>,
        %mul3A_1735 = arith.mulf %get3A_1139, %get3A_1734 : vector<16xf32>
        %add3A_1736 = arith.addf %add3A_1731, %mul3A_1735 : vector<16xf32>
        %reduce_sum3A_1737 = arith.constant true
        %reduce_sum3A_1738 = vector.broadcast %reduce_sum3A_1737 : i1 to vector<16xi1>
        %reduce_sum3A_1739 = tpu.scan <sum>, %add3A_1736 masked %reduce_sum3A_1738 : vector<16xf32>, vector<16xi1> -> vector<16xf32>
        %reduce_sum3A_1740 = vector.extract %reduce_sum3A_1739[15] : f32 from vector<16xf32>
        %broadcast_in_dim3A_1741 = vector.broadcast %reduce_sum3A_1740 : f32 to vector<16xf32>
        %select_n3A_1742 = arith.select %eq3A_1127, %broadcast_in_dim3A_1741, %scan3A_1125 : vector<16xi1>, vector<16xf32>
        scf.yield %select_n3A, %select_n3A_1191, %select_n3A_1220, %select_n3A_1249, %select_n3A_1278, %select_n3A_1307, %select_n3A_1336, %select_n3A_1365, %select_n3A_1394, %select_n3A_1423, %select_n3A_1452, %select_n3A_1481, %select_n3A_1510, %select_n3A_1539, %select_n3A_1568, %select_n3A_1597, %select_n3A_1626, %select_n3A_1655, %select_n3A_1684, %select_n3A_1713, %select_n3A_1742 : vector<16xf32>, vector<16xf32>, vector<16xf32>, vector<16xf32>, vector<16xf32>, vector<16xf32>, vector<16xf32>, vector<16xf32>, vector<16xf32>, vector<16xf32>, vector<16xf32>, vector<16xf32>, vector<16xf32>, vector<16xf32>, vector<16xf32>, vector<16xf32>, vector<16xf32>, vector<16xf32>, vector<16xf32>, vector<16xf32>, vector<16xf32>
      }
      %scan3A_1058 = arith.constant 16 : i32
      %add3A_1059 = arith.constant 16 : i32
      %add3A_1060 = vector.broadcast %add3A_1059 : i32 to vector<16xi32>
      %add3A_1061 = arith.addi %add3A_1060, %iota3A : vector<16xi32>
      %broadcast_in_dim3A_1062 = arith.constant 0 : i32
      %broadcast_in_dim3A_1063 = vector.broadcast %broadcast_in_dim3A_1062 : i32 to vector<16xi32>
      tpu.vector_store_idx %arg14[%add3A_1061, %broadcast_in_dim3A_1063], %scan3A_1057#0 : memref<32x21xf32, #tpu.memory_space<vmem>>[vector<16xi32>, vector<16xi32>], vector<16xf32>,
      %broadcast_in_dim3A_1064 = arith.constant 1 : i32
      %broadcast_in_dim3A_1065 = vector.broadcast %broadcast_in_dim3A_1064 : i32 to vector<16xi32>
      tpu.vector_store_idx %arg14[%add3A_1061, %broadcast_in_dim3A_1065], %scan3A_1057#1 : memref<32x21xf32, #tpu.memory_space<vmem>>[vector<16xi32>, vector<16xi32>], vector<16xf32>,
      %broadcast_in_dim3A_1066 = arith.constant 2 : i32
      %broadcast_in_dim3A_1067 = vector.broadcast %broadcast_in_dim3A_1066 : i32 to vector<16xi32>
      tpu.vector_store_idx %arg14[%add3A_1061, %broadcast_in_dim3A_1067], %scan3A_1057#2 : memref<32x21xf32, #tpu.memory_space<vmem>>[vector<16xi32>, vector<16xi32>], vector<16xf32>,
      %broadcast_in_dim3A_1068 = arith.constant 3 : i32
      %broadcast_in_dim3A_1069 = vector.broadcast %broadcast_in_dim3A_1068 : i32 to vector<16xi32>
      tpu.vector_store_idx %arg14[%add3A_1061, %broadcast_in_dim3A_1069], %scan3A_1057#3 : memref<32x21xf32, #tpu.memory_space<vmem>>[vector<16xi32>, vector<16xi32>], vector<16xf32>,
      %broadcast_in_dim3A_1070 = arith.constant 4 : i32
      %broadcast_in_dim3A_1071 = vector.broadcast %broadcast_in_dim3A_1070 : i32 to vector<16xi32>
      tpu.vector_store_idx %arg14[%add3A_1061, %broadcast_in_dim3A_1071], %scan3A_1057#4 : memref<32x21xf32, #tpu.memory_space<vmem>>[vector<16xi32>, vector<16xi32>], vector<16xf32>,
      %broadcast_in_dim3A_1072 = arith.constant 5 : i32
      %broadcast_in_dim3A_1073 = vector.broadcast %broadcast_in_dim3A_1072 : i32 to vector<16xi32>
      tpu.vector_store_idx %arg14[%add3A_1061, %broadcast_in_dim3A_1073], %scan3A_1057#5 : memref<32x21xf32, #tpu.memory_space<vmem>>[vector<16xi32>, vector<16xi32>], vector<16xf32>,
      %broadcast_in_dim3A_1074 = arith.constant 6 : i32
      %broadcast_in_dim3A_1075 = vector.broadcast %broadcast_in_dim3A_1074 : i32 to vector<16xi32>
      tpu.vector_store_idx %arg14[%add3A_1061, %broadcast_in_dim3A_1075], %scan3A_1057#6 : memref<32x21xf32, #tpu.memory_space<vmem>>[vector<16xi32>, vector<16xi32>], vector<16xf32>,
      %broadcast_in_dim3A_1076 = arith.constant 7 : i32
      %broadcast_in_dim3A_1077 = vector.broadcast %broadcast_in_dim3A_1076 : i32 to vector<16xi32>
      tpu.vector_store_idx %arg14[%add3A_1061, %broadcast_in_dim3A_1077], %scan3A_1057#7 : memref<32x21xf32, #tpu.memory_space<vmem>>[vector<16xi32>, vector<16xi32>], vector<16xf32>,
      %broadcast_in_dim3A_1078 = arith.constant 8 : i32
      %broadcast_in_dim3A_1079 = vector.broadcast %broadcast_in_dim3A_1078 : i32 to vector<16xi32>
      tpu.vector_store_idx %arg14[%add3A_1061, %broadcast_in_dim3A_1079], %scan3A_1057#8 : memref<32x21xf32, #tpu.memory_space<vmem>>[vector<16xi32>, vector<16xi32>], vector<16xf32>,
      %broadcast_in_dim3A_1080 = arith.constant 9 : i32
      %broadcast_in_dim3A_1081 = vector.broadcast %broadcast_in_dim3A_1080 : i32 to vector<16xi32>
      tpu.vector_store_idx %arg14[%add3A_1061, %broadcast_in_dim3A_1081], %scan3A_1057#9 : memref<32x21xf32, #tpu.memory_space<vmem>>[vector<16xi32>, vector<16xi32>], vector<16xf32>,
      %broadcast_in_dim3A_1082 = arith.constant 10 : i32
      %broadcast_in_dim3A_1083 = vector.broadcast %broadcast_in_dim3A_1082 : i32 to vector<16xi32>
      tpu.vector_store_idx %arg14[%add3A_1061, %broadcast_in_dim3A_1083], %scan3A_1057#10 : memref<32x21xf32, #tpu.memory_space<vmem>>[vector<16xi32>, vector<16xi32>], vector<16xf32>,
      %broadcast_in_dim3A_1084 = arith.constant 11 : i32
      %broadcast_in_dim3A_1085 = vector.broadcast %broadcast_in_dim3A_1084 : i32 to vector<16xi32>
      tpu.vector_store_idx %arg14[%add3A_1061, %broadcast_in_dim3A_1085], %scan3A_1057#11 : memref<32x21xf32, #tpu.memory_space<vmem>>[vector<16xi32>, vector<16xi32>], vector<16xf32>,
      %broadcast_in_dim3A_1086 = arith.constant 12 : i32
      %broadcast_in_dim3A_1087 = vector.broadcast %broadcast_in_dim3A_1086 : i32 to vector<16xi32>
      tpu.vector_store_idx %arg14[%add3A_1061, %broadcast_in_dim3A_1087], %scan3A_1057#12 : memref<32x21xf32, #tpu.memory_space<vmem>>[vector<16xi32>, vector<16xi32>], vector<16xf32>,
      %broadcast_in_dim3A_1088 = arith.constant 13 : i32
      %broadcast_in_dim3A_1089 = vector.broadcast %broadcast_in_dim3A_1088 : i32 to vector<16xi32>
      tpu.vector_store_idx %arg14[%add3A_1061, %broadcast_in_dim3A_1089], %scan3A_1057#13 : memref<32x21xf32, #tpu.memory_space<vmem>>[vector<16xi32>, vector<16xi32>], vector<16xf32>,
      %broadcast_in_dim3A_1090 = arith.constant 14 : i32
      %broadcast_in_dim3A_1091 = vector.broadcast %broadcast_in_dim3A_1090 : i32 to vector<16xi32>
      tpu.vector_store_idx %arg14[%add3A_1061, %broadcast_in_dim3A_1091], %scan3A_1057#14 : memref<32x21xf32, #tpu.memory_space<vmem>>[vector<16xi32>, vector<16xi32>], vector<16xf32>,
      %broadcast_in_dim3A_1092 = arith.constant 15 : i32
      %broadcast_in_dim3A_1093 = vector.broadcast %broadcast_in_dim3A_1092 : i32 to vector<16xi32>
      tpu.vector_store_idx %arg14[%add3A_1061, %broadcast_in_dim3A_1093], %scan3A_1057#15 : memref<32x21xf32, #tpu.memory_space<vmem>>[vector<16xi32>, vector<16xi32>], vector<16xf32>,
      %broadcast_in_dim3A_1094 = arith.constant 16 : i32
      %broadcast_in_dim3A_1095 = vector.broadcast %broadcast_in_dim3A_1094 : i32 to vector<16xi32>
      tpu.vector_store_idx %arg14[%add3A_1061, %broadcast_in_dim3A_1095], %scan3A_1057#16 : memref<32x21xf32, #tpu.memory_space<vmem>>[vector<16xi32>, vector<16xi32>], vector<16xf32>,
      %broadcast_in_dim3A_1096 = arith.constant 17 : i32
      %broadcast_in_dim3A_1097 = vector.broadcast %broadcast_in_dim3A_1096 : i32 to vector<16xi32>
      tpu.vector_store_idx %arg14[%add3A_1061, %broadcast_in_dim3A_1097], %scan3A_1057#17 : memref<32x21xf32, #tpu.memory_space<vmem>>[vector<16xi32>, vector<16xi32>], vector<16xf32>,
      %broadcast_in_dim3A_1098 = arith.constant 18 : i32
      %broadcast_in_dim3A_1099 = vector.broadcast %broadcast_in_dim3A_1098 : i32 to vector<16xi32>
      tpu.vector_store_idx %arg14[%add3A_1061, %broadcast_in_dim3A_1099], %scan3A_1057#18 : memref<32x21xf32, #tpu.memory_space<vmem>>[vector<16xi32>, vector<16xi32>], vector<16xf32>,
      %broadcast_in_dim3A_1100 = arith.constant 19 : i32
      %broadcast_in_dim3A_1101 = vector.broadcast %broadcast_in_dim3A_1100 : i32 to vector<16xi32>
      tpu.vector_store_idx %arg14[%add3A_1061, %broadcast_in_dim3A_1101], %scan3A_1057#19 : memref<32x21xf32, #tpu.memory_space<vmem>>[vector<16xi32>, vector<16xi32>], vector<16xf32>,
      %broadcast_in_dim3A_1102 = arith.constant 20 : i32
      %broadcast_in_dim3A_1103 = vector.broadcast %broadcast_in_dim3A_1102 : i32 to vector<16xi32>
      tpu.vector_store_idx %arg14[%add3A_1061, %broadcast_in_dim3A_1103], %scan3A_1057#20 : memref<32x21xf32, #tpu.memory_space<vmem>>[vector<16xi32>, vector<16xi32>], vector<16xf32>,
      "tpu.region"() ({
        %run_scoped3A = tpu.sem_alloc : memref<!tpu.dma_semaphore, #tpu.memory_space<semaphore_mem>>
        %dma_start3A_1104 = arith.constant 0 : i32
        %dma_start3A_1105 = tpu.memref_slice %arg7[%add3A_11, %dma_start3A_1104] : memref<16384x21xf32, #tpu.memory_space<hbm>> -> memref<32x21xf32, #tpu.memory_space<hbm>>
        %dma_start3A_1106 = arith.constant 0 : i32
        %dma_start3A_1107 = tpu.memref_slice %arg7[%add3A_11, %dma_start3A_1106] : memref<16384x21xf32, #tpu.memory_space<hbm>> -> memref<32x21xf32, #tpu.memory_space<hbm>>
        tpu.enqueue_dma source(%arg14 : memref<32x21xf32, #tpu.memory_space<vmem>>) target(%dma_start3A_1107 : memref<32x21xf32, #tpu.memory_space<hbm>>) target_semaphore(%run_scoped3A : memref<!tpu.dma_semaphore, #tpu.memory_space<semaphore_mem>>)
        %dma_wait3A_1108 = arith.constant 0 : i32
        %dma_wait3A_1109 = tpu.memref_slice %arg7[%add3A_11, %dma_wait3A_1108] : memref<16384x21xf32, #tpu.memory_space<hbm>> -> memref<32x21xf32, #tpu.memory_space<hbm>>
        %dma_wait3A_1110 = arith.constant 0 : i32
        %dma_wait3A_1111 = tpu.memref_slice %arg7[%add3A_11, %dma_wait3A_1110] : memref<16384x21xf32, #tpu.memory_space<hbm>> -> memref<32x21xf32, #tpu.memory_space<hbm>>
        tpu.wait_dma2 semaphore(%run_scoped3A : memref<!tpu.dma_semaphore, #tpu.memory_space<semaphore_mem>>) src(%arg14 : memref<32x21xf32, #tpu.memory_space<vmem>>) dst(%dma_wait3A_1111 : memref<32x21xf32, #tpu.memory_space<hbm>>)
        tpu.yield
      }) : () -> ()
    }
    %scan3A_7 = arith.constant 16 : i32
    return
  }
}

module attributes {stable_mosaic.version = 14 : i64} {
  func.func @_loss_kernel(%arg0: memref<16384x21xf32, #tpu.memory_space<vmem>>, %arg1: memref<1x1xf32, #tpu.memory_space<smem>>) attributes {dimension_semantics = [], scalar_prefetch = 0 : i64, scratch_operands = 0 : i64, tpu.core_type = #tpu.core_type<tc>} {
    %get3A = arith.constant 0 : index
    %get3A_0 = arith.constant 0 : index
    %get3A_1 = vector.load %arg0[%get3A, %get3A_0] : memref<16384x21xf32, #tpu.memory_space<vmem>>, vector<16384x21xf32>
    %slice3A = vector.extract_strided_slice %get3A_1 {offsets = [0, 0], sizes = [16384, 1], strides = [1, 1]} : vector<16384x21xf32> to vector<16384x1xf32>
    %squeeze3A = vector.shape_cast %slice3A : vector<16384x1xf32> to vector<16384xf32>
    %slice3A_2 = vector.extract_strided_slice %get3A_1 {offsets = [0, 1], sizes = [16384, 20], strides = [1, 1]} : vector<16384x21xf32> to vector<16384x20xf32>
    %neg3A = arith.constant 0.000000e+00 : f32
    %neg3A_3 = vector.broadcast %neg3A : f32 to vector<16384xf32>
    %neg3A_4 = arith.subf %neg3A_3, %squeeze3A : vector<16384xf32>
    %custom_jvp_call3A = arith.constant 0.000000e+00 : f32
    %max3A = vector.broadcast %custom_jvp_call3A : f32 to vector<16384xf32>
    %max3A_5 = arith.maximumf %neg3A_4, %max3A : vector<16384xf32>
    %sub3A = vector.broadcast %custom_jvp_call3A : f32 to vector<16384xf32>
    %sub3A_6 = arith.subf %neg3A_4, %sub3A : vector<16384xf32>
    %ne3A = arith.cmpf one, %sub3A_6, %sub3A_6 : vector<16384xf32>
    %add3A = vector.broadcast %custom_jvp_call3A : f32 to vector<16384xf32>
    %add3A_7 = arith.addf %neg3A_4, %add3A : vector<16384xf32>
    %abs3A = math.absf %sub3A_6 : vector<16384xf32>
    %neg3A_8 = arith.constant 0.000000e+00 : f32
    %neg3A_9 = vector.broadcast %neg3A_8 : f32 to vector<16384xf32>
    %neg3A_10 = arith.subf %neg3A_9, %abs3A : vector<16384xf32>
    %exp3A = math.exp %neg3A_10 : vector<16384xf32>
    %log1p3A = math.log1p %exp3A : vector<16384xf32>
    %add3A_11 = arith.addf %max3A_5, %log1p3A : vector<16384xf32>
    %select_n3A = arith.select %ne3A, %add3A_7, %add3A_11 : vector<16384xi1>, vector<16384xf32>
    %neg3A_12 = arith.constant 0.000000e+00 : f32
    %neg3A_13 = vector.broadcast %neg3A_12 : f32 to vector<16384xf32>
    %neg3A_14 = arith.subf %neg3A_13, %select_n3A : vector<16384xf32>
    %neg3A_15 = arith.constant 0.000000e+00 : f32
    %neg3A_16 = vector.broadcast %neg3A_15 : f32 to vector<16384xf32>
    %neg3A_17 = arith.subf %neg3A_16, %neg3A_14 : vector<16384xf32>
    %neg3A_18 = arith.constant 0.000000e+00 : f32
    %neg3A_19 = vector.broadcast %neg3A_18 : f32 to vector<16384x20xf32>
    %neg3A_20 = arith.subf %neg3A_19, %slice3A_2 : vector<16384x20xf32>
    %neg3A_21 = arith.constant 0.000000e+00 : f32
    %neg3A_22 = vector.broadcast %neg3A_21 : f32 to vector<16384x20xf32>
    %neg3A_23 = arith.subf %neg3A_22, %neg3A_20 : vector<16384x20xf32>
    %custom_jvp_call3A_24 = arith.constant 0.000000e+00 : f32
    %max3A_25 = vector.broadcast %custom_jvp_call3A_24 : f32 to vector<16384x20xf32>
    %max3A_26 = arith.maximumf %neg3A_23, %max3A_25 : vector<16384x20xf32>
    %sub3A_27 = vector.broadcast %custom_jvp_call3A_24 : f32 to vector<16384x20xf32>
    %sub3A_28 = arith.subf %neg3A_23, %sub3A_27 : vector<16384x20xf32>
    %ne3A_29 = arith.cmpf one, %sub3A_28, %sub3A_28 : vector<16384x20xf32>
    %add3A_30 = vector.broadcast %custom_jvp_call3A_24 : f32 to vector<16384x20xf32>
    %add3A_31 = arith.addf %neg3A_23, %add3A_30 : vector<16384x20xf32>
    %abs3A_32 = math.absf %sub3A_28 : vector<16384x20xf32>
    %neg3A_33 = arith.constant 0.000000e+00 : f32
    %neg3A_34 = vector.broadcast %neg3A_33 : f32 to vector<16384x20xf32>
    %neg3A_35 = arith.subf %neg3A_34, %abs3A_32 : vector<16384x20xf32>
    %exp3A_36 = math.exp %neg3A_35 : vector<16384x20xf32>
    %log1p3A_37 = math.log1p %exp3A_36 : vector<16384x20xf32>
    %add3A_38 = arith.addf %max3A_26, %log1p3A_37 : vector<16384x20xf32>
    %select_n3A_39 = arith.select %ne3A_29, %add3A_31, %add3A_38 : vector<16384x20xi1>, vector<16384x20xf32>
    %neg3A_40 = arith.constant 0.000000e+00 : f32
    %neg3A_41 = vector.broadcast %neg3A_40 : f32 to vector<16384x20xf32>
    %neg3A_42 = arith.subf %neg3A_41, %select_n3A_39 : vector<16384x20xf32>
    %reduce_sum3A = arith.constant dense<0.000000e+00> : vector<16384xf32>
    %reduce_sum3A_43 = vector.multi_reduction <add>, %neg3A_42, %reduce_sum3A [1] : vector<16384x20xf32> to vector<16384xf32>
    %sub3A_44 = arith.subf %neg3A_17, %reduce_sum3A_43 : vector<16384xf32>
    %reduce_sum3A_45 = vector.shape_cast %sub3A_44 : vector<16384xf32> to vector<1x16384xf32>
    %reduce_sum3A_46 = arith.constant dense<0.000000e+00> : vector<1xf32>
    %reduce_sum3A_47 = vector.multi_reduction <add>, %reduce_sum3A_45, %reduce_sum3A_46 [1] : vector<1x16384xf32> to vector<1xf32>
    %reduce_sum3A_48 = vector.shape_cast %reduce_sum3A_47 : vector<1xf32> to vector<1x1xf32>
    %reduce_sum3A_49 = vector.extract %reduce_sum3A_48[0, 0] : f32 from vector<1x1xf32>
    %mul3A = arith.constant 6.10351563E-5 : f32
    %mul3A_50 = arith.mulf %reduce_sum3A_49, %mul3A : f32
    %swap3A = arith.constant 0 : index
    %swap3A_51 = arith.constant 0 : index
    %swap3A_52 = memref.load %arg1[%swap3A, %swap3A_51] : memref<1x1xf32, #tpu.memory_space<smem>>
    memref.store %mul3A_50, %arg1[%swap3A, %swap3A_51] : memref<1x1xf32, #tpu.memory_space<smem>>
    return
  }
}

</mosaic_0001>

<sc_bundles>
// kernel: kernel.4.cloned.1.call-start
scs
__scs_entry_jumppad:
0x0: {  	(pc) =	sbr.rel $0x88, $3  }
0x1: {  	(tag) =	ssettag $0x0;
	lr =	simm.s32 $0x1  }
0x2: {  	[smem:$0x3F9C] =	sst lr;
	_ =	strace $0xD0000000  }
0x3: {  	_ = 	snop  }
0x4: {  	_ = 	snop  }
0x5: {  	_ = 	snop  }
0x6: {  	_ = 	snop  }
0x7: {  	_ = 	snop  }
__scs_overlays_trampoline_lowered:
0x8: {  	[smem:$0x3FAB] =	sst s0  }
0x9: {  	[smem:$0x3FAC] =	sst s1  }
0xa: {  	[smem:$0x3FAD] =	sst s2  }
0xb: {  	[smem:$0x3FAE] =	sst s3  }
0xc: {  	[smem:$0x3FAF] =	sst s4  }
0xd: {  	[smem:$0x3FB0] =	sst s5  }
0xe: {  	[smem:$0x3FB1] =	sst s6  }
0xf: {  	[smem:$0x3FB2] =	sst s7  }
0x10: {  	[smem:$0x3FB3] =	sst s8  }
0x11: {  	[smem:$0x3FB4] =	sst s9;
	s0 =	simm.s32 @!p0 $0x0  }
0x12: {  	s1 =	sld [smem:$0x3F9A];
	s0 =	simm.s32 @p0 $0x1  }
0x13: {  	[smem:$0x3FB5] =	sst s0;
	s0 =	simm.s32 @!p1 $0x0  }
0x14: {  	s2 =	sld [smem:$0x3F99];
	s0 =	simm.s32 @p1 $0x1  }
0x15: {  	[smem:$0x3FB6] =	sst s0;
	s0 =	simm.s32 @!p2 $0x0  }
0x16: {  	s3 =	sld [smem:$0x3FDB];
	s0 =	simm.s32 @p2 $0x1  }
0x17: {  	s4 =	simm.s32 $0x1BF5;
	[smem:$0x3FB8] =	sst s0  }
0x18: {  	s0 =	sld [smem:$0x3F9B];
	_ =	swait.ge [sflag:s4], $0x0  }
0x19: {  	s7 =	sld [smem:$0x3F9C]  }
0x1a: {  	s8 =	sadd.s32 $0xFFFFE003, lr  }
0x1b: {  	s9 =	sadd.s32 $0xFFFFFEF7, lr;
	s5 =	simm.s32 $0xFFFFFFFF;
	p2 =	slt.u32 s8, $0xFFFFF086  }
0x1c: {  	p1 =	slt.u32 s9, $0xF7A;
	s5 =	simm.s32 @!p2 $0x0  }
0x1d: {  	s5 =	simm.s32 @p1 $0x1;
	p0 =	seq.s32 s7, s2  }
0x1e: {  	s7 =	smul.u32 @!p0 $0xF7A, s2;
	p2 =	seq.s32 @!p0 s5, $0x0  }
0x1f: {  	s9 =	smul.u32 $0xF7A, s1;
	s8 =	simm.s32 @!p0 $0x1BF5;
	p2 =	por !p2, p0  }
0x20: {  	[sflag:s8] =	ssyncset.s32 @!p0 $0xFFFFF086;
	s6 =	sadd.s32 @!p0 s3, s7;
	s7 =	simm.s32 @!p0 $0x108  }
0x21: {  	s3 =	sadd.s32 s3, s9;
	s6 =	sadd.s32 @!p0 $0x88, s6;
	s7 =	simm.s32 @p2 $0x1082  }
0x22: {  	[simem:s7], [sflag:s8] =	dma.local @!p0 [hbm:s6], $0xF7A  }
0x23: {  	s9 =	sor.u32 $0xD0000000, s2;
	s6 =	simm.s32 $0x108;
	_ =	swait.ge @!p0 [sflag:s8], $0x0  }
0x24: {  	s3 =	sadd.s32 $0x88, s3;
	s6 =	simm.s32 @!p1 $0x1082;
	[sflag:s4] =	ssyncset.s32 $0xFFFFF086  }
0x25: {  	[simem:s6], [sflag:s4] =	dma.local [hbm:s3], $0xF7A  }
0x26: {  	[smem:$0x3F9C] =	sst s1;
	(tag) =	ssettag s2;
	_ =	strace s9  }
0x27: {  	s1 =	sld [smem:$0x3FAC]  }
0x28: {  	s2 =	sld [smem:$0x3FAD]  }
0x29: {  	s4 =	sld [smem:$0x3FAF]  }
0x2a: {  	p0 =	seq.s32 s5, $0x0;
	s5 =	sld [smem:$0x3FB0]  }
0x2b: {  	s6 =	sld [smem:$0x3FB1]  }
0x2c: {  	s7 =	sld [smem:$0x3FB2]  }
0x2d: {  	s3 =	simm.s32 $0x108;
	s8 =	sld [smem:$0x3FB3]  }
0x2e: {  	s3 =	simm.s32 @!p0 $0x1082;
	s9 =	sld [smem:$0x3FB4]  }
0x2f: {  	lr =	sadd.s32 s0, s3;
	s0 =	sld [smem:$0x3FAB]  }
0x30: {  	s3 =	sld [smem:$0x3FAE]  }
0x31: {  	[smem:$0x3FB7] =	sst s10  }
0x32: {  	s10 =	sld [smem:$0x3FB5];
	_ =	sdelay $0x3  }
0x33: {  	p0 =	seq.s32 s10, $0x1;
	s10 =	sld [smem:$0x3FB7];
	_ =	sdelay $0x3  }
0x34: {  	[smem:$0x3FB7] =	sst s10  }
0x35: {  	s10 =	sld [smem:$0x3FB6];
	_ =	sdelay $0x3  }
0x36: {  	p1 =	seq.s32 s10, $0x1;
	s10 =	sld [smem:$0x3FB7];
	_ =	sdelay $0x3  }
0x37: {  	[smem:$0x3FB7] =	sst s10  }
0x38: {  	s10 =	sld [smem:$0x3FB8]  }
0x39: {  	_ = 	snop;
	(pc) =	sbr.ind lr, $3  }
0x3a: {  	_ = 	snop  }
0x3b: {  	_ = 	snop  }
0x3c: {  	p2 =	seq.s32 s10, $0x1;
	s10 =	sld [smem:$0x3FB7]  }
0x3d: {  	_ =	shalt  }
0x3e: {  	_ =	shalt  }
0x3f: {  	_ =	shalt  }
0x40: {  	_ =	shalt  }
0x41: {  	_ =	shalt  }
0x42: {  	_ =	shalt  }
0x43: {  	_ =	shalt  }
0x44: {  	_ =	shalt  }
0x45: {  	_ =	shalt  }
0x46: {  	_ =	shalt  }
0x47: {  	_ =	shalt  }
0x48: {  	_ =	shalt  }
0x49: {  	_ =	shalt  }
0x4a: {  	_ =	shalt  }
0x4b: {  	_ =	shalt  }
0x4c: {  	_ =	shalt  }
0x4d: {  	_ =	shalt  }
0x4e: {  	_ =	shalt  }
0x4f: {  	_ =	shalt  }
0x50: {  	_ =	shalt  }
0x51: {  	_ =	shalt  }
0x52: {  	_ =	shalt  }
0x53: {  	_ =	shalt  }
0x54: {  	_ =	shalt  }
0x55: {  	_ =	shalt  }
0x56: {  	_ =	shalt  }
0x57: {  	_ =	shalt  }
0x58: {  	_ =	shalt  }
0x59: {  	_ =	shalt  }
0x5a: {  	_ =	shalt  }
0x5b: {  	_ =	shalt  }
0x5c: {  	_ =	shalt  }
0x5d: {  	_ =	shalt  }
0x5e: {  	_ =	shalt  }
0x5f: {  	_ =	shalt  }
0x60: {  	_ =	shalt  }
0x61: {  	_ =	shalt  }
0x62: {  	_ =	shalt  }
0x63: {  	_ =	shalt  }
0x64: {  	_ =	shalt  }
0x65: {  	_ =	shalt  }
0x66: {  	_ =	shalt  }
0x67: {  	_ =	shalt  }
0x68: {  	_ =	shalt  }
0x69: {  	_ =	shalt  }
0x6a: {  	_ =	shalt  }
0x6b: {  	_ =	shalt  }
0x6c: {  	_ =	shalt  }
0x6d: {  	_ =	shalt  }
0x6e: {  	_ =	shalt  }
0x6f: {  	_ =	shalt  }
0x70: {  	_ =	shalt  }
0x71: {  	_ =	shalt  }
0x72: {  	_ =	shalt  }
0x73: {  	_ =	shalt  }
0x74: {  	_ =	shalt  }
0x75: {  	_ =	shalt  }
0x76: {  	_ =	shalt  }
0x77: {  	_ =	shalt  }
0x78: {  	_ =	shalt  }
0x79: {  	_ =	shalt  }
0x7a: {  	_ =	shalt  }
0x7b: {  	_ =	shalt  }
0x7c: {  	_ =	shalt  }
0x7d: {  	_ =	shalt  }
0x7e: {  	_ =	shalt  }
0x7f: {  	_ =	shalt  }
0x80: {  	_ =	shalt  }
0x81: {  	_ =	shalt  }
0x82: {  	_ =	shalt  }
0x83: {  	_ =	shalt  }
0x84: {  	_ =	shalt  }
0x85: {  	_ =	shalt  }
0x86: {  	_ =	shalt  }
0x87: {  	_ =	shalt  }
.Lfunc_end0:
.L_simem_size_0:
called_computation_lowered:
.L_overlay_start_0:
0x88: {  	s2 =	sld [smem:$0x3FD9]  }
0x89: {  	s3 =	sld [smem:$0x3FFE];
	_ =	sdelay $0x1  }
0x8a: {  	s1 =	srdreg.scid  }
0x8b: {  	s0 =	sand.u32 $0x1, s1  }
0x8c: {  	s17 =	sshll.u32 s0, $0xA;
	s2 =	sadd.s32 s3, s2  }
0x8d: {  	s2 =	sadd.s32 s2, s17  }
0x8e: {  	[smem:$0x3FC3] =	sst s2  }
0x8f: {  	_ = 	snop  }
0x90: {  	s2 =	sld [smem:$0x3FC9]  }
0x91: {  	s18 =	sld [smem:$0x3FC8];
	(tm) =	ssettm $0x1  }
0x92: {  	s4 =	sld [smem:$0x3FFB];
	_ =	sdelay $0x3  }
0x93: {  	_ =	strace s4  }
0x94: {  	s4 =	sld [smem:$0x3FFC];
	_ =	sdelay $0x3  }
0x95: {  	_ =	strace s4  }
0x96: {  	s4 =	sld [smem:$0x3FFD];
	_ =	sdelay $0x3  }
0x97: {  	_ =	strace s4  }
0x98: {  	_ =	strace $0x8FFFFFFF  }
0x99: {  	s19 =	sld [smem:$0x3FDB];
	_ =	sdelay $0x1  }
0x9a: {  	s5 =	simm.s32 $_scs_section_size  }
0x9b: {  	s6 =	simm.s32 $_size__tile_overlayer_lowered;
	s7 =	simm.s32 $_tile_overlayer_lowered  }
0x9c: {  	s22 =	simm.s32 $0x1BFF;
	s21 =	sshll.u32 s7, $0x1;
	s4 =	sadd.s32 s5, s19  }
0x9d: {  	s8 =	simm.s32 $0x0;
	s20 =	sshll.u32 s6, $0x1;
	s6 =	sadd.s32 s21, s4  }
0x9e: {  	[timem:s8], [sflag:s22] =	dma.local [hbm:s6], s20  }
0x9f: {  	_ =	swait.ge [sflag:s22], s20  }
0xa0: {  	s5 =	ssub.s32 $0x0, s20;
	[sflag:s22] =	ssyncset.done $0x0  }
0xa1: {  	[sflag:s22] =	ssyncadd.s32 s5;
	_ =	sdelay $0x1  }
0xa2: {  	s23 =	simm.s32 $0x1B8B  }
0xa3: {  	_ =	swait.ge [sflag:s23], $0x1  }
0xa4: {  	[sflag:s23] =	ssyncset.done $0x0  }
0xa5: {  	s25 =	simm.s32 $0x1B8E;
	s24 =	sld [smem:$0x3FFE];
	[sflag:s23] =	ssyncadd.s32 $0xFFFFFFFF  }
0xa6: {  	s26 =	simm.s32 $execute0_lowered;
	[smem:$0x3FD2] =	sst s25  }
0xa7: {  	s6 =	sshll.u32 s26, $0x1;
	_ =	strace $0x80000046;
	[dreg:$0x1] =	wrdreg $0xFFFFFFFF  }
0xa8: {  	s28 =	simm.s32 $_size_execute0_lowered;
	s4 =	sadd.s32 s4, s6;
	[dreg:$0x0] =	wrdreg $0x0  }
0xa9: {  	s6 =	sshll.u32 s28, $0x1;
	[dreg:$0x2] =	wrdreg s4  }
0xaa: {  	[dreg:$0x3] =	wrdreg s6  }
0xab: {  	[dreg:$0x4] =	wrdreg $0xC0  }
0xac: {  	_ =	task [dreg:s8], $0x5FFFF  }
0xad: {  	[dreg:$0x1] =	wrdreg $0xFFFFFFFF  }
0xae: {  	[dreg:$0x0] =	wrdreg $0x60  }
0xaf: {  	[dreg:$0x2] =	wrdreg s2  }
0xb0: {  	[dreg:$0x3] =	wrdreg s18  }
0xb1: {  	[dreg:$0x4] =	wrdreg s24  }
0xb2: {  	[dreg:$0x5] =	wrdreg $0x9  }
0xb3: {  	_ =	task.clear_ibuf [dreg:s8], $0x6FFFF;
	_ =	strace $0x90000046  }
0xb4: {  	s29 =	simm.s32 $0x9;
	_ =	strace $0x80000048  }
0xb5: {  	_ =	swait.ge [sflag:s29], $0x1  }
0xb6: {  	[sflag:s29] =	ssyncadd.s32 $0xFFFFFFFF  }
0xb7: {  	_ =	strace $0x90000048  }
0xb8: {  	_ =	sfence  }
0xb9: {  	s30 =	sld [smem:$0x0];
	_ =	sdelay $0x2  }
0xba: {  	s31 =	sshll.u32 s1, $0xD;
	s1 =	sshrl.u32 s1, $0x2  }
0xbb: {  	s3 =	sand.u32 $0x4000, s31;
	s1 =	sadd.s32 s1, s30  }
0xbc: {  	s0 =	sor.u32 s3, s0;
	s1 =	sshll.u32 s1, $0x11  }
0xbd: {  	s0 =	sor.u32 s1, s0  }
0xbe: {  	s0 =	sadd.s32 $0x8F2B, s0  }
0xbf: {  	[sflag:s0] =	ssyncadd.remote.s32 $0x1  }
0xc0: {  	_ =	sfence.sel $0xFFFF  }
0xc1: {  	[dreg:$0x0] =	wrdreg $0xFFFFFFFF;
	(pc) =	sbr.abs _section_cstart, $3  }
0xc2: {  	[dreg:$0x1] =	wrdreg $0xFFFFFFFF  }
0xc3: {  	_ =	task.clear_ibuf [dreg:s8], $0x2FFFF;
	_ =	strace $0x9FFFFFFF  }
0xc4: {  	(tm) =	ssettm $0x7FFFFFFF  }
0xc5: {  	_ =	shalt  }
tec
execute0_lowered:
.L_overlay_start_1:
0x0: {  	(tag) =	ssettag $0x1  }
0x1: {  	v0 =	vlaneseq.u32  }
0x2: {  	s3 =	simm.s32 $0x0;
	v1 =	vmul.u32 $0x80, v0  }
0x3: {  	[smem:$0x7FF] =	sst s3  }
0x4: {  	s0 =	rddreg [dreg:$0x2];
	_ =	strace $0x80000047;
	v2 =	vor.u32 $0x1, v1;
	[tilespmem:$0x1FFE0] =	vst v1  }
0x5: {  	[tilespmem:$0x1FF40] =	vst v2;
	v2 =	vor.u32 $0x2, v1  }
0x6: {  	[tilespmem:$0x1FF50] =	vst v2;
	v2 =	vor.u32 $0x3, v1  }
0x7: {  	[tilespmem:$0x1FF60] =	vst v2;
	v2 =	vor.u32 $0x4, v1  }
0x8: {  	s1 =	srdreg.scid;
	s5 =	stileid.u32;
	[tilespmem:$0x1FF70] =	vst v2;
	v2 =	vor.u32 $0x5, v1  }
0x9: {  	s11 =	simm.s32 $0x4;
	s30 =	simm.s32 $0x1;
	s31 =	simm.s32 $0x2;
	[tilespmem:$0x1FF80] =	vst v2;
	v2 =	vor.u32 $0x6, v1  }
0xa: {  	s2 =	sadd.s32 $0x600, s0;
	s6 =	sadd.s32 $0xA600, s0;
	s1 =	sand.u32 $0x1, s1;
	[tilespmem:$0x1FF90] =	vst v2;
	v2 =	vor.u32 $0x7, v1  }
0xb: {  	s7 =	sadd.s32 $0xF4CA00, s0;
	s9 =	sshll.u32 s5, $0xA;
	s28 =	ssub.s32 $0x2, s1;
	[tilespmem:$0x1FFA0] =	vst v2;
	v2 =	vor.u32 $0x8, v1  }
0xc: {  	s0 =	sadd.s32 $0x1E8EE00, s0;
	[dreg:$0x4] =	wrdreg s2;
	s4 =	sshrl.u32 s28, $0x1;
	[tilespmem:$0x1FFB0] =	vst v2;
	v2 =	vor.u32 $0x9, v1  }
0xd: {  	s1 =	sshll.u32 s1, $0x9;
	[dreg:$0x5] =	wrdreg s0;
	s29 =	ssub.s32 s28, s4;
	[tilespmem:$0x1FFC0] =	vst v2;
	v2 =	vor.u32 $0xA, v1  }
0xe: {  	s2 =	simm.s32 $0x0;
	s9 =	sor.u32 s1, s9;
	s0 =	smax.u32 s29, $0x1;
	v1 =	vor.u32 $0xB, v1;
	[tilespmem:$0x1FFD0] =	vst v2  }
0xf: {  	s4 =	simm.s32 $0x16380;
	[dreg:$0x6] =	wrdreg s0;
	s0 =	simm.s32 $0x3;
	[tilespmem:$0x1FFF0] =	vst v1  }
.LBB2_1:
0x10: {  	[dreg:$0x7] =	wrdreg s2;
	s10 =	simm.s32 $0x0  }
.LBB2_2:
0x11: {  	s1 =	sshll.u32 s10, $0x5  }
0x12: {  	s1 =	sadd.s32 s9, s1  }
0x13: {  	s5 =	rddreg [dreg:$0x0];
	s2 =	sshrl.u32 s1, $0x3  }
0x14: {  	s12 =	simm.s32 $0x0;
	s13 =	sadd.s32 s5, s2  }
0x15: {  	[tilespmem:s12], [sflag:$0x4] =	stream.linear.gather [hbm4b:s13+s12], $0x20, $0x38;
	[tilespmem:$0x17380] =	vst v63  }
0x16: {  	_ =	swait.ge [sflag:s11], $0x20  }
0x17: {  	[sflag:s11] =	ssyncset.done $0x0  }
0x18: {  	[sflag:s11] =	ssyncadd.s32 $0xFFFFFFE0  }
0x19: {  	s25 =	rddreg [dreg:$0x1]  }
0x1a: {  	s26 =	simm.s32 $0x80;
	s28 =	smul.u32 $0x14, s1;
	s2 =	sadd.s32 s25, s2  }
0x1b: {  	[tilespmem:s26], [sflag:$0x4] =	stream.linear.gather [hbm4b:s2+s12], $0x20, $0x38;
	[tilespmem:$0x17380] =	vst v63  }
0x1c: {  	_ =	swait.ge [sflag:s11], $0x20  }
0x1d: {  	s2 =	sshrl.u32 s28, $0x3;
	[sflag:s11] =	ssyncset.done $0x0;
	s29 =	rddreg [dreg:$0x4]  }
0x1e: {  	[sflag:s11] =	ssyncadd.s32 $0xFFFFFFE0;
	s5 =	sadd.s32 s29, s2;
	s2 =	simm.s32 $0x100  }
0x1f: {  	[tilespmem:s2], [sflag:$0x4] =	stream.linear.gather [hbm4b:s5+s12], $0x280, $0x38;
	[tilespmem:$0x17380] =	vst v63  }
0x20: {  	_ =	swait.ge [sflag:s11], $0x280  }
0x21: {  	[sflag:s11] =	ssyncset.done $0x0  }
0x22: {  	[sflag:s11] =	ssyncadd.s32 $0xFFFFFD80  }
0x23: {  	v13 =	vld [tilespmem:$0x0];
	_ =	sdelay $0x4  }
0x24: {  	v14 =	vshll.u32 v13, $0x4  }
0x25: {  	(v2sf) =	vpush v14, $0x0;
	_ =	sdelay $0x4  }
0x26: {  	v15 =	vld [tilespmem:$0x80];
	_ =	sdelay $0x4  }
0x27: {  	v13 =	vshll.u32 v15, $0x4  }
0x28: {  	(v2sf) =	vpush v13, $0x0  }
0x29: {  	(v2sf) =	vpush v14, $0x1;
	_ =	sdelay $0x1  }
0x2a: {  	(v2sf) =	vpush v13, $0x1  }
0x2b: {  	s8 =	spop (v2sf);
	(v2sf) =	vpush v14, $0x2;
	_ =	sdelay $0x1  }
0x2c: {  	(v2sf) =	vpush v13, $0x2;
	_ =	sdelay $0x1  }
0x2d: {  	(v2sf) =	vpush v14, $0x3;
	_ =	sdelay $0x2  }
0x2e: {  	(v2sf) =	vpush v13, $0x3;
	_ =	sdelay $0x3  }
0x2f: {  	s13 =	sand.u32 $0x1FFFFFF0, s8;
	s15 =	spop (v2sf)  }
0x30: {  	s14 =	simm.s32 $0x380;
	s13 =	sadd.s32 s6, s13;
	s17 =	spop (v2sf)  }
0x31: {  	[tilespmem:s14], [sflag:$0x1] =	stream.linear.gather [hbm4b:s13+s12], $0x80, $0x38;
	[tilespmem:$0x17380] =	vst v63  }
0x32: {  	s19 =	spop (v2sf)  }
0x33: {  	s21 =	spop (v2sf);
	(v2sf) =	vpush v14, $0x4  }
0x34: {  	s13 =	sand.u32 $0x1FFFFFF0, s15  }
0x35: {  	s16 =	simm.s32 $0x1380;
	s13 =	sadd.s32 s7, s13;
	s23 =	spop (v2sf);
	(v2sf) =	vpush v13, $0x4  }
0x36: {  	[tilespmem:s16], [sflag:$0x2] =	stream.linear.gather [hbm4b:s13+s12], $0x80, $0x38;
	[tilespmem:$0x17380] =	vst v63  }
0x37: {  	s13 =	sand.u32 $0x1FFFFFF0, s17;
	s25 =	spop (v2sf);
	(v2sf) =	vpush v14, $0x5  }
0x38: {  	s18 =	simm.s32 $0x400;
	s13 =	sadd.s32 s6, s13  }
0x39: {  	[tilespmem:s18], [sflag:$0x1] =	stream.linear.gather [hbm4b:s13+s12], $0x80, $0x38;
	[tilespmem:$0x17380] =	vst v63  }
0x3a: {  	s28 =	spop (v2sf);
	(v2sf) =	vpush v13, $0x5  }
0x3b: {  	s13 =	sand.u32 $0x1FFFFFF0, s19  }
0x3c: {  	s20 =	simm.s32 $0x1400;
	s13 =	sadd.s32 s7, s13  }
0x3d: {  	[tilespmem:s20], [sflag:$0x2] =	stream.linear.gather [hbm4b:s13+s12], $0x80, $0x38;
	[tilespmem:$0x17380] =	vst v63  }
0x3e: {  	s13 =	sand.u32 $0x1FFFFFF0, s21  }
0x3f: {  	s22 =	simm.s32 $0x480;
	s13 =	sadd.s32 s6, s13  }
0x40: {  	[tilespmem:s22], [sflag:$0x1] =	stream.linear.gather [hbm4b:s13+s12], $0x80, $0x38;
	[tilespmem:$0x17380] =	vst v63  }
0x41: {  	s13 =	sand.u32 $0x1FFFFFF0, s23  }
0x42: {  	s24 =	simm.s32 $0x1480;
	s13 =	sadd.s32 s7, s13;
	s8 =	spop (v2sf);
	(v2sf) =	vpush v14, $0x6  }
0x43: {  	[tilespmem:s24], [sflag:$0x2] =	stream.linear.gather [hbm4b:s13+s12], $0x80, $0x38;
	[tilespmem:$0x17380] =	vst v63  }
0x44: {  	s15 =	spop (v2sf);
	(v2sf) =	vpush v13, $0x6  }
0x45: {  	s13 =	sand.u32 $0x1FFFFFF0, s25  }
0x46: {  	s26 =	simm.s32 $0x500;
	s13 =	sadd.s32 s6, s13;
	s17 =	spop (v2sf);
	(v2sf) =	vpush v14, $0x7  }
0x47: {  	[tilespmem:s26], [sflag:$0x1] =	stream.linear.gather [hbm4b:s13+s12], $0x80, $0x38;
	[tilespmem:$0x17380] =	vst v63  }
0x48: {  	s13 =	sand.u32 $0x1FFFFFF0, s28  }
0x49: {  	s29 =	simm.s32 $0x1500;
	s13 =	sadd.s32 s7, s13;
	s19 =	spop (v2sf);
	(v2sf) =	vpush v13, $0x7  }
0x4a: {  	[tilespmem:s29], [sflag:$0x2] =	stream.linear.gather [hbm4b:s13+s12], $0x80, $0x38;
	[tilespmem:$0x17380] =	vst v63  }
0x4b: {  	s13 =	sand.u32 $0x1FFFFFF0, s8  }
0x4c: {  	s14 =	simm.s32 $0x580;
	s13 =	sadd.s32 s6, s13  }
0x4d: {  	[tilespmem:s14], [sflag:$0x1] =	stream.linear.gather [hbm4b:s13+s12], $0x80, $0x38;
	[tilespmem:$0x17380] =	vst v63  }
0x4e: {  	s13 =	sand.u32 $0x1FFFFFF0, s15  }
0x4f: {  	s16 =	simm.s32 $0x1580;
	s13 =	sadd.s32 s7, s13  }
0x50: {  	[tilespmem:s16], [sflag:$0x2] =	stream.linear.gather [hbm4b:s13+s12], $0x80, $0x38;
	[tilespmem:$0x17380] =	vst v63  }
0x51: {  	s21 =	spop (v2sf);
	(v2sf) =	vpush v14, $0x8  }
0x52: {  	s13 =	sand.u32 $0x1FFFFFF0, s17  }
0x53: {  	s18 =	simm.s32 $0x600;
	s13 =	sadd.s32 s6, s13;
	s23 =	spop (v2sf);
	(v2sf) =	vpush v13, $0x8  }
0x54: {  	[tilespmem:s18], [sflag:$0x1] =	stream.linear.gather [hbm4b:s13+s12], $0x80, $0x38;
	[tilespmem:$0x17380] =	vst v63  }
0x55: {  	s13 =	sand.u32 $0x1FFFFFF0, s19;
	s25 =	spop (v2sf);
	(v2sf) =	vpush v14, $0x9  }
0x56: {  	s20 =	simm.s32 $0x1600;
	s13 =	sadd.s32 s7, s13  }
0x57: {  	[tilespmem:s20], [sflag:$0x2] =	stream.linear.gather [hbm4b:s13+s12], $0x80, $0x38;
	[tilespmem:$0x17380] =	vst v63  }
0x58: {  	s28 =	spop (v2sf);
	(v2sf) =	vpush v13, $0x9  }
0x59: {  	s13 =	sand.u32 $0x1FFFFFF0, s21  }
0x5a: {  	s22 =	simm.s32 $0x680;
	s13 =	sadd.s32 s6, s13  }
0x5b: {  	[tilespmem:s22], [sflag:$0x1] =	stream.linear.gather [hbm4b:s13+s12], $0x80, $0x38;
	[tilespmem:$0x17380] =	vst v63  }
0x5c: {  	s13 =	sand.u32 $0x1FFFFFF0, s23  }
0x5d: {  	s24 =	simm.s32 $0x1680;
	s13 =	sadd.s32 s7, s13  }
0x5e: {  	[tilespmem:s24], [sflag:$0x2] =	stream.linear.gather [hbm4b:s13+s12], $0x80, $0x38;
	[tilespmem:$0x17380] =	vst v63  }
0x5f: {  	s13 =	sand.u32 $0x1FFFFFF0, s25  }
0x60: {  	s26 =	simm.s32 $0x700;
	s13 =	sadd.s32 s6, s13;
	s8 =	spop (v2sf);
	(v2sf) =	vpush v14, $0xA  }
0x61: {  	[tilespmem:s26], [sflag:$0x1] =	stream.linear.gather [hbm4b:s13+s12], $0x80, $0x38;
	[tilespmem:$0x17380] =	vst v63  }
0x62: {  	s15 =	spop (v2sf);
	(v2sf) =	vpush v13, $0xA  }
0x63: {  	s13 =	sand.u32 $0x1FFFFFF0, s28  }
0x64: {  	s29 =	simm.s32 $0x1700;
	s13 =	sadd.s32 s7, s13;
	s17 =	spop (v2sf);
	(v2sf) =	vpush v14, $0xB  }
0x65: {  	[tilespmem:s29], [sflag:$0x2] =	stream.linear.gather [hbm4b:s13+s12], $0x80, $0x38;
	[tilespmem:$0x17380] =	vst v63  }
0x66: {  	s13 =	sand.u32 $0x1FFFFFF0, s8  }
0x67: {  	s14 =	simm.s32 $0x780;
	s13 =	sadd.s32 s6, s13;
	s19 =	spop (v2sf);
	(v2sf) =	vpush v13, $0xB  }
0x68: {  	[tilespmem:s14], [sflag:$0x1] =	stream.linear.gather [hbm4b:s13+s12], $0x80, $0x38;
	[tilespmem:$0x17380] =	vst v63  }
0x69: {  	s13 =	sand.u32 $0x1FFFFFF0, s15  }
0x6a: {  	s16 =	simm.s32 $0x1780;
	s13 =	sadd.s32 s7, s13  }
0x6b: {  	[tilespmem:s16], [sflag:$0x2] =	stream.linear.gather [hbm4b:s13+s12], $0x80, $0x38;
	[tilespmem:$0x17380] =	vst v63  }
0x6c: {  	s13 =	sand.u32 $0x1FFFFFF0, s17  }
0x6d: {  	s18 =	simm.s32 $0x800;
	s13 =	sadd.s32 s6, s13  }
0x6e: {  	[tilespmem:s18], [sflag:$0x1] =	stream.linear.gather [hbm4b:s13+s12], $0x80, $0x38;
	[tilespmem:$0x17380] =	vst v63  }
0x6f: {  	s21 =	spop (v2sf);
	(v2sf) =	vpush v14, $0xC  }
0x70: {  	s13 =	sand.u32 $0x1FFFFFF0, s19  }
0x71: {  	s20 =	simm.s32 $0x1800;
	s13 =	sadd.s32 s7, s13;
	s23 =	spop (v2sf);
	(v2sf) =	vpush v13, $0xC  }
0x72: {  	[tilespmem:s20], [sflag:$0x2] =	stream.linear.gather [hbm4b:s13+s12], $0x80, $0x38;
	[tilespmem:$0x17380] =	vst v63  }
0x73: {  	s13 =	sand.u32 $0x1FFFFFF0, s21;
	s25 =	spop (v2sf);
	(v2sf) =	vpush v14, $0xD  }
0x74: {  	s22 =	simm.s32 $0x880;
	s13 =	sadd.s32 s6, s13  }
0x75: {  	[tilespmem:s22], [sflag:$0x1] =	stream.linear.gather [hbm4b:s13+s12], $0x80, $0x38;
	[tilespmem:$0x17380] =	vst v63  }
0x76: {  	s28 =	spop (v2sf);
	(v2sf) =	vpush v13, $0xD  }
0x77: {  	s13 =	sand.u32 $0x1FFFFFF0, s23  }
0x78: {  	s24 =	simm.s32 $0x1880;
	s13 =	sadd.s32 s7, s13  }
0x79: {  	[tilespmem:s24], [sflag:$0x2] =	stream.linear.gather [hbm4b:s13+s12], $0x80, $0x38;
	[tilespmem:$0x17380] =	vst v63  }
0x7a: {  	s13 =	sand.u32 $0x1FFFFFF0, s25  }
0x7b: {  	s26 =	simm.s32 $0x900;
	s13 =	sadd.s32 s6, s13  }
0x7c: {  	[tilespmem:s26], [sflag:$0x1] =	stream.linear.gather [hbm4b:s13+s12], $0x80, $0x38;
	[tilespmem:$0x17380] =	vst v63  }
0x7d: {  	s13 =	sand.u32 $0x1FFFFFF0, s28  }
0x7e: {  	s29 =	simm.s32 $0x1900;
	s13 =	sadd.s32 s7, s13;
	s8 =	spop (v2sf);
	(v2sf) =	vpush v14, $0xE  }
0x7f: {  	[tilespmem:s29], [sflag:$0x2] =	stream.linear.gather [hbm4b:s13+s12], $0x80, $0x38;
	[tilespmem:$0x17380] =	vst v63  }
0x80: {  	s15 =	spop (v2sf);
	(v2sf) =	vpush v13, $0xE  }
0x81: {  	s13 =	sand.u32 $0x1FFFFFF0, s8  }
0x82: {  	s14 =	simm.s32 $0x980;
	s13 =	sadd.s32 s6, s13;
	s17 =	spop (v2sf)  }
0x83: {  	(v2sf) =	vpush v14, $0xF;
	[tilespmem:s14], [sflag:$0x1] =	stream.linear.gather [hbm4b:s13+s12], $0x80, $0x38;
	[tilespmem:$0x17380] =	vst v63  }
0x84: {  	s13 =	sand.u32 $0x1FFFFFF0, s15  }
0x85: {  	s16 =	simm.s32 $0x1980;
	s19 =	spop (v2sf);
	s13 =	sadd.s32 s7, s13  }
0x86: {  	(v2sf) =	vpush v13, $0xF;
	[tilespmem:s16], [sflag:$0x2] =	stream.linear.gather [hbm4b:s13+s12], $0x80, $0x38;
	[tilespmem:$0x17380] =	vst v63  }
0x87: {  	s13 =	sand.u32 $0x1FFFFFF0, s17  }
0x88: {  	s18 =	simm.s32 $0xA00;
	s13 =	sadd.s32 s6, s13  }
0x89: {  	[tilespmem:s18], [sflag:$0x1] =	stream.linear.gather [hbm4b:s13+s12], $0x80, $0x38;
	[tilespmem:$0x17380] =	vst v63  }
0x8a: {  	s13 =	sand.u32 $0x1FFFFFF0, s19  }
0x8b: {  	s20 =	simm.s32 $0x1A00;
	s13 =	sadd.s32 s7, s13  }
0x8c: {  	[tilespmem:s20], [sflag:$0x2] =	stream.linear.gather [hbm4b:s13+s12], $0x80, $0x38;
	[tilespmem:$0x17380] =	vst v63  }
0x8d: {  	s21 =	spop (v2sf)  }
0x8e: {  	s13 =	sand.u32 $0x1FFFFFF0, s21  }
0x8f: {  	s22 =	simm.s32 $0xA80;
	s23 =	spop (v2sf);
	s13 =	sadd.s32 s6, s13  }
0x90: {  	[tilespmem:s22], [sflag:$0x1] =	stream.linear.gather [hbm4b:s13+s12], $0x80, $0x38;
	[tilespmem:$0x17380] =	vst v63  }
0x91: {  	s13 =	sand.u32 $0x1FFFFFF0, s23  }
0x92: {  	s24 =	simm.s32 $0x1A80;
	s25 =	spop (v2sf);
	s13 =	sadd.s32 s7, s13  }
0x93: {  	[tilespmem:s24], [sflag:$0x2] =	stream.linear.gather [hbm4b:s13+s12], $0x80, $0x38;
	[tilespmem:$0x17380] =	vst v63  }
0x94: {  	s13 =	sand.u32 $0x1FFFFFF0, s25  }
0x95: {  	s26 =	simm.s32 $0xB00;
	s28 =	spop (v2sf);
	s13 =	sadd.s32 s6, s13  }
0x96: {  	[tilespmem:s26], [sflag:$0x1] =	stream.linear.gather [hbm4b:s13+s12], $0x80, $0x38;
	[tilespmem:$0x17380] =	vst v63  }
0x97: {  	s13 =	sand.u32 $0x1FFFFFF0, s28  }
0x98: {  	s29 =	simm.s32 $0x1B00;
	s13 =	sadd.s32 s7, s13  }
0x99: {  	[tilespmem:s29], [sflag:$0x2] =	stream.linear.gather [hbm4b:s13+s12], $0x80, $0x38;
	[tilespmem:$0x17380] =	vst v63  }
0x9a: {  	v13 =	vld [tilespmem:$0x10]  }
0x9b: {  	v15 =	vld [tilespmem:$0x90];
	_ =	sdelay $0x3  }
0x9c: {  	v14 =	vshll.u32 v13, $0x4  }
0x9d: {  	v13 =	vshll.u32 v15, $0x4;
	(v2sf) =	vpush v14, $0x0  }
0x9e: {  	(v2sf) =	vpush v13, $0x0;
	_ =	sdelay $0x1  }
0x9f: {  	(v2sf) =	vpush v14, $0x1;
	_ =	sdelay $0x1  }
0xa0: {  	(v2sf) =	vpush v13, $0x1;
	_ =	sdelay $0x4  }
0xa1: {  	(v2sf) =	vpush v14, $0x2;
	_ =	sdelay $0x4  }
0xa2: {  	s8 =	spop (v2sf)  }
0xa3: {  	s15 =	spop (v2sf);
	(v2sf) =	vpush v13, $0x2;
	_ =	sdelay $0x1  }
0xa4: {  	s17 =	spop (v2sf);
	(v2sf) =	vpush v14, $0x3;
	_ =	sdelay $0x1  }
0xa5: {  	s19 =	spop (v2sf);
	(v2sf) =	vpush v13, $0x3;
	_ =	sdelay $0x4  }
0xa6: {  	s13 =	sand.u32 $0x1FFFFFF0, s8;
	s21 =	spop (v2sf);
	(v2sf) =	vpush v14, $0x4  }
0xa7: {  	s14 =	simm.s32 $0xB80;
	s13 =	sadd.s32 s6, s13  }
0xa8: {  	[tilespmem:s14], [sflag:$0x1] =	stream.linear.gather [hbm4b:s13+s12], $0x80, $0x38;
	[tilespmem:$0x17380] =	vst v63  }
0xa9: {  	s13 =	sand.u32 $0x1FFFFFF0, s15  }
0xaa: {  	s16 =	simm.s32 $0x1B80;
	s13 =	sadd.s32 s7, s13  }
0xab: {  	[tilespmem:s16], [sflag:$0x2] =	stream.linear.gather [hbm4b:s13+s12], $0x80, $0x38;
	[tilespmem:$0x17380] =	vst v63  }
0xac: {  	s23 =	spop (v2sf);
	(v2sf) =	vpush v13, $0x4  }
0xad: {  	s13 =	sand.u32 $0x1FFFFFF0, s17  }
0xae: {  	s18 =	simm.s32 $0xC00;
	s13 =	sadd.s32 s6, s13;
	s25 =	spop (v2sf);
	(v2sf) =	vpush v14, $0x5  }
0xaf: {  	[tilespmem:s18], [sflag:$0x1] =	stream.linear.gather [hbm4b:s13+s12], $0x80, $0x38;
	[tilespmem:$0x17380] =	vst v63  }
0xb0: {  	s28 =	spop (v2sf);
	(v2sf) =	vpush v13, $0x5  }
0xb1: {  	s13 =	sand.u32 $0x1FFFFFF0, s19  }
0xb2: {  	s20 =	simm.s32 $0x1C00;
	s13 =	sadd.s32 s7, s13  }
0xb3: {  	[tilespmem:s20], [sflag:$0x2] =	stream.linear.gather [hbm4b:s13+s12], $0x80, $0x38;
	[tilespmem:$0x17380] =	vst v63  }
0xb4: {  	s13 =	sand.u32 $0x1FFFFFF0, s21  }
0xb5: {  	s22 =	simm.s32 $0xC80;
	s13 =	sadd.s32 s6, s13;
	s8 =	spop (v2sf);
	(v2sf) =	vpush v14, $0x6  }
0xb6: {  	[tilespmem:s22], [sflag:$0x1] =	stream.linear.gather [hbm4b:s13+s12], $0x80, $0x38;
	[tilespmem:$0x17380] =	vst v63  }
0xb7: {  	s13 =	sand.u32 $0x1FFFFFF0, s23  }
0xb8: {  	s24 =	simm.s32 $0x1C80;
	s13 =	sadd.s32 s7, s13  }
0xb9: {  	[tilespmem:s24], [sflag:$0x2] =	stream.linear.gather [hbm4b:s13+s12], $0x80, $0x38;
	[tilespmem:$0x17380] =	vst v63  }
0xba: {  	s13 =	sand.u32 $0x1FFFFFF0, s25  }
0xbb: {  	s26 =	simm.s32 $0xD00;
	s13 =	sadd.s32 s6, s13;
	s15 =	spop (v2sf);
	(v2sf) =	vpush v13, $0x6  }
0xbc: {  	[tilespmem:s26], [sflag:$0x1] =	stream.linear.gather [hbm4b:s13+s12], $0x80, $0x38;
	[tilespmem:$0x17380] =	vst v63  }
0xbd: {  	s17 =	spop (v2sf);
	(v2sf) =	vpush v14, $0x7  }
0xbe: {  	s13 =	sand.u32 $0x1FFFFFF0, s28  }
0xbf: {  	s29 =	simm.s32 $0x1D00;
	s13 =	sadd.s32 s7, s13;
	s19 =	spop (v2sf);
	(v2sf) =	vpush v13, $0x7  }
0xc0: {  	[tilespmem:s29], [sflag:$0x2] =	stream.linear.gather [hbm4b:s13+s12], $0x80, $0x38;
	[tilespmem:$0x17380] =	vst v63  }
0xc1: {  	s13 =	sand.u32 $0x1FFFFFF0, s8  }
0xc2: {  	s14 =	simm.s32 $0xD80;
	s13 =	sadd.s32 s6, s13  }
0xc3: {  	[tilespmem:s14], [sflag:$0x1] =	stream.linear.gather [hbm4b:s13+s12], $0x80, $0x38;
	[tilespmem:$0x17380] =	vst v63  }
0xc4: {  	s13 =	sand.u32 $0x1FFFFFF0, s15;
	s21 =	spop (v2sf);
	(v2sf) =	vpush v14, $0x8  }
0xc5: {  	s16 =	simm.s32 $0x1D80;
	s13 =	sadd.s32 s7, s13  }
0xc6: {  	[tilespmem:s16], [sflag:$0x2] =	stream.linear.gather [hbm4b:s13+s12], $0x80, $0x38;
	[tilespmem:$0x17380] =	vst v63  }
0xc7: {  	s13 =	sand.u32 $0x1FFFFFF0, s17  }
0xc8: {  	s18 =	simm.s32 $0xE00;
	s13 =	sadd.s32 s6, s13  }
0xc9: {  	[tilespmem:s18], [sflag:$0x1] =	stream.linear.gather [hbm4b:s13+s12], $0x80, $0x38;
	[tilespmem:$0x17380] =	vst v63  }
0xca: {  	s23 =	spop (v2sf);
	(v2sf) =	vpush v13, $0x8  }
0xcb: {  	s13 =	sand.u32 $0x1FFFFFF0, s19  }
0xcc: {  	s20 =	simm.s32 $0x1E00;
	s13 =	sadd.s32 s7, s13;
	s25 =	spop (v2sf);
	(v2sf) =	vpush v14, $0x9  }
0xcd: {  	[tilespmem:s20], [sflag:$0x2] =	stream.linear.gather [hbm4b:s13+s12], $0x80, $0x38;
	[tilespmem:$0x17380] =	vst v63  }
0xce: {  	s28 =	spop (v2sf);
	(v2sf) =	vpush v13, $0x9  }
0xcf: {  	s13 =	sand.u32 $0x1FFFFFF0, s21  }
0xd0: {  	s22 =	simm.s32 $0xE80;
	s13 =	sadd.s32 s6, s13  }
0xd1: {  	[tilespmem:s22], [sflag:$0x1] =	stream.linear.gather [hbm4b:s13+s12], $0x80, $0x38;
	[tilespmem:$0x17380] =	vst v63  }
0xd2: {  	s13 =	sand.u32 $0x1FFFFFF0, s23  }
0xd3: {  	s24 =	simm.s32 $0x1E80;
	s13 =	sadd.s32 s7, s13;
	s8 =	spop (v2sf);
	(v2sf) =	vpush v14, $0xA  }
0xd4: {  	[tilespmem:s24], [sflag:$0x2] =	stream.linear.gather [hbm4b:s13+s12], $0x80, $0x38;
	[tilespmem:$0x17380] =	vst v63  }
0xd5: {  	s13 =	sand.u32 $0x1FFFFFF0, s25  }
0xd6: {  	s26 =	simm.s32 $0xF00;
	s13 =	sadd.s32 s6, s13  }
0xd7: {  	[tilespmem:s26], [sflag:$0x1] =	stream.linear.gather [hbm4b:s13+s12], $0x80, $0x38;
	[tilespmem:$0x17380] =	vst v63  }
0xd8: {  	s13 =	sand.u32 $0x1FFFFFF0, s28  }
0xd9: {  	s29 =	simm.s32 $0x1F00;
	s13 =	sadd.s32 s7, s13;
	s15 =	spop (v2sf);
	(v2sf) =	vpush v13, $0xA  }
0xda: {  	[tilespmem:s29], [sflag:$0x2] =	stream.linear.gather [hbm4b:s13+s12], $0x80, $0x38;
	[tilespmem:$0x17380] =	vst v63  }
0xdb: {  	s17 =	spop (v2sf);
	(v2sf) =	vpush v14, $0xB  }
0xdc: {  	s13 =	sand.u32 $0x1FFFFFF0, s8  }
0xdd: {  	s14 =	simm.s32 $0xF80;
	s13 =	sadd.s32 s6, s13;
	s19 =	spop (v2sf);
	(v2sf) =	vpush v13, $0xB  }
0xde: {  	[tilespmem:s14], [sflag:$0x1] =	stream.linear.gather [hbm4b:s13+s12], $0x80, $0x38;
	[tilespmem:$0x17380] =	vst v63  }
0xdf: {  	s13 =	sand.u32 $0x1FFFFFF0, s15  }
0xe0: {  	s16 =	simm.s32 $0x1F80;
	s13 =	sadd.s32 s7, s13  }
0xe1: {  	[tilespmem:s16], [sflag:$0x2] =	stream.linear.gather [hbm4b:s13+s12], $0x80, $0x38;
	[tilespmem:$0x17380] =	vst v63  }
0xe2: {  	s13 =	sand.u32 $0x1FFFFFF0, s17;
	s21 =	spop (v2sf);
	(v2sf) =	vpush v14, $0xC  }
0xe3: {  	s18 =	simm.s32 $0x1000;
	s13 =	sadd.s32 s6, s13  }
0xe4: {  	[tilespmem:s18], [sflag:$0x1] =	stream.linear.gather [hbm4b:s13+s12], $0x80, $0x38;
	[tilespmem:$0x17380] =	vst v63  }
0xe5: {  	s13 =	sand.u32 $0x1FFFFFF0, s19  }
0xe6: {  	s20 =	simm.s32 $0x2000;
	s13 =	sadd.s32 s7, s13  }
0xe7: {  	[tilespmem:s20], [sflag:$0x2] =	stream.linear.gather [hbm4b:s13+s12], $0x80, $0x38;
	[tilespmem:$0x17380] =	vst v63  }
0xe8: {  	s23 =	spop (v2sf);
	(v2sf) =	vpush v13, $0xC  }
0xe9: {  	s13 =	sand.u32 $0x1FFFFFF0, s21  }
0xea: {  	s22 =	simm.s32 $0x1080;
	s13 =	sadd.s32 s6, s13;
	s25 =	spop (v2sf);
	(v2sf) =	vpush v14, $0xD  }
0xeb: {  	[tilespmem:s22], [sflag:$0x1] =	stream.linear.gather [hbm4b:s13+s12], $0x80, $0x38;
	[tilespmem:$0x17380] =	vst v63  }
0xec: {  	s28 =	spop (v2sf);
	(v2sf) =	vpush v13, $0xD  }
0xed: {  	s13 =	sand.u32 $0x1FFFFFF0, s23  }
0xee: {  	s24 =	simm.s32 $0x2080;
	s13 =	sadd.s32 s7, s13  }
0xef: {  	[tilespmem:s24], [sflag:$0x2] =	stream.linear.gather [hbm4b:s13+s12], $0x80, $0x38;
	[tilespmem:$0x17380] =	vst v63  }
0xf0: {  	s13 =	sand.u32 $0x1FFFFFF0, s25  }
0xf1: {  	s26 =	simm.s32 $0x1100;
	s8 =	spop (v2sf);
	s13 =	sadd.s32 s6, s13  }
0xf2: {  	(v2sf) =	vpush v14, $0xE;
	[tilespmem:s26], [sflag:$0x1] =	stream.linear.gather [hbm4b:s13+s12], $0x80, $0x38;
	[tilespmem:$0x17380] =	vst v63  }
0xf3: {  	s13 =	sand.u32 $0x1FFFFFF0, s28  }
0xf4: {  	s29 =	simm.s32 $0x2100;
	s13 =	sadd.s32 s7, s13  }
0xf5: {  	[tilespmem:s29], [sflag:$0x2] =	stream.linear.gather [hbm4b:s13+s12], $0x80, $0x38;
	[tilespmem:$0x17380] =	vst v63  }
0xf6: {  	s13 =	sand.u32 $0x1FFFFFF0, s8  }
0xf7: {  	s14 =	simm.s32 $0x1180;
	s13 =	sadd.s32 s6, s13;
	s15 =	spop (v2sf);
	(v2sf) =	vpush v13, $0xE  }
0xf8: {  	[tilespmem:s14], [sflag:$0x1] =	stream.linear.gather [hbm4b:s13+s12], $0x80, $0x38;
	[tilespmem:$0x17380] =	vst v63  }
0xf9: {  	s17 =	spop (v2sf);
	(v2sf) =	vpush v14, $0xF  }
0xfa: {  	s13 =	sand.u32 $0x1FFFFFF0, s15  }
0xfb: {  	s16 =	simm.s32 $0x2180;
	s13 =	sadd.s32 s7, s13;
	s19 =	spop (v2sf)  }
0xfc: {  	(v2sf) =	vpush v13, $0xF;
	[tilespmem:s16], [sflag:$0x2] =	stream.linear.gather [hbm4b:s13+s12], $0x80, $0x38;
	[tilespmem:$0x17380] =	vst v63  }
0xfd: {  	s13 =	sand.u32 $0x1FFFFFF0, s17  }
0xfe: {  	s18 =	simm.s32 $0x1200;
	s13 =	sadd.s32 s6, s13  }
0xff: {  	[tilespmem:s18], [sflag:$0x1] =	stream.linear.gather [hbm4b:s13+s12], $0x80, $0x38;
	[tilespmem:$0x17380] =	vst v63  }
0x100: {  	s13 =	sand.u32 $0x1FFFFFF0, s19  }
0x101: {  	s20 =	simm.s32 $0x2200;
	s21 =	spop (v2sf);
	s13 =	sadd.s32 s7, s13  }
0x102: {  	[tilespmem:s20], [sflag:$0x2] =	stream.linear.gather [hbm4b:s13+s12], $0x80, $0x38;
	[tilespmem:$0x17380] =	vst v63  }
0x103: {  	s13 =	sand.u32 $0x1FFFFFF0, s21  }
0x104: {  	s22 =	simm.s32 $0x1280;
	s13 =	sadd.s32 s6, s13  }
0x105: {  	[tilespmem:s22], [sflag:$0x1] =	stream.linear.gather [hbm4b:s13+s12], $0x80, $0x38;
	[tilespmem:$0x17380] =	vst v63  }
0x106: {  	s23 =	spop (v2sf)  }
0x107: {  	s13 =	sand.u32 $0x1FFFFFF0, s23  }
0x108: {  	s24 =	simm.s32 $0x2280;
	s25 =	spop (v2sf);
	s13 =	sadd.s32 s7, s13  }
0x109: {  	[tilespmem:s24], [sflag:$0x2] =	stream.linear.gather [hbm4b:s13+s12], $0x80, $0x38;
	[tilespmem:$0x17380] =	vst v63  }
0x10a: {  	s13 =	sand.u32 $0x1FFFFFF0, s25  }
0x10b: {  	s26 =	simm.s32 $0x1300;
	s28 =	spop (v2sf);
	s13 =	sadd.s32 s6, s13  }
0x10c: {  	[tilespmem:s26], [sflag:$0x1] =	stream.linear.gather [hbm4b:s13+s12], $0x80, $0x38;
	[tilespmem:$0x17380] =	vst v63  }
0x10d: {  	s13 =	sand.u32 $0x1FFFFFF0, s28  }
0x10e: {  	s29 =	simm.s32 $0x2300;
	s13 =	sadd.s32 s7, s13  }
0x10f: {  	[tilespmem:s29], [sflag:$0x2] =	stream.linear.gather [hbm4b:s13+s12], $0x80, $0x38;
	[tilespmem:$0x17380] =	vst v63  }
0x110: {  	v13 =	vld [tilespmem:s2+$0x0];
	_ =	sdelay $0x4  }
0x111: {  	v13 =	vshll.u32 v13, $0x4  }
0x112: {  	(v2sf) =	vpush v13, $0x0  }
0x113: {  	(v2sf) =	vpush v13, $0x1  }
0x114: {  	(v2sf) =	vpush v13, $0x2;
	_ =	sdelay $0x1  }
0x115: {  	(v2sf) =	vpush v13, $0x4;
	_ =	sdelay $0x1  }
0x116: {  	(v2sf) =	vpush v13, $0x3  }
0x117: {  	(v2sf) =	vpush v13, $0x5  }
0x118: {  	s13 =	simm.s32 $0x2000;
	s12 =	simm.s32 $0x0;
	(v2sf) =	vpush v13, $0x6  }
.LBB2_3:
0x119: {  	p0 =	sne.s32 s13, $0x4E000  }
0x11a: {  	s23 =	sadd.s32 $0x2400, s12;
	s17 =	sadd.s32 $0x2900, s12;
	s14 =	smov.u32 s13  }
0x11b: {  	s13 =	sadd.s32 $0x2000, s13;
	s20 =	sadd.s32 $0x2700, s12;
	s15 =	sadd.s32 $0x2980, s12;
	(v2sf) =	vpush v13, $0x7  }
0x11c: {  	s22 =	sadd.s32 $0x2600, s12;
	s19 =	sadd.s32 $0x2780, s12;
	s16 =	sadd.s32 $0x2A00, s12  }
0x11d: {  	s24 =	sadd.s32 $0x2380, s12;
	s25 =	sadd.s32 $0x2580, s12;
	(v2sf) =	vpush v13, $0x8  }
0x11e: {  	s26 =	sadd.s32 $0x2680, s12;
	s2 =	sadd.s32 $0x10, s2  }
0x11f: {  	s28 =	sadd.s32 $0x2480, s12;
	s18 =	sadd.s32 $0x2880, s12;
	s21 =	spop (v2sf);
	(v2sf) =	vpush v13, $0x9  }
0x120: {  	s29 =	sand.u32 $0x1FFFFFF0, s21;
	s21 =	sadd.s32 $0x2800, s12;
	s5 =	spop (v2sf)  }
0x121: {  	s29 =	sadd.s32 s7, s29;
	s5 =	sand.u32 $0x1FFFFFF0, s5;
	s8 =	spop (v2sf);
	(v2sf) =	vpush v13, $0xA  }
0x122: {  	[tilespmem:s24], [sflag:$0x3] =	stream.linear.gather [hbm4b:s29+s3], $0x80, $0x38;
	[tilespmem:$0x17380] =	vst v63  }
0x123: {  	s5 =	sadd.s32 s7, s5;
	s24 =	sadd.s32 $0x2500, s12;
	s29 =	spop (v2sf);
	(v2sf) =	vpush v13, $0xB  }
0x124: {  	[tilespmem:s23], [sflag:$0x3] =	stream.linear.gather [hbm4b:s5+s3], $0x80, $0x38;
	[tilespmem:$0x17380] =	vst v63  }
0x125: {  	s5 =	sand.u32 $0x1FFFFFF0, s8;
	s8 =	sand.u32 $0x1FFFFFF0, s29;
	s23 =	spop (v2sf);
	(v2sf) =	vpush v13, $0xC  }
0x126: {  	s5 =	sadd.s32 s7, s5;
	s23 =	sand.u32 $0x1FFFFFF0, s23;
	s29 =	spop (v2sf)  }
0x127: {  	[tilespmem:s28], [sflag:$0x3] =	stream.linear.gather [hbm4b:s5+s3], $0x80, $0x38;
	(v2sf) =	vpush v13, $0xD;
	[tilespmem:$0x17380] =	vst v63  }
0x128: {  	s5 =	sadd.s32 s7, s23;
	s23 =	sand.u32 $0x1FFFFFF0, s29;
	s28 =	spop (v2sf)  }
0x129: {  	[tilespmem:s24], [sflag:$0x3] =	stream.linear.gather [hbm4b:s5+s3], $0x80, $0x38;
	(v2sf) =	vpush v13, $0xE;
	[tilespmem:$0x17380] =	vst v63  }
0x12a: {  	s5 =	sadd.s32 s7, s8;
	s8 =	sand.u32 $0x1FFFFFF0, s28;
	s24 =	spop (v2sf)  }
0x12b: {  	[tilespmem:s25], [sflag:$0x3] =	stream.linear.gather [hbm4b:s5+s3], $0x80, $0x38;
	(v2sf) =	vpush v13, $0xF;
	[tilespmem:$0x17380] =	vst v63  }
0x12c: {  	s5 =	sadd.s32 s7, s23;
	s23 =	sand.u32 $0x1FFFFFF0, s24;
	s24 =	spop (v2sf)  }
0x12d: {  	[tilespmem:s22], [sflag:$0x3] =	stream.linear.gather [hbm4b:s5+s3], $0x80, $0x38;
	[tilespmem:$0x17380] =	vst v63  }
0x12e: {  	s5 =	sadd.s32 s7, s8;
	s8 =	sand.u32 $0x1FFFFFF0, s24;
	s22 =	spop (v2sf)  }
0x12f: {  	[tilespmem:s26], [sflag:$0x3] =	stream.linear.gather [hbm4b:s5+s3], $0x80, $0x38;
	[tilespmem:$0x17380] =	vst v63  }
0x130: {  	s5 =	sadd.s32 s7, s23;
	s22 =	sand.u32 $0x1FFFFFF0, s22;
	s23 =	spop (v2sf)  }
0x131: {  	[tilespmem:s20], [sflag:$0x3] =	stream.linear.gather [hbm4b:s5+s3], $0x80, $0x38;
	[tilespmem:$0x17380] =	vst v63  }
0x132: {  	s5 =	sadd.s32 s7, s8;
	s8 =	sand.u32 $0x1FFFFFF0, s23;
	s20 =	spop (v2sf)  }
0x133: {  	[tilespmem:s19], [sflag:$0x3] =	stream.linear.gather [hbm4b:s5+s3], $0x80, $0x38;
	[tilespmem:$0x17380] =	vst v63  }
0x134: {  	s5 =	sadd.s32 s7, s22;
	s19 =	sand.u32 $0x1FFFFFF0, s20;
	s20 =	spop (v2sf)  }
0x135: {  	[tilespmem:s21], [sflag:$0x3] =	stream.linear.gather [hbm4b:s5+s3], $0x80, $0x38;
	[tilespmem:$0x17380] =	vst v63  }
0x136: {  	s5 =	sadd.s32 s7, s8;
	s8 =	sand.u32 $0x1FFFFFF0, s20;
	s20 =	spop (v2sf)  }
0x137: {  	[tilespmem:s18], [sflag:$0x3] =	stream.linear.gather [hbm4b:s5+s3], $0x80, $0x38;
	[tilespmem:$0x17380] =	vst v63  }
0x138: {  	s5 =	sadd.s32 s7, s19;
	s18 =	sand.u32 $0x1FFFFFF0, s20;
	s19 =	spop (v2sf)  }
0x139: {  	[tilespmem:s17], [sflag:$0x3] =	stream.linear.gather [hbm4b:s5+s3], $0x80, $0x38;
	[tilespmem:$0x17380] =	vst v63  }
0x13a: {  	s5 =	sadd.s32 s7, s8;
	s8 =	sand.u32 $0x1FFFFFF0, s19;
	s17 =	spop (v2sf)  }
0x13b: {  	[tilespmem:s15], [sflag:$0x3] =	stream.linear.gather [hbm4b:s5+s3], $0x80, $0x38;
	[tilespmem:$0x17380] =	vst v63  }
0x13c: {  	s5 =	sadd.s32 s7, s18;
	s15 =	sand.u32 $0x1FFFFFF0, s17  }
0x13d: {  	[tilespmem:s16], [sflag:$0x3] =	stream.linear.gather [hbm4b:s5+s3], $0x80, $0x38;
	[tilespmem:$0x17380] =	vst v63  }
0x13e: {  	s8 =	sadd.s32 s7, s8;
	s5 =	sadd.s32 $0x2A80, s12  }
0x13f: {  	[tilespmem:s5], [sflag:$0x3] =	stream.linear.gather [hbm4b:s8+s3], $0x80, $0x38;
	[tilespmem:$0x17380] =	vst v63  }
0x140: {  	s5 =	sadd.s32 $0x2B00, s12;
	s8 =	sadd.s32 s7, s15  }
0x141: {  	[tilespmem:s5], [sflag:$0x3] =	stream.linear.gather [hbm4b:s8+s3], $0x80, $0x38;
	[tilespmem:$0x17380] =	vst v63  }
0x142: {  	v13 =	vld [tilespmem:s2+$0x0];
	_ =	sdelay $0x4  }
0x143: {  	v13 =	vshll.u32 v13, $0x4  }
0x144: {  	(v2sf) =	vpush v13, $0x0  }
0x145: {  	(v2sf) =	vpush v13, $0x1  }
0x146: {  	(v2sf) =	vpush v13, $0x2;
	_ =	sdelay $0x1  }
0x147: {  	(v2sf) =	vpush v13, $0x4  }
.Ltmp0:
0x148: {  	(pc) =	sbr.rel @p0 .LBB2_3-.Ltmp0, $3  }
0x149: {  	(v2sf) =	vpush v13, $0x3  }
0x14a: {  	(v2sf) =	vpush v13, $0x5;
	_ =	sdelay $0x1  }
0x14b: {  	s12 =	sshra.s32 s14, $0x2;
	(v2sf) =	vpush v13, $0x6  }
0x14c: {  	_ =	sdelay $0x1  }
0x14d: {  	s5 =	sadd.s32 $0x2400, s12;
	s14 =	sadd.s32 $0x2900, s12  }
0x14e: {  	s8 =	sadd.s32 $0x2700, s12;
	s2 =	sadd.s32 $0x2980, s12;
	(v2sf) =	vpush v13, $0x7;
	s15 =	sadd.s32 $0x2600, s12  }
0x14f: {  	s16 =	sadd.s32 $0x2780, s12;
	s13 =	sadd.s32 $0x2A00, s12;
	s17 =	sadd.s32 $0x2380, s12  }
0x150: {  	s18 =	sadd.s32 $0x2580, s12;
	s19 =	sadd.s32 $0x2680, s12;
	(v2sf) =	vpush v13, $0x8;
	s20 =	spop (v2sf)  }
0x151: {  	s21 =	sadd.s32 $0x2480, s12;
	s20 =	sand.u32 $0x1FFFFFF0, s20;
	s22 =	spop (v2sf)  }
0x152: {  	(v2sf) =	vpush v13, $0x9;
	s20 =	sadd.s32 s7, s20;
	s22 =	sand.u32 $0x1FFFFFF0, s22;
	s23 =	spop (v2sf)  }
0x153: {  	[tilespmem:s17], [sflag:$0x3] =	stream.linear.gather [hbm4b:s20+s3], $0x80, $0x38;
	[tilespmem:$0x17380] =	vst v63  }
0x154: {  	s24 =	sadd.s32 $0x2500, s12;
	(v2sf) =	vpush v13, $0xA;
	s28 =	sadd.s32 s7, s22;
	s29 =	spop (v2sf)  }
0x155: {  	[tilespmem:s5], [sflag:$0x3] =	stream.linear.gather [hbm4b:s28+s3], $0x80, $0x38;
	[tilespmem:$0x17380] =	vst v63  }
0x156: {  	s17 =	sadd.s32 $0x2880, s12;
	s25 =	sand.u32 $0x1FFFFFF0, s23;
	(v2sf) =	vpush v13, $0xB;
	s26 =	spop (v2sf)  }
0x157: {  	s20 =	sadd.s32 s7, s25;
	s5 =	sadd.s32 $0x2800, s12;
	s23 =	sand.u32 $0x1FFFFFF0, s26  }
0x158: {  	(v2sf) =	vpush v13, $0xC;
	[tilespmem:s21], [sflag:$0x3] =	stream.linear.gather [hbm4b:s20+s3], $0x80, $0x38;
	[tilespmem:$0x17380] =	vst v63  }
0x159: {  	s28 =	sand.u32 $0x1FFFFFF0, s29;
	s29 =	spop (v2sf);
	s25 =	sadd.s32 s7, s23  }
0x15a: {  	(v2sf) =	vpush v13, $0xD;
	[tilespmem:s24], [sflag:$0x3] =	stream.linear.gather [hbm4b:s25+s3], $0x80, $0x38;
	[tilespmem:$0x17380] =	vst v63  }
0x15b: {  	s20 =	sadd.s32 s7, s28;
	s21 =	sand.u32 $0x1FFFFFF0, s29;
	s26 =	spop (v2sf)  }
0x15c: {  	(v2sf) =	vpush v13, $0xE;
	[tilespmem:s18], [sflag:$0x3] =	stream.linear.gather [hbm4b:s20+s3], $0x80, $0x38;
	[tilespmem:$0x17380] =	vst v63  }
0x15d: {  	s21 =	sadd.s32 s7, s21;
	s28 =	sand.u32 $0x1FFFFFF0, s26;
	s29 =	spop (v2sf)  }
0x15e: {  	(v2sf) =	vpush v13, $0xF;
	[tilespmem:s15], [sflag:$0x3] =	stream.linear.gather [hbm4b:s21+s3], $0x80, $0x38;
	[tilespmem:$0x17380] =	vst v63  }
0x15f: {  	s22 =	spop (v2sf);
	s18 =	sadd.s32 s7, s28;
	s21 =	sand.u32 $0x1FFFFFF0, s29  }
0x160: {  	[tilespmem:s19], [sflag:$0x3] =	stream.linear.gather [hbm4b:s18+s3], $0x80, $0x38;
	[tilespmem:$0x17380] =	vst v63  }
0x161: {  	s23 =	sand.u32 $0x1FFFFFF0, s22;
	s15 =	sadd.s32 s7, s21;
	s24 =	spop (v2sf)  }
0x162: {  	[tilespmem:s8], [sflag:$0x3] =	stream.linear.gather [hbm4b:s15+s3], $0x80, $0x38;
	[tilespmem:$0x17380] =	vst v63  }
0x163: {  	s18 =	sadd.s32 s7, s23;
	s25 =	sand.u32 $0x1FFFFFF0, s24;
	s26 =	spop (v2sf)  }
0x164: {  	[tilespmem:s16], [sflag:$0x3] =	stream.linear.gather [hbm4b:s18+s3], $0x80, $0x38;
	[tilespmem:$0x17380] =	vst v63  }
0x165: {  	s15 =	sand.u32 $0x1FFFFFF0, s26;
	s8 =	sadd.s32 s7, s25;
	s28 =	spop (v2sf)  }
0x166: {  	[tilespmem:s5], [sflag:$0x3] =	stream.linear.gather [hbm4b:s8+s3], $0x80, $0x38;
	[tilespmem:$0x17380] =	vst v63  }
0x167: {  	s15 =	sadd.s32 s7, s15;
	s29 =	sand.u32 $0x1FFFFFF0, s28;
	s16 =	spop (v2sf)  }
0x168: {  	[tilespmem:s17], [sflag:$0x3] =	stream.linear.gather [hbm4b:s15+s3], $0x80, $0x38;
	[tilespmem:$0x17380] =	vst v63  }
0x169: {  	s5 =	sadd.s32 s7, s29;
	s8 =	sand.u32 $0x1FFFFFF0, s16;
	s17 =	spop (v2sf)  }
0x16a: {  	[tilespmem:s14], [sflag:$0x3] =	stream.linear.gather [hbm4b:s5+s3], $0x80, $0x38;
	[tilespmem:$0x17380] =	vst v63  }
0x16b: {  	s8 =	sadd.s32 s7, s8;
	s18 =	sand.u32 $0x1FFFFFF0, s17;
	s19 =	spop (v2sf)  }
0x16c: {  	[tilespmem:s2], [sflag:$0x3] =	stream.linear.gather [hbm4b:s8+s3], $0x80, $0x38;
	[tilespmem:$0x17380] =	vst v63  }
0x16d: {  	s20 =	sand.u32 $0x1FFFFFF0, s19;
	s21 =	spop (v2sf);
	s5 =	sadd.s32 s7, s18  }
0x16e: {  	[tilespmem:s13], [sflag:$0x3] =	stream.linear.gather [hbm4b:s5+s3], $0x80, $0x38;
	[tilespmem:$0x17380] =	vst v63  }
0x16f: {  	s23 =	sadd.s32 $0x2A80, s12;
	s22 =	sand.u32 $0x1FFFFFF0, s21;
	s2 =	sadd.s32 s7, s20  }
0x170: {  	[tilespmem:s23], [sflag:$0x3] =	stream.linear.gather [hbm4b:s2+s3], $0x80, $0x38;
	[tilespmem:$0x17380] =	vst v63  }
0x171: {  	s24 =	sadd.s32 $0x2B00, s12;
	s5 =	sadd.s32 s7, s22  }
0x172: {  	[tilespmem:s24], [sflag:$0x3] =	stream.linear.gather [hbm4b:s5+s3], $0x80, $0x38;
	[tilespmem:$0x17380] =	vst v63  }
0x173: {  	_ =	swait.ge [sflag:s30], $0x1000  }
0x174: {  	[sflag:s30] =	ssyncset.done $0x0  }
0x175: {  	[sflag:s30] =	ssyncadd.s32 $0xFFFFF000  }
0x176: {  	_ =	swait.ge [sflag:s31], $0x1000  }
0x177: {  	[sflag:s31] =	ssyncset.done $0x0  }
0x178: {  	[sflag:s31] =	ssyncadd.s32 $0xFFFFF000  }
0x179: {  	_ =	swait.ge [sflag:s0], $0x14000  }
0x17a: {  	[sflag:s0] =	ssyncset.done $0x0  }
0x17b: {  	s25 =	simm.s32 $0x13A0;
	[sflag:s0] =	ssyncadd.s32 $0xFFFEC000  }
0x17c: {  	v17 =	vld [tilespmem:s25+$0x10]  }
0x17d: {  	v18 =	vld [tilespmem:s25+$0x0]  }
0x17e: {  	v19 =	vld [tilespmem:s25+$0xFFFFFFE0]  }
0x17f: {  	s26 =	simm.s32 $0x3A0;
	v20 =	vld [tilespmem:s25+$0xFFFFFFF0]  }
0x180: {  	v13 =	vld [tilespmem:s26+$0xFFFFFFE0]  }
0x181: {  	s28 =	simm.s32 $0x2880;
	v16 =	vld [tilespmem:s26+$0xFFFFFFF0]  }
0x182: {  	v21 =	vld [tilespmem:s28+$0x480]  }
0x183: {  	v22 =	vld [tilespmem:s28+$0x490]  }
0x184: {  	v15 =	vld [tilespmem:s26+$0x0]  }
0x185: {  	v23 =	vld [tilespmem:s28+$0x4A0]  }
0x186: {  	v14 =	vld [tilespmem:s26+$0x10]  }
0x187: {  	v24 =	vld [tilespmem:s28+$0x4B0]  }
0x188: {  	v25 =	vld [tilespmem:s28+$0xFFFFFB00]  }
0x189: {  	v26 =	vld [tilespmem:s28+$0xFFFFFB10]  }
0x18a: {  	v27 =	vld [tilespmem:s28+$0xFFFFFB80]  }
0x18b: {  	v28 =	vld [tilespmem:s28+$0xFFFFFB90]  }
0x18c: {  	v29 =	vld [tilespmem:s28+$0xFFFFFC00]  }
0x18d: {  	v30 =	vld [tilespmem:s28+$0xFFFFFC10]  }
0x18e: {  	v31 =	vld [tilespmem:s28+$0xFFFFFC80]  }
0x18f: {  	v32 =	vld [tilespmem:s28+$0xFFFFFC90]  }
0x190: {  	v33 =	vld [tilespmem:s28+$0xFFFFFD00]  }
0x191: {  	v34 =	vld [tilespmem:s28+$0xFFFFFD10]  }
0x192: {  	v35 =	vld [tilespmem:s28+$0xFFFFFD80]  }
0x193: {  	v36 =	vld [tilespmem:s28+$0xFFFFFD90]  }
0x194: {  	v37 =	vld [tilespmem:s28+$0xFFFFFE00]  }
0x195: {  	v38 =	vld [tilespmem:s28+$0xFFFFFE10]  }
0x196: {  	v39 =	vld [tilespmem:s28+$0xFFFFFE80]  }
0x197: {  	v40 =	vld [tilespmem:s28+$0xFFFFFE90]  }
0x198: {  	v41 =	vld [tilespmem:s28+$0xFFFFFF00]  }
0x199: {  	v42 =	vld [tilespmem:s28+$0xFFFFFF10]  }
0x19a: {  	v43 =	vld [tilespmem:s28+$0xFFFFFF80]  }
0x19b: {  	v44 =	vld [tilespmem:s28+$0xFFFFFF90]  }
0x19c: {  	v45 =	vld [tilespmem:s28+$0x0]  }
0x19d: {  	v46 =	vld [tilespmem:s28+$0x10]  }
0x19e: {  	v47 =	vld [tilespmem:s28+$0x80]  }
0x19f: {  	v48 =	vld [tilespmem:s28+$0x90]  }
0x1a0: {  	v49 =	vld [tilespmem:s28+$0x110]  }
0x1a1: {  	v50 =	vld [tilespmem:s28+$0x190];
	v21 =	vmul.f32 v21, v13  }
0x1a2: {  	v51 =	vld [tilespmem:s28+$0x210];
	v22 =	vmul.f32 v22, v16;
	v19 =	vmul.f32 v19, v13  }
0x1a3: {  	v52 =	vld [tilespmem:s28+$0x300];
	v20 =	vmul.f32 v20, v16;
	v18 =	vmul.f32 v18, v15  }
0x1a4: {  	v53 =	vld [tilespmem:s28+$0x380];
	v17 =	vmul.f32 v17, v14;
	v27 =	vmul.f32 v27, v13  }
0x1a5: {  	v54 =	vld [tilespmem:s28+$0xFFFFFCA0];
	v28 =	vmul.f32 v28, v16;
	v62 =	vmul.f32 v34, v16  }
0x1a6: {  	v11 =	vld [tilespmem:s28+$0xFFFFFDA0];
	v63 =	vmul.f32 v36, v16;
	v4 =	vmul.f32 v38, v16  }
0x1a7: {  	v60 =	vld [tilespmem:s28+$0xFFFFFEA0];
	v6 =	vmul.f32 v39, v13;
	v40 =	vmul.f32 v40, v16  }
0x1a8: {  	v61 =	vld [tilespmem:s28+$0xFFFFFF20];
	v8 =	vmul.f32 v41, v13;
	v9 =	vmul.f32 v42, v16  }
0x1a9: {  	s29 =	simm.s32 $0x0;
	v34 =	vld [tilespmem:s28+$0x410];
	v10 =	vmul.f32 v44, v16;
	v56 =	vmul.f32 v45, v13  }
0x1aa: {  	v7 =	vmov s29;
	v36 =	vld [tilespmem:s28+$0xFFFFFB20];
	v57 =	vmul.f32 v46, v16;
	v58 =	vmul.f32 v47, v13  }
0x1ab: {  	vm0 =	veq.s32 v7, v0;
	v38 =	vld [tilespmem:s28+$0xFFFFFC20];
	v59 =	vmul.f32 v48, v16;
	v7 =	vmul.f32 v52, v13  }
0x1ac: {  	v42 =	vld [tilespmem:s28+$0xFFFFFD20];
	v53 =	vmul.f32 v53, v13;
	v21 =	vadd.f32 v22, v21;
	v22 =	vmul.f32 v23, v15  }
0x1ad: {  	v46 =	vld [tilespmem:s28+$0xFFFFFE20];
	v44 =	vmul.f32 v11, v15;
	v19 =	vadd.f32 v20, v19;
	v27 =	vadd.f32 v28, v27  }
0x1ae: {  	v11 =	vld [tilespmem:s28+$0xFFFFFB30];
	v28 =	vmul.f32 v33, v13;
	v39 =	vadd.f32 v9, v8;
	v21 =	vadd.f32 v22, v21  }
0x1af: {  	v20 =	vld [tilespmem:s28+$0x290];
	v22 =	vmul.f32 v24, v14;
	v18 =	vadd.f32 v18, v19;
	v19 =	vmul.f32 v25, v13  }
0x1b0: {  	v23 =	vld [tilespmem:s28+$0x100];
	v25 =	vmul.f32 v26, v16;
	v28 =	vadd.f32 v62, v28;
	v62 =	vmul.f32 v50, v16  }
0x1b1: {  	v41 =	vadd.f32 v59, v58;
	v24 =	vld [tilespmem:s28+$0x180];
	v9 =	vmul.f32 v36, v15;
	v42 =	vmul.f32 v42, v15  }
0x1b2: {  	v26 =	vld [tilespmem:s28+$0x310];
	v21 =	vadd.f32 v22, v21;
	v17 =	vadd.f32 v17, v18;
	v18 =	vmul.f32 v29, v13  }
0x1b3: {  	v36 =	vld [tilespmem:s28+$0x320];
	v29 =	vmul.f32 v30, v16;
	v25 =	vadd.f32 v25, v19;
	v19 =	vmul.f32 v31, v13  }
0x1b4: {  	v22 =	vld [tilespmem:s28+$0x200];
	v31 =	vmul.f32 v32, v16;
	v20 =	vmul.f32 v20, v16;
	v28 =	vadd.f32 v42, v28  }
0x1b5: {  	v32 =	vld [tilespmem:s28+$0x400];
	(xrf2) =	vadd.scan.msk.f32 $0xffff, v21;
	v18 =	vadd.f32 v29, v18;
	v29 =	vmul.f32 v35, v13;
	v25 =	vadd.f32 v9, v25  }
0x1b6: {  	v30 =	vld [tilespmem:s28+$0x390];
	(xrf2) =	vadd.scan.msk.f32 $0xffff, v17;
	v17 =	vadd.f32 v31, v19;
	v19 =	vmul.f32 v37, v13;
	v37 =	vadd.f32 v40, v6  }
0x1b7: {  	v8 =	vld [tilespmem:s28+$0x1A0];
	v40 =	vadd.f32 v57, v56;
	v24 =	vmul.f32 v24, v13;
	v26 =	vmul.f32 v26, v16  }
0x1b8: {  	v58 =	vld [tilespmem:s28+$0xFFFFFCB0];
	v57 =	vmul.f32 v61, v15;
	v29 =	vadd.f32 v63, v29;
	v36 =	vmul.f32 v36, v15  }
0x1b9: {  	v21 =	vld [tilespmem:s28+$0x280];
	v33 =	vadd.f32 v4, v19;
	v19 =	vmul.f32 v43, v13;
	v22 =	vmul.f32 v22, v13  }
0x1ba: {  	v31 =	vld [tilespmem:s28+$0xFFFFFBA0];
	v4 =	vmul.f32 v51, v16;
	v24 =	vadd.f32 v62, v24;
	v32 =	vmul.f32 v32, v13  }
0x1bb: {  	v6 =	vld [tilespmem:s28+$0x120];
	v30 =	vmul.f32 v30, v16;
	v26 =	vadd.f32 v26, v7;
	v62 =	vmul.f32 v11, v14  }
0x1bc: {  	v56 =	vld [tilespmem:s28+$0x220];
	v7 =	vmul.f32 v8, v15;
	v29 =	vadd.f32 v44, v29;
	v43 =	vadd.f32 v10, v19  }
0x1bd: {  	v61 =	vld [tilespmem:s28+$0xFFFFFD30];
	v19 =	vmul.f32 v23, v13;
	v23 =	vmul.f32 v49, v16;
	v22 =	vadd.f32 v4, v22  }
0x1be: {  	v63 =	vld [tilespmem:s28+$0xFFFFFFA0];
	v16 =	vmul.f32 v34, v16;
	v30 =	vadd.f32 v30, v53;
	v10 =	vmul.f32 v38, v15  }
0x1bf: {  	v34 =	vld [tilespmem:s28+$0x2A0];
	v53 =	vmul.f32 v60, v15;
	v25 =	vadd.f32 v62, v25;
	v24 =	vadd.f32 v7, v24  }
0x1c0: {  	v38 =	vld [tilespmem:s28+$0x3A0];
	v26 =	vadd.f32 v36, v26;
	v31 =	vmul.f32 v31, v15;
	v45 =	vmul.f32 v6, v15  }
0x1c1: {  	v4 =	vld [tilespmem:s28+$0xFFFFFE30];
	v8 =	vmul.f32 v56, v15;
	v23 =	vadd.f32 v23, v19;
	v16 =	vadd.f32 v16, v32  }
0x1c2: {  	v19 =	vmul.f32 v21, v13;
	v21 =	vld [tilespmem:s28+$0xA0];
	v32 =	vadd.f32 v10, v18;
	v37 =	vadd.f32 v53, v37  }
0x1c3: {  	v59 =	vmul.f32 v63, v15;
	v10 =	vld [tilespmem:s28+$0xFFFFFFB0];
	v27 =	vadd.f32 v31, v27;
	v31 =	vmul.f32 v54, v15;
	v5, _, _ =	vpop (xrf2)  }
0x1c4: {  	v54 =	vld [tilespmem:s28+$0xFFFFFBB0];
	v22 =	vadd.f32 v8, v22;
	v20 =	vadd.f32 v20, v19;
	v35 =	vbroadcast v5, $0xF;
	v55, _, _ =	vpop (xrf2)  }
0x1c5: {  	v19 =	vimm.f32 $0.0e+00;
	v43 =	vadd.f32 v59, v43;
	v5 =	vld [tilespmem:s28+$0x20];
	v55 =	vbroadcast v55, $0xF  }
0x1c6: {  	v23 =	vadd.f32 v45, v23;
	v59 =	vmul.f32 v61, v14;
	v13 =	vsel vm0, v35, v19;
	v35 =	vld [tilespmem:s28+$0x420]  }
0x1c7: {  	v17 =	vadd.f32 v31, v17;
	v31 =	vmul.f32 v46, v15;
	v18 =	vsel vm0, v55, v19;
	v55 =	vld [tilespmem:s28+$0xFFFFFC30]  }
0x1c8: {  	v63 =	vld [tilespmem:s28+$0xFFFFFDB0];
	v34 =	vmul.f32 v34, v15;
	v53 =	vmul.f32 v38, v15;
	v62 =	vadd.f32 v59, v28  }
0x1c9: {  	v9 =	vld [tilespmem:s28+$0xFFFFFF30];
	v31 =	vadd.f32 v31, v33;
	v33 =	vadd.f32 v57, v39;
	v21 =	vmul.f32 v21, v15  }
0x1ca: {  	v11 =	vld [tilespmem:s28+$0x30];
	v20 =	vadd.f32 v34, v20;
	v60 =	vmul.f32 v5, v15;
	v5 =	vmul.f32 v54, v14  }
0x1cb: {  	v6 =	vld [tilespmem:s28+$0xFFFFFEB0];
	v30 =	vadd.f32 v53, v30;
	v28 =	vmul.f32 v10, v14;
	v15 =	vmul.f32 v35, v15  }
0x1cc: {  	(xrf2) =	vadd.scan.msk.f32 $0xffff, v25;
	v54 =	vld [tilespmem:s28+$0xB0];
	v40 =	vadd.f32 v60, v40;
	v27 =	vadd.f32 v5, v27;
	v25 =	vmul.f32 v55, v14  }
0x1cd: {  	v60 =	vmul.f32 v63, v14;
	v55 =	vld [tilespmem:s28+$0x130];
	v15 =	vadd.f32 v15, v16;
	v16 =	vmul.f32 v4, v14  }
0x1ce: {  	v61 =	vld [tilespmem:s28+$0x1B0];
	vm0 =	vmmov vm0;
	(xrf2) =	vadd.scan.msk.f32 $0xffff, v27;
	v27 =	vmul.f32 v58, v14;
	v25 =	vadd.f32 v25, v32  }
0x1cf: {  	v58 =	vadd.f32 v60, v29;
	v29 =	vld [tilespmem:s28+$0x330];
	v51 =	vadd.f32 v16, v31;
	v16 =	vmul.f32 v9, v14  }
0x1d0: {  	v21 =	vadd.f32 v21, v41;
	v44 =	vadd.f32 v27, v17;
	v17 =	vld [tilespmem:s28+$0x230];
	(xrf2) =	vadd.scan.msk.f32 $0xffff, v25;
	v25 =	vmul.f32 v6, v14  }
0x1d1: {  	v48 =	vadd.f32 v28, v43;
	v27 =	vld [tilespmem:s28+$0x2B0];
	v31 =	vmul.f32 v54, v14;
	v49 =	vadd.f32 v16, v33  }
0x1d2: {  	v16 =	vmul.f32 v55, v14;
	v50 =	vadd.f32 v25, v37;
	v25 =	vmul.f32 v11, v14  }
0x1d3: {  	v63 =	vld [tilespmem:s28+$0x3B0];
	v32 =	vimm.f32 $0.0e+00;
	v45 =	vadd.f32 v31, v21;
	v21 =	vmul.f32 v61, v14  }
0x1d4: {  	v28 =	vld [tilespmem:s28+$0x430];
	v33 =	vimm.f32 $0.0e+00;
	v31 =	vimm.f32 $0.0e+00;
	v43 =	vadd.f32 v16, v23  }
0x1d5: {  	v42 =	vadd.f32 v21, v24;
	v23 =	vmul.f32 v29, v14;
	v29 =	vimm.f32 $0.0e+00  }
0x1d6: {  	s13 =	simm.s32 $0x1420;
	v46 =	vadd.f32 v25, v40;
	v16 =	vmul.f32 v17, v14;
	v21 =	vmul.f32 v27, v14;
	v25, _, _ =	vpop (xrf2);
	(xrf2) =	vadd.scan.msk.f32 $0xffff, v44  }
0x1d7: {  	s14 =	simm.s32 $0x420;
	v52 =	vld [tilespmem:s13+$0x10];
	v27 =	vimm.f32 $0.0e+00;
	v39 =	vadd.f32 v23, v26;
	v26 =	vimm.f32 $0.0e+00  }
0x1d8: {  	v36 =	vld [tilespmem:s14+$0xFFFFFFF0];
	v23 =	vimm.f32 $0.0e+00;
	v41 =	vadd.f32 v16, v22;
	v16 =	vmul.f32 v63, v14  }
0x1d9: {  	v53 =	vld [tilespmem:s13+$0x0];
	v40 =	vadd.f32 v21, v20;
	v14 =	vmul.f32 v28, v14;
	v28 =	vimm.f32 $0.0e+00;
	v24, _, _ =	vpop (xrf2);
	(xrf2) =	vadd.scan.msk.f32 $0xffff, v62  }
0x1da: {  	v54 =	vld [tilespmem:s13+$0xFFFFFFE0];
	v21 =	vimm.f32 $0.0e+00;
	v17 =	vbroadcast v25, $0xF;
	v25 =	vimm.f32 $0.0e+00  }
0x1db: {  	v37 =	vld [tilespmem:s14+$0xFFFFFFE0];
	v22 =	vbroadcast v24, $0xF;
	v35 =	vadd.f32 v16, v30;
	v34 =	vadd.f32 v14, v15  }
0x1dc: {  	s2 =	simm.s32 $0x3280;
	v55 =	vld [tilespmem:s13+$0xFFFFFFF0];
	v30 =	vimm.f32 $0.0e+00;
	v24 =	vimm.f32 $0.0e+00;
	v15 =	vimm.f32 $0.0e+00;
	v20, _, _ =	vpop (xrf2);
	(xrf2) =	vadd.scan.msk.f32 $0xffff, v58  }
0x1dd: {  	v57 =	vld [tilespmem:s2+$0x480];
	v14 =	vimm.f32 $0.0e+00;
	v17 =	vsel vm0, v17, v19;
	v16 =	vsel vm0, v22, v19  }
0x1de: {  	s12 =	simm.s32 $0x1;
	s15 =	simm.s32 $0x2;
	v22 =	vimm.f32 $0.0e+00;
	v58 =	vld [tilespmem:s2+$0x490];
	v56 =	vbroadcast v20, $0xF;
	v20 =	vimm.f32 $0.0e+00  }
.LBB2_5:
0x1df: {  	p0 =	sne.s32 s15, $0xF;
	v44 =	vld [tilespmem:s14+$0x0];
	(xrf2) =	vadd.scan.msk.f32 $0xffff, v51  }
0x1e0: {  	v47 =	vmul.f32 v54, v37;
	v51 =	vld [tilespmem:s2+$0x4A0];
	v19 =	vsel vm0, v56, v19;
	v54, _, _ =	vpop (xrf2)  }
0x1e1: {  	v38 =	vld [tilespmem:s14+$0x10];
	v55 =	vmul.f32 v55, v36;
	v54 =	vbroadcast v54, $0xF  }
0x1e2: {  	v56 =	vld [tilespmem:s2+$0x4B0];
	(xrf2) =	vadd.scan.msk.f32 $0xffff, v50  }
0x1e3: {  	v47 =	vadd.f32 v55, v47;
	v50 =	vld [tilespmem:s2+$0xFFFFFB00];
	v55 =	vmul.f32 v57, v37;
	v57 =	vmul.f32 v58, v36;
	v58, _, _ =	vpop (xrf2)  }
0x1e4: {  	v33 =	vsel vm0, v54, v33;
	v1 =	vmul.f32 v53, v44;
	v59 =	vld [tilespmem:s2+$0xFFFFFB10];
	v54 =	vbroadcast v58, $0xF  }
0x1e5: {  	v58 =	vld [tilespmem:s2+$0xFFFFFB80];
	v55 =	vadd.f32 v57, v55;
	v51 =	vmul.f32 v51, v44;
	(xrf2) =	vadd.scan.msk.f32 $0xffff, v49  }
0x1e6: {  	v47 =	vadd.f32 v1, v47;
	v49 =	vmul.f32 v52, v38;
	v52 =	vld [tilespmem:s2+$0xFFFFFB90];
	v32 =	vsel vm0, v54, v32;
	v53, _, _ =	vpop (xrf2)  }
0x1e7: {  	v54 =	vld [tilespmem:s2+$0xFFFFFC00];
	v51 =	vadd.f32 v51, v55;
	v55 =	vmul.f32 v56, v38;
	v1 =	vbroadcast v53, $0xF  }
0x1e8: {  	v49 =	vadd.f32 v49, v47;
	v47 =	vmul.f32 v50, v37;
	v50 =	vld [tilespmem:s2+$0xFFFFFC10];
	(xrf2) =	vadd.scan.msk.f32 $0xffff, v48  }
0x1e9: {  	v48 =	vmul.f32 v59, v36;
	v56 =	vld [tilespmem:s2+$0xFFFFFC80];
	v51 =	vadd.f32 v55, v51;
	v31 =	vsel vm0, v1, v31;
	v53, _, _ =	vpop (xrf2)  }
0x1ea: {  	v55 =	vmul.f32 v58, v37;
	v57 =	vld [tilespmem:s2+$0xFFFFFC90];
	v1 =	vbroadcast v53, $0xF  }
0x1eb: {  	v47 =	vadd.f32 v48, v47;
	v48 =	vmul.f32 v52, v36;
	v52 =	vld [tilespmem:s2+$0xFFFFFD00];
	(xrf2) =	vadd.scan.msk.f32 $0xffff, v51  }
0x1ec: {  	v51 =	vmul.f32 v54, v37;
	v54 =	vld [tilespmem:s2+$0xFFFFFD10];
	v30 =	vsel vm0, v1, v30;
	v53, _, _ =	vpop (xrf2)  }
0x1ed: {  	v48 =	vadd.f32 v48, v55;
	v50 =	vmul.f32 v50, v36;
	v55 =	vld [tilespmem:s2+$0xFFFFFD80];
	v1 =	vbroadcast v53, $0xF  }
0x1ee: {  	v56 =	vmul.f32 v56, v37;
	v58 =	vld [tilespmem:s2+$0xFFFFFD90];
	(xrf2) =	vadd.scan.msk.f32 $0xffff, v49  }
0x1ef: {  	v49 =	vadd.f32 v50, v51;
	v50 =	vmul.f32 v57, v36;
	v51 =	vld [tilespmem:s2+$0xFFFFFE00];
	v29 =	vsel vm0, v1, v29;
	v53, _, _ =	vpop (xrf2)  }
0x1f0: {  	v52 =	vmul.f32 v52, v37;
	v57 =	vld [tilespmem:s2+$0xFFFFFE10];
	v1 =	vbroadcast v53, $0xF  }
0x1f1: {  	v50 =	vadd.f32 v50, v56;
	v54 =	vmul.f32 v54, v36;
	v56 =	vld [tilespmem:s2+$0xFFFFFE80];
	(xrf2) =	vadd.scan.msk.f32 $0xffff, v46  }
0x1f2: {  	v55 =	vmul.f32 v55, v37;
	v59 =	vld [tilespmem:s2+$0xFFFFFE90];
	v28 =	vsel vm0, v1, v28;
	v53, _, _ =	vpop (xrf2)  }
0x1f3: {  	v46 =	vadd.f32 v54, v52;
	v52 =	vmul.f32 v58, v36;
	v54 =	vld [tilespmem:s2+$0xFFFFFF00];
	v53 =	vbroadcast v53, $0xF  }
0x1f4: {  	v51 =	vmul.f32 v51, v37;
	v58 =	vld [tilespmem:s2+$0xFFFFFF10];
	(xrf2) =	vadd.scan.msk.f32 $0xffff, v45  }
0x1f5: {  	v45 =	vadd.f32 v52, v55;
	v52 =	vmul.f32 v57, v36;
	v55 =	vld [tilespmem:s2+$0xFFFFFF80];
	v57, _, _ =	vpop (xrf2);
	v27 =	vsel vm0, v53, v27  }
0x1f6: {  	v53 =	vmov s12;
	s12 =	smov.u32 s15;
	v56 =	vmul.f32 v56, v37;
	v60 =	vld [tilespmem:s2+$0xFFFFFF90];
	v57 =	vbroadcast v57, $0xF  }
0x1f7: {  	vm1 =	veq.s32 v53, v0;
	v51 =	vadd.f32 v52, v51;
	v52 =	vmul.f32 v59, v36;
	v53 =	vld [tilespmem:s2+$0x0];
	(xrf2) =	vadd.scan.msk.f32 $0xffff, v43  }
0x1f8: {  	v54 =	vmul.f32 v54, v37;
	v59 =	vld [tilespmem:s2+$0x10];
	v13 =	vsel vm1, v57, v13;
	v43, _, _ =	vpop (xrf2)  }
0x1f9: {  	v1 =	vbroadcast v43, $0xF;
	v43 =	vadd.f32 v52, v56;
	v52 =	vmul.f32 v58, v36;
	v56 =	vld [tilespmem:s2+$0x80]  }
0x1fa: {  	v55 =	vmul.f32 v55, v37;
	v58 =	vld [tilespmem:s2+$0x90];
	(xrf2) =	vadd.scan.msk.f32 $0xffff, v42  }
0x1fb: {  	v18 =	vsel vm1, v1, v18;
	v42 =	vadd.f32 v52, v54;
	v52 =	vmul.f32 v60, v36;
	v54 =	vld [tilespmem:s2+$0x100];
	v57, _, _ =	vpop (xrf2)  }
0x1fc: {  	v53 =	vmul.f32 v53, v37;
	v60 =	vld [tilespmem:s2+$0x110];
	v1 =	vbroadcast v57, $0xF  }
0x1fd: {  	v52 =	vadd.f32 v52, v55;
	v55 =	vmul.f32 v59, v36;
	v59 =	vld [tilespmem:s2+$0x180];
	(xrf2) =	vadd.scan.msk.f32 $0xffff, v41  }
0x1fe: {  	v41 =	vmul.f32 v56, v37;
	v56 =	vld [tilespmem:s2+$0x190];
	v26 =	vsel vm0, v1, v26;
	v57, _, _ =	vpop (xrf2)  }
0x1ff: {  	v53 =	vadd.f32 v55, v53;
	v55 =	vmul.f32 v58, v36;
	v58 =	vld [tilespmem:s2+$0x200];
	v1 =	vbroadcast v57, $0xF  }
0x200: {  	v54 =	vmul.f32 v54, v37;
	v61 =	vld [tilespmem:s2+$0x210];
	(xrf2) =	vadd.scan.msk.f32 $0xffff, v40  }
0x201: {  	v40 =	vadd.f32 v55, v41;
	v41 =	vmul.f32 v60, v36;
	v55 =	vld [tilespmem:s2+$0x280];
	v25 =	vsel vm0, v1, v25;
	v57, _, _ =	vpop (xrf2)  }
0x202: {  	v59 =	vmul.f32 v59, v37;
	v60 =	vld [tilespmem:s2+$0x290];
	v1 =	vbroadcast v57, $0xF  }
0x203: {  	v41 =	vadd.f32 v41, v54;
	v54 =	vmul.f32 v56, v36;
	v56 =	vld [tilespmem:s2+$0x300];
	(xrf2) =	vadd.scan.msk.f32 $0xffff, v39  }
0x204: {  	v39 =	vmul.f32 v58, v37;
	v58 =	vld [tilespmem:s2+$0x310];
	v24 =	vsel vm0, v1, v24;
	v57, _, _ =	vpop (xrf2)  }
0x205: {  	v54 =	vadd.f32 v54, v59;
	v59 =	vmul.f32 v61, v36;
	v61 =	vld [tilespmem:s2+$0x380];
	v1 =	vbroadcast v57, $0xF  }
0x206: {  	v55 =	vmul.f32 v55, v37;
	v62 =	vld [tilespmem:s2+$0x390];
	(xrf2) =	vadd.scan.msk.f32 $0xffff, v35  }
0x207: {  	v35 =	vadd.f32 v59, v39;
	v39 =	vmul.f32 v60, v36;
	v59 =	vld [tilespmem:s2+$0x400];
	v23 =	vsel vm0, v1, v23;
	v57, _, _ =	vpop (xrf2)  }
0x208: {  	v56 =	vmul.f32 v56, v37;
	v60 =	vld [tilespmem:s2+$0x410];
	v1 =	vbroadcast v57, $0xF  }
0x209: {  	v63 =	vld [tilespmem:s2+$0xFFFFFB20];
	v39 =	vadd.f32 v39, v55;
	v55 =	vmul.f32 v58, v36;
	(xrf2) =	vadd.scan.msk.f32 $0xffff, v34  }
0x20a: {  	v34 =	vld [tilespmem:s2+$0xFFFFFBA0];
	v58 =	vmul.f32 v61, v37;
	v22 =	vsel vm0, v1, v22;
	v57, _, _ =	vpop (xrf2)  }
0x20b: {  	v61 =	vld [tilespmem:s2+$0xFFFFFC20];
	v55 =	vadd.f32 v55, v56;
	v56 =	vmul.f32 v62, v36;
	v1 =	vbroadcast v57, $0xF  }
0x20c: {  	v62 =	vld [tilespmem:s2+$0xFFFFFCA0];
	v37 =	vmul.f32 v59, v37  }
0x20d: {  	v59 =	vld [tilespmem:s2+$0xFFFFFD20];
	v56 =	vadd.f32 v56, v58;
	v36 =	vmul.f32 v60, v36;
	v21 =	vsel vm0, v1, v21;
	v57, _, _ =	vpop (xrf2)  }
0x20e: {  	v58 =	vmul.f32 v63, v44;
	v60 =	vld [tilespmem:s2+$0xFFFFFDA0];
	v1 =	vbroadcast v57, $0xF  }
0x20f: {  	v34 =	vmul.f32 v34, v44;
	v63 =	vld [tilespmem:s2+$0xFFFFFE20];
	v36 =	vadd.f32 v36, v37  }
0x210: {  	v37 =	vadd.f32 v58, v47;
	v47 =	vmul.f32 v61, v44;
	v58 =	vld [tilespmem:s2+$0xFFFFFEA0];
	v20 =	vsel vm0, v1, v20;
	v57, _, _ =	vpop (xrf2)  }
0x211: {  	v34 =	vadd.f32 v34, v48;
	v48 =	vmul.f32 v62, v44;
	v61 =	vld [tilespmem:s2+$0xFFFFFF20];
	v1 =	vbroadcast v57, $0xF  }
0x212: {  	v47 =	vadd.f32 v47, v49;
	v49 =	vmul.f32 v59, v44;
	v59 =	vld [tilespmem:s2+$0xFFFFFFA0]  }
0x213: {  	v48 =	vadd.f32 v48, v50;
	v50 =	vmul.f32 v60, v44;
	v60 =	vld [tilespmem:s2+$0x20];
	v15 =	vsel vm0, v1, v15;
	v57, _, _ =	vpop (xrf2)  }
0x214: {  	v46 =	vadd.f32 v49, v46;
	v49 =	vmul.f32 v63, v44;
	v62 =	vld [tilespmem:s2+$0xA0];
	v57 =	vbroadcast v57, $0xF  }
0x215: {  	v45 =	vadd.f32 v50, v45;
	v50 =	vmul.f32 v58, v44;
	v58 =	vld [tilespmem:s2+$0x120]  }
0x216: {  	v49 =	vadd.f32 v49, v51;
	v51 =	vmul.f32 v61, v44;
	v61 =	vld [tilespmem:s2+$0x1A0];
	v14 =	vsel vm0, v57, v14  }
0x217: {  	vm0 =	vmmov vm1;
	v43 =	vadd.f32 v50, v43;
	v50 =	vmul.f32 v59, v44;
	v57 =	vld [tilespmem:s2+$0x220]  }
0x218: {  	v42 =	vadd.f32 v51, v42;
	v51 =	vmul.f32 v60, v44;
	v59 =	vld [tilespmem:s2+$0x2A0]  }
0x219: {  	v52 =	vadd.f32 v50, v52;
	v50 =	vmul.f32 v62, v44;
	v60 =	vld [tilespmem:s2+$0x320]  }
0x21a: {  	v53 =	vadd.f32 v51, v53;
	v51 =	vmul.f32 v58, v44;
	v58 =	vld [tilespmem:s2+$0x3A0]  }
0x21b: {  	v40 =	vadd.f32 v50, v40;
	v50 =	vmul.f32 v61, v44;
	v61 =	vld [tilespmem:s2+$0x420]  }
0x21c: {  	v62 =	vld [tilespmem:s2+$0xFFFFFB30];
	v41 =	vadd.f32 v51, v41;
	v51 =	vmul.f32 v57, v44  }
0x21d: {  	v57 =	vld [tilespmem:s2+$0xFFFFFBB0];
	v54 =	vadd.f32 v50, v54;
	v50 =	vmul.f32 v59, v44  }
0x21e: {  	v59 =	vld [tilespmem:s2+$0xFFFFFC30];
	v35 =	vadd.f32 v51, v35;
	v51 =	vmul.f32 v60, v44  }
0x21f: {  	v60 =	vld [tilespmem:s2+$0xFFFFFCB0];
	v39 =	vadd.f32 v50, v39;
	v50 =	vmul.f32 v58, v44  }
0x220: {  	v58 =	vld [tilespmem:s2+$0xFFFFFD30];
	v63 =	vadd.f32 v51, v55;
	v44 =	vmul.f32 v61, v44  }
0x221: {  	v51 =	vmul.f32 v62, v38;
	v55 =	vld [tilespmem:s2+$0xFFFFFDB0];
	v56 =	vadd.f32 v50, v56  }
0x222: {  	v50 =	vmul.f32 v57, v38;
	v57 =	vld [tilespmem:s2+$0xFFFFFE30];
	v44 =	vadd.f32 v44, v36  }
0x223: {  	v36 =	vadd.f32 v51, v37;
	v37 =	vmul.f32 v59, v38;
	v51 =	vld [tilespmem:s2+$0xFFFFFEB0]  }
0x224: {  	v34 =	vadd.f32 v50, v34;
	v50 =	vmul.f32 v60, v38;
	v59 =	vld [tilespmem:s2+$0xFFFFFF30]  }
0x225: {  	v37 =	vadd.f32 v37, v47;
	v47 =	vmul.f32 v58, v38;
	v58 =	vld [tilespmem:s2+$0xFFFFFFB0];
	(xrf2) =	vadd.scan.msk.f32 $0xffff, v36  }
0x226: {  	v36 =	vadd.f32 v50, v48;
	v48 =	vmul.f32 v55, v38;
	v55 =	vld [tilespmem:s2+$0x30]  }
0x227: {  	v47 =	vadd.f32 v47, v46;
	v46 =	vmul.f32 v57, v38;
	v57 =	vld [tilespmem:s2+$0xB0]  }
0x228: {  	v60 =	vadd.f32 v48, v45;
	v45 =	vmul.f32 v51, v38;
	v61 =	vld [tilespmem:s2+$0x130];
	(xrf2) =	vadd.scan.msk.f32 $0xffff, v34  }
0x229: {  	v51 =	vadd.f32 v46, v49;
	v34 =	vmul.f32 v59, v38;
	v59 =	vld [tilespmem:s2+$0x1B0]  }
0x22a: {  	v50 =	vadd.f32 v45, v43;
	v43 =	vmul.f32 v58, v38;
	v58 =	vld [tilespmem:s2+$0x230]  }
0x22b: {  	v49 =	vadd.f32 v34, v42;
	v34 =	vmul.f32 v55, v38;
	v55 =	vld [tilespmem:s2+$0x2B0];
	(xrf2) =	vadd.scan.msk.f32 $0xffff, v37  }
0x22c: {  	v48 =	vadd.f32 v43, v52;
	v37 =	vmul.f32 v57, v38;
	v57 =	vld [tilespmem:s2+$0x330]  }
0x22d: {  	v46 =	vadd.f32 v34, v53;
	v34 =	vmul.f32 v61, v38;
	v61 =	vld [tilespmem:s2+$0x3B0]  }
0x22e: {  	s13 =	sadd.s32 $0x80, s13;
	v45 =	vadd.f32 v37, v40;
	v37 =	vmul.f32 v59, v38;
	v59 =	vld [tilespmem:s2+$0x430];
	(xrf2) =	vadd.scan.msk.f32 $0xffff, v36  }
0x22f: {  	v52 =	vld [tilespmem:s13+$0x10];
	v43 =	vadd.f32 v34, v41;
	v34 =	vmul.f32 v58, v38;
	v36, _, _ =	vpop (xrf2)  }
0x230: {  	v53 =	vld [tilespmem:s13+$0x0];
	v1 =	vbroadcast v36, $0xF;
	v42 =	vadd.f32 v37, v54;
	v37 =	vmul.f32 v55, v38  }
0x231: {  	v54 =	vld [tilespmem:s13+$0xFFFFFFE0];
	v41 =	vadd.f32 v34, v35;
	v34 =	vmul.f32 v57, v38;
	(xrf2) =	vadd.scan.msk.f32 $0xffff, v47  }
.Ltmp1:
0x232: {  	s14 =	sadd.s32 $0x80, s14;
	v55 =	vld [tilespmem:s13+$0xFFFFFFF0];
	v17 =	vsel vm0, v1, v17;
	v40 =	vadd.f32 v37, v39;
	v35 =	vmul.f32 v61, v38;
	v36, _, _ =	vpop (xrf2);
	(pc) =	sbr.rel @p0 .LBB2_5-.Ltmp1, $4  }
0x233: {  	v37 =	vld [tilespmem:s14+$0xFFFFFFE0];
	v47 =	vbroadcast v36, $0xF;
	v39 =	vadd.f32 v34, v63;
	v34 =	vmul.f32 v59, v38  }
0x234: {  	s2 =	sadd.s32 $0xA00, s2;
	v36 =	vld [tilespmem:s14+$0xFFFFFFF0];
	v35 =	vadd.f32 v35, v56;
	(xrf2) =	vadd.scan.msk.f32 $0xffff, v60  }
0x235: {  	v57 =	vld [tilespmem:s2+$0x480];
	v16 =	vsel vm0, v47, v16;
	v34 =	vadd.f32 v34, v44;
	v38, _, _ =	vpop (xrf2)  }
0x236: {  	s15 =	sadd.s32 $0x1, s15;
	v58 =	vld [tilespmem:s2+$0x490];
	v56 =	vbroadcast v38, $0xF  }
0x237: {  	v47 =	vld [tilespmem:s14+$0x0]  }
0x238: {  	v44 =	vld [tilespmem:s2+$0x4A0]  }
0x239: {  	v38 =	vld [tilespmem:s14+$0x10]  }
0x23a: {  	v59 =	vld [tilespmem:s2+$0x4B0]  }
0x23b: {  	v60 =	vld [tilespmem:s2+$0xFFFFFB00]  }
0x23c: {  	v61 =	vld [tilespmem:s2+$0xFFFFFB10]  }
0x23d: {  	v62 =	vld [tilespmem:s2+$0xFFFFFB80]  }
0x23e: {  	v63 =	vld [tilespmem:s2+$0xFFFFFB90]  }
0x23f: {  	v2 =	vld [tilespmem:s2+$0xFFFFFC00]  }
0x240: {  	v3 =	vld [tilespmem:s2+$0xFFFFFC10]  }
0x241: {  	v4 =	vld [tilespmem:s2+$0xFFFFFC80]  }
0x242: {  	v5 =	vld [tilespmem:s2+$0xFFFFFC90]  }
0x243: {  	v6 =	vld [tilespmem:s2+$0xFFFFFD00]  }
0x244: {  	v7 =	vld [tilespmem:s2+$0xFFFFFD10]  }
0x245: {  	v1 =	vld [tilespmem:s2+$0xFFFFFE90]  }
0x246: {  	v8 =	vld [tilespmem:s2+$0xFFFFFD80]  }
0x247: {  	v9 =	vld [tilespmem:s2+$0xFFFFFD90]  }
0x248: {  	v10 =	vld [tilespmem:s2+$0xFFFFFE00]  }
0x249: {  	v11 =	vld [tilespmem:s2+$0xFFFFFE10];
	v57 =	vmul.f32 v57, v37;
	v58 =	vmul.f32 v58, v36  }
0x24a: {  	[tilespmem:$0x1FEE0] =	vst v1;
	v1 =	vld [tilespmem:s2+$0xFFFFFF00]  }
0x24b: {  	v12 =	vld [tilespmem:s2+$0xFFFFFE80];
	(xrf2) =	vadd.scan.msk.f32 $0xffff, v51;
	v44 =	vmul.f32 v44, v47;
	v57 =	vadd.f32 v58, v57  }
0x24c: {  	v51 =	vld [tilespmem:s2+$0xFFFFFF10];
	(xrf2) =	vadd.scan.msk.f32 $0xffff, v50;
	v50 =	vmul.f32 v54, v37;
	v54 =	vmul.f32 v55, v36  }
0x24d: {  	v55 =	vld [tilespmem:s2+$0xFFFFFF90];
	v44 =	vadd.f32 v44, v57  }
0x24e: {  	(xrf2) =	vadd.scan.msk.f32 $0xffff, v49;
	v49 =	vld [tilespmem:s2+$0x90];
	v50 =	vadd.f32 v54, v50;
	v53 =	vmul.f32 v53, v47  }
0x24f: {  	v54 =	vmul.f32 v59, v38;
	[tilespmem:$0x1FEF0] =	vst v1;
	v1 =	vld [tilespmem:s2+$0xFFFFFF80]  }
0x250: {  	v59, _, _ =	vpop (xrf2);
	v52 =	vmul.f32 v52, v38;
	(xrf2) =	vadd.scan.msk.f32 $0xffff, v48;
	v48 =	vld [tilespmem:s2+$0x110];
	v50 =	vadd.f32 v53, v50  }
0x251: {  	v58 =	vld [tilespmem:s2+$0x0];
	v54 =	vadd.f32 v54, v44;
	v44, _, _ =	vpop (xrf2)  }
0x252: {  	v53 =	vbroadcast v59, $0xF;
	v59 =	vld [tilespmem:s2+$0x100];
	v50 =	vadd.f32 v52, v50;
	v52 =	vbroadcast v44, $0xF;
	v44, _, _ =	vpop (xrf2)  }
0x253: {  	v56 =	vsel vm0, v56, v19;
	v57 =	vld [tilespmem:s2+$0x80];
	v19 =	vbroadcast v44, $0xF  }
0x254: {  	(xrf2) =	vadd.scan.msk.f32 $0xffff, v54;
	[tilespmem:$0x1FF00] =	vst v1;
	v1 =	vld [tilespmem:s2+$0x10]  }
0x255: {  	(xrf2) =	vadd.scan.msk.f32 $0xffff, v50;
	v50 =	vld [tilespmem:s2+$0x190];
	v19 =	vsel vm0, v19, v31  }
0x256: {  	v2 =	vmul.f32 v2, v37;
	v44 =	vld [tilespmem:s2+$0x180];
	v32 =	vsel vm0, v52, v32;
	[tilespmem:$0x1FF30] =	vst v19;
	v19 =	vmul.f32 v62, v37  }
0x257: {  	(xrf2) =	vadd.scan.msk.f32 $0xffff, v46;
	v46 =	vld [tilespmem:s2+$0x280];
	v52 =	vmul.f32 v60, v37;
	[tilespmem:$0x1FF20] =	vst v32;
	v32 =	vmul.f32 v61, v36;
	v61, _, _ =	vpop (xrf2)  }
0x258: {  	v33 =	vsel vm0, v53, v33;
	v53 =	vmul.f32 v63, v36;
	v60 =	vld [tilespmem:s2+$0x200];
	v54 =	vbroadcast v61, $0xF  }
0x259: {  	v3 =	vmul.f32 v3, v36;
	v4 =	vmul.f32 v4, v37;
	v61, _, _ =	vpop (xrf2);
	v52 =	vadd.f32 v32, v52;
	[tilespmem:$0x1FF10] =	vst v1;
	v1 =	vld [tilespmem:$0x1FEE0]  }
0x25a: {  	(xrf2) =	vadd.scan.msk.f32 $0xffff, v45;
	v45 =	vld [tilespmem:s2+$0x300];
	v32 =	vsel vm0, v54, v30;
	v54 =	vbroadcast v61, $0xF;
	v53 =	vadd.f32 v53, v19;
	v19, _, _ =	vpop (xrf2)  }
0x25b: {  	v62 =	vld [tilespmem:s2+$0x210];
	v30 =	vadd.f32 v3, v2;
	v3 =	vmul.f32 v6, v37;
	v6 =	vbroadcast v19, $0xF;
	v19, _, _ =	vpop (xrf2)  }
0x25c: {  	v5 =	vmul.f32 v5, v36;
	v61 =	vld [tilespmem:s2+$0x290];
	v63 =	vbroadcast v19, $0xF  }
0x25d: {  	v7 =	vmul.f32 v7, v36;
	v8 =	vmul.f32 v8, v37;
	v2 =	vld [tilespmem:$0x1FEF0];
	v31 =	vsel vm0, v54, v29  }
0x25e: {  	v54 =	vld [tilespmem:s2+$0x310];
	v27 =	vsel vm0, v63, v27;
	v63 =	vmul.f32 v12, v37;
	v1 =	vmul.f32 v1, v36  }
0x25f: {  	v48 =	vmul.f32 v48, v36;
	v50 =	vmul.f32 v50, v36;
	v29 =	vadd.f32 v5, v4;
	(xrf2) =	vadd.scan.msk.f32 $0xffff, v43;
	v43 =	vld [tilespmem:s2+$0x380]  }
0x260: {  	v44 =	vmul.f32 v44, v37;
	v4 =	vadd.f32 v7, v3;
	v3 =	vadd.f32 v1, v63;
	v1 =	vld [tilespmem:$0x1FF00]  }
0x261: {  	v57 =	vmul.f32 v57, v37;
	v46 =	vmul.f32 v46, v37;
	v7 =	vld [tilespmem:s2+$0x390]  }
0x262: {  	v45 =	vmul.f32 v45, v37;
	v5 =	vmul.f32 v9, v36;
	v9 =	vld [tilespmem:s2+$0x400];
	v44 =	vadd.f32 v50, v44  }
0x263: {  	v50 =	vld [tilespmem:s2+$0x20];
	v28 =	vsel vm0, v6, v28;
	v6 =	vmul.f32 v10, v37;
	v10 =	vmov s12  }
0x264: {  	v5 =	vadd.f32 v5, v8;
	v8 =	vmul.f32 v11, v36;
	v19, _, _ =	vpop (xrf2);
	vm1 =	veq.s32 v10, v0;
	v10 =	vld [tilespmem:s2+$0xFFFFFB20]  }
0x265: {  	v11 =	vmul.f32 v51, v36;
	v12, _, _ =	vpop (xrf2);
	v63 =	vmul.f32 v1, v37;
	v1 =	vld [tilespmem:$0x1FF10]  }
0x266: {  	(xrf2) =	vadd.scan.msk.f32 $0xffff, v42;
	v42 =	vld [tilespmem:s2+$0x410];
	v6 =	vadd.f32 v8, v6;
	v8 =	vbroadcast v12, $0xF;
	v12 =	vmul.f32 v2, v37  }
0x267: {  	v2 =	vld [tilespmem:s2+$0xFFFFFD20];
	v54 =	vmul.f32 v54, v36;
	v43 =	vmul.f32 v43, v37  }
0x268: {  	v51 =	vld [tilespmem:s2+$0xFFFFFBA0];
	(xrf2) =	vadd.scan.msk.f32 $0xffff, v41;
	v9 =	vmul.f32 v9, v37;
	v41 =	vsel vm1, v8, v18;
	v8 =	vmul.f32 v55, v36;
	v18, _, _ =	vpop (xrf2)  }
0x269: {  	v55 =	vld [tilespmem:s2+$0xFFFFFC20];
	v11 =	vadd.f32 v11, v12;
	v12 =	vmul.f32 v58, v37;
	v18 =	vbroadcast v18, $0xF  }
0x26a: {  	(xrf2) =	vadd.scan.msk.f32 $0xffff, v40;
	v40 =	vld [tilespmem:s2+$0xFFFFFCA0];
	v10 =	vmul.f32 v10, v47;
	v8 =	vadd.f32 v8, v63;
	v63, _, _ =	vpop (xrf2);
	v58 =	vmul.f32 v1, v36  }
0x26b: {  	v18 =	vsel vm0, v18, v26;
	v26 =	vmul.f32 v49, v36;
	(xrf2) =	vadd.scan.msk.f32 $0xffff, v39;
	v39 =	vld [tilespmem:s2+$0xFFFFFDA0];
	v49 =	vbroadcast v63, $0xF  }
0x26c: {  	v2 =	vmul.f32 v2, v47;
	v1 =	vld [tilespmem:s2+$0xA0];
	v12 =	vadd.f32 v58, v12;
	v58 =	vmul.f32 v59, v37;
	v59, _, _ =	vpop (xrf2)  }
0x26d: {  	v26 =	vadd.f32 v26, v57;
	v57 =	vld [tilespmem:s2+$0xFFFFFEA0];
	v25 =	vsel vm0, v49, v25;
	v49 =	vbroadcast v59, $0xF  }
0x26e: {  	v10 =	vadd.f32 v10, v52;
	v63 =	vld [tilespmem:s2+$0xFFFFFE20];
	v59 =	vmul.f32 v60, v37;
	v60 =	vmul.f32 v62, v36  }
0x26f: {  	v7 =	vmul.f32 v7, v36;
	v2 =	vadd.f32 v2, v4;
	v62 =	vld [tilespmem:s2+$0xFFFFFFA0];
	v48 =	vadd.f32 v48, v58  }
0x270: {  	v52 =	vld [tilespmem:s2+$0xFFFFFB30];
	v39 =	vmul.f32 v39, v47;
	v59 =	vadd.f32 v60, v59;
	v60 =	vmul.f32 v61, v36  }
0x271: {  	v58 =	vld [tilespmem:s2+$0xFFFFFF20];
	v24 =	vsel vm0, v49, v24;
	v36 =	vmul.f32 v42, v36;
	v1 =	vmul.f32 v1, v47  }
0x272: {  	v4 =	vadd.f32 v39, v5;
	v5 =	vmul.f32 v57, v47;
	v39 =	vld [tilespmem:s2+$0xFFFFFC30];
	v46 =	vadd.f32 v60, v46  }
0x273: {  	v49, _, _ =	vpop (xrf2);
	v60 =	vld [tilespmem:s2+$0x1A0];
	v9 =	vadd.f32 v36, v9;
	v36 =	vmul.f32 v51, v47;
	v51 =	vmul.f32 v55, v47  }
0x274: {  	v45 =	vadd.f32 v54, v45;
	v55 =	vmul.f32 v63, v47;
	v61, _, _ =	vpop (xrf2);
	v57 =	vmul.f32 v62, v47;
	v62 =	vld [tilespmem:s2+$0xFFFFFD30]  }
0x275: {  	v1 =	vadd.f32 v1, v26;
	v49 =	vbroadcast v49, $0xF;
	v37, _, _ =	vpop (xrf2);
	v30 =	vadd.f32 v51, v30;
	v51 =	vld [tilespmem:s2+$0xFFFFFBB0]  }
0x276: {  	v36 =	vadd.f32 v36, v53;
	v63 =	vmul.f32 v58, v47;
	v53 =	vld [tilespmem:s2+$0xFFFFFCB0];
	v37 =	vbroadcast v37, $0xF  }
0x277: {  	v58 =	vmul.f32 v50, v47;
	v23 =	vsel vm0, v49, v23;
	v49 =	vbroadcast v61, $0xF;
	v61 =	vld [tilespmem:s2+$0x120];
	v42, _, _ =	vpop (xrf2)  }
0x278: {  	v3 =	vadd.f32 v5, v3;
	v21 =	vsel vm0, v37, v21;
	v37 =	vbroadcast v42, $0xF;
	v42 =	vld [tilespmem:s2+$0x320]  }
0x279: {  	v5 =	vadd.f32 v58, v12;
	v12 =	vmul.f32 v52, v38;
	v22 =	vsel vm0, v49, v22;
	v49 =	vld [tilespmem:s2+$0x220]  }
0x27a: {  	v8 =	vadd.f32 v57, v8;
	v52 =	vld [tilespmem:s2+$0xFFFFFE30];
	v20 =	vsel vm0, v37, v20;
	v37 =	vmul.f32 v40, v47  }
0x27b: {  	(xrf2) =	vadd.scan.msk.f32 $0xffff, v35;
	v26 =	vmul.f32 v60, v47;
	v10 =	vadd.f32 v12, v10;
	v12 =	vld [tilespmem:s2+$0xFFFFFF30];
	v51 =	vmul.f32 v51, v38  }
0x27c: {  	(xrf2) =	vadd.scan.msk.f32 $0xffff, v34;
	v11 =	vadd.f32 v63, v11;
	v63 =	vmul.f32 v61, v47;
	v29 =	vadd.f32 v37, v29;
	v37 =	vld [tilespmem:s2+$0xFFFFFDB0]  }
0x27d: {  	v58 =	vld [tilespmem:s2+$0xFFFFFEB0];
	v34 =	vadd.f32 v26, v44;
	(xrf2) =	vadd.scan.msk.f32 $0xffff, v10;
	v36 =	vadd.f32 v51, v36;
	v26 =	vmul.f32 v42, v47  }
0x27e: {  	v39 =	vmul.f32 v39, v38;
	v35 =	vadd.f32 v63, v48;
	v57 =	vmul.f32 v49, v47;
	v63 =	vld [tilespmem:s2+$0x130]  }
0x27f: {  	v54 =	vld [tilespmem:s2+$0x2A0];
	v6 =	vadd.f32 v55, v6;
	(xrf2) =	vadd.scan.msk.f32 $0xffff, v36;
	v45 =	vadd.f32 v26, v45;
	v26 =	vmul.f32 v53, v38  }
0x280: {  	v30 =	vadd.f32 v39, v30;
	v62 =	vmul.f32 v62, v38;
	v44 =	vadd.f32 v57, v59;
	v59 =	vld [tilespmem:s2+$0xFFFFFFB0]  }
0x281: {  	v60 =	vld [tilespmem:s2+$0x30];
	v12 =	vmul.f32 v12, v38;
	v29 =	vadd.f32 v26, v29;
	v37 =	vmul.f32 v37, v38  }
0x282: {  	v61 =	vld [tilespmem:s2+$0xB0];
	v2 =	vadd.f32 v62, v2;
	v52 =	vmul.f32 v52, v38;
	(xrf2) =	vadd.scan.msk.f32 $0xffff, v30;
	v53 =	vmul.f32 v58, v38  }
0x283: {  	v57 =	vadd.f32 v12, v11;
	v12 =	vmul.f32 v63, v38;
	v4 =	vadd.f32 v37, v4;
	(xrf2) =	vadd.scan.msk.f32 $0xffff, v29;
	v29 =	vld [tilespmem:s2+$0x2B0]  }
0x284: {  	v54 =	vmul.f32 v54, v47;
	v6 =	vadd.f32 v52, v6;
	v30 =	vld [tilespmem:s2+$0x230];
	(xrf2) =	vadd.scan.msk.f32 $0xffff, v2  }
0x285: {  	v50, _, _ =	vpop (xrf2);
	v2 =	vadd.f32 v53, v3;
	v3 =	vmul.f32 v59, v38;
	(xrf2) =	vadd.scan.msk.f32 $0xffff, v4  }
0x286: {  	v46 =	vadd.f32 v54, v46;
	v10 =	vmul.f32 v60, v38;
	v59, _, _ =	vpop (xrf2);
	(xrf2) =	vadd.scan.msk.f32 $0xffff, v6  }
0x287: {  	v58 =	vmul.f32 v61, v38;
	v3 =	vadd.f32 v3, v8;
	(xrf2) =	vadd.scan.msk.f32 $0xffff, v2;
	v2 =	vadd.f32 v12, v35;
	v12, _, _ =	vpop (xrf2)  }
0x288: {  	v5 =	vadd.f32 v10, v5;
	(xrf2) =	vadd.scan.msk.f32 $0xffff, v57;
	v63 =	vbroadcast v12, $0xF;
	v12 =	vmul.f32 v29, v38  }
0x289: {  	v51 =	vld [tilespmem:s2+$0x1B0];
	v1 =	vadd.f32 v58, v1;
	v62 =	vmul.f32 v30, v38;
	v30, _, _ =	vpop (xrf2);
	(xrf2) =	vadd.scan.msk.f32 $0xffff, v3  }
0x28a: {  	(xrf2) =	vadd.scan.msk.f32 $0xffff, v5;
	v35 =	vadd.f32 v12, v46;
	v12 =	vbroadcast v30, $0xF  }
0x28b: {  	vm2 =	vmmov vm1;
	v54 =	vld [tilespmem:s2+$0x330];
	(xrf2) =	vadd.scan.msk.f32 $0xffff, v1  }
0x28c: {  	v36, _, _ =	vpop (xrf2);
	(xrf2) =	vadd.scan.msk.f32 $0xffff, v2;
	v2 =	vsel vm2, v12, v16;
	v16 =	vld [tilespmem:$0x1FFE0];
	_ =	sdelay $0x1  }
0x28d: {  	v60 =	vmul.f32 v51, v38  }
0x28e: {  	v7 =	vadd.f32 v7, v43;
	v43 =	vld [tilespmem:s2+$0x3A0]  }
0x28f: {  	v55 =	vld [tilespmem:s2+$0x3B0];
	v8 =	vadd.f32 v60, v34  }
0x290: {  	v40 =	vld [tilespmem:s2+$0x420];
	v34 =	vmul.f32 v54, v38;
	v3 =	vadd.f32 v62, v44  }
0x291: {  	v42 =	vld [tilespmem:$0x1FF50];
	v12, _, _ =	vpop (xrf2);
	(xrf2) =	vadd.scan.msk.f32 $0xffff, v8  }
0x292: {  	v1 =	vadd.f32 v34, v45;
	v39, _, _ =	vpop (xrf2);
	(xrf2) =	vadd.scan.msk.f32 $0xffff, v3;
	v3 =	vld [tilespmem:$0x1FF40]  }
0x293: {  	v61 =	vld [tilespmem:s2+$0x430];
	[tilespmem:v16+s4+$0x0] =	vst.idx.msk $0xffff, v41;
	v41, _, _ =	vpop (xrf2);
	(xrf2) =	vadd.scan.msk.f32 $0xffff, v35  }
0x294: {  	v44, _, _ =	vpop (xrf2);
	(xrf2) =	vadd.scan.msk.f32 $0xffff, v1;
	v1 =	vld [tilespmem:$0x1FF60]  }
0x295: {  	v46 =	vld [tilespmem:$0x1FF70];
	_ =	sdelay $0x3  }
0x296: {  	v48 =	vld [tilespmem:$0x1FF80];
	v10 =	vmul.f32 v61, v38;
	v4 =	vsel vm2, v63, v17;
	v11 =	vbroadcast v36, $0xF  }
0x297: {  	v49 =	vld [tilespmem:$0x1FF90];
	v29 =	vmul.f32 v55, v38;
	v38 =	vbroadcast v12, $0xF;
	[tilespmem:v3+s4+$0x0] =	vst.idx.msk $0xffff, v4  }
0x298: {  	v26 =	vbroadcast v50, $0xF;
	v50 =	vld [tilespmem:$0x1FFA0];
	v3 =	vsel vm2, v11, v56;
	[tilespmem:v42+s4+$0x0] =	vst.idx.msk $0xffff, v2  }
0x299: {  	v43 =	vmul.f32 v43, v47;
	v2 =	vsel vm2, v38, v33;
	[tilespmem:v1+s4+$0x0] =	vst.idx.msk $0xffff, v3;
	v1 =	vld [tilespmem:$0x1FF20]  }
0x29a: {  	v40 =	vmul.f32 v40, v47;
	[tilespmem:v46+s4+$0x0] =	vst.idx.msk $0xffff, v2;
	v2 =	vld [tilespmem:$0x1FF30]  }
0x29b: {  	v7 =	vadd.f32 v43, v7;
	v52 =	vld [tilespmem:$0x1FFB0]  }
0x29c: {  	v9 =	vadd.f32 v40, v9;
	v55 =	vld [tilespmem:$0x1FFC0];
	v40 =	vbroadcast v39, $0xF  }
0x29d: {  	v58 =	vld [tilespmem:$0x1FFD0];
	v7 =	vadd.f32 v29, v7;
	v43 =	vbroadcast v41, $0xF  }
0x29e: {  	v60 =	vld [tilespmem:$0x1FFF0];
	v37 =	vadd.f32 v10, v9;
	v1 =	vsel vm2, v40, v1  }
0x29f: {  	v45, _, _ =	vpop (xrf2);
	(xrf2) =	vadd.scan.msk.f32 $0xffff, v7;
	v3 =	vbroadcast v44, $0xF;
	v2 =	vsel vm2, v43, v2  }
0x2a0: {  	v4 =	vbroadcast v45, $0xF;
	v47, _, _ =	vpop (xrf2);
	(xrf2) =	vadd.scan.msk.f32 $0xffff, v37;
	[tilespmem:v48+s4+$0x0] =	vst.idx.msk $0xffff, v1  }
0x2a1: {  	v6 =	vbroadcast v59, $0xF;
	v5 =	vbroadcast v47, $0xF;
	v3 =	vsel vm2, v3, v32;
	[tilespmem:v49+s4+$0x0] =	vst.idx.msk $0xffff, v2;
	v1, _, _ =	vpop (xrf2)  }
0x2a2: {  	v4 =	vsel vm2, v4, v31;
	[tilespmem:v50+s4+$0x0] =	vst.idx.msk $0xffff, v3;
	v3 =	vor.u32 $0xC, v16;
	v2, _, _ =	vpop (xrf2);
	v1 =	vbroadcast v1, $0xF  }
0x2a3: {  	v53 =	vor.u32 $0xD, v16;
	v5 =	vsel vm2, v5, v28;
	[tilespmem:v52+s4+$0x0] =	vst.idx.msk $0xffff, v4;
	v51, _, _ =	vpop (xrf2);
	v2 =	vbroadcast v2, $0xF  }
0x2a4: {  	v56 =	vor.u32 $0xE, v16;
	[tilespmem:v55+s4+$0x0] =	vst.idx.msk $0xffff, v5;
	v54, _, _ =	vpop (xrf2);
	v1 =	vsel vm2, v1, v27;
	v7 =	vbroadcast v51, $0xF  }
0x2a5: {  	v57, _, _ =	vpop (xrf2);
	v2 =	vsel vm2, v2, v18;
	v8 =	vbroadcast v54, $0xF;
	[tilespmem:v58+s4+$0x0] =	vst.idx.msk $0xffff, v1;
	v1 =	vor.u32 $0xF, v16  }
0x2a6: {  	v59, _, _ =	vpop (xrf2);
	v7 =	vsel vm2, v7, v25;
	v9 =	vbroadcast v57, $0xF;
	[tilespmem:v60+s4+$0x0] =	vst.idx.msk $0xffff, v2;
	v2 =	vor.u32 $0x10, v16  }
0x2a7: {  	v8 =	vsel vm2, v8, v24;
	v10 =	vbroadcast v59, $0xF;
	v61, _, _ =	vpop (xrf2);
	[tilespmem:v3+s4+$0x0] =	vst.idx.msk $0xffff, v7;
	v3 =	vor.u32 $0x11, v16  }
0x2a8: {  	v33 =	vor.u32 $0x12, v16;
	v62 =	vsel vm2, v9, v23;
	v63 =	vbroadcast v61, $0xF;
	v32, _, _ =	vpop (xrf2);
	[tilespmem:v53+s4+$0x0] =	vst.idx.msk $0xffff, v8  }
0x2a9: {  	v37 =	vor.u32 $0x13, v16;
	v34 =	vsel vm2, v10, v22;
	v35 =	vbroadcast v32, $0xF;
	v36, _, _ =	vpop (xrf2);
	[tilespmem:v56+s4+$0x0] =	vst.idx.msk $0xffff, v62  }
0x2aa: {  	v38 =	vsel vm2, v63, v21;
	v39 =	vbroadcast v36, $0xF;
	v40, _, _ =	vpop (xrf2);
	[tilespmem:v1+s4+$0x0] =	vst.idx.msk $0xffff, v34;
	v1 =	vor.u32 $0x14, v16  }
0x2ab: {  	v41 =	vsel vm0, v26, v15;
	v10 =	vsel vm2, v35, v20;
	v11 =	vbroadcast v40, $0xF;
	[tilespmem:v2+s4+$0x0] =	vst.idx.msk $0xffff, v38  }
0x2ac: {  	v42 =	vbroadcast v19, $0xF;
	v2 =	vsel vm0, v6, v14;
	v43 =	vsel vm2, v39, v41;
	[tilespmem:v3+s4+$0x0] =	vst.idx.msk $0xffff, v10  }
0x2ad: {  	v2 =	vsel vm2, v11, v2;
	[tilespmem:v33+s4+$0x0] =	vst.idx.msk $0xffff, v43  }
0x2ae: {  	v3 =	vsel vm1, v42, v13;
	[tilespmem:v37+s4+$0x0] =	vst.idx.msk $0xffff, v2  }
0x2af: {  	s28 =	simm.s32 $0x1BB0;
	[tilespmem:v1+s4+$0x0] =	vst.idx.msk $0xffff, v3  }
0x2b0: {  	v1 =	vld [tilespmem:s28+$0x0]  }
0x2b1: {  	v2 =	vld [tilespmem:s28+$0xFFFFFFF0]  }
0x2b2: {  	v3 =	vld [tilespmem:s28+$0xFFFFFFD0]  }
0x2b3: {  	s5 =	simm.s32 $0xBB0;
	v4 =	vld [tilespmem:s28+$0xFFFFFFE0]  }
0x2b4: {  	v13 =	vld [tilespmem:s5+$0xFFFFFFD0]  }
0x2b5: {  	s29 =	simm.s32 $0x0;
	v16 =	vld [tilespmem:s5+$0xFFFFFFE0]  }
0x2b6: {  	v5 =	vld [tilespmem:s29+$0xCD00]  }
0x2b7: {  	v44 =	vld [tilespmem:s29+$0xCD10]  }
0x2b8: {  	v15 =	vld [tilespmem:s5+$0xFFFFFFF0]  }
0x2b9: {  	v7 =	vld [tilespmem:s29+$0xCD20]  }
0x2ba: {  	v14 =	vld [tilespmem:s5+$0x0]  }
0x2bb: {  	v45 =	vld [tilespmem:s29+$0xCD30]  }
0x2bc: {  	v46 =	vld [tilespmem:s29+$0xC380]  }
0x2bd: {  	v10 =	vld [tilespmem:s29+$0xC390]  }
0x2be: {  	v47 =	vld [tilespmem:s29+$0xC400]  }
0x2bf: {  	v12 =	vld [tilespmem:s29+$0xC410]  }
0x2c0: {  	v17 =	vld [tilespmem:s29+$0xC480]  }
0x2c1: {  	v18 =	vld [tilespmem:s29+$0xC490]  }
0x2c2: {  	v19 =	vld [tilespmem:s29+$0xC500]  }
0x2c3: {  	v20 =	vld [tilespmem:s29+$0xC510]  }
0x2c4: {  	v21 =	vld [tilespmem:s29+$0xC580]  }
0x2c5: {  	v22 =	vld [tilespmem:s29+$0xC590]  }
0x2c6: {  	v23 =	vld [tilespmem:s29+$0xC600]  }
0x2c7: {  	v24 =	vld [tilespmem:s29+$0xC610]  }
0x2c8: {  	v25 =	vld [tilespmem:s29+$0xC680]  }
0x2c9: {  	v26 =	vld [tilespmem:s29+$0xC690]  }
0x2ca: {  	v27 =	vld [tilespmem:s29+$0xC700]  }
0x2cb: {  	v28 =	vld [tilespmem:s29+$0xC710]  }
0x2cc: {  	v29 =	vld [tilespmem:s29+$0xC780]  }
0x2cd: {  	v30 =	vld [tilespmem:s29+$0xC790]  }
0x2ce: {  	v31 =	vld [tilespmem:s29+$0xC800]  }
0x2cf: {  	v48 =	vld [tilespmem:s29+$0xC810]  }
0x2d0: {  	v49 =	vld [tilespmem:s29+$0xC880]  }
0x2d1: {  	v50 =	vld [tilespmem:s29+$0xC890]  }
0x2d2: {  	v51 =	vld [tilespmem:s29+$0xC900]  }
0x2d3: {  	v52 =	vld [tilespmem:s29+$0xC910]  }
0x2d4: {  	v37 =	vld [tilespmem:s29+$0xC980];
	v5 =	vmul.f32 v5, v13;
	v6 =	vmul.f32 v44, v16  }
0x2d5: {  	v54 =	vld [tilespmem:s29+$0xCA00];
	v53 =	vmul.f32 v7, v15;
	v55 =	vmul.f32 v45, v14  }
0x2d6: {  	v56 =	vld [tilespmem:s29+$0xCA10];
	v3 =	vmul.f32 v3, v13;
	v4 =	vmul.f32 v4, v16  }
0x2d7: {  	v57 =	vld [tilespmem:s29+$0xCA80];
	v2 =	vmul.f32 v2, v15;
	v1 =	vmul.f32 v1, v14  }
0x2d8: {  	v58 =	vld [tilespmem:s29+$0xCA90];
	v9 =	vmul.f32 v46, v13;
	v10 =	vmul.f32 v10, v16  }
0x2d9: {  	v59 =	vld [tilespmem:s29+$0xCB00];
	v62 =	vmul.f32 v12, v16;
	v17 =	vmul.f32 v17, v13  }
0x2da: {  	v60 =	vld [tilespmem:s29+$0xCB10];
	v18 =	vmul.f32 v18, v16;
	v20 =	vmul.f32 v20, v16  }
0x2db: {  	v61 =	vld [tilespmem:s29+$0xCB80];
	v46 =	vmul.f32 v21, v13;
	v21 =	vmul.f32 v22, v16  }
0x2dc: {  	v32 =	vimm.f32 $0.0e+00;
	v7 =	vld [tilespmem:s29+$0xC990];
	v27 =	vmul.f32 v27, v13;
	v54 =	vmul.f32 v54, v13  }
0x2dd: {  	v12 =	vld [tilespmem:s29+$0xCC00];
	v8 =	vmul.f32 v56, v16;
	v5 =	vadd.f32 v6, v5;
	v3 =	vadd.f32 v4, v3  }
0x2de: {  	v44 =	vld [tilespmem:s29+$0xC520];
	v56 =	vmul.f32 v57, v13;
	v9 =	vadd.f32 v10, v9;
	v17 =	vadd.f32 v18, v17  }
0x2df: {  	v45 =	vld [tilespmem:s29+$0xCBA0];
	v10 =	vadd.f32 v21, v46;
	v6 =	vmul.f32 v58, v16;
	v58 =	vmul.f32 v59, v13  }
0x2e0: {  	v41 =	vld [tilespmem:s29+$0xCB90];
	v4 =	vmul.f32 v61, v13;
	v2 =	vadd.f32 v2, v3;
	v3 =	vmul.f32 v47, v13  }
0x2e1: {  	v63 =	vld [tilespmem:s29+$0xCC10];
	v8 =	vadd.f32 v8, v54;
	v47 =	vmul.f32 v23, v13;
	v23 =	vmul.f32 v24, v16  }
0x2e2: {  	v18 =	vld [tilespmem:s29+$0xC420];
	v5 =	vadd.f32 v53, v5;
	v53 =	vmul.f32 v37, v13;
	v7 =	vmul.f32 v7, v16  }
0x2e3: {  	v21 =	vld [tilespmem:s29+$0xC4A0];
	v6 =	vadd.f32 v6, v56;
	v12 =	vmul.f32 v12, v13;
	v46 =	vmul.f32 v44, v15  }
0x2e4: {  	v43 =	vld [tilespmem:s29+$0xCC80];
	v33 =	vmul.f32 v45, v15;
	v5 =	vadd.f32 v55, v5;
	v1 =	vadd.f32 v1, v2  }
0x2e5: {  	s2 =	simm.s32 $0x0;
	v22 =	vld [tilespmem:s29+$0xCC90];
	v2 =	vmul.f32 v19, v13;
	v3 =	vadd.f32 v62, v3;
	v19 =	vimm.f32 $0.0e+00  }
0x2e6: {  	v57 =	vld [tilespmem:s29+$0xC920];
	v11 =	vadd.f32 v23, v47;
	v23 =	vmul.f32 v26, v16;
	v26 =	vmov s2  }
0x2e7: {  	v24 =	vld [tilespmem:s29+$0xC3A0];
	v62 =	vmul.f32 v63, v16;
	vm0 =	veq.s32 v26, v0;
	v26 =	vmul.f32 v28, v16  }
0x2e8: {  	v59 =	vld [tilespmem:s29+$0xC9A0];
	v7 =	vadd.f32 v7, v53;
	v18 =	vmul.f32 v18, v15;
	v21 =	vmul.f32 v21, v15  }
0x2e9: {  	v55 =	vld [tilespmem:s29+$0xC8A0];
	(xrf2) =	vadd.scan.msk.f32 $0xffff, v5;
	v2 =	vadd.f32 v20, v2;
	v20 =	vmul.f32 v25, v13;
	v5 =	vmul.f32 v60, v16  }
0x2ea: {  	v63 =	vld [tilespmem:s29+$0xCAA0];
	v60 =	vmul.f32 v41, v16;
	v12 =	vadd.f32 v62, v12;
	v26 =	vadd.f32 v26, v27  }
0x2eb: {  	v28 =	vld [tilespmem:s29+$0xC5A0];
	v27 =	vmul.f32 v31, v13;
	v31 =	vmul.f32 v48, v16;
	v3 =	vadd.f32 v18, v3  }
0x2ec: {  	v48 =	vld [tilespmem:s29+$0xC6A0];
	v24 =	vmul.f32 v24, v15;
	v21 =	vadd.f32 v21, v17;
	v20 =	vadd.f32 v23, v20  }
0x2ed: {  	(xrf2) =	vadd.scan.msk.f32 $0xffff, v1;
	v1 =	vld [tilespmem:s29+$0xC820];
	v23 =	vmul.f32 v29, v13;
	v29 =	vmul.f32 v30, v16;
	v5 =	vadd.f32 v5, v58  }
0x2ee: {  	v30 =	vld [tilespmem:s29+$0xC620];
	v4 =	vadd.f32 v60, v4;
	v27 =	vadd.f32 v31, v27;
	v31 =	vmul.f32 v51, v13  }
0x2ef: {  	v51 =	vmul.f32 v52, v16;
	v52 =	vld [tilespmem:s29+$0xC7A0];
	v23 =	vadd.f32 v29, v23;
	v29 =	vmul.f32 v49, v13  }
0x2f0: {  	v2 =	vadd.f32 v46, v2;
	v49 =	vmul.f32 v50, v16;
	v50 =	vld [tilespmem:s29+$0xC720];
	v13 =	vmul.f32 v43, v13  }
0x2f1: {  	v9 =	vadd.f32 v24, v9;
	v16 =	vmul.f32 v22, v16;
	v22 =	vld [tilespmem:s29+$0xCB20];
	v18 =	vmul.f32 v28, v15  }
0x2f2: {  	v4 =	vadd.f32 v33, v4;
	v31 =	vadd.f32 v51, v31;
	v51 =	vmul.f32 v57, v15;
	v57 =	vld [tilespmem:s29+$0xCAB0]  }
0x2f3: {  	v29 =	vadd.f32 v49, v29;
	v10 =	vadd.f32 v18, v10;
	v18 =	vld [tilespmem:s29+$0xC430];
	v28 =	vmul.f32 v30, v15;
	v25, _, _ =	vpop (xrf2)  }
0x2f4: {  	v16 =	vadd.f32 v16, v13;
	v49 =	vld [tilespmem:s29+$0xC4B0];
	v1 =	vmul.f32 v1, v15;
	v25 =	vbroadcast v25, $0xF  }
0x2f5: {  	v30 =	vmul.f32 v48, v15;
	v11 =	vadd.f32 v28, v11;
	v28 =	vmul.f32 v52, v15;
	v52 =	vld [tilespmem:s29+$0xC630]  }
0x2f6: {  	v1 =	vadd.f32 v1, v27;
	v27 =	vmul.f32 v59, v15;
	v13 =	vsel vm0, v25, v19;
	v25 =	vld [tilespmem:s29+$0xC3B0]  }
0x2f7: {  	v47 =	vld [tilespmem:s29+$0xCC20];
	v33 =	vimm.f32 $0.0e+00;
	v48 =	vmul.f32 v50, v15;
	v22 =	vmul.f32 v22, v15  }
0x2f8: {  	v61 =	vld [tilespmem:s29+$0xCA20];
	v20 =	vadd.f32 v30, v20;
	v7 =	vadd.f32 v27, v7;
	v18 =	vmul.f32 v18, v14  }
0x2f9: {  	v56 =	vld [tilespmem:s29+$0xC8B0];
	v27 =	vmul.f32 v63, v15;
	v5 =	vadd.f32 v22, v5;
	v22 =	vmul.f32 v49, v14  }
0x2fa: {  	v58 =	vmul.f32 v57, v14;
	v26 =	vadd.f32 v48, v26;
	v3 =	vadd.f32 v18, v3;
	v18 =	vld [tilespmem:s29+$0xC930]  }
0x2fb: {  	v24 =	vld [tilespmem:s29+$0xCCA0];
	v21 =	vadd.f32 v22, v21;
	v22 =	vmul.f32 v52, v14;
	v25 =	vmul.f32 v25, v14  }
0x2fc: {  	v50 =	vld [tilespmem:s29+$0xC530];
	v17, _, _ =	vpop (xrf2);
	v23 =	vadd.f32 v28, v23;
	v28 =	vmul.f32 v55, v15;
	v55 =	vmul.f32 v47, v15  }
0x2fd: {  	v17 =	vbroadcast v17, $0xF;
	v11 =	vadd.f32 v22, v11;
	v22 =	vld [tilespmem:s29+$0xCBB0];
	v9 =	vadd.f32 v25, v9  }
0x2fe: {  	v30 =	vld [tilespmem:s29+$0xC5B0];
	v6 =	vadd.f32 v27, v6;
	vm0 =	vmmov vm0;
	v28 =	vadd.f32 v28, v29  }
0x2ff: {  	v53 =	vld [tilespmem:s29+$0xC6B0];
	v29 =	vadd.f32 v51, v31;
	v31 =	vmul.f32 v61, v15;
	v18 =	vmul.f32 v18, v14;
	(xrf2) =	vadd.scan.msk.f32 $0xffff, v9  }
0x300: {  	v54 =	vld [tilespmem:s29+$0xC730];
	v15 =	vmul.f32 v24, v15;
	v12 =	vadd.f32 v55, v12;
	v41 =	vadd.f32 v58, v6  }
0x301: {  	v17 =	vsel vm0, v17, v19;
	v8 =	vadd.f32 v31, v8;
	v25 =	vld [tilespmem:s29+$0xC7B0];
	v46 =	vadd.f32 v18, v29  }
0x302: {  	v29 =	vimm.f32 $0.0e+00;
	v60 =	vmul.f32 v22, v14;
	v9 =	vmul.f32 v56, v14;
	(xrf2) =	vadd.scan.msk.f32 $0xffff, v3  }
0x303: {  	v31 =	vld [tilespmem:s29+$0xC830];
	v3 =	vadd.f32 v15, v16;
	v15 =	vmul.f32 v50, v14;
	v16 =	vmul.f32 v30, v14  }
0x304: {  	v24 =	vld [tilespmem:s29+$0xC9B0];
	v30 =	vmul.f32 v53, v14;
	v39 =	vadd.f32 v60, v4;
	v48 =	vadd.f32 v9, v28  }
0x305: {  	v27 =	vld [tilespmem:s29+$0xCA30];
	v22 =	vimm.f32 $0.0e+00;
	v2 =	vadd.f32 v15, v2;
	v10 =	vadd.f32 v16, v10  }
0x306: {  	(xrf2) =	vadd.scan.msk.f32 $0xffff, v21;
	v15 =	vmul.f32 v54, v14;
	v16 =	vld [tilespmem:s29+$0xCB30];
	v52 =	vadd.f32 v30, v20;
	v20 =	vmul.f32 v25, v14  }
0x307: {  	v28 =	vimm.f32 $0.0e+00;
	v21 =	vimm.f32 $0.0e+00;
	v25 =	vld [tilespmem:s29+$0xCC30];
	v30 =	vimm.f32 $0.0e+00  }
0x308: {  	v50 =	vadd.f32 v15, v26;
	v15 =	vmul.f32 v31, v14;
	v49 =	vadd.f32 v20, v23;
	v23 =	vld [tilespmem:s29+$0xCCB0]  }
0x309: {  	s14 =	simm.s32 $0xC30;
	v20 =	vmul.f32 v24, v14;
	v31 =	vimm.f32 $0.0e+00;
	v26 =	vimm.f32 $0.0e+00;
	v59, _, _ =	vpop (xrf2);
	(xrf2) =	vadd.scan.msk.f32 $0xffff, v2  }
0x30a: {  	v34 =	vld [tilespmem:s14+$0xFFFFFFD0];
	v24 =	vimm.f32 $0.0e+00;
	v45 =	vadd.f32 v15, v1;
	v1 =	vmul.f32 v27, v14  }
0x30b: {  	s13 =	simm.s32 $0x1C30;
	v35 =	vld [tilespmem:s14+$0xFFFFFFE0];
	v44 =	vadd.f32 v20, v7;
	v27 =	vimm.f32 $0.0e+00;
	v20 =	vimm.f32 $0.0e+00  }
0x30c: {  	v51 =	vld [tilespmem:s13+$0x0];
	v15 =	vimm.f32 $0.0e+00;
	v43 =	vadd.f32 v1, v8;
	v1 =	vmul.f32 v16, v14;
	v62, _, _ =	vpop (xrf2);
	(xrf2) =	vadd.scan.msk.f32 $0xffff, v10  }
0x30d: {  	v55 =	vld [tilespmem:s13+$0xFFFFFFE0];
	v61 =	vmul.f32 v25, v14;
	v25 =	vimm.f32 $0.0e+00;
	v63 =	vmul.f32 v23, v14  }
0x30e: {  	s12 =	simm.s32 $0xA00;
	v54 =	vld [tilespmem:s13+$0xFFFFFFD0];
	v9 =	vbroadcast v59, $0xF;
	v40 =	vadd.f32 v1, v5;
	v1 =	vbroadcast v62, $0xF  }
0x30f: {  	v56 =	vld [tilespmem:s12+$0xCD00];
	v38 =	vadd.f32 v61, v12;
	v23 =	vimm.f32 $0.0e+00;
	v14 =	vimm.f32 $0.0e+00;
	(xrf2) =	vadd.scan.msk.f32 $0xffff, v11  }
0x310: {  	s15 =	simm.s32 $0x5000;
	v53 =	vld [tilespmem:s13+$0xFFFFFFF0];
	v37 =	vadd.f32 v63, v3;
	v42, _, _ =	vpop (xrf2);
	v18 =	vsel vm0, v9, v19;
	v16 =	vsel vm0, v1, v19  }
.LBB2_7:
0x311: {  	p0 =	sne.s32 s15, $0x25800;
	v1 =	vld [tilespmem:s12+$0xCD10];
	v5 =	vbroadcast v42, $0xF  }
0x312: {  	v42 =	vld [tilespmem:s14+$0xFFFFFFF0];
	(xrf2) =	vadd.scan.msk.f32 $0xffff, v52  }
0x313: {  	v3 =	vmul.f32 v54, v34;
	v4 =	vld [tilespmem:s12+$0xCD20];
	v19 =	vsel vm0, v5, v19;
	v2, _, _ =	vpop (xrf2)  }
0x314: {  	v36 =	vld [tilespmem:s14+$0x0];
	v5 =	vmul.f32 v55, v35;
	v2 =	vbroadcast v2, $0xF  }
0x315: {  	v6 =	vld [tilespmem:s12+$0xCD30];
	(xrf2) =	vadd.scan.msk.f32 $0xffff, v50  }
0x316: {  	v7 =	vmul.f32 v56, v34;
	v3 =	vadd.f32 v5, v3;
	v5 =	vld [tilespmem:s12+$0xC380];
	v1 =	vmul.f32 v1, v35;
	v8, _, _ =	vpop (xrf2)  }
0x317: {  	v32 =	vsel vm0, v2, v32;
	v9 =	vmul.f32 v53, v42;
	v10 =	vld [tilespmem:s12+$0xC390];
	v11 =	vbroadcast v8, $0xF  }
0x318: {  	v8 =	vld [tilespmem:s12+$0xC400];
	v1 =	vadd.f32 v1, v7;
	v4 =	vmul.f32 v4, v42;
	(xrf2) =	vadd.scan.msk.f32 $0xffff, v49  }
0x319: {  	v3 =	vadd.f32 v9, v3;
	v7 =	vmul.f32 v51, v36;
	v9 =	vld [tilespmem:s12+$0xC410];
	v33 =	vsel vm0, v11, v33;
	v2, _, _ =	vpop (xrf2)  }
0x31a: {  	v11 =	vld [tilespmem:s12+$0xC480];
	v1 =	vadd.f32 v4, v1;
	v4 =	vmul.f32 v6, v36;
	v12 =	vbroadcast v2, $0xF  }
0x31b: {  	v49 =	vadd.f32 v7, v3;
	v3 =	vmul.f32 v5, v34;
	v5 =	vld [tilespmem:s12+$0xC490];
	(xrf2) =	vadd.scan.msk.f32 $0xffff, v45  }
0x31c: {  	v6 =	vmul.f32 v10, v35;
	v7 =	vld [tilespmem:s12+$0xC500];
	v1 =	vadd.f32 v4, v1;
	v31 =	vsel vm0, v12, v31;
	v2, _, _ =	vpop (xrf2)  }
0x31d: {  	v4 =	vmul.f32 v8, v34;
	v8 =	vld [tilespmem:s12+$0xC510];
	v10 =	vbroadcast v2, $0xF  }
0x31e: {  	v45 =	vadd.f32 v6, v3;
	v3 =	vmul.f32 v9, v35;
	v6 =	vld [tilespmem:s12+$0xC580];
	(xrf2) =	vadd.scan.msk.f32 $0xffff, v1  }
0x31f: {  	v1 =	vmul.f32 v11, v34;
	v9 =	vld [tilespmem:s12+$0xC590];
	v30 =	vsel vm0, v10, v30;
	v2, _, _ =	vpop (xrf2)  }
0x320: {  	v47 =	vadd.f32 v3, v4;
	v3 =	vmul.f32 v5, v35;
	v4 =	vld [tilespmem:s12+$0xC600];
	v10 =	vbroadcast v2, $0xF  }
0x321: {  	v5 =	vmul.f32 v7, v34;
	v7 =	vld [tilespmem:s12+$0xC610];
	(xrf2) =	vadd.scan.msk.f32 $0xffff, v48  }
0x322: {  	v48 =	vadd.f32 v3, v1;
	v1 =	vmul.f32 v8, v35;
	v3 =	vld [tilespmem:s12+$0xC680];
	v29 =	vsel vm0, v10, v29;
	v2, _, _ =	vpop (xrf2)  }
0x323: {  	v6 =	vmul.f32 v6, v34;
	v8 =	vld [tilespmem:s12+$0xC690];
	v10 =	vbroadcast v2, $0xF  }
0x324: {  	v50 =	vadd.f32 v1, v5;
	v1 =	vmul.f32 v9, v35;
	v5 =	vld [tilespmem:s12+$0xC700];
	(xrf2) =	vadd.scan.msk.f32 $0xffff, v46  }
0x325: {  	v4 =	vmul.f32 v4, v34;
	v9 =	vld [tilespmem:s12+$0xC710];
	v28 =	vsel vm0, v10, v28;
	v2, _, _ =	vpop (xrf2)  }
0x326: {  	v46 =	vadd.f32 v1, v6;
	v1 =	vmul.f32 v7, v35;
	v6 =	vld [tilespmem:s12+$0xC780];
	v2 =	vbroadcast v2, $0xF  }
0x327: {  	v3 =	vmul.f32 v3, v34;
	v7 =	vld [tilespmem:s12+$0xC790];
	(xrf2) =	vadd.scan.msk.f32 $0xffff, v44  }
0x328: {  	s2 =	sadd.s32 $0x1, s2;
	v44 =	vadd.f32 v1, v4;
	v1 =	vmul.f32 v8, v35;
	v4 =	vld [tilespmem:s12+$0xC800];
	v8, _, _ =	vpop (xrf2);
	v27 =	vsel vm0, v2, v27  }
0x329: {  	v2 =	vmov s2;
	v5 =	vmul.f32 v5, v34;
	v10 =	vld [tilespmem:s12+$0xC810];
	v11 =	vbroadcast v8, $0xF  }
0x32a: {  	vm1 =	veq.s32 v2, v0;
	v51 =	vadd.f32 v1, v3;
	v1 =	vmul.f32 v9, v35;
	v2 =	vld [tilespmem:s12+$0xC880];
	(xrf2) =	vadd.scan.msk.f32 $0xffff, v43  }
0x32b: {  	v3 =	vmul.f32 v6, v34;
	v6 =	vld [tilespmem:s12+$0xC890];
	v13 =	vsel vm1, v11, v13;
	v8, _, _ =	vpop (xrf2)  }
0x32c: {  	v43 =	vadd.f32 v1, v5;
	v1 =	vmul.f32 v7, v35;
	v5 =	vld [tilespmem:s12+$0xC900];
	v9 =	vbroadcast v8, $0xF  }
0x32d: {  	v4 =	vmul.f32 v4, v34;
	v8 =	vld [tilespmem:s12+$0xC910];
	(xrf2) =	vadd.scan.msk.f32 $0xffff, v41  }
0x32e: {  	v41 =	vadd.f32 v1, v3;
	v1 =	vmul.f32 v10, v35;
	v3 =	vld [tilespmem:s12+$0xC980];
	v26 =	vsel vm0, v9, v26;
	v7, _, _ =	vpop (xrf2)  }
0x32f: {  	v2 =	vmul.f32 v2, v34;
	v9 =	vld [tilespmem:s12+$0xC990];
	v10 =	vbroadcast v7, $0xF  }
0x330: {  	v52 =	vadd.f32 v1, v4;
	v1 =	vmul.f32 v6, v35;
	v4 =	vld [tilespmem:s12+$0xCA00];
	(xrf2) =	vadd.scan.msk.f32 $0xffff, v40  }
0x331: {  	v5 =	vmul.f32 v5, v34;
	v6 =	vld [tilespmem:s12+$0xCA10];
	v25 =	vsel vm0, v10, v25;
	v7, _, _ =	vpop (xrf2)  }
0x332: {  	v1 =	vadd.f32 v1, v2;
	v2 =	vmul.f32 v8, v35;
	v8 =	vld [tilespmem:s12+$0xCA80];
	v11 =	vbroadcast v7, $0xF  }
0x333: {  	v3 =	vmul.f32 v3, v34;
	v10 =	vld [tilespmem:s12+$0xCA90];
	(xrf2) =	vadd.scan.msk.f32 $0xffff, v39  }
0x334: {  	v2 =	vadd.f32 v2, v5;
	v5 =	vmul.f32 v9, v35;
	v9 =	vld [tilespmem:s12+$0xCB00];
	v24 =	vsel vm0, v11, v24;
	v7, _, _ =	vpop (xrf2)  }
0x335: {  	v4 =	vmul.f32 v4, v34;
	v11 =	vld [tilespmem:s12+$0xCB10];
	v39 =	vbroadcast v7, $0xF  }
0x336: {  	v3 =	vadd.f32 v5, v3;
	v5 =	vmul.f32 v6, v35;
	v6 =	vld [tilespmem:s12+$0xCB80];
	(xrf2) =	vadd.scan.msk.f32 $0xffff, v38  }
0x337: {  	v8 =	vmul.f32 v8, v34;
	v12 =	vld [tilespmem:s12+$0xCB90];
	v23 =	vsel vm0, v39, v23;
	v7, _, _ =	vpop (xrf2)  }
0x338: {  	v4 =	vadd.f32 v5, v4;
	v5 =	vmul.f32 v10, v35;
	v10 =	vld [tilespmem:s12+$0xCC00];
	v39 =	vbroadcast v7, $0xF  }
0x339: {  	v9 =	vmul.f32 v9, v34;
	v38 =	vld [tilespmem:s12+$0xCC10];
	(xrf2) =	vadd.scan.msk.f32 $0xffff, v37  }
0x33a: {  	v5 =	vadd.f32 v5, v8;
	v8 =	vmul.f32 v11, v35;
	v11 =	vld [tilespmem:s12+$0xCC80];
	v22 =	vsel vm0, v39, v22;
	v7, _, _ =	vpop (xrf2)  }
0x33b: {  	v6 =	vmul.f32 v6, v34;
	v37 =	vld [tilespmem:s12+$0xCC90];
	v40 =	vbroadcast v7, $0xF  }
0x33c: {  	v39 =	vld [tilespmem:s12+$0xC3A0];
	v8 =	vadd.f32 v8, v9;
	v9 =	vmul.f32 v12, v35;
	(xrf2) =	vadd.scan.msk.f32 $0xffff, v49  }
0x33d: {  	v12 =	vld [tilespmem:s12+$0xC420];
	v10 =	vmul.f32 v10, v34;
	v21 =	vsel vm0, v40, v21;
	v7, _, _ =	vpop (xrf2)  }
0x33e: {  	v40 =	vld [tilespmem:s12+$0xC4A0];
	v6 =	vadd.f32 v9, v6;
	v9 =	vmul.f32 v38, v35;
	v49 =	vbroadcast v7, $0xF  }
0x33f: {  	v38 =	vld [tilespmem:s12+$0xC520];
	v11 =	vmul.f32 v11, v34  }
0x340: {  	v34 =	vld [tilespmem:s12+$0xC5A0];
	v9 =	vadd.f32 v9, v10;
	v10 =	vmul.f32 v37, v35;
	v20 =	vsel vm0, v49, v20;
	v7, _, _ =	vpop (xrf2)  }
0x341: {  	v35 =	vmul.f32 v39, v42;
	v37 =	vld [tilespmem:s12+$0xC620];
	v49 =	vbroadcast v7, $0xF  }
0x342: {  	v12 =	vmul.f32 v12, v42;
	v39 =	vld [tilespmem:s12+$0xC6A0];
	v10 =	vadd.f32 v10, v11  }
0x343: {  	v11 =	vadd.f32 v35, v45;
	v35 =	vmul.f32 v40, v42;
	v40 =	vld [tilespmem:s12+$0xC720];
	v15 =	vsel vm0, v49, v15;
	v7, _, _ =	vpop (xrf2)  }
0x344: {  	v12 =	vadd.f32 v12, v47;
	v38 =	vmul.f32 v38, v42;
	v45 =	vld [tilespmem:s12+$0xC7A0];
	v7 =	vbroadcast v7, $0xF  }
0x345: {  	v35 =	vadd.f32 v35, v48;
	v34 =	vmul.f32 v34, v42;
	v47 =	vld [tilespmem:s12+$0xC820]  }
0x346: {  	v38 =	vadd.f32 v38, v50;
	v37 =	vmul.f32 v37, v42;
	v48 =	vld [tilespmem:s12+$0xC8A0];
	v49, _, _ =	vpop (xrf2);
	v14 =	vsel vm0, v7, v14  }
0x347: {  	v7 =	vbroadcast v49, $0xF;
	v34 =	vadd.f32 v34, v46;
	v39 =	vmul.f32 v39, v42;
	v46 =	vld [tilespmem:s12+$0xC920]  }
0x348: {  	vm0 =	vmmov vm1;
	v37 =	vadd.f32 v37, v44;
	v40 =	vmul.f32 v40, v42;
	v44 =	vld [tilespmem:s12+$0xC9A0]  }
0x349: {  	v17 =	vsel vm0, v7, v17;
	v7 =	vadd.f32 v39, v51;
	v39 =	vmul.f32 v45, v42;
	v45 =	vld [tilespmem:s12+$0xCA20]  }
0x34a: {  	v40 =	vadd.f32 v40, v43;
	v43 =	vmul.f32 v47, v42;
	v47 =	vld [tilespmem:s12+$0xCAA0]  }
0x34b: {  	v39 =	vadd.f32 v39, v41;
	v41 =	vmul.f32 v48, v42;
	v48 =	vld [tilespmem:s12+$0xCB20]  }
0x34c: {  	v43 =	vadd.f32 v43, v52;
	v46 =	vmul.f32 v46, v42;
	v49 =	vld [tilespmem:s12+$0xCBA0]  }
0x34d: {  	v1 =	vadd.f32 v41, v1;
	v41 =	vmul.f32 v44, v42;
	v44 =	vld [tilespmem:s12+$0xCC20]  }
0x34e: {  	v2 =	vadd.f32 v46, v2;
	v45 =	vmul.f32 v45, v42;
	v46 =	vld [tilespmem:s12+$0xCCA0]  }
0x34f: {  	v50 =	vld [tilespmem:s12+$0xC3B0];
	v3 =	vadd.f32 v41, v3;
	v41 =	vmul.f32 v47, v42  }
0x350: {  	v47 =	vld [tilespmem:s12+$0xC430];
	v4 =	vadd.f32 v45, v4;
	v45 =	vmul.f32 v48, v42  }
0x351: {  	v48 =	vld [tilespmem:s12+$0xC4B0];
	v5 =	vadd.f32 v41, v5;
	v41 =	vmul.f32 v49, v42  }
0x352: {  	v49 =	vld [tilespmem:s12+$0xC530];
	v8 =	vadd.f32 v45, v8;
	v44 =	vmul.f32 v44, v42  }
0x353: {  	v45 =	vld [tilespmem:s12+$0xC5B0];
	v6 =	vadd.f32 v41, v6;
	v41 =	vmul.f32 v46, v42  }
0x354: {  	v42 =	vmul.f32 v50, v36;
	v46 =	vld [tilespmem:s12+$0xC630];
	v9 =	vadd.f32 v44, v9  }
0x355: {  	v44 =	vmul.f32 v47, v36;
	v47 =	vld [tilespmem:s12+$0xC6B0];
	v10 =	vadd.f32 v41, v10  }
0x356: {  	v11 =	vadd.f32 v42, v11;
	v41 =	vmul.f32 v48, v36;
	v42 =	vld [tilespmem:s12+$0xC730]  }
0x357: {  	v12 =	vadd.f32 v44, v12;
	v44 =	vmul.f32 v49, v36;
	v48 =	vld [tilespmem:s12+$0xC7B0]  }
0x358: {  	v35 =	vadd.f32 v41, v35;
	v41 =	vmul.f32 v45, v36;
	v45 =	vld [tilespmem:s12+$0xC830];
	(xrf2) =	vadd.scan.msk.f32 $0xffff, v11  }
0x359: {  	v11 =	vadd.f32 v44, v38;
	v38 =	vmul.f32 v46, v36;
	v44 =	vld [tilespmem:s12+$0xC8B0]  }
0x35a: {  	v34 =	vadd.f32 v41, v34;
	v41 =	vmul.f32 v47, v36;
	v46 =	vld [tilespmem:s12+$0xC930]  }
0x35b: {  	v37 =	vadd.f32 v38, v37;
	v38 =	vmul.f32 v42, v36;
	v42 =	vld [tilespmem:s12+$0xC9B0];
	(xrf2) =	vadd.scan.msk.f32 $0xffff, v12  }
0x35c: {  	v52 =	vadd.f32 v41, v7;
	v7 =	vmul.f32 v48, v36;
	v12 =	vld [tilespmem:s12+$0xCA30]  }
0x35d: {  	v50 =	vadd.f32 v38, v40;
	v38 =	vmul.f32 v45, v36;
	v40 =	vld [tilespmem:s12+$0xCAB0]  }
0x35e: {  	v49 =	vadd.f32 v7, v39;
	v7 =	vmul.f32 v44, v36;
	v39 =	vld [tilespmem:s12+$0xCB30];
	(xrf2) =	vadd.scan.msk.f32 $0xffff, v35  }
0x35f: {  	v45 =	vadd.f32 v38, v43;
	v35 =	vmul.f32 v46, v36;
	v38 =	vld [tilespmem:s12+$0xCBB0]  }
0x360: {  	v48 =	vadd.f32 v7, v1;
	v1 =	vmul.f32 v42, v36;
	v7 =	vld [tilespmem:s12+$0xCC30]  }
0x361: {  	s13 =	sadd.s32 $0x80, s13;
	v46 =	vadd.f32 v35, v2;
	v2 =	vmul.f32 v12, v36;
	v12 =	vld [tilespmem:s12+$0xCCB0];
	(xrf2) =	vadd.scan.msk.f32 $0xffff, v11  }
0x362: {  	v51 =	vld [tilespmem:s13+$0x0];
	v44 =	vadd.f32 v1, v3;
	v1 =	vmul.f32 v40, v36;
	v3, _, _ =	vpop (xrf2)  }
0x363: {  	v53 =	vld [tilespmem:s13+$0xFFFFFFF0];
	v11 =	vbroadcast v3, $0xF;
	v43 =	vadd.f32 v2, v4;
	v2 =	vmul.f32 v39, v36  }
.Ltmp2:
0x364: {  	v54 =	vld [tilespmem:s13+$0xFFFFFFD0];
	v41 =	vadd.f32 v1, v5;
	v1 =	vmul.f32 v38, v36;
	(xrf2) =	vadd.scan.msk.f32 $0xffff, v34;
	(pc) =	sbr.rel @p0 .LBB2_7-.Ltmp2, $4  }
0x365: {  	s14 =	sadd.s32 $0x80, s14;
	v55 =	vld [tilespmem:s13+$0xFFFFFFE0];
	v18 =	vsel vm0, v11, v18;
	v40 =	vadd.f32 v2, v8;
	v2 =	vmul.f32 v7, v36;
	v3, _, _ =	vpop (xrf2)  }
0x366: {  	v34 =	vld [tilespmem:s14+$0xFFFFFFD0];
	v3 =	vbroadcast v3, $0xF;
	v39 =	vadd.f32 v1, v6;
	v1 =	vmul.f32 v12, v36  }
0x367: {  	s12 =	sshra.s32 s15, $0x2;
	v35 =	vld [tilespmem:s14+$0xFFFFFFE0];
	v38 =	vadd.f32 v2, v9;
	(xrf2) =	vadd.scan.msk.f32 $0xffff, v37  }
0x368: {  	s15 =	sadd.s32 $0x2800, s15;
	v56 =	vld [tilespmem:s12+$0xCD00];
	v16 =	vsel vm0, v3, v16;
	v37 =	vadd.f32 v1, v10;
	v42, _, _ =	vpop (xrf2)  }
0x369: {  	v1 =	vld [tilespmem:s12+$0xCD10]  }
0x36a: {  	v47 =	vld [tilespmem:s14+$0xFFFFFFF0]  }
0x36b: {  	v2 =	vld [tilespmem:s12+$0xCD20]  }
0x36c: {  	v36 =	vld [tilespmem:s14+$0x0]  }
0x36d: {  	v3 =	vld [tilespmem:s12+$0xCD30]  }
0x36e: {  	v4 =	vld [tilespmem:s12+$0xC380]  }
0x36f: {  	v5 =	vld [tilespmem:s12+$0xC390]  }
0x370: {  	v6 =	vld [tilespmem:s12+$0xC400]  }
0x371: {  	v7 =	vld [tilespmem:s12+$0xC410]  }
0x372: {  	v8 =	vld [tilespmem:s12+$0xC480]  }
0x373: {  	v9 =	vld [tilespmem:s12+$0xC490]  }
0x374: {  	v10 =	vld [tilespmem:s12+$0xC500]  }
0x375: {  	v11 =	vld [tilespmem:s12+$0xC510]  }
0x376: {  	v12 =	vld [tilespmem:s12+$0xC580]  }
0x377: {  	v57 =	vld [tilespmem:s12+$0xC590]  }
0x378: {  	v58 =	vld [tilespmem:s12+$0xC600]  }
0x379: {  	v59 =	vld [tilespmem:s12+$0xC610]  }
0x37a: {  	v60 =	vld [tilespmem:s12+$0xC680]  }
0x37b: {  	v61 =	vld [tilespmem:s12+$0xC690]  }
0x37c: {  	(xrf2) =	vadd.scan.msk.f32 $0xffff, v52;
	v52 =	vld [tilespmem:s12+$0xC780]  }
0x37d: {  	v62 =	vld [tilespmem:s12+$0xC700]  }
0x37e: {  	v63 =	vld [tilespmem:s12+$0xC710];
	v42 =	vbroadcast v42, $0xF;
	(xrf2) =	vadd.scan.msk.f32 $0xffff, v50  }
0x37f: {  	v54 =	vmul.f32 v54, v34;
	(xrf2) =	vadd.scan.msk.f32 $0xffff, v49;
	v49 =	vld [tilespmem:s12+$0xC880];
	v50 =	vmul.f32 v56, v34  }
0x380: {  	v19 =	vsel vm0, v42, v19;
	v42 =	vld [tilespmem:s12+$0xC980];
	v1 =	vmul.f32 v1, v35;
	v2 =	vmul.f32 v2, v47  }
0x381: {  	v55 =	vmul.f32 v55, v35;
	[tilespmem:$0x1FEA0] =	vst v52;
	v52 =	vld [tilespmem:s12+$0xC790]  }
0x382: {  	v56 =	vld [tilespmem:s12+$0xC810];
	v3 =	vmul.f32 v3, v36;
	v1 =	vadd.f32 v1, v50  }
0x383: {  	(xrf2) =	vadd.scan.msk.f32 $0xffff, v45;
	v45 =	vmul.f32 v53, v47;
	v53 =	vld [tilespmem:s12+$0xC900];
	v50 =	vadd.f32 v55, v54;
	v54, _, _ =	vpop (xrf2)  }
0x384: {  	v51 =	vmul.f32 v51, v36;
	v4 =	vmul.f32 v4, v34;
	v55 =	vld [tilespmem:s12+$0xC890];
	v1 =	vadd.f32 v2, v1;
	v2, _, _ =	vpop (xrf2)  }
0x385: {  	[tilespmem:$0x1FED0] =	vst v19;
	v19 =	vbroadcast v54, $0xF;
	v54 =	vld [tilespmem:s12+$0xC910];
	v2 =	vbroadcast v2, $0xF  }
0x386: {  	v5 =	vmul.f32 v5, v35;
	v50 =	vadd.f32 v45, v50;
	[tilespmem:$0x1FEB0] =	vst v52;
	v52 =	vld [tilespmem:s12+$0xC800];
	v1 =	vadd.f32 v3, v1;
	v3, _, _ =	vpop (xrf2)  }
0x387: {  	v45 =	vsel vm0, v19, v32;
	v32 =	vsel vm0, v2, v33;
	v2 =	vbroadcast v3, $0xF;
	v3 =	vld [tilespmem:s12+$0xC990]  }
0x388: {  	v59 =	vmul.f32 v59, v35;
	v33 =	vadd.f32 v5, v4;
	v5 =	vmul.f32 v8, v34;
	v8 =	vld [tilespmem:s12+$0xCA80]  }
0x389: {  	v49 =	vmul.f32 v49, v34;
	v50 =	vadd.f32 v51, v50;
	v4 =	vmul.f32 v10, v34;
	(xrf2) =	vadd.scan.msk.f32 $0xffff, v1;
	v1 =	vld [tilespmem:s12+$0xCA00]  }
0x38a: {  	v51, _, _ =	vpop (xrf2);
	v10 =	vmul.f32 v11, v35;
	v31 =	vsel vm0, v2, v31;
	v2 =	vmul.f32 v6, v34;
	(xrf2) =	vadd.scan.msk.f32 $0xffff, v48;
	v48 =	vld [tilespmem:s12+$0xCA10]  }
0x38b: {  	v19, _, _ =	vpop (xrf2);
	v6 =	vbroadcast v51, $0xF;
	v51 =	vmul.f32 v9, v35;
	v9 =	vld [tilespmem:s12+$0xCA90]  }
0x38c: {  	[tilespmem:$0x1FEC0] =	vst v52;
	v52 =	vmul.f32 v7, v35;
	v7 =	vbroadcast v19, $0xF;
	(xrf2) =	vadd.scan.msk.f32 $0xffff, v46;
	v46 =	vld [tilespmem:s12+$0xCB00]  }
0x38d: {  	v30 =	vsel vm0, v6, v30;
	v5 =	vadd.f32 v51, v5;
	v6 =	vmul.f32 v12, v34;
	v12 =	vld [tilespmem:s12+$0xCB10]  }
0x38e: {  	(xrf2) =	vadd.scan.msk.f32 $0xffff, v44;
	v51 =	vld [tilespmem:s12+$0xCB80];
	v29 =	vsel vm0, v7, v29;
	v7 =	vmul.f32 v57, v35;
	v57 =	vmul.f32 v58, v34  }
0x38f: {  	v42 =	vmul.f32 v42, v34;
	v56 =	vmul.f32 v56, v35;
	(xrf2) =	vadd.scan.msk.f32 $0xffff, v43;
	v43 =	vld [tilespmem:s12+$0xCB90]  }
0x390: {  	v4 =	vadd.f32 v10, v4;
	v10 =	vadd.f32 v59, v57;
	v59 =	vmul.f32 v62, v34;
	v62 =	vld [tilespmem:$0x1FEA0]  }
0x391: {  	v2 =	vadd.f32 v52, v2;
	v8 =	vmul.f32 v8, v34;
	v57 =	vmul.f32 v61, v35;
	v61 =	vld [tilespmem:$0x1FEB0]  }
0x392: {  	v52, _, _ =	vpop (xrf2);
	v6 =	vadd.f32 v7, v6;
	v7 =	vmul.f32 v60, v34;
	v60 =	vmul.f32 v63, v35;
	v63 =	vld [tilespmem:$0x1FEC0]  }
0x393: {  	v9 =	vmul.f32 v9, v35;
	v11 =	vbroadcast v52, $0xF;
	v58, _, _ =	vpop (xrf2);
	(xrf2) =	vadd.scan.msk.f32 $0xffff, v41;
	v41 =	vld [tilespmem:s12+$0xCC80]  }
0x394: {  	v46 =	vmul.f32 v46, v34;
	v44 =	vbroadcast v58, $0xF;
	(xrf2) =	vadd.scan.msk.f32 $0xffff, v40;
	v40 =	vld [tilespmem:s12+$0xC3A0]  }
0x395: {  	s2 =	sadd.s32 $0x1, s2;
	v8 =	vadd.f32 v9, v8;
	v9 =	vmul.f32 v12, v35;
	v28 =	vsel vm0, v11, v28;
	v11 =	vld [tilespmem:s12+$0xCC00]  }
0x396: {  	v52 =	vmov s2;
	v7 =	vadd.f32 v57, v7;
	v27 =	vsel vm0, v44, v27;
	v44 =	vld [tilespmem:s12+$0xCC10];
	v19, _, _ =	vpop (xrf2)  }
0x397: {  	v57 =	vadd.f32 v60, v59;
	v9 =	vadd.f32 v9, v46;
	v46 =	vld [tilespmem:s12+$0xCA20];
	v58, _, _ =	vpop (xrf2);
	v59 =	vmul.f32 v63, v34  }
0x398: {  	vm1 =	veq.s32 v52, v0;
	v52 =	vmul.f32 v62, v34;
	v62 =	vld [tilespmem:s12+$0xCC90];
	v58 =	vbroadcast v58, $0xF  }
0x399: {  	v53 =	vmul.f32 v53, v34;
	v61 =	vmul.f32 v61, v35;
	v63 =	vld [tilespmem:s12+$0xC620];
	v60, _, _ =	vpop (xrf2)  }
0x39a: {  	v55 =	vmul.f32 v55, v35;
	(xrf2) =	vadd.scan.msk.f32 $0xffff, v39;
	v39 =	vld [tilespmem:s12+$0xC4A0];
	v26 =	vsel vm0, v58, v26;
	v58 =	vbroadcast v60, $0xF  }
0x39b: {  	v1 =	vmul.f32 v1, v34;
	v52 =	vadd.f32 v61, v52;
	v61 =	vld [tilespmem:s12+$0xC420];
	v56 =	vadd.f32 v56, v59;
	v59, _, _ =	vpop (xrf2)  }
0x39c: {  	v51 =	vmul.f32 v51, v34;
	v60 =	vld [tilespmem:s12+$0xC520];
	v25 =	vsel vm0, v58, v25;
	v58 =	vbroadcast v59, $0xF  }
0x39d: {  	v11 =	vmul.f32 v11, v34;
	v34 =	vmul.f32 v41, v34;
	v41 =	vld [tilespmem:s12+$0xCAA0]  }
0x39e: {  	(xrf2) =	vadd.scan.msk.f32 $0xffff, v38;
	v38 =	vld [tilespmem:s12+$0xC6A0];
	v24 =	vsel vm0, v58, v24;
	v58 =	vmul.f32 v48, v35  }
0x39f: {  	v54 =	vmul.f32 v54, v35;
	v59 =	vld [tilespmem:s12+$0xC5A0]  }
0x3a0: {  	v49 =	vadd.f32 v55, v49;
	v3 =	vmul.f32 v3, v35;
	v55, _, _ =	vpop (xrf2);
	v48 =	vld [tilespmem:s12+$0xC820]  }
0x3a1: {  	v53 =	vadd.f32 v54, v53;
	v44 =	vmul.f32 v44, v35;
	(xrf2) =	vadd.scan.msk.f32 $0xffff, v37;
	v37 =	vld [tilespmem:s12+$0xC720];
	v54 =	vbroadcast v55, $0xF;
	v55, _, _ =	vpop (xrf2)  }
0x3a2: {  	v3 =	vadd.f32 v3, v42;
	(xrf2) =	vadd.scan.msk.f32 $0xffff, v50;
	v50 =	vld [tilespmem:s12+$0xC7A0];
	v42 =	vbroadcast v55, $0xF;
	v1 =	vadd.f32 v58, v1;
	v58, _, _ =	vpop (xrf2)  }
0x3a3: {  	v11 =	vadd.f32 v44, v11;
	v44 =	vld [tilespmem:s12+$0xCB20];
	v12 =	vbroadcast v58, $0xF  }
0x3a4: {  	v40 =	vmul.f32 v40, v47;
	v55 =	vld [tilespmem:s12+$0xC9A0];
	v22 =	vsel vm0, v42, v22;
	v42 =	vmul.f32 v43, v35  }
0x3a5: {  	v23 =	vsel vm0, v54, v23;
	v54 =	vld [tilespmem:s12+$0xC8A0];
	v58, _, _ =	vpop (xrf2);
	v48 =	vmul.f32 v48, v47;
	v21 =	vsel vm0, v12, v21  }
0x3a6: {  	v43 =	vld [tilespmem:s12+$0xC920];
	v12 =	vadd.f32 v42, v51;
	v51 =	vbroadcast v58, $0xF;
	v58 =	vmul.f32 v62, v35  }
0x3a7: {  	v42 =	vmul.f32 v61, v47;
	v61 =	vmul.f32 v60, v47;
	v60 =	vld [tilespmem:s12+$0xCCA0]  }
0x3a8: {  	vm2 =	vmmov vm1;
	v35 =	vmul.f32 v63, v47;
	v63 =	vmul.f32 v50, v47;
	v50 =	vld [tilespmem:s12+$0xC4B0]  }
0x3a9: {  	v62 =	vmul.f32 v39, v47;
	v48 =	vadd.f32 v48, v56;
	v56 =	vmul.f32 v46, v47;
	v46 =	vld [tilespmem:s12+$0xC6B0]  }
0x3aa: {  	v34 =	vadd.f32 v58, v34;
	v58 =	vld [tilespmem:s12+$0xCBA0];
	v2 =	vadd.f32 v42, v2;
	v42 =	vmul.f32 v59, v47  }
0x3ab: {  	v33 =	vadd.f32 v40, v33;
	v41 =	vmul.f32 v41, v47;
	v38 =	vmul.f32 v38, v47;
	v59 =	vld [tilespmem:s12+$0xCC20]  }
0x3ac: {  	v5 =	vadd.f32 v62, v5;
	v62 =	vmul.f32 v37, v47;
	v6 =	vadd.f32 v42, v6;
	v42 =	vld [tilespmem:s12+$0xC3B0]  }
0x3ad: {  	v20 =	vsel vm0, v51, v20;
	v4 =	vadd.f32 v61, v4;
	v10 =	vadd.f32 v35, v10;
	v37 =	vld [tilespmem:s12+$0xC430]  }
0x3ae: {  	v61 =	vmul.f32 v54, v47;
	v54 =	vld [tilespmem:s12+$0xC530];
	v51, _, _ =	vpop (xrf2);
	v35 =	vadd.f32 v62, v57;
	v62 =	vmul.f32 v43, v47  }
0x3af: {  	v7 =	vadd.f32 v38, v7;
	v52 =	vadd.f32 v63, v52;
	v63 =	vmul.f32 v55, v47;
	v55 =	vld [tilespmem:s12+$0xC630];
	v40, _, _ =	vpop (xrf2)  }
0x3b0: {  	v1 =	vadd.f32 v56, v1;
	v43 =	vld [tilespmem:s12+$0xC5B0];
	v39, _, _ =	vpop (xrf2);
	v53 =	vadd.f32 v62, v53;
	v62 =	vmul.f32 v50, v36  }
0x3b1: {  	v38 =	vadd.f32 v61, v49;
	v49 =	vld [tilespmem:s12+$0xC830];
	v39 =	vbroadcast v39, $0xF;
	v42 =	vmul.f32 v42, v36  }
0x3b2: {  	v3 =	vadd.f32 v63, v3;
	v57 =	vmul.f32 v37, v36;
	v37 =	vld [tilespmem:s12+$0xC7B0];
	v61 =	vmul.f32 v58, v47  }
0x3b3: {  	v63 =	vmul.f32 v59, v47;
	v56 =	vmul.f32 v54, v36;
	v33 =	vadd.f32 v42, v33;
	v42 =	vld [tilespmem:s12+$0xC730]  }
0x3b4: {  	v58 =	vmul.f32 v60, v47;
	v59 =	vld [tilespmem:s12+$0xC930];
	v5 =	vadd.f32 v62, v5;
	v2 =	vadd.f32 v57, v2  }
0x3b5: {  	v54 =	vld [tilespmem:s12+$0xCB30];
	v62 =	vmul.f32 v46, v36;
	v39 =	vsel vm2, v39, v17;
	v60 =	vmul.f32 v43, v36;
	(xrf2) =	vadd.scan.msk.f32 $0xffff, v33  }
0x3b6: {  	v57 =	vld [tilespmem:s12+$0xC8B0];
	v12 =	vadd.f32 v61, v12;
	v4 =	vadd.f32 v56, v4;
	v61 =	vmul.f32 v55, v36;
	(xrf2) =	vadd.scan.msk.f32 $0xffff, v2  }
0x3b7: {  	v11 =	vadd.f32 v63, v11;
	v17 =	vbroadcast v51, $0xF;
	v63 =	vld [tilespmem:s12+$0xCAB0];
	v6 =	vadd.f32 v60, v6;
	(xrf2) =	vadd.scan.msk.f32 $0xffff, v5  }
0x3b8: {  	v7 =	vadd.f32 v62, v7;
	v62 =	vld [tilespmem:s12+$0xCCB0];
	v10 =	vadd.f32 v61, v10;
	(xrf2) =	vadd.scan.msk.f32 $0xffff, v4;
	v51 =	vmul.f32 v42, v36  }
0x3b9: {  	v34 =	vadd.f32 v58, v34;
	v37 =	vmul.f32 v37, v36;
	v58 =	vmul.f32 v59, v36;
	v59 =	vld [tilespmem:s12+$0xCC30];
	(xrf2) =	vadd.scan.msk.f32 $0xffff, v6  }
0x3ba: {  	v44 =	vmul.f32 v44, v47;
	v2 =	vld [tilespmem:s12+$0xC9B0];
	v35 =	vadd.f32 v51, v35;
	(xrf2) =	vadd.scan.msk.f32 $0xffff, v10  }
0x3bb: {  	v8 =	vadd.f32 v41, v8;
	v55 =	vmul.f32 v49, v36;
	v37 =	vadd.f32 v37, v52;
	v5 =	vld [tilespmem:s12+$0xCA30];
	(xrf2) =	vadd.scan.msk.f32 $0xffff, v7  }
0x3bc: {  	v9 =	vadd.f32 v44, v9;
	v47 =	vmul.f32 v54, v36;
	v56 =	vmul.f32 v57, v36;
	v57 =	vld [tilespmem:s12+$0xCBB0];
	(xrf2) =	vadd.scan.msk.f32 $0xffff, v35  }
0x3bd: {  	v60 =	vadd.f32 v55, v48;
	v33 =	vbroadcast v40, $0xF;
	v61 =	vadd.f32 v58, v53;
	(xrf2) =	vadd.scan.msk.f32 $0xffff, v37;
	v37 =	vld [tilespmem:$0x1FFE0]  }
0x3be: {  	v49 =	vadd.f32 v47, v9;
	v54 =	vmul.f32 v62, v36;
	v4 =	vmul.f32 v63, v36  }
0x3bf: {  	v38 =	vadd.f32 v56, v38;
	v50 =	vmul.f32 v59, v36;
	v2 =	vmul.f32 v2, v36  }
0x3c0: {  	v58 =	vadd.f32 v54, v34;
	v4 =	vadd.f32 v4, v8;
	v5 =	vmul.f32 v5, v36  }
0x3c1: {  	v48 =	vmul.f32 v57, v36;
	v8 =	vadd.f32 v50, v11;
	v2 =	vadd.f32 v2, v3;
	(xrf2) =	vadd.scan.msk.f32 $0xffff, v60;
	v60 =	vld [tilespmem:$0x1FED0];
	v63, _, _ =	vpop (xrf2)  }
0x3c2: {  	v1 =	vadd.f32 v5, v1;
	v3 =	vbroadcast v63, $0xF;
	v51, _, _ =	vpop (xrf2);
	v53 =	vor.u32 $0x800, v37  }
0x3c3: {  	v5 =	vadd.f32 v48, v12;
	v9 =	vbroadcast v51, $0xF;
	v52, _, _ =	vpop (xrf2);
	v56 =	vor.u32 $0x801, v37  }
0x3c4: {  	(xrf2) =	vadd.scan.msk.f32 $0xffff, v38;
	v3 =	vsel vm2, v3, v18;
	v55, _, _ =	vpop (xrf2);
	v12 =	vbroadcast v52, $0xF;
	v57 =	vor.u32 $0x802, v37  }
0x3c5: {  	(xrf2) =	vadd.scan.msk.f32 $0xffff, v61;
	v59 =	vor.u32 $0x803, v37;
	v35 =	vor.u32 $0x807, v37;
	v11 =	vbroadcast v55, $0xF  }
0x3c6: {  	v9 =	vsel vm2, v9, v16;
	v61, _, _ =	vpop (xrf2);
	(xrf2) =	vadd.scan.msk.f32 $0xffff, v2;
	v2 =	vor.u32 $0x804, v37;
	v12 =	vsel vm2, v12, v60  }
0x3c7: {  	v34 =	vbroadcast v61, $0xF;
	v62, _, _ =	vpop (xrf2);
	(xrf2) =	vadd.scan.msk.f32 $0xffff, v1;
	v1 =	vor.u32 $0x805, v37;
	[tilespmem:v53+s4+$0x0] =	vst.idx.msk $0xffff, v39  }
0x3c8: {  	v63 =	vbroadcast v62, $0xF;
	(xrf2) =	vadd.scan.msk.f32 $0xffff, v4;
	[tilespmem:v56+s4+$0x0] =	vst.idx.msk $0xffff, v3;
	v3 =	vor.u32 $0x806, v37  }
0x3c9: {  	v11 =	vsel vm2, v11, v45;
	v34 =	vsel vm2, v34, v32;
	(xrf2) =	vadd.scan.msk.f32 $0xffff, v49;
	[tilespmem:v57+s4+$0x0] =	vst.idx.msk $0xffff, v9  }
0x3ca: {  	v38, _, _ =	vpop (xrf2);
	v36 =	vsel vm2, v63, v31;
	(xrf2) =	vadd.scan.msk.f32 $0xffff, v5;
	v39 =	vor.u32 $0x808, v37;
	[tilespmem:v59+s4+$0x0] =	vst.idx.msk $0xffff, v12  }
0x3cb: {  	v40, _, _ =	vpop (xrf2);
	(xrf2) =	vadd.scan.msk.f32 $0xffff, v8;
	v9 =	vbroadcast v38, $0xF;
	[tilespmem:v2+s4+$0x0] =	vst.idx.msk $0xffff, v11;
	v2 =	vor.u32 $0x809, v37  }
0x3cc: {  	v41 =	vbroadcast v40, $0xF;
	v42, _, _ =	vpop (xrf2);
	(xrf2) =	vadd.scan.msk.f32 $0xffff, v58;
	[tilespmem:v1+s4+$0x0] =	vst.idx.msk $0xffff, v34;
	v1 =	vor.u32 $0x80A, v37  }
0x3cd: {  	v43, _, _ =	vpop (xrf2);
	v10 =	vbroadcast v42, $0xF;
	v9 =	vsel vm2, v9, v30;
	[tilespmem:v3+s4+$0x0] =	vst.idx.msk $0xffff, v36;
	v3 =	vor.u32 $0x80B, v37  }
0x3ce: {  	v45 =	vor.u32 $0x80C, v37;
	v8 =	vsel vm2, v41, v29;
	v4 =	vbroadcast v43, $0xF;
	v44, _, _ =	vpop (xrf2);
	[tilespmem:v35+s4+$0x0] =	vst.idx.msk $0xffff, v9  }
0x3cf: {  	v47 =	vor.u32 $0x80D, v37;
	v10 =	vsel vm2, v10, v28;
	v46, _, _ =	vpop (xrf2);
	v7 =	vbroadcast v44, $0xF;
	[tilespmem:v39+s4+$0x0] =	vst.idx.msk $0xffff, v8  }
0x3d0: {  	v4 =	vsel vm2, v4, v27;
	v48, _, _ =	vpop (xrf2);
	v9 =	vbroadcast v46, $0xF;
	[tilespmem:v2+s4+$0x0] =	vst.idx.msk $0xffff, v10;
	v2 =	vor.u32 $0x80E, v37  }
0x3d1: {  	v49, _, _ =	vpop (xrf2);
	v7 =	vsel vm2, v7, v26;
	v8 =	vbroadcast v48, $0xF;
	[tilespmem:v1+s4+$0x0] =	vst.idx.msk $0xffff, v4;
	v1 =	vor.u32 $0x80F, v37  }
0x3d2: {  	v50, _, _ =	vpop (xrf2);
	v9 =	vsel vm2, v9, v25;
	v10 =	vbroadcast v49, $0xF;
	[tilespmem:v3+s4+$0x0] =	vst.idx.msk $0xffff, v7;
	v3 =	vor.u32 $0x810, v37  }
0x3d3: {  	v53 =	vor.u32 $0x811, v37;
	v52, _, _ =	vpop (xrf2);
	v51 =	vsel vm2, v8, v24;
	v4 =	vbroadcast v50, $0xF;
	[tilespmem:v45+s4+$0x0] =	vst.idx.msk $0xffff, v9  }
0x3d4: {  	v56 =	vor.u32 $0x812, v37;
	v8 =	vbroadcast v52, $0xF;
	v55, _, _ =	vpop (xrf2);
	v54 =	vsel vm2, v10, v23;
	[tilespmem:v47+s4+$0x0] =	vst.idx.msk $0xffff, v51  }
0x3d5: {  	v57 =	vbroadcast v55, $0xF;
	v58, _, _ =	vpop (xrf2);
	v4 =	vsel vm2, v4, v22;
	[tilespmem:v2+s4+$0x0] =	vst.idx.msk $0xffff, v54;
	v2 =	vor.u32 $0x813, v37  }
0x3d6: {  	v8 =	vsel vm2, v8, v21;
	v59 =	vbroadcast v58, $0xF;
	v60, _, _ =	vpop (xrf2);
	[tilespmem:v1+s4+$0x0] =	vst.idx.msk $0xffff, v4;
	v1 =	vor.u32 $0x814, v37  }
0x3d7: {  	v61 =	vsel vm0, v17, v15;
	v7 =	vsel vm2, v57, v20;
	v10 =	vbroadcast v60, $0xF;
	[tilespmem:v3+s4+$0x0] =	vst.idx.msk $0xffff, v8  }
0x3d8: {  	v62 =	vbroadcast v19, $0xF;
	v4 =	vsel vm2, v59, v61;
	v3 =	vsel vm0, v33, v14;
	[tilespmem:v53+s4+$0x0] =	vst.idx.msk $0xffff, v7  }
0x3d9: {  	s10 =	sadd.s32 $0x1, s10;
	v3 =	vsel vm2, v10, v3;
	[tilespmem:v56+s4+$0x0] =	vst.idx.msk $0xffff, v4  }
0x3da: {  	s1 =	sshll.u32 s1, $0x4;
	s29 =	rddreg [dreg:$0x5];
	p0 =	sne.s32 s10, $0x10;
	v63 =	vsel vm1, v62, v13;
	[tilespmem:v2+s4+$0x0] =	vst.idx.msk $0xffff, v3  }
.Ltmp3:
0x3db: {  	s1 =	sadd.s32 s29, s1;
	[tilespmem:v1+s4+$0x0] =	vst.idx.msk $0xffff, v63;
	(pc) =	sbr.rel @p0 .LBB2_2-.Ltmp3, $4  }
0x3dc: {  	[hbm4b:s1+s3] =	stream.linear.scatter [tilespmem:s4], [sflag:$0x4], $0x1000, $0x38;
	[tilespmem:$0x17380] =	vst v63  }
0x3dd: {  	_ =	swait.ge [sflag:s11], $0x1000  }
0x3de: {  	[sflag:s11] =	ssyncset.done $0x0  }
0x3df: {  	[sflag:s11] =	ssyncadd.s32 $0xFFFFF000  }
0x3e0: {  	s2 =	rddreg [dreg:$0x7]  }
0x3e1: {  	s1 =	rddreg [dreg:$0x6];
	s2 =	sadd.s32 $0x1, s2  }
0x3e2: {  	p0 =	sne.s32 s2, s1  }
.Ltmp4:
0x3e3: {  	_ = 	snop;
	(pc) =	sbr.rel @p0 .LBB2_1-.Ltmp4, $1  }
0x3e4: {  	_ =	sdelay $0x3  }
0x3e5: {  	_ =	sfence.sel $0x180000  }
0x3e6: {  	[bflag:$0x0] =	sbarrier.arrive $0xFFFF  }
0x3e7: {  	_ =	strace $0x90000047  }
0x3e8: {  	s0 =	stileid.u32;
	[bflag:$0x2] =	sbarrier.arrive $0xFFFF  }
0x3e9: {  	p0 =	sne.s32 s0, $0x0;
	s0 =	rddreg [dreg:$0x3]  }
0x3ea: {  	s0 =	sadd.s32 @!p0 $0x100000, s0  }
0x3eb: {  	[sflag:s0] =	ssyncadd.tile.s32 @!p0 $0x1;
	_ =	shalt  }
.Lfunc_end2:
_tile_overlayer_lowered:
.L_overlay_start_2:
0x3ec: {  	(tag) =	ssettag $0x2  }
0x3ed: {  	s0 =	rddreg [dreg:$0x0];
	s2 =	stileid.u32  }
0x3ee: {  	s1 =	rddreg [dreg:$0x1];
	p0 =	sne.s32 s2, $0x0  }
0x3ef: {  	s3 =	rddreg [dreg:$0x2];
	[bflag:$0x3] =	sbarrier.arrive $0xFFFF;
	s2 =	simm.s32 @!p0 $0x1C04  }
0x3f0: {  	[timem:s3], [sflag:s2] =	dma.local @!p0 [hbm:s0], s1  }
0x3f1: {  	s0 =	simm.s32 @!p0 $0x4  }
0x3f2: {  	_ =	swait.ge @!p0 [sflag:s0], s1  }
0x3f3: {  	s1 =	ssub.s32 @!p0 $0x0, s1;
	[sflag:s0] =	ssyncset.done @!p0 $0x0  }
0x3f4: {  	[sflag:s0] =	ssyncadd.s32 @!p0 s1  }
0x3f5: {  	[bflag:$0x3] =	sbarrier.arrive $0xFFFF  }
0x3f6: {  	_ =	shalt  }

</sc_bundles>
